<compile_context>
chip_gen: v7x
topology: tpu7x:2x2x1
jax: 0.10.2.dev20260603
libtpu: 0.0.44.dev20260713+nightly
codegen_flags: <defaults>
</compile_context>

<pallas_src>
import jax
import jax.numpy as jnp
from jax import lax
from jax.experimental import pallas as pl
from jax.experimental.pallas import tpu as pltpu
from jax.experimental.pallas import tpu_sc as plsc

N_NODES = 100000
N_EDGES = 1600000
IN_DIM = 16
HID = 16
HEADS = 2
OUT_DIM = 32

NC, NS = 2, 16
NW = NC * NS
CHUNK = 128
N_PAD = 102400
E_TOT = N_EDGES + N_NODES
E_PAD = ((E_TOT + NW * CHUNK - 1) // (NW * CHUNK)) * (NW * CHUNK)
EDGES_PER_TILE = E_PAD // NS
CHUNKS_PER_TILE = EDGES_PER_TILE // CHUNK
N_ACC = 100096
ROWS_ACC = N_ACC // NS
ZROWS = 391
Z1N = ROWS_ACC


def _mesh():
    return plsc.VectorSubcoreMesh(core_axis_name="c", subcore_axis_name="s")


def _emb_gather_body(ids_hbm, emb_hbm, h_hbm, idx_v, rows_v, sem):
    wid = lax.axis_index("s") * NC + lax.axis_index("c")
    base = wid * (N_PAD // NW)
    pltpu.sync_copy(ids_hbm.at[pl.ds(base, N_PAD // NW)], idx_v)
    n_chunks = (N_PAD // NW) // CHUNK

    def step(cix, _):
        off = cix * CHUNK
        pltpu.async_copy(
            emb_hbm.at[idx_v.at[pl.ds(off, CHUNK)]],
            rows_v.at[pl.ds(off, CHUNK)],
            sem,
        ).wait()
        return _

    lax.fori_loop(0, n_chunks, step, 0)
    pltpu.sync_copy(rows_v, h_hbm.at[pl.ds(base, N_PAD // NW)])


def _emb_gather(ids_pad, emb):
    return pl.kernel(
        _emb_gather_body,
        out_type=jax.ShapeDtypeStruct((N_PAD, IN_DIM), jnp.float32),
        mesh=_mesh(),
        compiler_params=pltpu.CompilerParams(use_tc_tiling_on_sc=False, needs_layout_passes=False),
        scratch_types=[
            pltpu.VMEM((N_PAD // NW,), jnp.int32),
            pltpu.VMEM((N_PAD // NW, IN_DIM), jnp.float32),
            pltpu.SemaphoreType.DMA,
        ],
    )(ids_pad, emb)


def _prep1_body(h_ref, w1_ref, as_ref, ad_ref, hp_ref, a_s_ref, a_d_ref):
    hp = jnp.dot(h_ref[...], w1_ref[...], preferred_element_type=jnp.float32)
    hp0 = hp[:, :HID]
    hp1 = hp[:, HID:]
    hp_ref[0] = hp0
    hp_ref[1] = hp1
    a_s_ref[0, :] = jnp.sum(hp0 * as_ref[0:1, :], axis=1)
    a_s_ref[1, :] = jnp.sum(hp1 * as_ref[1:2, :], axis=1)
    a_d_ref[0, :] = jnp.sum(hp0 * ad_ref[0:1, :], axis=1)
    a_d_ref[1, :] = jnp.sum(hp1 * ad_ref[1:2, :], axis=1)


def _prep1(h, W1, a_src, a_dst):
    blk = 1024
    return pl.pallas_call(
        _prep1_body,
        grid=(N_PAD // blk,),
        in_specs=[
            pl.BlockSpec((blk, IN_DIM), lambda i: (i, 0)),
            pl.BlockSpec((IN_DIM, HEADS * HID), lambda i: (0, 0)),
            pl.BlockSpec((HEADS, HID), lambda i: (0, 0)),
            pl.BlockSpec((HEADS, HID), lambda i: (0, 0)),
        ],
        out_specs=[
            pl.BlockSpec((HEADS, blk, HID), lambda i: (0, i, 0)),
            pl.BlockSpec((HEADS, blk), lambda i: (0, i)),
            pl.BlockSpec((HEADS, blk), lambda i: (0, i)),
        ],
        out_shape=[
            jax.ShapeDtypeStruct((HEADS, N_PAD, HID), jnp.float32),
            jax.ShapeDtypeStruct((HEADS, N_PAD), jnp.float32),
            jax.ShapeDtypeStruct((HEADS, N_PAD), jnp.float32),
        ],
    )(h, W1, a_src, a_dst)


def _edge_body(sd_hbm, tbl_hbm, as_hbm, ad_hbm, acc_hbm, den_hbm,
               sd0, rows0, wbuf0, adv0,
               sd1, rows1, wbuf1, adv1,
               z2d, z1d, acc_s, den_s, ad_s,
               si0, sg_r0, sg_a0, sg_d0, si1, sg_r1, sg_a1, sg_d1,
               ss_a0, ss_d0, ss_a1, ss_d1):
    cc = lax.axis_index("c")
    sid = lax.axis_index("s")
    rbase = sid * ROWS_ACC

    def zstep(i, _):
        z2d[i, :] = jnp.zeros((HID,), jnp.float32)
        return _

    lax.fori_loop(0, ZROWS, zstep, 0)

    def z1step(i, _):
        z1d[pl.ds(i * 16, 16)] = jnp.zeros((16,), jnp.float32)
        return _

    lax.fori_loop(0, Z1N // 16, z1step, 0)

    def accz(i, _):
        pltpu.sync_copy(z2d, acc_s.at[pl.ds(rbase + i * ZROWS, ZROWS)])
        return _

    lax.fori_loop(0, ROWS_ACC // ZROWS, accz, 0)
    pltpu.sync_copy(z1d.at[pl.ds(0, ROWS_ACC)], den_s.at[pl.ds(rbase, ROWS_ACC)])

    pltpu.sync_copy(ad_hbm.at[cc].at[pl.ds(rbase, ROWS_ACC)],
                    ad_s.at[pl.ds(rbase, ROWS_ACC)])
    plsc.subcore_barrier()

    ebase = sid * EDGES_PER_TILE
    cbase = sid * CHUNKS_PER_TILE
    bufs = [
        (sd0, rows0, wbuf0, adv0, si0, sg_r0, sg_a0, sg_d0, ss_a0, ss_d0),
        (sd1, rows1, wbuf1, adv1, si1, sg_r1, sg_a1, sg_d1, ss_a1, ss_d1),
    ]

    def issue_idx(cix, b):
        sd, rows, wbuf, adv, si, sg_r, sg_a, sg_d, _, _ = bufs[b]
        pltpu.async_copy(sd_hbm.at[pl.ds((cbase + cix) * 2, 2)], sd, si)

    def wait_idx(b):
        sd, rows, wbuf, adv, si, sg_r, sg_a, sg_d, _, _ = bufs[b]
        pltpu.make_async_copy(sd_hbm.at[pl.ds(0, 2)], sd, si).wait()

    def issue_gathers(b):
        sd, rows, wbuf, adv, si, sg_r, sg_a, sg_d, _, _ = bufs[b]
        pltpu.async_copy(tbl_hbm.at[cc].at[sd.at[0]], rows, sg_r)
        pltpu.async_copy(as_hbm.at[cc].at[sd.at[0]], wbuf, sg_a)
        pltpu.async_copy(ad_s.at[sd.at[1]], adv, sg_d)

    def wait_gathers(b):
        sd, rows, wbuf, adv, si, sg_r, sg_a, sg_d, _, _ = bufs[b]
        pltpu.make_async_copy(tbl_hbm.at[cc].at[sd.at[0]], rows, sg_r).wait()
        pltpu.make_async_copy(as_hbm.at[cc].at[sd.at[0]], wbuf, sg_a).wait()
        pltpu.make_async_copy(as_hbm.at[cc].at[sd.at[1]], adv, sg_d).wait()

    def wait_scatters(b):
        sd, rows, wbuf, adv, _, _, _, _, ss_a, ss_d = bufs[b]
        pltpu.make_async_copy(rows, acc_s.at[sd.at[1]], ss_a).wait()
        pltpu.make_async_copy(wbuf, den_s.at[sd.at[1]], ss_d).wait()

    def compute(cix, b):
        sd, rows, wbuf, adv, _, _, _, _, _, _ = bufs[b]
        off = ebase + cix * CHUNK

        def wstep(i, _):
            a = wbuf[pl.ds(i * 16, 16)] + adv[pl.ds(i * 16, 16)]
            a = jnp.where(a > 0.0, a, 0.2 * a)
            eid = off + i * 16 + lax.iota(jnp.int32, 16)
            w = jnp.where(eid < E_TOT, jnp.exp(a), 0.0)
            wbuf[pl.ds(i * 16, 16)] = w
            return _

        lax.fori_loop(0, CHUNK // 16, wstep, 0, unroll=4)

        def estep(e, _):
            wv = plsc.load_gather(wbuf, [jnp.full((16,), e, jnp.int32)])
            rows[e, :] = rows[e, :] * wv
            return _

        lax.fori_loop(0, CHUNK, estep, 0, unroll=8)

    def scatter(b):
        sd, rows, wbuf, adv, _, _, _, _, ss_a, ss_d = bufs[b]
        pltpu.async_copy(rows, acc_s.at[sd.at[1]], ss_a, add=True)
        pltpu.async_copy(wbuf, den_s.at[sd.at[1]], ss_d, add=True)

    issue_idx(0, 0)
    wait_idx(0)
    issue_gathers(0)

    def pair_step(j, carry):
        for ph in (0, 1):
            cix = 2 * j + ph
            nb = 1 - ph

            @pl.when(cix + 1 < CHUNKS_PER_TILE)
            def _():
                @pl.when(cix >= 1)
                def _():
                    wait_scatters(nb)
                issue_idx(cix + 1, nb)

            wait_gathers(ph)
            compute(cix, ph)

            @pl.when(cix + 1 < CHUNKS_PER_TILE)
            def _():
                wait_idx(nb)
                issue_gathers(nb)

            scatter(ph)
        return carry

    lax.fori_loop(0, CHUNKS_PER_TILE // 2, pair_step, 0)
    wait_scatters(0)
    wait_scatters(1)
    plsc.subcore_barrier()

    pltpu.sync_copy(acc_s.at[pl.ds(rbase, ROWS_ACC)],
                    acc_hbm.at[cc].at[pl.ds(rbase, ROWS_ACC)])
    pltpu.sync_copy(den_s.at[pl.ds(rbase, ROWS_ACC)],
                    den_hbm.at[cc].at[pl.ds(rbase, ROWS_ACC)])


def _edge_pass(sd2d, tbl, a_s, a_d):
    return pl.kernel(
        _edge_body,
        out_type=[
            jax.ShapeDtypeStruct((NC, N_PAD, HID), jnp.float32),
            jax.ShapeDtypeStruct((NC, N_PAD), jnp.float32),
        ],
        mesh=_mesh(),
        compiler_params=pltpu.CompilerParams(use_tc_tiling_on_sc=False, needs_layout_passes=False),
        scratch_types=[
            pltpu.VMEM((2, CHUNK), jnp.int32),
            pltpu.VMEM((CHUNK, HID), jnp.float32),
            pltpu.VMEM((CHUNK,), jnp.float32),
            pltpu.VMEM((CHUNK,), jnp.float32),
            pltpu.VMEM((2, CHUNK), jnp.int32),
            pltpu.VMEM((CHUNK, HID), jnp.float32),
            pltpu.VMEM((CHUNK,), jnp.float32),
            pltpu.VMEM((CHUNK,), jnp.float32),
            pltpu.VMEM((ZROWS, HID), jnp.float32),
            pltpu.VMEM((Z1N,), jnp.float32),
            pltpu.VMEM_SHARED((N_ACC, HID), jnp.float32),
            pltpu.VMEM_SHARED((N_ACC,), jnp.float32),
            pltpu.VMEM_SHARED((N_ACC,), jnp.float32),
        ] + [pltpu.SemaphoreType.DMA] * 12,
    )(sd2d, tbl, a_s, a_d)


def _mid_body(acc_ref, den_ref, b1_ref, w2_ref, as_ref, ad_ref,
              hp_ref, a_s_ref, a_d_ref):
    d0 = den_ref[0, :][:, None] + 1e-16
    d1 = den_ref[1, :][:, None] + 1e-16
    h2 = jnp.concatenate([acc_ref[0] / d0, acc_ref[1] / d1], axis=1)
    h2 = jax.nn.relu(h2 + b1_ref[0:1, :])
    hp2 = jnp.dot(h2, w2_ref[...], preferred_element_type=jnp.float32)
    hp_ref[0] = hp2[:, :HID]
    hp_ref[1] = hp2[:, HID:]
    a_s = jnp.sum(hp2 * as_ref[...], axis=1)
    a_d = jnp.sum(hp2 * ad_ref[...], axis=1)
    a_s_ref[0, :] = a_s
    a_s_ref[1, :] = a_s
    a_d_ref[0, :] = a_d
    a_d_ref[1, :] = a_d


def _mid(acc1, den1, b1, W2, a_src2, a_dst2):
    blk = 1024
    return pl.pallas_call(
        _mid_body,
        grid=(N_PAD // blk,),
        in_specs=[
            pl.BlockSpec((NC, blk, HID), lambda i: (0, i, 0)),
            pl.BlockSpec((NC, blk), lambda i: (0, i)),
            pl.BlockSpec((1, HEADS * HID), lambda i: (0, 0)),
            pl.BlockSpec((HEADS * HID, OUT_DIM), lambda i: (0, 0)),
            pl.BlockSpec((1, OUT_DIM), lambda i: (0, 0)),
            pl.BlockSpec((1, OUT_DIM), lambda i: (0, 0)),
        ],
        out_specs=[
            pl.BlockSpec((NC, blk, HID), lambda i: (0, i, 0)),
            pl.BlockSpec((NC, blk), lambda i: (0, i)),
            pl.BlockSpec((NC, blk), lambda i: (0, i)),
        ],
        out_shape=[
            jax.ShapeDtypeStruct((NC, N_PAD, HID), jnp.float32),
            jax.ShapeDtypeStruct((NC, N_PAD), jnp.float32),
            jax.ShapeDtypeStruct((NC, N_PAD), jnp.float32),
        ],
    )(acc1, den1, b1, W2, a_src2, a_dst2)


def _final_body(acc_ref, den_ref, b2_ref, o_ref):
    d = den_ref[0, :, :] + 1e-16
    o = jnp.concatenate([acc_ref[0], acc_ref[1]], axis=1) / d
    o_ref[...] = o + b2_ref[0:1, :]


def _final(acc2, den2, b2):
    blk = 1000
    den2 = den2.reshape(NC, N_PAD, 1)
    return pl.pallas_call(
        _final_body,
        grid=(N_NODES // blk,),
        in_specs=[
            pl.BlockSpec((NC, blk, HID), lambda i: (0, i, 0)),
            pl.BlockSpec((NC, blk, 1), lambda i: (0, i, 0)),
            pl.BlockSpec((1, OUT_DIM), lambda i: (0, 0)),
        ],
        out_specs=pl.BlockSpec((blk, OUT_DIM), lambda i: (i, 0)),
        out_shape=jax.ShapeDtypeStruct((N_NODES, OUT_DIM), jnp.float32),
    )(acc2, den2, b2)


def kernel(x, edge_index, emb, W1, att_src1, att_dst1, b1, W2, att_src2,
           att_dst2, b2):
    ids = x.reshape(-1)
    ids_pad = jnp.concatenate(
        [ids, jnp.zeros((N_PAD - N_NODES,), jnp.int32)])
    loop = jnp.arange(N_NODES, dtype=jnp.int32)
    pad = jnp.zeros((E_PAD - E_TOT,), jnp.int32)
    src_pad = jnp.concatenate([edge_index[0], loop, pad])
    dst_pad = jnp.concatenate([edge_index[1], loop, pad])
    sd2d = jnp.stack([src_pad.reshape(E_PAD // CHUNK, CHUNK),
                      dst_pad.reshape(E_PAD // CHUNK, CHUNK)],
                     axis=1).reshape(E_PAD // CHUNK * 2, CHUNK)

    h = _emb_gather(ids_pad, emb)
    hp1, as1, ad1 = _prep1(h, W1, att_src1.reshape(HEADS, HID),
                           att_dst1.reshape(HEADS, HID))
    acc1, den1 = _edge_pass(sd2d, hp1, as1, ad1)
    hp2, as2, ad2 = _mid(acc1, den1, b1.reshape(1, HEADS * HID), W2,
                         att_src2.reshape(1, OUT_DIM),
                         att_dst2.reshape(1, OUT_DIM))
    acc2, den2 = _edge_pass(sd2d, hp2, as2, ad2)
    return _final(acc2, den2, b2.reshape(1, OUT_DIM))

# --- scband reference (transcript-rebuilt; emitter-appended) ---
"""Pipeline reference for scband-temporal-item-gat-17910013624757 (READ-ONLY COPY).

The authoritative reference and input builder live on the scoring server;
editing this copy changes nothing except your own understanding.
"""

import jax, jax.numpy as jnp
import numpy as np

N_NODES = 100000
N_EDGES = 1600000
N_ITEMS = 1000000
IN_DIM = 16
HID = 16
HEADS = 2
OUT_DIM = 32


def setup_inputs(seed: int = 0) -> dict:
    key = jax.random.key(seed)
    ks = jax.random.split(key, 12)
    x = jax.random.randint(ks[0], (N_NODES, 1), 0, N_ITEMS, dtype=jnp.int32)
    edge_index = jax.random.randint(ks[1], (2, N_EDGES), 0, N_NODES, dtype=jnp.int32)
    emb = (jax.random.normal(ks[2], (N_ITEMS + 1, IN_DIM), dtype=jnp.float32) * 0.05).at[0].set(0.0)
    W1 = jax.random.normal(ks[3], (IN_DIM, HEADS * HID), dtype=jnp.float32) * (1.0 / np.sqrt(IN_DIM))
    att_src1 = jax.random.normal(ks[4], (1, HEADS, HID), dtype=jnp.float32) * 0.1
    att_dst1 = jax.random.normal(ks[5], (1, HEADS, HID), dtype=jnp.float32) * 0.1
    b1 = jnp.zeros((HEADS * HID,), dtype=jnp.float32)
    W2 = jax.random.normal(ks[6], (HEADS * HID, OUT_DIM), dtype=jnp.float32) * (1.0 / np.sqrt(HEADS * HID))
    att_src2 = jax.random.normal(ks[7], (1, 1, OUT_DIM), dtype=jnp.float32) * 0.1
    att_dst2 = jax.random.normal(ks[8], (1, 1, OUT_DIM), dtype=jnp.float32) * 0.1
    b2 = jnp.zeros((OUT_DIM,), dtype=jnp.float32)
    return {"x": x, "edge_index": edge_index, "emb": emb,
            "W1": W1, "att_src1": att_src1, "att_dst1": att_dst1, "b1": b1,
            "W2": W2, "att_src2": att_src2, "att_dst2": att_dst2, "b2": b2}


def _gat_layer(h, src, dst, W, a_src, a_dst, b, heads, out_ch, concat, num_nodes):
    # PyG GATConv: linear transform, per-head additive attention, softmax over incoming edges
    hp = (h @ W).reshape(num_nodes, heads, out_ch)
    alpha_src = (hp * a_src).sum(-1)  # [N, H]
    alpha_dst = (hp * a_dst).sum(-1)  # [N, H]
    alpha = alpha_src[src] + alpha_dst[dst]  # [E, H]
    alpha = jax.nn.leaky_relu(alpha, 0.2)
    amax = jax.ops.segment_max(alpha, dst, num_segments=num_nodes)
    amax = jnp.where(jnp.isfinite(amax), amax, 0.0)
    ex = jnp.exp(alpha - amax[dst])
    denom = jax.ops.segment_sum(ex, dst, num_segments=num_nodes)
    coef = ex / (denom[dst] + 1e-16)
    msg = hp[src] * coef[:, :, None]  # [E, H, F']
    out = jax.ops.segment_sum(msg, dst, num_segments=num_nodes)
    if concat:
        out = out.reshape(num_nodes, heads * out_ch)
    else:
        out = out.mean(axis=1)
    return out + b


def reference(x, edge_index, emb, W1, att_src1, att_dst1, b1, W2, att_src2, att_dst2, b2):
    node_ids = x.squeeze()
    h = jnp.take(emb, node_ids, axis=0)
    # GATConv adds self-loops by default
    loop = jnp.arange(N_NODES, dtype=edge_index.dtype)
    src = jnp.concatenate([edge_index[0], loop])
    dst = jnp.concatenate([edge_index[1], loop])
    h = _gat_layer(h, src, dst, W1, att_src1, att_dst1, b1, HEADS, HID, True, N_NODES)
    h = jax.nn.relu(h)
    h = _gat_layer(h, src, dst, W2, att_src2, att_dst2, b2, 1, OUT_DIM, False, N_NODES)
    return h

if __name__ == "__main__":
    import jax
    _d = setup_inputs()
    print(jax.jit(kernel)(*tuple(_d.values())))

</pallas_src>

<mosaic_0001>
#map = affine_map<(d0, d1) -> (0)>
#map1 = affine_map<(d0, d1) -> (0, 0)>
module attributes {stable_mosaic.version = 14 : i64} {
  func.func @_emb_gather_body(%arg0: i32, %arg1: i32, %arg2: memref<102400xi32, #tpu.memory_space<hbm>>, %arg3: memref<1000001x16xf32, #tpu.memory_space<hbm>>, %arg4: memref<102400x16xf32, #tpu.memory_space<hbm>>, %arg5: memref<3200xi32, #tpu.memory_space<vmem>>, %arg6: memref<3200x16xf32, #tpu.memory_space<vmem>>, %arg7: memref<!tpu.dma_semaphore, #tpu.memory_space<semaphore_mem>>) attributes {dimension_semantics = [#tpu.dimension_semantics<core_parallel>, #tpu.dimension_semantics<subcore_parallel>], iteration_bounds = array<i64: 2, 16>, scalar_prefetch = 0 : i64, scratch_operands = 3 : i64, tpu.core_type = #tpu.core_type<sc_vector_subcore>, window_params = [{transform_indices = #map}, {transform_indices = #map1}, {transform_indices = #map1}]} {
    %mul3A = arith.constant 2 : i32
    %mul3A_0 = arith.muli %arg1, %mul3A : i32
    %add3A = arith.addi %mul3A_0, %arg0 : i32
    %mul3A_1 = arith.constant 3200 : i32
    %mul3A_2 = arith.muli %add3A, %mul3A_1 : i32
    "tpu.region"() ({
      %run_scoped3A = tpu.sem_alloc : memref<!tpu.dma_semaphore, #tpu.memory_space<semaphore_mem>>
      %dma_start3A = tpu.memref_slice %arg2[%mul3A_2] : memref<102400xi32, #tpu.memory_space<hbm>> -> memref<3200xi32, #tpu.memory_space<hbm>>
      %dma_start3A_8 = tpu.memref_slice %arg2[%mul3A_2] : memref<102400xi32, #tpu.memory_space<hbm>> -> memref<3200xi32, #tpu.memory_space<hbm>>
      tpu.enqueue_dma source(%dma_start3A_8 : memref<3200xi32, #tpu.memory_space<hbm>>) target(%arg5 : memref<3200xi32, #tpu.memory_space<vmem>>) target_semaphore(%run_scoped3A : memref<!tpu.dma_semaphore, #tpu.memory_space<semaphore_mem>>)
      %dma_wait3A = tpu.memref_slice %arg2[%mul3A_2] : memref<102400xi32, #tpu.memory_space<hbm>> -> memref<3200xi32, #tpu.memory_space<hbm>>
      %dma_wait3A_9 = tpu.memref_slice %arg2[%mul3A_2] : memref<102400xi32, #tpu.memory_space<hbm>> -> memref<3200xi32, #tpu.memory_space<hbm>>
      tpu.wait_dma2 semaphore(%run_scoped3A : memref<!tpu.dma_semaphore, #tpu.memory_space<semaphore_mem>>) src(%dma_wait3A_9 : memref<3200xi32, #tpu.memory_space<hbm>>) dst(%arg5 : memref<3200xi32, #tpu.memory_space<vmem>>)
      tpu.yield
    }) : () -> ()
    %scan3A = arith.constant 0 : i32
    %scan3A_3 = arith.constant 0 : i32
    %scan3A_4 = arith.constant 25 : i32
    %scan3A_5 = arith.addi %scan3A_3, %scan3A_4 : i32
    %scan3A_6 = arith.constant 1 : i32
    scf.for %scan3A_8 = %scan3A_3 to %scan3A_5 step %scan3A_6  : i32 {
      %mul3A_9 = arith.constant 128 : i32
      %mul3A_10 = arith.muli %scan3A_8, %mul3A_9 : i32
      %dma_start3A = arith.constant 0 : i32
      %dma_start3A_11 = tpu.memref_slice %arg6[%mul3A_10, %dma_start3A] : memref<3200x16xf32, #tpu.memory_space<vmem>> -> memref<128x16xf32, #tpu.memory_space<vmem>>
      %dma_start3A_12 = tpu.memref_slice %arg5[%mul3A_10] : memref<3200xi32, #tpu.memory_space<vmem>> -> memref<128xi32, #tpu.memory_space<vmem>>
      %dma_start3A_13 = arith.constant 0 : i32
      %dma_start3A_14 = arith.constant 0 : i32
      %dma_start3A_15 = tpu.memref_slice %arg3[%dma_start3A_13, %dma_start3A_14] : memref<1000001x16xf32, #tpu.memory_space<hbm>> -> memref<1000001x16xf32, #tpu.memory_space<hbm>>
      tpu.enqueue_indirect_dma source(%dma_start3A_15 : memref<1000001x16xf32, #tpu.memory_space<hbm>>) target(%dma_start3A_11 : memref<128x16xf32, #tpu.memory_space<vmem>>) offsets(%dma_start3A_12 : memref<128xi32, #tpu.memory_space<vmem>>) semaphore(%arg7 : memref<!tpu.dma_semaphore, #tpu.memory_space<semaphore_mem>>)
      %dma_wait3A = arith.constant 0 : i32
      %dma_wait3A_16 = tpu.memref_slice %arg6[%mul3A_10, %dma_wait3A] : memref<3200x16xf32, #tpu.memory_space<vmem>> -> memref<128x16xf32, #tpu.memory_space<vmem>>
      %dma_wait3A_17 = tpu.memref_slice %arg5[%mul3A_10] : memref<3200xi32, #tpu.memory_space<vmem>> -> memref<128xi32, #tpu.memory_space<vmem>>
      %dma_wait3A_18 = arith.constant 0 : i32
      %dma_wait3A_19 = arith.constant 0 : i32
      %dma_wait3A_20 = tpu.memref_slice %arg3[%dma_wait3A_18, %dma_wait3A_19] : memref<1000001x16xf32, #tpu.memory_space<hbm>> -> memref<1000001x16xf32, #tpu.memory_space<hbm>>
      tpu.wait_indirect_dma semaphore(%arg7 : memref<!tpu.dma_semaphore, #tpu.memory_space<semaphore_mem>>) src(%dma_wait3A_20 : memref<1000001x16xf32, #tpu.memory_space<hbm>>) dst(%dma_wait3A_16 : memref<128x16xf32, #tpu.memory_space<vmem>>)
    }
    %scan3A_7 = arith.constant 25 : i32
    "tpu.region"() ({
      %run_scoped3A = tpu.sem_alloc : memref<!tpu.dma_semaphore, #tpu.memory_space<semaphore_mem>>
      %dma_start3A = arith.constant 0 : i32
      %dma_start3A_8 = tpu.memref_slice %arg4[%mul3A_2, %dma_start3A] : memref<102400x16xf32, #tpu.memory_space<hbm>> -> memref<3200x16xf32, #tpu.memory_space<hbm>>
      %dma_start3A_9 = arith.constant 0 : i32
      %dma_start3A_10 = tpu.memref_slice %arg4[%mul3A_2, %dma_start3A_9] : memref<102400x16xf32, #tpu.memory_space<hbm>> -> memref<3200x16xf32, #tpu.memory_space<hbm>>
      tpu.enqueue_dma source(%arg6 : memref<3200x16xf32, #tpu.memory_space<vmem>>) target(%dma_start3A_10 : memref<3200x16xf32, #tpu.memory_space<hbm>>) target_semaphore(%run_scoped3A : memref<!tpu.dma_semaphore, #tpu.memory_space<semaphore_mem>>)
      %dma_wait3A = arith.constant 0 : i32
      %dma_wait3A_11 = tpu.memref_slice %arg4[%mul3A_2, %dma_wait3A] : memref<102400x16xf32, #tpu.memory_space<hbm>> -> memref<3200x16xf32, #tpu.memory_space<hbm>>
      %dma_wait3A_12 = arith.constant 0 : i32
      %dma_wait3A_13 = tpu.memref_slice %arg4[%mul3A_2, %dma_wait3A_12] : memref<102400x16xf32, #tpu.memory_space<hbm>> -> memref<3200x16xf32, #tpu.memory_space<hbm>>
      tpu.wait_dma2 semaphore(%run_scoped3A : memref<!tpu.dma_semaphore, #tpu.memory_space<semaphore_mem>>) src(%arg6 : memref<3200x16xf32, #tpu.memory_space<vmem>>) dst(%dma_wait3A_13 : memref<3200x16xf32, #tpu.memory_space<hbm>>)
      tpu.yield
    }) : () -> ()
    return
  }
}

#map = affine_map<(d0, d1) -> (0, 0)>
#map1 = affine_map<(d0, d1) -> (0, 0, 0)>
module attributes {stable_mosaic.version = 14 : i64} {
  func.func @_edge_body(%arg0: i32, %arg1: i32, %arg2: memref<26624x128xi32, #tpu.memory_space<hbm>>, %arg3: memref<2x102400x16xf32, #tpu.memory_space<hbm>>, %arg4: memref<2x102400xf32, #tpu.memory_space<hbm>>, %arg5: memref<2x102400xf32, #tpu.memory_space<hbm>>, %arg6: memref<2x102400x16xf32, #tpu.memory_space<hbm>>, %arg7: memref<2x102400xf32, #tpu.memory_space<hbm>>, %arg8: memref<2x128xi32, #tpu.memory_space<vmem>>, %arg9: memref<128x16xf32, #tpu.memory_space<vmem>>, %arg10: memref<128xf32, #tpu.memory_space<vmem>>, %arg11: memref<128xf32, #tpu.memory_space<vmem>>, %arg12: memref<2x128xi32, #tpu.memory_space<vmem>>, %arg13: memref<128x16xf32, #tpu.memory_space<vmem>>, %arg14: memref<128xf32, #tpu.memory_space<vmem>>, %arg15: memref<128xf32, #tpu.memory_space<vmem>>, %arg16: memref<391x16xf32, #tpu.memory_space<vmem>>, %arg17: memref<6256xf32, #tpu.memory_space<vmem>>, %arg18: memref<100096x16xf32, #tpu.memory_space<vmem_shared>>, %arg19: memref<100096xf32, #tpu.memory_space<vmem_shared>>, %arg20: memref<100096xf32, #tpu.memory_space<vmem_shared>>, %arg21: memref<!tpu.dma_semaphore, #tpu.memory_space<semaphore_mem>>, %arg22: memref<!tpu.dma_semaphore, #tpu.memory_space<semaphore_mem>>, %arg23: memref<!tpu.dma_semaphore, #tpu.memory_space<semaphore_mem>>, %arg24: memref<!tpu.dma_semaphore, #tpu.memory_space<semaphore_mem>>, %arg25: memref<!tpu.dma_semaphore, #tpu.memory_space<semaphore_mem>>, %arg26: memref<!tpu.dma_semaphore, #tpu.memory_space<semaphore_mem>>, %arg27: memref<!tpu.dma_semaphore, #tpu.memory_space<semaphore_mem>>, %arg28: memref<!tpu.dma_semaphore, #tpu.memory_space<semaphore_mem>>, %arg29: memref<!tpu.dma_semaphore, #tpu.memory_space<semaphore_mem>>, %arg30: memref<!tpu.dma_semaphore, #tpu.memory_space<semaphore_mem>>, %arg31: memref<!tpu.dma_semaphore, #tpu.memory_space<semaphore_mem>>, %arg32: memref<!tpu.dma_semaphore, #tpu.memory_space<semaphore_mem>>) attributes {dimension_semantics = [#tpu.dimension_semantics<core_parallel>, #tpu.dimension_semantics<subcore_parallel>], iteration_bounds = array<i64: 2, 16>, scalar_prefetch = 0 : i64, scratch_operands = 25 : i64, tpu.core_type = #tpu.core_type<sc_vector_subcore>, window_params = [{transform_indices = #map}, {transform_indices = #map1}, {transform_indices = #map}, {transform_indices = #map}, {transform_indices = #map1}, {transform_indices = #map}]} {
    %mul3A = arith.constant 6256 : i32
    %mul3A_0 = arith.muli %arg1, %mul3A : i32
    %scan3A = arith.constant 0 : i32
    %scan3A_1 = arith.constant 0 : i32
    %scan3A_2 = arith.constant 391 : i32
    %scan3A_3 = arith.addi %scan3A_1, %scan3A_2 : i32
    %scan3A_4 = arith.constant 1 : i32
    scf.for %scan3A_92 = %scan3A_1 to %scan3A_3 step %scan3A_4  : i32 {
      %broadcast_in_dim3A = arith.constant 0.000000e+00 : f32
      %broadcast_in_dim3A_93 = vector.broadcast %broadcast_in_dim3A : f32 to vector<16xf32>
      %swap3A = arith.index_cast %scan3A_92 : i32 to index
      %swap3A_94 = arith.constant 0 : index
      %swap3A_95 = tpu.vector_load %arg16[%swap3A, %swap3A_94] {strides = array<i32>} : memref<391x16xf32, #tpu.memory_space<vmem>>, vector<16xf32>,
      tpu.vector_store %arg16[%swap3A, %swap3A_94], %broadcast_in_dim3A_93 {strides = array<i32>} : memref<391x16xf32, #tpu.memory_space<vmem>>, vector<16xf32>,
    }
    %scan3A_5 = arith.constant 391 : i32
    %scan3A_6 = arith.constant 0 : i32
    %scan3A_7 = arith.constant 0 : i32
    %scan3A_8 = arith.constant 391 : i32
    %scan3A_9 = arith.addi %scan3A_7, %scan3A_8 : i32
    %scan3A_10 = arith.constant 1 : i32
    scf.for %scan3A_92 = %scan3A_7 to %scan3A_9 step %scan3A_10  : i32 {
      %broadcast_in_dim3A = arith.constant 0.000000e+00 : f32
      %broadcast_in_dim3A_93 = vector.broadcast %broadcast_in_dim3A : f32 to vector<16xf32>
      %mul3A_94 = arith.constant 16 : i32
      %mul3A_95 = arith.muli %scan3A_92, %mul3A_94 : i32
      %swap3A = arith.index_cast %mul3A_95 : i32 to index
      %swap3A_96 = tpu.vector_load %arg17[%swap3A] {strides = array<i32>} : memref<6256xf32, #tpu.memory_space<vmem>>, vector<16xf32>,
      tpu.vector_store %arg17[%swap3A], %broadcast_in_dim3A_93 {strides = array<i32>} : memref<6256xf32, #tpu.memory_space<vmem>>, vector<16xf32>,
    }
    %scan3A_11 = arith.constant 391 : i32
    %scan3A_12 = arith.constant 0 : i32
    %scan3A_13 = arith.constant 0 : i32
    %scan3A_14 = arith.constant 16 : i32
    %scan3A_15 = arith.addi %scan3A_13, %scan3A_14 : i32
    %scan3A_16 = arith.constant 1 : i32
    scf.for %scan3A_92 = %scan3A_13 to %scan3A_15 step %scan3A_16  : i32 {
      %mul3A_93 = arith.constant 391 : i32
      %mul3A_94 = arith.muli %scan3A_92, %mul3A_93 : i32
      %add3A_95 = arith.addi %mul3A_0, %mul3A_94 : i32
      "tpu.region"() ({
        %run_scoped3A = tpu.sem_alloc : memref<!tpu.dma_semaphore, #tpu.memory_space<semaphore_mem>>
        %dma_start3A_96 = arith.constant 0 : i32
        %dma_start3A_97 = tpu.memref_slice %arg18[%add3A_95, %dma_start3A_96] : memref<100096x16xf32, #tpu.memory_space<vmem_shared>> -> memref<391x16xf32, #tpu.memory_space<vmem_shared>>
        %dma_start3A_98 = arith.constant 0 : i32
        %dma_start3A_99 = tpu.memref_slice %arg18[%add3A_95, %dma_start3A_98] : memref<100096x16xf32, #tpu.memory_space<vmem_shared>> -> memref<391x16xf32, #tpu.memory_space<vmem_shared>>
        tpu.enqueue_dma source(%arg16 : memref<391x16xf32, #tpu.memory_space<vmem>>) target(%dma_start3A_99 : memref<391x16xf32, #tpu.memory_space<vmem_shared>>) target_semaphore(%run_scoped3A : memref<!tpu.dma_semaphore, #tpu.memory_space<semaphore_mem>>)
        %dma_wait3A_100 = arith.constant 0 : i32
        %dma_wait3A_101 = tpu.memref_slice %arg18[%add3A_95, %dma_wait3A_100] : memref<100096x16xf32, #tpu.memory_space<vmem_shared>> -> memref<391x16xf32, #tpu.memory_space<vmem_shared>>
        %dma_wait3A_102 = arith.constant 0 : i32
        %dma_wait3A_103 = tpu.memref_slice %arg18[%add3A_95, %dma_wait3A_102] : memref<100096x16xf32, #tpu.memory_space<vmem_shared>> -> memref<391x16xf32, #tpu.memory_space<vmem_shared>>
        tpu.wait_dma2 semaphore(%run_scoped3A : memref<!tpu.dma_semaphore, #tpu.memory_space<semaphore_mem>>) src(%arg16 : memref<391x16xf32, #tpu.memory_space<vmem>>) dst(%dma_wait3A_103 : memref<391x16xf32, #tpu.memory_space<vmem_shared>>)
        tpu.yield
      }) : () -> ()
    }
    %scan3A_17 = arith.constant 16 : i32
    "tpu.region"() ({
      %run_scoped3A = tpu.sem_alloc : memref<!tpu.dma_semaphore, #tpu.memory_space<semaphore_mem>>
      %dma_start3A_92 = arith.constant 0 : i32
      %dma_start3A_93 = tpu.memref_slice %arg17[%dma_start3A_92] : memref<6256xf32, #tpu.memory_space<vmem>> -> memref<6256xf32, #tpu.memory_space<vmem>>
      %dma_start3A_94 = tpu.memref_slice %arg19[%mul3A_0] : memref<100096xf32, #tpu.memory_space<vmem_shared>> -> memref<6256xf32, #tpu.memory_space<vmem_shared>>
      %dma_start3A_95 = tpu.memref_slice %arg19[%mul3A_0] : memref<100096xf32, #tpu.memory_space<vmem_shared>> -> memref<6256xf32, #tpu.memory_space<vmem_shared>>
      %dma_start3A_96 = arith.constant 0 : i32
      %dma_start3A_97 = tpu.memref_slice %arg17[%dma_start3A_96] : memref<6256xf32, #tpu.memory_space<vmem>> -> memref<6256xf32, #tpu.memory_space<vmem>>
      tpu.enqueue_dma source(%dma_start3A_97 : memref<6256xf32, #tpu.memory_space<vmem>>) target(%dma_start3A_95 : memref<6256xf32, #tpu.memory_space<vmem_shared>>) target_semaphore(%run_scoped3A : memref<!tpu.dma_semaphore, #tpu.memory_space<semaphore_mem>>)
      %dma_wait3A_98 = arith.constant 0 : i32
      %dma_wait3A_99 = tpu.memref_slice %arg17[%dma_wait3A_98] : memref<6256xf32, #tpu.memory_space<vmem>> -> memref<6256xf32, #tpu.memory_space<vmem>>
      %dma_wait3A_100 = tpu.memref_slice %arg19[%mul3A_0] : memref<100096xf32, #tpu.memory_space<vmem_shared>> -> memref<6256xf32, #tpu.memory_space<vmem_shared>>
      %dma_wait3A_101 = tpu.memref_slice %arg19[%mul3A_0] : memref<100096xf32, #tpu.memory_space<vmem_shared>> -> memref<6256xf32, #tpu.memory_space<vmem_shared>>
      %dma_wait3A_102 = arith.constant 0 : i32
      %dma_wait3A_103 = tpu.memref_slice %arg17[%dma_wait3A_102] : memref<6256xf32, #tpu.memory_space<vmem>> -> memref<6256xf32, #tpu.memory_space<vmem>>
      tpu.wait_dma2 semaphore(%run_scoped3A : memref<!tpu.dma_semaphore, #tpu.memory_space<semaphore_mem>>) src(%dma_wait3A_103 : memref<6256xf32, #tpu.memory_space<vmem>>) dst(%dma_wait3A_101 : memref<6256xf32, #tpu.memory_space<vmem_shared>>)
      tpu.yield
    }) : () -> ()
    "tpu.region"() ({
      %run_scoped3A = tpu.sem_alloc : memref<!tpu.dma_semaphore, #tpu.memory_space<semaphore_mem>>
      %dma_start3A_92 = tpu.memref_slice %arg20[%mul3A_0] : memref<100096xf32, #tpu.memory_space<vmem_shared>> -> memref<6256xf32, #tpu.memory_space<vmem_shared>>
      %dma_start3A_93 = arith.constant 0 : i32
      %dma_start3A_94 = tpu.memref_slice %arg5[%arg0, %dma_start3A_93] : memref<2x102400xf32, #tpu.memory_space<hbm>> -> memref<1x102400xf32, #tpu.memory_space<hbm>>
      %dma_start3A_95 = tpu.memref_squeeze %dma_start3A_94 : memref<1x102400xf32, #tpu.memory_space<hbm>> -> memref<102400xf32, #tpu.memory_space<hbm>>
      %dma_start3A_96 = tpu.memref_slice %dma_start3A_95[%mul3A_0] : memref<102400xf32, #tpu.memory_space<hbm>> -> memref<6256xf32, #tpu.memory_space<hbm>>
      tpu.enqueue_dma source(%dma_start3A_96 : memref<6256xf32, #tpu.memory_space<hbm>>) target(%dma_start3A_92 : memref<6256xf32, #tpu.memory_space<vmem_shared>>) target_semaphore(%run_scoped3A : memref<!tpu.dma_semaphore, #tpu.memory_space<semaphore_mem>>)
      %dma_wait3A_97 = tpu.memref_slice %arg20[%mul3A_0] : memref<100096xf32, #tpu.memory_space<vmem_shared>> -> memref<6256xf32, #tpu.memory_space<vmem_shared>>
      %dma_wait3A_98 = arith.constant 0 : i32
      %dma_wait3A_99 = tpu.memref_slice %arg5[%arg0, %dma_wait3A_98] : memref<2x102400xf32, #tpu.memory_space<hbm>> -> memref<1x102400xf32, #tpu.memory_space<hbm>>
      %dma_wait3A_100 = tpu.memref_squeeze %dma_wait3A_99 : memref<1x102400xf32, #tpu.memory_space<hbm>> -> memref<102400xf32, #tpu.memory_space<hbm>>
      %dma_wait3A_101 = tpu.memref_slice %dma_wait3A_100[%mul3A_0] : memref<102400xf32, #tpu.memory_space<hbm>> -> memref<6256xf32, #tpu.memory_space<hbm>>
      tpu.wait_dma2 semaphore(%run_scoped3A : memref<!tpu.dma_semaphore, #tpu.memory_space<semaphore_mem>>) src(%dma_wait3A_101 : memref<6256xf32, #tpu.memory_space<hbm>>) dst(%dma_wait3A_97 : memref<6256xf32, #tpu.memory_space<vmem_shared>>)
      tpu.yield
    }) : () -> ()
    %barrier3A = arith.constant 0 : index
    tpu.barrier barrier_id(%barrier3A)
    %mul3A_18 = arith.constant 106496 : i32
    %mul3A_19 = arith.muli %arg1, %mul3A_18 : i32
    %mul3A_20 = arith.constant 832 : i32
    %mul3A_21 = arith.muli %arg1, %mul3A_20 : i32
    %add3A = arith.constant 0 : i32
    %add3A_22 = arith.addi %mul3A_21, %add3A : i32
    %mul3A_23 = arith.constant 2 : i32
    %mul3A_24 = arith.muli %add3A_22, %mul3A_23 : i32
    %dma_start3A = arith.constant 0 : i32
    %dma_start3A_25 = tpu.memref_slice %arg2[%mul3A_24, %dma_start3A] : memref<26624x128xi32, #tpu.memory_space<hbm>> -> memref<2x128xi32, #tpu.memory_space<hbm>>
    %dma_start3A_26 = arith.constant 0 : i32
    %dma_start3A_27 = tpu.memref_slice %arg2[%mul3A_24, %dma_start3A_26] : memref<26624x128xi32, #tpu.memory_space<hbm>> -> memref<2x128xi32, #tpu.memory_space<hbm>>
    tpu.enqueue_dma source(%dma_start3A_27 : memref<2x128xi32, #tpu.memory_space<hbm>>) target(%arg8 : memref<2x128xi32, #tpu.memory_space<vmem>>) target_semaphore(%arg21 : memref<!tpu.dma_semaphore, #tpu.memory_space<semaphore_mem>>)
    %dma_wait3A = arith.constant 0 : i32
    %dma_wait3A_28 = arith.constant 0 : i32
    %dma_wait3A_29 = tpu.memref_slice %arg2[%dma_wait3A, %dma_wait3A_28] : memref<26624x128xi32, #tpu.memory_space<hbm>> -> memref<2x128xi32, #tpu.memory_space<hbm>>
    %dma_wait3A_30 = arith.constant 0 : i32
    %dma_wait3A_31 = arith.constant 0 : i32
    %dma_wait3A_32 = tpu.memref_slice %arg2[%dma_wait3A_30, %dma_wait3A_31] : memref<26624x128xi32, #tpu.memory_space<hbm>> -> memref<2x128xi32, #tpu.memory_space<hbm>>
    tpu.wait_dma2 semaphore(%arg21 : memref<!tpu.dma_semaphore, #tpu.memory_space<semaphore_mem>>) src(%dma_wait3A_32 : memref<2x128xi32, #tpu.memory_space<hbm>>) dst(%arg8 : memref<2x128xi32, #tpu.memory_space<vmem>>)
    %dma_start3A_33 = arith.constant 0 : i32
    %dma_start3A_34 = arith.constant 0 : i32
    %dma_start3A_35 = tpu.memref_slice %arg8[%dma_start3A_33, %dma_start3A_34] : memref<2x128xi32, #tpu.memory_space<vmem>> -> memref<1x128xi32, #tpu.memory_space<vmem>>
    %dma_start3A_36 = tpu.memref_squeeze %dma_start3A_35 : memref<1x128xi32, #tpu.memory_space<vmem>> -> memref<128xi32, #tpu.memory_space<vmem>>
    %dma_start3A_37 = arith.constant 0 : i32
    %dma_start3A_38 = arith.constant 0 : i32
    %dma_start3A_39 = tpu.memref_slice %arg3[%arg0, %dma_start3A_37, %dma_start3A_38] : memref<2x102400x16xf32, #tpu.memory_space<hbm>> -> memref<1x102400x16xf32, #tpu.memory_space<hbm>>
    %dma_start3A_40 = tpu.memref_squeeze %dma_start3A_39 : memref<1x102400x16xf32, #tpu.memory_space<hbm>> -> memref<102400x16xf32, #tpu.memory_space<hbm>>
    %dma_start3A_41 = arith.constant 0 : i32
    %dma_start3A_42 = arith.constant 0 : i32
    %dma_start3A_43 = tpu.memref_slice %dma_start3A_40[%dma_start3A_41, %dma_start3A_42] : memref<102400x16xf32, #tpu.memory_space<hbm>> -> memref<102400x16xf32, #tpu.memory_space<hbm>>
    tpu.enqueue_indirect_dma source(%dma_start3A_43 : memref<102400x16xf32, #tpu.memory_space<hbm>>) target(%arg9 : memref<128x16xf32, #tpu.memory_space<vmem>>) offsets(%dma_start3A_36 : memref<128xi32, #tpu.memory_space<vmem>>) semaphore(%arg22 : memref<!tpu.dma_semaphore, #tpu.memory_space<semaphore_mem>>)
    %dma_start3A_44 = arith.constant 0 : i32
    %dma_start3A_45 = arith.constant 0 : i32
    %dma_start3A_46 = tpu.memref_slice %arg8[%dma_start3A_44, %dma_start3A_45] : memref<2x128xi32, #tpu.memory_space<vmem>> -> memref<1x128xi32, #tpu.memory_space<vmem>>
    %dma_start3A_47 = tpu.memref_squeeze %dma_start3A_46 : memref<1x128xi32, #tpu.memory_space<vmem>> -> memref<128xi32, #tpu.memory_space<vmem>>
    %dma_start3A_48 = arith.constant 0 : i32
    %dma_start3A_49 = tpu.memref_slice %arg4[%arg0, %dma_start3A_48] : memref<2x102400xf32, #tpu.memory_space<hbm>> -> memref<1x102400xf32, #tpu.memory_space<hbm>>
    %dma_start3A_50 = tpu.memref_squeeze %dma_start3A_49 : memref<1x102400xf32, #tpu.memory_space<hbm>> -> memref<102400xf32, #tpu.memory_space<hbm>>
    %dma_start3A_51 = arith.constant 0 : i32
    %dma_start3A_52 = tpu.memref_slice %dma_start3A_50[%dma_start3A_51] : memref<102400xf32, #tpu.memory_space<hbm>> -> memref<102400xf32, #tpu.memory_space<hbm>>
    tpu.enqueue_indirect_dma source(%dma_start3A_52 : memref<102400xf32, #tpu.memory_space<hbm>>) target(%arg10 : memref<128xf32, #tpu.memory_space<vmem>>) offsets(%dma_start3A_47 : memref<128xi32, #tpu.memory_space<vmem>>) semaphore(%arg23 : memref<!tpu.dma_semaphore, #tpu.memory_space<semaphore_mem>>)
    %dma_start3A_53 = arith.constant 1 : i32
    %dma_start3A_54 = arith.constant 0 : i32
    %dma_start3A_55 = tpu.memref_slice %arg8[%dma_start3A_53, %dma_start3A_54] : memref<2x128xi32, #tpu.memory_space<vmem>> -> memref<1x128xi32, #tpu.memory_space<vmem>>
    %dma_start3A_56 = tpu.memref_squeeze %dma_start3A_55 : memref<1x128xi32, #tpu.memory_space<vmem>> -> memref<128xi32, #tpu.memory_space<vmem>>
    %dma_start3A_57 = arith.constant 0 : i32
    %dma_start3A_58 = tpu.memref_slice %arg20[%dma_start3A_57] : memref<100096xf32, #tpu.memory_space<vmem_shared>> -> memref<100096xf32, #tpu.memory_space<vmem_shared>>
    tpu.enqueue_indirect_dma source(%dma_start3A_58 : memref<100096xf32, #tpu.memory_space<vmem_shared>>) target(%arg11 : memref<128xf32, #tpu.memory_space<vmem>>) offsets(%dma_start3A_56 : memref<128xi32, #tpu.memory_space<vmem>>) semaphore(%arg24 : memref<!tpu.dma_semaphore, #tpu.memory_space<semaphore_mem>>)
    %scan3A_59 = arith.constant 0 : i32
    %scan3A_60 = arith.constant 0 : i32
    %scan3A_61 = arith.constant 416 : i32
    %scan3A_62 = arith.addi %scan3A_60, %scan3A_61 : i32
    %scan3A_63 = arith.constant 1 : i32
    scf.for %scan3A_92 = %scan3A_60 to %scan3A_62 step %scan3A_63  : i32 {
      %mul3A_93 = arith.constant 2 : i32
      %mul3A_94 = arith.muli %mul3A_93, %scan3A_92 : i32
      %add3A_95 = arith.constant 0 : i32
      %add3A_96 = arith.addi %mul3A_94, %add3A_95 : i32
      %add3A_97 = arith.constant 1 : i32
      %add3A_98 = arith.addi %add3A_96, %add3A_97 : i32
      %lt3A = arith.constant 832 : i32
      %lt3A_99 = arith.cmpi slt, %add3A_98, %lt3A : i32
      %convert_element_type3A = arith.extui %lt3A_99 : i1 to i32
      %cond3A = arith.constant 0 : i32
      %cond3A_100 = arith.cmpi ne, %convert_element_type3A, %cond3A : i32
      scf.if %cond3A_100 {
        %ge3A = arith.constant 1 : i32
        %ge3A_240 = arith.cmpi sge, %add3A_96, %ge3A : i32
        %convert_element_type3A_241 = arith.extui %ge3A_240 : i1 to i32
        %cond3A_242 = arith.constant 0 : i32
        %cond3A_243 = arith.cmpi ne, %convert_element_type3A_241, %cond3A_242 : i32
        scf.if %cond3A_243 {
          %dma_wait3A_253 = arith.constant 1 : i32
          %dma_wait3A_254 = arith.constant 0 : i32
          %dma_wait3A_255 = tpu.memref_slice %arg12[%dma_wait3A_253, %dma_wait3A_254] : memref<2x128xi32, #tpu.memory_space<vmem>> -> memref<1x128xi32, #tpu.memory_space<vmem>>
          %dma_wait3A_256 = tpu.memref_squeeze %dma_wait3A_255 : memref<1x128xi32, #tpu.memory_space<vmem>> -> memref<128xi32, #tpu.memory_space<vmem>>
          %dma_wait3A_257 = arith.constant 0 : i32
          %dma_wait3A_258 = arith.constant 0 : i32
          %dma_wait3A_259 = tpu.memref_slice %arg18[%dma_wait3A_257, %dma_wait3A_258] : memref<100096x16xf32, #tpu.memory_space<vmem_shared>> -> memref<100096x16xf32, #tpu.memory_space<vmem_shared>>
          tpu.wait_indirect_dma semaphore(%arg31 : memref<!tpu.dma_semaphore, #tpu.memory_space<semaphore_mem>>) src(%arg13 : memref<128x16xf32, #tpu.memory_space<vmem>>) dst(%dma_wait3A_259 : memref<100096x16xf32, #tpu.memory_space<vmem_shared>>)
          %dma_wait3A_260 = arith.constant 1 : i32
          %dma_wait3A_261 = arith.constant 0 : i32
          %dma_wait3A_262 = tpu.memref_slice %arg12[%dma_wait3A_260, %dma_wait3A_261] : memref<2x128xi32, #tpu.memory_space<vmem>> -> memref<1x128xi32, #tpu.memory_space<vmem>>
          %dma_wait3A_263 = tpu.memref_squeeze %dma_wait3A_262 : memref<1x128xi32, #tpu.memory_space<vmem>> -> memref<128xi32, #tpu.memory_space<vmem>>
          %dma_wait3A_264 = arith.constant 0 : i32
          %dma_wait3A_265 = tpu.memref_slice %arg19[%dma_wait3A_264] : memref<100096xf32, #tpu.memory_space<vmem_shared>> -> memref<100096xf32, #tpu.memory_space<vmem_shared>>
          tpu.wait_indirect_dma semaphore(%arg32 : memref<!tpu.dma_semaphore, #tpu.memory_space<semaphore_mem>>) src(%arg14 : memref<128xf32, #tpu.memory_space<vmem>>) dst(%dma_wait3A_265 : memref<100096xf32, #tpu.memory_space<vmem_shared>>)
        } else {
        }
        %add3A_244 = arith.constant 1 : i32
        %add3A_245 = arith.addi %add3A_96, %add3A_244 : i32
        %add3A_246 = arith.addi %mul3A_21, %add3A_245 : i32
        %mul3A_247 = arith.constant 2 : i32
        %mul3A_248 = arith.muli %add3A_246, %mul3A_247 : i32
        %dma_start3A_249 = arith.constant 0 : i32
        %dma_start3A_250 = tpu.memref_slice %arg2[%mul3A_248, %dma_start3A_249] : memref<26624x128xi32, #tpu.memory_space<hbm>> -> memref<2x128xi32, #tpu.memory_space<hbm>>
        %dma_start3A_251 = arith.constant 0 : i32
        %dma_start3A_252 = tpu.memref_slice %arg2[%mul3A_248, %dma_start3A_251] : memref<26624x128xi32, #tpu.memory_space<hbm>> -> memref<2x128xi32, #tpu.memory_space<hbm>>
        tpu.enqueue_dma source(%dma_start3A_252 : memref<2x128xi32, #tpu.memory_space<hbm>>) target(%arg12 : memref<2x128xi32, #tpu.memory_space<vmem>>) target_semaphore(%arg25 : memref<!tpu.dma_semaphore, #tpu.memory_space<semaphore_mem>>)
      } else {
      }
      %dma_wait3A_101 = arith.constant 0 : i32
      %dma_wait3A_102 = arith.constant 0 : i32
      %dma_wait3A_103 = tpu.memref_slice %arg8[%dma_wait3A_101, %dma_wait3A_102] : memref<2x128xi32, #tpu.memory_space<vmem>> -> memref<1x128xi32, #tpu.memory_space<vmem>>
      %dma_wait3A_104 = tpu.memref_squeeze %dma_wait3A_103 : memref<1x128xi32, #tpu.memory_space<vmem>> -> memref<128xi32, #tpu.memory_space<vmem>>
      %dma_wait3A_105 = arith.constant 0 : i32
      %dma_wait3A_106 = arith.constant 0 : i32
      %dma_wait3A_107 = tpu.memref_slice %arg3[%arg0, %dma_wait3A_105, %dma_wait3A_106] : memref<2x102400x16xf32, #tpu.memory_space<hbm>> -> memref<1x102400x16xf32, #tpu.memory_space<hbm>>
      %dma_wait3A_108 = tpu.memref_squeeze %dma_wait3A_107 : memref<1x102400x16xf32, #tpu.memory_space<hbm>> -> memref<102400x16xf32, #tpu.memory_space<hbm>>
      %dma_wait3A_109 = arith.constant 0 : i32
      %dma_wait3A_110 = arith.constant 0 : i32
      %dma_wait3A_111 = tpu.memref_slice %dma_wait3A_108[%dma_wait3A_109, %dma_wait3A_110] : memref<102400x16xf32, #tpu.memory_space<hbm>> -> memref<102400x16xf32, #tpu.memory_space<hbm>>
      tpu.wait_indirect_dma semaphore(%arg22 : memref<!tpu.dma_semaphore, #tpu.memory_space<semaphore_mem>>) src(%dma_wait3A_111 : memref<102400x16xf32, #tpu.memory_space<hbm>>) dst(%arg9 : memref<128x16xf32, #tpu.memory_space<vmem>>)
      %dma_wait3A_112 = arith.constant 0 : i32
      %dma_wait3A_113 = arith.constant 0 : i32
      %dma_wait3A_114 = tpu.memref_slice %arg8[%dma_wait3A_112, %dma_wait3A_113] : memref<2x128xi32, #tpu.memory_space<vmem>> -> memref<1x128xi32, #tpu.memory_space<vmem>>
      %dma_wait3A_115 = tpu.memref_squeeze %dma_wait3A_114 : memref<1x128xi32, #tpu.memory_space<vmem>> -> memref<128xi32, #tpu.memory_space<vmem>>
      %dma_wait3A_116 = arith.constant 0 : i32
      %dma_wait3A_117 = tpu.memref_slice %arg4[%arg0, %dma_wait3A_116] : memref<2x102400xf32, #tpu.memory_space<hbm>> -> memref<1x102400xf32, #tpu.memory_space<hbm>>
      %dma_wait3A_118 = tpu.memref_squeeze %dma_wait3A_117 : memref<1x102400xf32, #tpu.memory_space<hbm>> -> memref<102400xf32, #tpu.memory_space<hbm>>
      %dma_wait3A_119 = arith.constant 0 : i32
      %dma_wait3A_120 = tpu.memref_slice %dma_wait3A_118[%dma_wait3A_119] : memref<102400xf32, #tpu.memory_space<hbm>> -> memref<102400xf32, #tpu.memory_space<hbm>>
      tpu.wait_indirect_dma semaphore(%arg23 : memref<!tpu.dma_semaphore, #tpu.memory_space<semaphore_mem>>) src(%dma_wait3A_120 : memref<102400xf32, #tpu.memory_space<hbm>>) dst(%arg10 : memref<128xf32, #tpu.memory_space<vmem>>)
      %dma_wait3A_121 = arith.constant 1 : i32
      %dma_wait3A_122 = arith.constant 0 : i32
      %dma_wait3A_123 = tpu.memref_slice %arg8[%dma_wait3A_121, %dma_wait3A_122] : memref<2x128xi32, #tpu.memory_space<vmem>> -> memref<1x128xi32, #tpu.memory_space<vmem>>
      %dma_wait3A_124 = tpu.memref_squeeze %dma_wait3A_123 : memref<1x128xi32, #tpu.memory_space<vmem>> -> memref<128xi32, #tpu.memory_space<vmem>>
      %dma_wait3A_125 = arith.constant 0 : i32
      %dma_wait3A_126 = tpu.memref_slice %arg4[%arg0, %dma_wait3A_125] : memref<2x102400xf32, #tpu.memory_space<hbm>> -> memref<1x102400xf32, #tpu.memory_space<hbm>>
      %dma_wait3A_127 = tpu.memref_squeeze %dma_wait3A_126 : memref<1x102400xf32, #tpu.memory_space<hbm>> -> memref<102400xf32, #tpu.memory_space<hbm>>
      %dma_wait3A_128 = arith.constant 0 : i32
      %dma_wait3A_129 = tpu.memref_slice %dma_wait3A_127[%dma_wait3A_128] : memref<102400xf32, #tpu.memory_space<hbm>> -> memref<102400xf32, #tpu.memory_space<hbm>>
      tpu.wait_indirect_dma semaphore(%arg24 : memref<!tpu.dma_semaphore, #tpu.memory_space<semaphore_mem>>) src(%dma_wait3A_129 : memref<102400xf32, #tpu.memory_space<hbm>>) dst(%arg11 : memref<128xf32, #tpu.memory_space<vmem>>)
      %mul3A_130 = arith.constant 128 : i32
      %mul3A_131 = arith.muli %add3A_96, %mul3A_130 : i32
      %add3A_132 = arith.addi %mul3A_19, %mul3A_131 : i32
      %scan3A_133 = arith.constant 0 : i32
      %scan3A_134 = arith.constant 0 : i32
      %scan3A_135 = arith.constant 8 : i32
      %scan3A_136 = arith.addi %scan3A_134, %scan3A_135 : i32
      %scan3A_137 = arith.constant 4 : i32
      scf.for %scan3A_240 = %scan3A_134 to %scan3A_136 step %scan3A_137  : i32 {
        %mul3A_241 = arith.constant 16 : i32
        %mul3A_242 = arith.muli %scan3A_240, %mul3A_241 : i32
        %get3A = arith.index_cast %mul3A_242 : i32 to index
        %get3A_243 = tpu.vector_load %arg10[%get3A] {strides = array<i32>} : memref<128xf32, #tpu.memory_space<vmem>>, vector<16xf32>,
        %mul3A_244 = arith.constant 16 : i32
        %mul3A_245 = arith.muli %scan3A_240, %mul3A_244 : i32
        %get3A_246 = arith.index_cast %mul3A_245 : i32 to index
        %get3A_247 = tpu.vector_load %arg11[%get3A_246] {strides = array<i32>} : memref<128xf32, #tpu.memory_space<vmem>>, vector<16xf32>,
        %add3A_248 = arith.addf %get3A_243, %get3A_247 : vector<16xf32>
        %gt3A = arith.constant 0.000000e+00 : f32
        %gt3A_249 = vector.broadcast %gt3A : f32 to vector<16xf32>
        %gt3A_250 = arith.cmpf ogt, %add3A_248, %gt3A_249 : vector<16xf32>
        %mul3A_251 = arith.constant 2.000000e-01 : f32
        %mul3A_252 = vector.broadcast %mul3A_251 : f32 to vector<16xf32>
        %mul3A_253 = arith.mulf %mul3A_252, %add3A_248 : vector<16xf32>
        %select_n3A = arith.select %gt3A_250, %add3A_248, %mul3A_253 : vector<16xi1>, vector<16xf32>
        %mul3A_254 = arith.constant 16 : i32
        %mul3A_255 = arith.muli %scan3A_240, %mul3A_254 : i32
        %add3A_256 = arith.addi %add3A_132, %mul3A_255 : i32
        %iota3A = tpu.iota {dimensions = array<i32: 0>} : vector<16xi32>
        %add3A_257 = vector.broadcast %add3A_256 : i32 to vector<16xi32>
        %add3A_258 = arith.addi %add3A_257, %iota3A : vector<16xi32>
        %lt3A_259 = arith.constant 1700000 : i32
        %lt3A_260 = vector.broadcast %lt3A_259 : i32 to vector<16xi32>
        %lt3A_261 = arith.cmpi slt, %add3A_258, %lt3A_260 : vector<16xi32>
        %exp3A = math.exp %select_n3A : vector<16xf32>
        %jit3A = arith.constant 0.000000e+00 : f32
        %broadcast_in_dim3A = vector.broadcast %jit3A : f32 to vector<16xf32>
        %select_n3A_262 = arith.select %lt3A_261, %exp3A, %broadcast_in_dim3A : vector<16xi1>, vector<16xf32>
        %mul3A_263 = arith.constant 16 : i32
        %mul3A_264 = arith.muli %scan3A_240, %mul3A_263 : i32
        %swap3A = arith.index_cast %mul3A_264 : i32 to index
        %swap3A_265 = tpu.vector_load %arg10[%swap3A] {strides = array<i32>} : memref<128xf32, #tpu.memory_space<vmem>>, vector<16xf32>,
        tpu.vector_store %arg10[%swap3A], %select_n3A_262 {strides = array<i32>} : memref<128xf32, #tpu.memory_space<vmem>>, vector<16xf32>,
        %scan3A_266 = arith.constant 1 : i32
        %scan3A_267 = arith.addi %scan3A_240, %scan3A_266 : i32
        %mul3A_268 = arith.constant 16 : i32
        %mul3A_269 = arith.muli %scan3A_267, %mul3A_268 : i32
        %get3A_270 = arith.index_cast %mul3A_269 : i32 to index
        %get3A_271 = tpu.vector_load %arg10[%get3A_270] {strides = array<i32>} : memref<128xf32, #tpu.memory_space<vmem>>, vector<16xf32>,
        %mul3A_272 = arith.constant 16 : i32
        %mul3A_273 = arith.muli %scan3A_267, %mul3A_272 : i32
        %get3A_274 = arith.index_cast %mul3A_273 : i32 to index
        %get3A_275 = tpu.vector_load %arg11[%get3A_274] {strides = array<i32>} : memref<128xf32, #tpu.memory_space<vmem>>, vector<16xf32>,
        %add3A_276 = arith.addf %get3A_271, %get3A_275 : vector<16xf32>
        %gt3A_277 = arith.constant 0.000000e+00 : f32
        %gt3A_278 = vector.broadcast %gt3A_277 : f32 to vector<16xf32>
        %gt3A_279 = arith.cmpf ogt, %add3A_276, %gt3A_278 : vector<16xf32>
        %mul3A_280 = arith.constant 2.000000e-01 : f32
        %mul3A_281 = vector.broadcast %mul3A_280 : f32 to vector<16xf32>
        %mul3A_282 = arith.mulf %mul3A_281, %add3A_276 : vector<16xf32>
        %select_n3A_283 = arith.select %gt3A_279, %add3A_276, %mul3A_282 : vector<16xi1>, vector<16xf32>
        %mul3A_284 = arith.constant 16 : i32
        %mul3A_285 = arith.muli %scan3A_267, %mul3A_284 : i32
        %add3A_286 = arith.addi %add3A_132, %mul3A_285 : i32
        %iota3A_287 = tpu.iota {dimensions = array<i32: 0>} : vector<16xi32>
        %add3A_288 = vector.broadcast %add3A_286 : i32 to vector<16xi32>
        %add3A_289 = arith.addi %add3A_288, %iota3A_287 : vector<16xi32>
        %lt3A_290 = arith.constant 1700000 : i32
        %lt3A_291 = vector.broadcast %lt3A_290 : i32 to vector<16xi32>
        %lt3A_292 = arith.cmpi slt, %add3A_289, %lt3A_291 : vector<16xi32>
        %exp3A_293 = math.exp %select_n3A_283 : vector<16xf32>
        %jit3A_294 = arith.constant 0.000000e+00 : f32
        %broadcast_in_dim3A_295 = vector.broadcast %jit3A_294 : f32 to vector<16xf32>
        %select_n3A_296 = arith.select %lt3A_292, %exp3A_293, %broadcast_in_dim3A_295 : vector<16xi1>, vector<16xf32>
        %mul3A_297 = arith.constant 16 : i32
        %mul3A_298 = arith.muli %scan3A_267, %mul3A_297 : i32
        %swap3A_299 = arith.index_cast %mul3A_298 : i32 to index
        %swap3A_300 = tpu.vector_load %arg10[%swap3A_299] {strides = array<i32>} : memref<128xf32, #tpu.memory_space<vmem>>, vector<16xf32>,
        tpu.vector_store %arg10[%swap3A_299], %select_n3A_296 {strides = array<i32>} : memref<128xf32, #tpu.memory_space<vmem>>, vector<16xf32>,
        %scan3A_301 = arith.constant 2 : i32
        %scan3A_302 = arith.addi %scan3A_240, %scan3A_301 : i32
        %mul3A_303 = arith.constant 16 : i32
        %mul3A_304 = arith.muli %scan3A_302, %mul3A_303 : i32
        %get3A_305 = arith.index_cast %mul3A_304 : i32 to index
        %get3A_306 = tpu.vector_load %arg10[%get3A_305] {strides = array<i32>} : memref<128xf32, #tpu.memory_space<vmem>>, vector<16xf32>,
        %mul3A_307 = arith.constant 16 : i32
        %mul3A_308 = arith.muli %scan3A_302, %mul3A_307 : i32
        %get3A_309 = arith.index_cast %mul3A_308 : i32 to index
        %get3A_310 = tpu.vector_load %arg11[%get3A_309] {strides = array<i32>} : memref<128xf32, #tpu.memory_space<vmem>>, vector<16xf32>,
        %add3A_311 = arith.addf %get3A_306, %get3A_310 : vector<16xf32>
        %gt3A_312 = arith.constant 0.000000e+00 : f32
        %gt3A_313 = vector.broadcast %gt3A_312 : f32 to vector<16xf32>
        %gt3A_314 = arith.cmpf ogt, %add3A_311, %gt3A_313 : vector<16xf32>
        %mul3A_315 = arith.constant 2.000000e-01 : f32
        %mul3A_316 = vector.broadcast %mul3A_315 : f32 to vector<16xf32>
        %mul3A_317 = arith.mulf %mul3A_316, %add3A_311 : vector<16xf32>
        %select_n3A_318 = arith.select %gt3A_314, %add3A_311, %mul3A_317 : vector<16xi1>, vector<16xf32>
        %mul3A_319 = arith.constant 16 : i32
        %mul3A_320 = arith.muli %scan3A_302, %mul3A_319 : i32
        %add3A_321 = arith.addi %add3A_132, %mul3A_320 : i32
        %iota3A_322 = tpu.iota {dimensions = array<i32: 0>} : vector<16xi32>
        %add3A_323 = vector.broadcast %add3A_321 : i32 to vector<16xi32>
        %add3A_324 = arith.addi %add3A_323, %iota3A_322 : vector<16xi32>
        %lt3A_325 = arith.constant 1700000 : i32
        %lt3A_326 = vector.broadcast %lt3A_325 : i32 to vector<16xi32>
        %lt3A_327 = arith.cmpi slt, %add3A_324, %lt3A_326 : vector<16xi32>
        %exp3A_328 = math.exp %select_n3A_318 : vector<16xf32>
        %jit3A_329 = arith.constant 0.000000e+00 : f32
        %broadcast_in_dim3A_330 = vector.broadcast %jit3A_329 : f32 to vector<16xf32>
        %select_n3A_331 = arith.select %lt3A_327, %exp3A_328, %broadcast_in_dim3A_330 : vector<16xi1>, vector<16xf32>
        %mul3A_332 = arith.constant 16 : i32
        %mul3A_333 = arith.muli %scan3A_302, %mul3A_332 : i32
        %swap3A_334 = arith.index_cast %mul3A_333 : i32 to index
        %swap3A_335 = tpu.vector_load %arg10[%swap3A_334] {strides = array<i32>} : memref<128xf32, #tpu.memory_space<vmem>>, vector<16xf32>,
        tpu.vector_store %arg10[%swap3A_334], %select_n3A_331 {strides = array<i32>} : memref<128xf32, #tpu.memory_space<vmem>>, vector<16xf32>,
        %scan3A_336 = arith.constant 3 : i32
        %scan3A_337 = arith.addi %scan3A_240, %scan3A_336 : i32
        %mul3A_338 = arith.constant 16 : i32
        %mul3A_339 = arith.muli %scan3A_337, %mul3A_338 : i32
        %get3A_340 = arith.index_cast %mul3A_339 : i32 to index
        %get3A_341 = tpu.vector_load %arg10[%get3A_340] {strides = array<i32>} : memref<128xf32, #tpu.memory_space<vmem>>, vector<16xf32>,
        %mul3A_342 = arith.constant 16 : i32
        %mul3A_343 = arith.muli %scan3A_337, %mul3A_342 : i32
        %get3A_344 = arith.index_cast %mul3A_343 : i32 to index
        %get3A_345 = tpu.vector_load %arg11[%get3A_344] {strides = array<i32>} : memref<128xf32, #tpu.memory_space<vmem>>, vector<16xf32>,
        %add3A_346 = arith.addf %get3A_341, %get3A_345 : vector<16xf32>
        %gt3A_347 = arith.constant 0.000000e+00 : f32
        %gt3A_348 = vector.broadcast %gt3A_347 : f32 to vector<16xf32>
        %gt3A_349 = arith.cmpf ogt, %add3A_346, %gt3A_348 : vector<16xf32>
        %mul3A_350 = arith.constant 2.000000e-01 : f32
        %mul3A_351 = vector.broadcast %mul3A_350 : f32 to vector<16xf32>
        %mul3A_352 = arith.mulf %mul3A_351, %add3A_346 : vector<16xf32>
        %select_n3A_353 = arith.select %gt3A_349, %add3A_346, %mul3A_352 : vector<16xi1>, vector<16xf32>
        %mul3A_354 = arith.constant 16 : i32
        %mul3A_355 = arith.muli %scan3A_337, %mul3A_354 : i32
        %add3A_356 = arith.addi %add3A_132, %mul3A_355 : i32
        %iota3A_357 = tpu.iota {dimensions = array<i32: 0>} : vector<16xi32>
        %add3A_358 = vector.broadcast %add3A_356 : i32 to vector<16xi32>
        %add3A_359 = arith.addi %add3A_358, %iota3A_357 : vector<16xi32>
        %lt3A_360 = arith.constant 1700000 : i32
        %lt3A_361 = vector.broadcast %lt3A_360 : i32 to vector<16xi32>
        %lt3A_362 = arith.cmpi slt, %add3A_359, %lt3A_361 : vector<16xi32>
        %exp3A_363 = math.exp %select_n3A_353 : vector<16xf32>
        %jit3A_364 = arith.constant 0.000000e+00 : f32
        %broadcast_in_dim3A_365 = vector.broadcast %jit3A_364 : f32 to vector<16xf32>
        %select_n3A_366 = arith.select %lt3A_362, %exp3A_363, %broadcast_in_dim3A_365 : vector<16xi1>, vector<16xf32>
        %mul3A_367 = arith.constant 16 : i32
        %mul3A_368 = arith.muli %scan3A_337, %mul3A_367 : i32
        %swap3A_369 = arith.index_cast %mul3A_368 : i32 to index
        %swap3A_370 = tpu.vector_load %arg10[%swap3A_369] {strides = array<i32>} : memref<128xf32, #tpu.memory_space<vmem>>, vector<16xf32>,
        tpu.vector_store %arg10[%swap3A_369], %select_n3A_366 {strides = array<i32>} : memref<128xf32, #tpu.memory_space<vmem>>, vector<16xf32>,
      }
      %scan3A_138 = arith.constant 8 : i32
      %scan3A_139 = arith.constant 0 : i32
      %scan3A_140 = arith.constant 0 : i32
      %scan3A_141 = arith.constant 128 : i32
      %scan3A_142 = arith.addi %scan3A_140, %scan3A_141 : i32
      %scan3A_143 = arith.constant 8 : i32
      scf.for %scan3A_240 = %scan3A_140 to %scan3A_142 step %scan3A_143  : i32 {
        %broadcast_in_dim3A = vector.broadcast %scan3A_240 : i32 to vector<16xi32>
        %gather3A = tpu.vector_load_idx %arg10[%broadcast_in_dim3A] : memref<128xf32, #tpu.memory_space<vmem>>[vector<16xi32>], vector<16xf32>,
        %get3A = arith.index_cast %scan3A_240 : i32 to index
        %get3A_241 = arith.constant 0 : index
        %get3A_242 = tpu.vector_load %arg9[%get3A, %get3A_241] {strides = array<i32>} : memref<128x16xf32, #tpu.memory_space<vmem>>, vector<16xf32>,
        %mul3A_243 = arith.mulf %get3A_242, %gather3A : vector<16xf32>
        %swap3A = arith.index_cast %scan3A_240 : i32 to index
        %swap3A_244 = arith.constant 0 : index
        %swap3A_245 = tpu.vector_load %arg9[%swap3A, %swap3A_244] {strides = array<i32>} : memref<128x16xf32, #tpu.memory_space<vmem>>, vector<16xf32>,
        tpu.vector_store %arg9[%swap3A, %swap3A_244], %mul3A_243 {strides = array<i32>} : memref<128x16xf32, #tpu.memory_space<vmem>>, vector<16xf32>,
        %scan3A_246 = arith.constant 1 : i32
        %scan3A_247 = arith.addi %scan3A_240, %scan3A_246 : i32
        %broadcast_in_dim3A_248 = vector.broadcast %scan3A_247 : i32 to vector<16xi32>
        %gather3A_249 = tpu.vector_load_idx %arg10[%broadcast_in_dim3A_248] : memref<128xf32, #tpu.memory_space<vmem>>[vector<16xi32>], vector<16xf32>,
        %get3A_250 = arith.index_cast %scan3A_247 : i32 to index
        %get3A_251 = arith.constant 0 : index
        %get3A_252 = tpu.vector_load %arg9[%get3A_250, %get3A_251] {strides = array<i32>} : memref<128x16xf32, #tpu.memory_space<vmem>>, vector<16xf32>,
        %mul3A_253 = arith.mulf %get3A_252, %gather3A_249 : vector<16xf32>
        %swap3A_254 = arith.index_cast %scan3A_247 : i32 to index
        %swap3A_255 = arith.constant 0 : index
        %swap3A_256 = tpu.vector_load %arg9[%swap3A_254, %swap3A_255] {strides = array<i32>} : memref<128x16xf32, #tpu.memory_space<vmem>>, vector<16xf32>,
        tpu.vector_store %arg9[%swap3A_254, %swap3A_255], %mul3A_253 {strides = array<i32>} : memref<128x16xf32, #tpu.memory_space<vmem>>, vector<16xf32>,
        %scan3A_257 = arith.constant 2 : i32
        %scan3A_258 = arith.addi %scan3A_240, %scan3A_257 : i32
        %broadcast_in_dim3A_259 = vector.broadcast %scan3A_258 : i32 to vector<16xi32>
        %gather3A_260 = tpu.vector_load_idx %arg10[%broadcast_in_dim3A_259] : memref<128xf32, #tpu.memory_space<vmem>>[vector<16xi32>], vector<16xf32>,
        %get3A_261 = arith.index_cast %scan3A_258 : i32 to index
        %get3A_262 = arith.constant 0 : index
        %get3A_263 = tpu.vector_load %arg9[%get3A_261, %get3A_262] {strides = array<i32>} : memref<128x16xf32, #tpu.memory_space<vmem>>, vector<16xf32>,
        %mul3A_264 = arith.mulf %get3A_263, %gather3A_260 : vector<16xf32>
        %swap3A_265 = arith.index_cast %scan3A_258 : i32 to index
        %swap3A_266 = arith.constant 0 : index
        %swap3A_267 = tpu.vector_load %arg9[%swap3A_265, %swap3A_266] {strides = array<i32>} : memref<128x16xf32, #tpu.memory_space<vmem>>, vector<16xf32>,
        tpu.vector_store %arg9[%swap3A_265, %swap3A_266], %mul3A_264 {strides = array<i32>} : memref<128x16xf32, #tpu.memory_space<vmem>>, vector<16xf32>,
        %scan3A_268 = arith.constant 3 : i32
        %scan3A_269 = arith.addi %scan3A_240, %scan3A_268 : i32
        %broadcast_in_dim3A_270 = vector.broadcast %scan3A_269 : i32 to vector<16xi32>
        %gather3A_271 = tpu.vector_load_idx %arg10[%broadcast_in_dim3A_270] : memref<128xf32, #tpu.memory_space<vmem>>[vector<16xi32>], vector<16xf32>,
        %get3A_272 = arith.index_cast %scan3A_269 : i32 to index
        %get3A_273 = arith.constant 0 : index
        %get3A_274 = tpu.vector_load %arg9[%get3A_272, %get3A_273] {strides = array<i32>} : memref<128x16xf32, #tpu.memory_space<vmem>>, vector<16xf32>,
        %mul3A_275 = arith.mulf %get3A_274, %gather3A_271 : vector<16xf32>
        %swap3A_276 = arith.index_cast %scan3A_269 : i32 to index
        %swap3A_277 = arith.constant 0 : index
        %swap3A_278 = tpu.vector_load %arg9[%swap3A_276, %swap3A_277] {strides = array<i32>} : memref<128x16xf32, #tpu.memory_space<vmem>>, vector<16xf32>,
        tpu.vector_store %arg9[%swap3A_276, %swap3A_277], %mul3A_275 {strides = array<i32>} : memref<128x16xf32, #tpu.memory_space<vmem>>, vector<16xf32>,
        %scan3A_279 = arith.constant 4 : i32
        %scan3A_280 = arith.addi %scan3A_240, %scan3A_279 : i32
        %broadcast_in_dim3A_281 = vector.broadcast %scan3A_280 : i32 to vector<16xi32>
        %gather3A_282 = tpu.vector_load_idx %arg10[%broadcast_in_dim3A_281] : memref<128xf32, #tpu.memory_space<vmem>>[vector<16xi32>], vector<16xf32>,
        %get3A_283 = arith.index_cast %scan3A_280 : i32 to index
        %get3A_284 = arith.constant 0 : index
        %get3A_285 = tpu.vector_load %arg9[%get3A_283, %get3A_284] {strides = array<i32>} : memref<128x16xf32, #tpu.memory_space<vmem>>, vector<16xf32>,
        %mul3A_286 = arith.mulf %get3A_285, %gather3A_282 : vector<16xf32>
        %swap3A_287 = arith.index_cast %scan3A_280 : i32 to index
        %swap3A_288 = arith.constant 0 : index
        %swap3A_289 = tpu.vector_load %arg9[%swap3A_287, %swap3A_288] {strides = array<i32>} : memref<128x16xf32, #tpu.memory_space<vmem>>, vector<16xf32>,
        tpu.vector_store %arg9[%swap3A_287, %swap3A_288], %mul3A_286 {strides = array<i32>} : memref<128x16xf32, #tpu.memory_space<vmem>>, vector<16xf32>,
        %scan3A_290 = arith.constant 5 : i32
        %scan3A_291 = arith.addi %scan3A_240, %scan3A_290 : i32
        %broadcast_in_dim3A_292 = vector.broadcast %scan3A_291 : i32 to vector<16xi32>
        %gather3A_293 = tpu.vector_load_idx %arg10[%broadcast_in_dim3A_292] : memref<128xf32, #tpu.memory_space<vmem>>[vector<16xi32>], vector<16xf32>,
        %get3A_294 = arith.index_cast %scan3A_291 : i32 to index
        %get3A_295 = arith.constant 0 : index
        %get3A_296 = tpu.vector_load %arg9[%get3A_294, %get3A_295] {strides = array<i32>} : memref<128x16xf32, #tpu.memory_space<vmem>>, vector<16xf32>,
        %mul3A_297 = arith.mulf %get3A_296, %gather3A_293 : vector<16xf32>
        %swap3A_298 = arith.index_cast %scan3A_291 : i32 to index
        %swap3A_299 = arith.constant 0 : index
        %swap3A_300 = tpu.vector_load %arg9[%swap3A_298, %swap3A_299] {strides = array<i32>} : memref<128x16xf32, #tpu.memory_space<vmem>>, vector<16xf32>,
        tpu.vector_store %arg9[%swap3A_298, %swap3A_299], %mul3A_297 {strides = array<i32>} : memref<128x16xf32, #tpu.memory_space<vmem>>, vector<16xf32>,
        %scan3A_301 = arith.constant 6 : i32
        %scan3A_302 = arith.addi %scan3A_240, %scan3A_301 : i32
        %broadcast_in_dim3A_303 = vector.broadcast %scan3A_302 : i32 to vector<16xi32>
        %gather3A_304 = tpu.vector_load_idx %arg10[%broadcast_in_dim3A_303] : memref<128xf32, #tpu.memory_space<vmem>>[vector<16xi32>], vector<16xf32>,
        %get3A_305 = arith.index_cast %scan3A_302 : i32 to index
        %get3A_306 = arith.constant 0 : index
        %get3A_307 = tpu.vector_load %arg9[%get3A_305, %get3A_306] {strides = array<i32>} : memref<128x16xf32, #tpu.memory_space<vmem>>, vector<16xf32>,
        %mul3A_308 = arith.mulf %get3A_307, %gather3A_304 : vector<16xf32>
        %swap3A_309 = arith.index_cast %scan3A_302 : i32 to index
        %swap3A_310 = arith.constant 0 : index
        %swap3A_311 = tpu.vector_load %arg9[%swap3A_309, %swap3A_310] {strides = array<i32>} : memref<128x16xf32, #tpu.memory_space<vmem>>, vector<16xf32>,
        tpu.vector_store %arg9[%swap3A_309, %swap3A_310], %mul3A_308 {strides = array<i32>} : memref<128x16xf32, #tpu.memory_space<vmem>>, vector<16xf32>,
        %scan3A_312 = arith.constant 7 : i32
        %scan3A_313 = arith.addi %scan3A_240, %scan3A_312 : i32
        %broadcast_in_dim3A_314 = vector.broadcast %scan3A_313 : i32 to vector<16xi32>
        %gather3A_315 = tpu.vector_load_idx %arg10[%broadcast_in_dim3A_314] : memref<128xf32, #tpu.memory_space<vmem>>[vector<16xi32>], vector<16xf32>,
        %get3A_316 = arith.index_cast %scan3A_313 : i32 to index
        %get3A_317 = arith.constant 0 : index
        %get3A_318 = tpu.vector_load %arg9[%get3A_316, %get3A_317] {strides = array<i32>} : memref<128x16xf32, #tpu.memory_space<vmem>>, vector<16xf32>,
        %mul3A_319 = arith.mulf %get3A_318, %gather3A_315 : vector<16xf32>
        %swap3A_320 = arith.index_cast %scan3A_313 : i32 to index
        %swap3A_321 = arith.constant 0 : index
        %swap3A_322 = tpu.vector_load %arg9[%swap3A_320, %swap3A_321] {strides = array<i32>} : memref<128x16xf32, #tpu.memory_space<vmem>>, vector<16xf32>,
        tpu.vector_store %arg9[%swap3A_320, %swap3A_321], %mul3A_319 {strides = array<i32>} : memref<128x16xf32, #tpu.memory_space<vmem>>, vector<16xf32>,
      }
      %scan3A_144 = arith.constant 128 : i32
      %add3A_145 = arith.constant 1 : i32
      %add3A_146 = arith.addi %add3A_96, %add3A_145 : i32
      %lt3A_147 = arith.constant 832 : i32
      %lt3A_148 = arith.cmpi slt, %add3A_146, %lt3A_147 : i32
      %convert_element_type3A_149 = arith.extui %lt3A_148 : i1 to i32
      %cond3A_150 = arith.constant 0 : i32
      %cond3A_151 = arith.cmpi ne, %convert_element_type3A_149, %cond3A_150 : i32
      scf.if %cond3A_151 {
        %dma_wait3A_240 = arith.constant 0 : i32
        %dma_wait3A_241 = arith.constant 0 : i32
        %dma_wait3A_242 = tpu.memref_slice %arg2[%dma_wait3A_240, %dma_wait3A_241] : memref<26624x128xi32, #tpu.memory_space<hbm>> -> memref<2x128xi32, #tpu.memory_space<hbm>>
        %dma_wait3A_243 = arith.constant 0 : i32
        %dma_wait3A_244 = arith.constant 0 : i32
        %dma_wait3A_245 = tpu.memref_slice %arg2[%dma_wait3A_243, %dma_wait3A_244] : memref<26624x128xi32, #tpu.memory_space<hbm>> -> memref<2x128xi32, #tpu.memory_space<hbm>>
        tpu.wait_dma2 semaphore(%arg25 : memref<!tpu.dma_semaphore, #tpu.memory_space<semaphore_mem>>) src(%dma_wait3A_245 : memref<2x128xi32, #tpu.memory_space<hbm>>) dst(%arg12 : memref<2x128xi32, #tpu.memory_space<vmem>>)
        %dma_start3A_246 = arith.constant 0 : i32
        %dma_start3A_247 = arith.constant 0 : i32
        %dma_start3A_248 = tpu.memref_slice %arg12[%dma_start3A_246, %dma_start3A_247] : memref<2x128xi32, #tpu.memory_space<vmem>> -> memref<1x128xi32, #tpu.memory_space<vmem>>
        %dma_start3A_249 = tpu.memref_squeeze %dma_start3A_248 : memref<1x128xi32, #tpu.memory_space<vmem>> -> memref<128xi32, #tpu.memory_space<vmem>>
        %dma_start3A_250 = arith.constant 0 : i32
        %dma_start3A_251 = arith.constant 0 : i32
        %dma_start3A_252 = tpu.memref_slice %arg3[%arg0, %dma_start3A_250, %dma_start3A_251] : memref<2x102400x16xf32, #tpu.memory_space<hbm>> -> memref<1x102400x16xf32, #tpu.memory_space<hbm>>
        %dma_start3A_253 = tpu.memref_squeeze %dma_start3A_252 : memref<1x102400x16xf32, #tpu.memory_space<hbm>> -> memref<102400x16xf32, #tpu.memory_space<hbm>>
        %dma_start3A_254 = arith.constant 0 : i32
        %dma_start3A_255 = arith.constant 0 : i32
        %dma_start3A_256 = tpu.memref_slice %dma_start3A_253[%dma_start3A_254, %dma_start3A_255] : memref<102400x16xf32, #tpu.memory_space<hbm>> -> memref<102400x16xf32, #tpu.memory_space<hbm>>
        tpu.enqueue_indirect_dma source(%dma_start3A_256 : memref<102400x16xf32, #tpu.memory_space<hbm>>) target(%arg13 : memref<128x16xf32, #tpu.memory_space<vmem>>) offsets(%dma_start3A_249 : memref<128xi32, #tpu.memory_space<vmem>>) semaphore(%arg26 : memref<!tpu.dma_semaphore, #tpu.memory_space<semaphore_mem>>)
        %dma_start3A_257 = arith.constant 0 : i32
        %dma_start3A_258 = arith.constant 0 : i32
        %dma_start3A_259 = tpu.memref_slice %arg12[%dma_start3A_257, %dma_start3A_258] : memref<2x128xi32, #tpu.memory_space<vmem>> -> memref<1x128xi32, #tpu.memory_space<vmem>>
        %dma_start3A_260 = tpu.memref_squeeze %dma_start3A_259 : memref<1x128xi32, #tpu.memory_space<vmem>> -> memref<128xi32, #tpu.memory_space<vmem>>
        %dma_start3A_261 = arith.constant 0 : i32
        %dma_start3A_262 = tpu.memref_slice %arg4[%arg0, %dma_start3A_261] : memref<2x102400xf32, #tpu.memory_space<hbm>> -> memref<1x102400xf32, #tpu.memory_space<hbm>>
        %dma_start3A_263 = tpu.memref_squeeze %dma_start3A_262 : memref<1x102400xf32, #tpu.memory_space<hbm>> -> memref<102400xf32, #tpu.memory_space<hbm>>
        %dma_start3A_264 = arith.constant 0 : i32
        %dma_start3A_265 = tpu.memref_slice %dma_start3A_263[%dma_start3A_264] : memref<102400xf32, #tpu.memory_space<hbm>> -> memref<102400xf32, #tpu.memory_space<hbm>>
        tpu.enqueue_indirect_dma source(%dma_start3A_265 : memref<102400xf32, #tpu.memory_space<hbm>>) target(%arg14 : memref<128xf32, #tpu.memory_space<vmem>>) offsets(%dma_start3A_260 : memref<128xi32, #tpu.memory_space<vmem>>) semaphore(%arg27 : memref<!tpu.dma_semaphore, #tpu.memory_space<semaphore_mem>>)
        %dma_start3A_266 = arith.constant 1 : i32
        %dma_start3A_267 = arith.constant 0 : i32
        %dma_start3A_268 = tpu.memref_slice %arg12[%dma_start3A_266, %dma_start3A_267] : memref<2x128xi32, #tpu.memory_space<vmem>> -> memref<1x128xi32, #tpu.memory_space<vmem>>
        %dma_start3A_269 = tpu.memref_squeeze %dma_start3A_268 : memref<1x128xi32, #tpu.memory_space<vmem>> -> memref<128xi32, #tpu.memory_space<vmem>>
        %dma_start3A_270 = arith.constant 0 : i32
        %dma_start3A_271 = tpu.memref_slice %arg20[%dma_start3A_270] : memref<100096xf32, #tpu.memory_space<vmem_shared>> -> memref<100096xf32, #tpu.memory_space<vmem_shared>>
        tpu.enqueue_indirect_dma source(%dma_start3A_271 : memref<100096xf32, #tpu.memory_space<vmem_shared>>) target(%arg15 : memref<128xf32, #tpu.memory_space<vmem>>) offsets(%dma_start3A_269 : memref<128xi32, #tpu.memory_space<vmem>>) semaphore(%arg28 : memref<!tpu.dma_semaphore, #tpu.memory_space<semaphore_mem>>)
      } else {
      }
      %dma_start3A_152 = arith.constant 1 : i32
      %dma_start3A_153 = arith.constant 0 : i32
      %dma_start3A_154 = tpu.memref_slice %arg8[%dma_start3A_152, %dma_start3A_153] : memref<2x128xi32, #tpu.memory_space<vmem>> -> memref<1x128xi32, #tpu.memory_space<vmem>>
      %dma_start3A_155 = tpu.memref_squeeze %dma_start3A_154 : memref<1x128xi32, #tpu.memory_space<vmem>> -> memref<128xi32, #tpu.memory_space<vmem>>
      %dma_start3A_156 = arith.constant 0 : i32
      %dma_start3A_157 = arith.constant 0 : i32
      %dma_start3A_158 = tpu.memref_slice %arg18[%dma_start3A_156, %dma_start3A_157] : memref<100096x16xf32, #tpu.memory_space<vmem_shared>> -> memref<100096x16xf32, #tpu.memory_space<vmem_shared>>
      tpu.enqueue_indirect_dma source(%arg9 : memref<128x16xf32, #tpu.memory_space<vmem>>) target(%dma_start3A_158 : memref<100096x16xf32, #tpu.memory_space<vmem_shared>>) offsets(%dma_start3A_155 : memref<128xi32, #tpu.memory_space<vmem>>) semaphore(%arg29 : memref<!tpu.dma_semaphore, #tpu.memory_space<semaphore_mem>>) {add = true}
      %dma_start3A_159 = arith.constant 1 : i32
      %dma_start3A_160 = arith.constant 0 : i32
      %dma_start3A_161 = tpu.memref_slice %arg8[%dma_start3A_159, %dma_start3A_160] : memref<2x128xi32, #tpu.memory_space<vmem>> -> memref<1x128xi32, #tpu.memory_space<vmem>>
      %dma_start3A_162 = tpu.memref_squeeze %dma_start3A_161 : memref<1x128xi32, #tpu.memory_space<vmem>> -> memref<128xi32, #tpu.memory_space<vmem>>
      %dma_start3A_163 = arith.constant 0 : i32
      %dma_start3A_164 = tpu.memref_slice %arg19[%dma_start3A_163] : memref<100096xf32, #tpu.memory_space<vmem_shared>> -> memref<100096xf32, #tpu.memory_space<vmem_shared>>
      tpu.enqueue_indirect_dma source(%arg10 : memref<128xf32, #tpu.memory_space<vmem>>) target(%dma_start3A_164 : memref<100096xf32, #tpu.memory_space<vmem_shared>>) offsets(%dma_start3A_162 : memref<128xi32, #tpu.memory_space<vmem>>) semaphore(%arg30 : memref<!tpu.dma_semaphore, #tpu.memory_space<semaphore_mem>>) {add = true}
      %mul3A_165 = arith.constant 2 : i32
      %mul3A_166 = arith.muli %mul3A_165, %scan3A_92 : i32
      %add3A_167 = arith.constant 1 : i32
      %add3A_168 = arith.addi %mul3A_166, %add3A_167 : i32
      %add3A_169 = arith.constant 1 : i32
      %add3A_170 = arith.addi %add3A_168, %add3A_169 : i32
      %lt3A_171 = arith.constant 832 : i32
      %lt3A_172 = arith.cmpi slt, %add3A_170, %lt3A_171 : i32
      %convert_element_type3A_173 = arith.extui %lt3A_172 : i1 to i32
      %cond3A_174 = arith.constant 0 : i32
      %cond3A_175 = arith.cmpi ne, %convert_element_type3A_173, %cond3A_174 : i32
      scf.if %cond3A_175 {
        %ge3A = arith.constant 1 : i32
        %ge3A_240 = arith.cmpi sge, %add3A_168, %ge3A : i32
        %convert_element_type3A_241 = arith.extui %ge3A_240 : i1 to i32
        %cond3A_242 = arith.constant 0 : i32
        %cond3A_243 = arith.cmpi ne, %convert_element_type3A_241, %cond3A_242 : i32
        scf.if %cond3A_243 {
          %dma_wait3A_253 = arith.constant 1 : i32
          %dma_wait3A_254 = arith.constant 0 : i32
          %dma_wait3A_255 = tpu.memref_slice %arg8[%dma_wait3A_253, %dma_wait3A_254] : memref<2x128xi32, #tpu.memory_space<vmem>> -> memref<1x128xi32, #tpu.memory_space<vmem>>
          %dma_wait3A_256 = tpu.memref_squeeze %dma_wait3A_255 : memref<1x128xi32, #tpu.memory_space<vmem>> -> memref<128xi32, #tpu.memory_space<vmem>>
          %dma_wait3A_257 = arith.constant 0 : i32
          %dma_wait3A_258 = arith.constant 0 : i32
          %dma_wait3A_259 = tpu.memref_slice %arg18[%dma_wait3A_257, %dma_wait3A_258] : memref<100096x16xf32, #tpu.memory_space<vmem_shared>> -> memref<100096x16xf32, #tpu.memory_space<vmem_shared>>
          tpu.wait_indirect_dma semaphore(%arg29 : memref<!tpu.dma_semaphore, #tpu.memory_space<semaphore_mem>>) src(%arg9 : memref<128x16xf32, #tpu.memory_space<vmem>>) dst(%dma_wait3A_259 : memref<100096x16xf32, #tpu.memory_space<vmem_shared>>)
          %dma_wait3A_260 = arith.constant 1 : i32
          %dma_wait3A_261 = arith.constant 0 : i32
          %dma_wait3A_262 = tpu.memref_slice %arg8[%dma_wait3A_260, %dma_wait3A_261] : memref<2x128xi32, #tpu.memory_space<vmem>> -> memref<1x128xi32, #tpu.memory_space<vmem>>
          %dma_wait3A_263 = tpu.memref_squeeze %dma_wait3A_262 : memref<1x128xi32, #tpu.memory_space<vmem>> -> memref<128xi32, #tpu.memory_space<vmem>>
          %dma_wait3A_264 = arith.constant 0 : i32
          %dma_wait3A_265 = tpu.memref_slice %arg19[%dma_wait3A_264] : memref<100096xf32, #tpu.memory_space<vmem_shared>> -> memref<100096xf32, #tpu.memory_space<vmem_shared>>
          tpu.wait_indirect_dma semaphore(%arg30 : memref<!tpu.dma_semaphore, #tpu.memory_space<semaphore_mem>>) src(%arg10 : memref<128xf32, #tpu.memory_space<vmem>>) dst(%dma_wait3A_265 : memref<100096xf32, #tpu.memory_space<vmem_shared>>)
        } else {
        }
        %add3A_244 = arith.constant 1 : i32
        %add3A_245 = arith.addi %add3A_168, %add3A_244 : i32
        %add3A_246 = arith.addi %mul3A_21, %add3A_245 : i32
        %mul3A_247 = arith.constant 2 : i32
        %mul3A_248 = arith.muli %add3A_246, %mul3A_247 : i32
        %dma_start3A_249 = arith.constant 0 : i32
        %dma_start3A_250 = tpu.memref_slice %arg2[%mul3A_248, %dma_start3A_249] : memref<26624x128xi32, #tpu.memory_space<hbm>> -> memref<2x128xi32, #tpu.memory_space<hbm>>
        %dma_start3A_251 = arith.constant 0 : i32
        %dma_start3A_252 = tpu.memref_slice %arg2[%mul3A_248, %dma_start3A_251] : memref<26624x128xi32, #tpu.memory_space<hbm>> -> memref<2x128xi32, #tpu.memory_space<hbm>>
        tpu.enqueue_dma source(%dma_start3A_252 : memref<2x128xi32, #tpu.memory_space<hbm>>) target(%arg8 : memref<2x128xi32, #tpu.memory_space<vmem>>) target_semaphore(%arg21 : memref<!tpu.dma_semaphore, #tpu.memory_space<semaphore_mem>>)
      } else {
      }
      %dma_wait3A_176 = arith.constant 0 : i32
      %dma_wait3A_177 = arith.constant 0 : i32
      %dma_wait3A_178 = tpu.memref_slice %arg12[%dma_wait3A_176, %dma_wait3A_177] : memref<2x128xi32, #tpu.memory_space<vmem>> -> memref<1x128xi32, #tpu.memory_space<vmem>>
      %dma_wait3A_179 = tpu.memref_squeeze %dma_wait3A_178 : memref<1x128xi32, #tpu.memory_space<vmem>> -> memref<128xi32, #tpu.memory_space<vmem>>
      %dma_wait3A_180 = arith.constant 0 : i32
      %dma_wait3A_181 = arith.constant 0 : i32
      %dma_wait3A_182 = tpu.memref_slice %arg3[%arg0, %dma_wait3A_180, %dma_wait3A_181] : memref<2x102400x16xf32, #tpu.memory_space<hbm>> -> memref<1x102400x16xf32, #tpu.memory_space<hbm>>
      %dma_wait3A_183 = tpu.memref_squeeze %dma_wait3A_182 : memref<1x102400x16xf32, #tpu.memory_space<hbm>> -> memref<102400x16xf32, #tpu.memory_space<hbm>>
      %dma_wait3A_184 = arith.constant 0 : i32
      %dma_wait3A_185 = arith.constant 0 : i32
      %dma_wait3A_186 = tpu.memref_slice %dma_wait3A_183[%dma_wait3A_184, %dma_wait3A_185] : memref<102400x16xf32, #tpu.memory_space<hbm>> -> memref<102400x16xf32, #tpu.memory_space<hbm>>
      tpu.wait_indirect_dma semaphore(%arg26 : memref<!tpu.dma_semaphore, #tpu.memory_space<semaphore_mem>>) src(%dma_wait3A_186 : memref<102400x16xf32, #tpu.memory_space<hbm>>) dst(%arg13 : memref<128x16xf32, #tpu.memory_space<vmem>>)
      %dma_wait3A_187 = arith.constant 0 : i32
      %dma_wait3A_188 = arith.constant 0 : i32
      %dma_wait3A_189 = tpu.memref_slice %arg12[%dma_wait3A_187, %dma_wait3A_188] : memref<2x128xi32, #tpu.memory_space<vmem>> -> memref<1x128xi32, #tpu.memory_space<vmem>>
      %dma_wait3A_190 = tpu.memref_squeeze %dma_wait3A_189 : memref<1x128xi32, #tpu.memory_space<vmem>> -> memref<128xi32, #tpu.memory_space<vmem>>
      %dma_wait3A_191 = arith.constant 0 : i32
      %dma_wait3A_192 = tpu.memref_slice %arg4[%arg0, %dma_wait3A_191] : memref<2x102400xf32, #tpu.memory_space<hbm>> -> memref<1x102400xf32, #tpu.memory_space<hbm>>
      %dma_wait3A_193 = tpu.memref_squeeze %dma_wait3A_192 : memref<1x102400xf32, #tpu.memory_space<hbm>> -> memref<102400xf32, #tpu.memory_space<hbm>>
      %dma_wait3A_194 = arith.constant 0 : i32
      %dma_wait3A_195 = tpu.memref_slice %dma_wait3A_193[%dma_wait3A_194] : memref<102400xf32, #tpu.memory_space<hbm>> -> memref<102400xf32, #tpu.memory_space<hbm>>
      tpu.wait_indirect_dma semaphore(%arg27 : memref<!tpu.dma_semaphore, #tpu.memory_space<semaphore_mem>>) src(%dma_wait3A_195 : memref<102400xf32, #tpu.memory_space<hbm>>) dst(%arg14 : memref<128xf32, #tpu.memory_space<vmem>>)
      %dma_wait3A_196 = arith.constant 1 : i32
      %dma_wait3A_197 = arith.constant 0 : i32
      %dma_wait3A_198 = tpu.memref_slice %arg12[%dma_wait3A_196, %dma_wait3A_197] : memref<2x128xi32, #tpu.memory_space<vmem>> -> memref<1x128xi32, #tpu.memory_space<vmem>>
      %dma_wait3A_199 = tpu.memref_squeeze %dma_wait3A_198 : memref<1x128xi32, #tpu.memory_space<vmem>> -> memref<128xi32, #tpu.memory_space<vmem>>
      %dma_wait3A_200 = arith.constant 0 : i32
      %dma_wait3A_201 = tpu.memref_slice %arg4[%arg0, %dma_wait3A_200] : memref<2x102400xf32, #tpu.memory_space<hbm>> -> memref<1x102400xf32, #tpu.memory_space<hbm>>
      %dma_wait3A_202 = tpu.memref_squeeze %dma_wait3A_201 : memref<1x102400xf32, #tpu.memory_space<hbm>> -> memref<102400xf32, #tpu.memory_space<hbm>>
      %dma_wait3A_203 = arith.constant 0 : i32
      %dma_wait3A_204 = tpu.memref_slice %dma_wait3A_202[%dma_wait3A_203] : memref<102400xf32, #tpu.memory_space<hbm>> -> memref<102400xf32, #tpu.memory_space<hbm>>
      tpu.wait_indirect_dma semaphore(%arg28 : memref<!tpu.dma_semaphore, #tpu.memory_space<semaphore_mem>>) src(%dma_wait3A_204 : memref<102400xf32, #tpu.memory_space<hbm>>) dst(%arg15 : memref<128xf32, #tpu.memory_space<vmem>>)
      %mul3A_205 = arith.constant 128 : i32
      %mul3A_206 = arith.muli %add3A_168, %mul3A_205 : i32
      %add3A_207 = arith.addi %mul3A_19, %mul3A_206 : i32
      %scan3A_208 = arith.constant 0 : i32
      %scan3A_209 = arith.constant 0 : i32
      %scan3A_210 = arith.constant 8 : i32
      %scan3A_211 = arith.addi %scan3A_209, %scan3A_210 : i32
      %scan3A_212 = arith.constant 4 : i32
      scf.for %scan3A_240 = %scan3A_209 to %scan3A_211 step %scan3A_212  : i32 {
        %mul3A_241 = arith.constant 16 : i32
        %mul3A_242 = arith.muli %scan3A_240, %mul3A_241 : i32
        %get3A = arith.index_cast %mul3A_242 : i32 to index
        %get3A_243 = tpu.vector_load %arg14[%get3A] {strides = array<i32>} : memref<128xf32, #tpu.memory_space<vmem>>, vector<16xf32>,
        %mul3A_244 = arith.constant 16 : i32
        %mul3A_245 = arith.muli %scan3A_240, %mul3A_244 : i32
        %get3A_246 = arith.index_cast %mul3A_245 : i32 to index
        %get3A_247 = tpu.vector_load %arg15[%get3A_246] {strides = array<i32>} : memref<128xf32, #tpu.memory_space<vmem>>, vector<16xf32>,
        %add3A_248 = arith.addf %get3A_243, %get3A_247 : vector<16xf32>
        %gt3A = arith.constant 0.000000e+00 : f32
        %gt3A_249 = vector.broadcast %gt3A : f32 to vector<16xf32>
        %gt3A_250 = arith.cmpf ogt, %add3A_248, %gt3A_249 : vector<16xf32>
        %mul3A_251 = arith.constant 2.000000e-01 : f32
        %mul3A_252 = vector.broadcast %mul3A_251 : f32 to vector<16xf32>
        %mul3A_253 = arith.mulf %mul3A_252, %add3A_248 : vector<16xf32>
        %select_n3A = arith.select %gt3A_250, %add3A_248, %mul3A_253 : vector<16xi1>, vector<16xf32>
        %mul3A_254 = arith.constant 16 : i32
        %mul3A_255 = arith.muli %scan3A_240, %mul3A_254 : i32
        %add3A_256 = arith.addi %add3A_207, %mul3A_255 : i32
        %iota3A = tpu.iota {dimensions = array<i32: 0>} : vector<16xi32>
        %add3A_257 = vector.broadcast %add3A_256 : i32 to vector<16xi32>
        %add3A_258 = arith.addi %add3A_257, %iota3A : vector<16xi32>
        %lt3A_259 = arith.constant 1700000 : i32
        %lt3A_260 = vector.broadcast %lt3A_259 : i32 to vector<16xi32>
        %lt3A_261 = arith.cmpi slt, %add3A_258, %lt3A_260 : vector<16xi32>
        %exp3A = math.exp %select_n3A : vector<16xf32>
        %jit3A = arith.constant 0.000000e+00 : f32
        %broadcast_in_dim3A = vector.broadcast %jit3A : f32 to vector<16xf32>
        %select_n3A_262 = arith.select %lt3A_261, %exp3A, %broadcast_in_dim3A : vector<16xi1>, vector<16xf32>
        %mul3A_263 = arith.constant 16 : i32
        %mul3A_264 = arith.muli %scan3A_240, %mul3A_263 : i32
        %swap3A = arith.index_cast %mul3A_264 : i32 to index
        %swap3A_265 = tpu.vector_load %arg14[%swap3A] {strides = array<i32>} : memref<128xf32, #tpu.memory_space<vmem>>, vector<16xf32>,
        tpu.vector_store %arg14[%swap3A], %select_n3A_262 {strides = array<i32>} : memref<128xf32, #tpu.memory_space<vmem>>, vector<16xf32>,
        %scan3A_266 = arith.constant 1 : i32
        %scan3A_267 = arith.addi %scan3A_240, %scan3A_266 : i32
        %mul3A_268 = arith.constant 16 : i32
        %mul3A_269 = arith.muli %scan3A_267, %mul3A_268 : i32
        %get3A_270 = arith.index_cast %mul3A_269 : i32 to index
        %get3A_271 = tpu.vector_load %arg14[%get3A_270] {strides = array<i32>} : memref<128xf32, #tpu.memory_space<vmem>>, vector<16xf32>,
        %mul3A_272 = arith.constant 16 : i32
        %mul3A_273 = arith.muli %scan3A_267, %mul3A_272 : i32
        %get3A_274 = arith.index_cast %mul3A_273 : i32 to index
        %get3A_275 = tpu.vector_load %arg15[%get3A_274] {strides = array<i32>} : memref<128xf32, #tpu.memory_space<vmem>>, vector<16xf32>,
        %add3A_276 = arith.addf %get3A_271, %get3A_275 : vector<16xf32>
        %gt3A_277 = arith.constant 0.000000e+00 : f32
        %gt3A_278 = vector.broadcast %gt3A_277 : f32 to vector<16xf32>
        %gt3A_279 = arith.cmpf ogt, %add3A_276, %gt3A_278 : vector<16xf32>
        %mul3A_280 = arith.constant 2.000000e-01 : f32
        %mul3A_281 = vector.broadcast %mul3A_280 : f32 to vector<16xf32>
        %mul3A_282 = arith.mulf %mul3A_281, %add3A_276 : vector<16xf32>
        %select_n3A_283 = arith.select %gt3A_279, %add3A_276, %mul3A_282 : vector<16xi1>, vector<16xf32>
        %mul3A_284 = arith.constant 16 : i32
        %mul3A_285 = arith.muli %scan3A_267, %mul3A_284 : i32
        %add3A_286 = arith.addi %add3A_207, %mul3A_285 : i32
        %iota3A_287 = tpu.iota {dimensions = array<i32: 0>} : vector<16xi32>
        %add3A_288 = vector.broadcast %add3A_286 : i32 to vector<16xi32>
        %add3A_289 = arith.addi %add3A_288, %iota3A_287 : vector<16xi32>
        %lt3A_290 = arith.constant 1700000 : i32
        %lt3A_291 = vector.broadcast %lt3A_290 : i32 to vector<16xi32>
        %lt3A_292 = arith.cmpi slt, %add3A_289, %lt3A_291 : vector<16xi32>
        %exp3A_293 = math.exp %select_n3A_283 : vector<16xf32>
        %jit3A_294 = arith.constant 0.000000e+00 : f32
        %broadcast_in_dim3A_295 = vector.broadcast %jit3A_294 : f32 to vector<16xf32>
        %select_n3A_296 = arith.select %lt3A_292, %exp3A_293, %broadcast_in_dim3A_295 : vector<16xi1>, vector<16xf32>
        %mul3A_297 = arith.constant 16 : i32
        %mul3A_298 = arith.muli %scan3A_267, %mul3A_297 : i32
        %swap3A_299 = arith.index_cast %mul3A_298 : i32 to index
        %swap3A_300 = tpu.vector_load %arg14[%swap3A_299] {strides = array<i32>} : memref<128xf32, #tpu.memory_space<vmem>>, vector<16xf32>,
        tpu.vector_store %arg14[%swap3A_299], %select_n3A_296 {strides = array<i32>} : memref<128xf32, #tpu.memory_space<vmem>>, vector<16xf32>,
        %scan3A_301 = arith.constant 2 : i32
        %scan3A_302 = arith.addi %scan3A_240, %scan3A_301 : i32
        %mul3A_303 = arith.constant 16 : i32
        %mul3A_304 = arith.muli %scan3A_302, %mul3A_303 : i32
        %get3A_305 = arith.index_cast %mul3A_304 : i32 to index
        %get3A_306 = tpu.vector_load %arg14[%get3A_305] {strides = array<i32>} : memref<128xf32, #tpu.memory_space<vmem>>, vector<16xf32>,
        %mul3A_307 = arith.constant 16 : i32
        %mul3A_308 = arith.muli %scan3A_302, %mul3A_307 : i32
        %get3A_309 = arith.index_cast %mul3A_308 : i32 to index
        %get3A_310 = tpu.vector_load %arg15[%get3A_309] {strides = array<i32>} : memref<128xf32, #tpu.memory_space<vmem>>, vector<16xf32>,
        %add3A_311 = arith.addf %get3A_306, %get3A_310 : vector<16xf32>
        %gt3A_312 = arith.constant 0.000000e+00 : f32
        %gt3A_313 = vector.broadcast %gt3A_312 : f32 to vector<16xf32>
        %gt3A_314 = arith.cmpf ogt, %add3A_311, %gt3A_313 : vector<16xf32>
        %mul3A_315 = arith.constant 2.000000e-01 : f32
        %mul3A_316 = vector.broadcast %mul3A_315 : f32 to vector<16xf32>
        %mul3A_317 = arith.mulf %mul3A_316, %add3A_311 : vector<16xf32>
        %select_n3A_318 = arith.select %gt3A_314, %add3A_311, %mul3A_317 : vector<16xi1>, vector<16xf32>
        %mul3A_319 = arith.constant 16 : i32
        %mul3A_320 = arith.muli %scan3A_302, %mul3A_319 : i32
        %add3A_321 = arith.addi %add3A_207, %mul3A_320 : i32
        %iota3A_322 = tpu.iota {dimensions = array<i32: 0>} : vector<16xi32>
        %add3A_323 = vector.broadcast %add3A_321 : i32 to vector<16xi32>
        %add3A_324 = arith.addi %add3A_323, %iota3A_322 : vector<16xi32>
        %lt3A_325 = arith.constant 1700000 : i32
        %lt3A_326 = vector.broadcast %lt3A_325 : i32 to vector<16xi32>
        %lt3A_327 = arith.cmpi slt, %add3A_324, %lt3A_326 : vector<16xi32>
        %exp3A_328 = math.exp %select_n3A_318 : vector<16xf32>
        %jit3A_329 = arith.constant 0.000000e+00 : f32
        %broadcast_in_dim3A_330 = vector.broadcast %jit3A_329 : f32 to vector<16xf32>
        %select_n3A_331 = arith.select %lt3A_327, %exp3A_328, %broadcast_in_dim3A_330 : vector<16xi1>, vector<16xf32>
        %mul3A_332 = arith.constant 16 : i32
        %mul3A_333 = arith.muli %scan3A_302, %mul3A_332 : i32
        %swap3A_334 = arith.index_cast %mul3A_333 : i32 to index
        %swap3A_335 = tpu.vector_load %arg14[%swap3A_334] {strides = array<i32>} : memref<128xf32, #tpu.memory_space<vmem>>, vector<16xf32>,
        tpu.vector_store %arg14[%swap3A_334], %select_n3A_331 {strides = array<i32>} : memref<128xf32, #tpu.memory_space<vmem>>, vector<16xf32>,
        %scan3A_336 = arith.constant 3 : i32
        %scan3A_337 = arith.addi %scan3A_240, %scan3A_336 : i32
        %mul3A_338 = arith.constant 16 : i32
        %mul3A_339 = arith.muli %scan3A_337, %mul3A_338 : i32
        %get3A_340 = arith.index_cast %mul3A_339 : i32 to index
        %get3A_341 = tpu.vector_load %arg14[%get3A_340] {strides = array<i32>} : memref<128xf32, #tpu.memory_space<vmem>>, vector<16xf32>,
        %mul3A_342 = arith.constant 16 : i32
        %mul3A_343 = arith.muli %scan3A_337, %mul3A_342 : i32
        %get3A_344 = arith.index_cast %mul3A_343 : i32 to index
        %get3A_345 = tpu.vector_load %arg15[%get3A_344] {strides = array<i32>} : memref<128xf32, #tpu.memory_space<vmem>>, vector<16xf32>,
        %add3A_346 = arith.addf %get3A_341, %get3A_345 : vector<16xf32>
        %gt3A_347 = arith.constant 0.000000e+00 : f32
        %gt3A_348 = vector.broadcast %gt3A_347 : f32 to vector<16xf32>
        %gt3A_349 = arith.cmpf ogt, %add3A_346, %gt3A_348 : vector<16xf32>
        %mul3A_350 = arith.constant 2.000000e-01 : f32
        %mul3A_351 = vector.broadcast %mul3A_350 : f32 to vector<16xf32>
        %mul3A_352 = arith.mulf %mul3A_351, %add3A_346 : vector<16xf32>
        %select_n3A_353 = arith.select %gt3A_349, %add3A_346, %mul3A_352 : vector<16xi1>, vector<16xf32>
        %mul3A_354 = arith.constant 16 : i32
        %mul3A_355 = arith.muli %scan3A_337, %mul3A_354 : i32
        %add3A_356 = arith.addi %add3A_207, %mul3A_355 : i32
        %iota3A_357 = tpu.iota {dimensions = array<i32: 0>} : vector<16xi32>
        %add3A_358 = vector.broadcast %add3A_356 : i32 to vector<16xi32>
        %add3A_359 = arith.addi %add3A_358, %iota3A_357 : vector<16xi32>
        %lt3A_360 = arith.constant 1700000 : i32
        %lt3A_361 = vector.broadcast %lt3A_360 : i32 to vector<16xi32>
        %lt3A_362 = arith.cmpi slt, %add3A_359, %lt3A_361 : vector<16xi32>
        %exp3A_363 = math.exp %select_n3A_353 : vector<16xf32>
        %jit3A_364 = arith.constant 0.000000e+00 : f32
        %broadcast_in_dim3A_365 = vector.broadcast %jit3A_364 : f32 to vector<16xf32>
        %select_n3A_366 = arith.select %lt3A_362, %exp3A_363, %broadcast_in_dim3A_365 : vector<16xi1>, vector<16xf32>
        %mul3A_367 = arith.constant 16 : i32
        %mul3A_368 = arith.muli %scan3A_337, %mul3A_367 : i32
        %swap3A_369 = arith.index_cast %mul3A_368 : i32 to index
        %swap3A_370 = tpu.vector_load %arg14[%swap3A_369] {strides = array<i32>} : memref<128xf32, #tpu.memory_space<vmem>>, vector<16xf32>,
        tpu.vector_store %arg14[%swap3A_369], %select_n3A_366 {strides = array<i32>} : memref<128xf32, #tpu.memory_space<vmem>>, vector<16xf32>,
      }
      %scan3A_213 = arith.constant 8 : i32
      %scan3A_214 = arith.constant 0 : i32
      %scan3A_215 = arith.constant 0 : i32
      %scan3A_216 = arith.constant 128 : i32
      %scan3A_217 = arith.addi %scan3A_215, %scan3A_216 : i32
      %scan3A_218 = arith.constant 8 : i32
      scf.for %scan3A_240 = %scan3A_215 to %scan3A_217 step %scan3A_218  : i32 {
        %broadcast_in_dim3A = vector.broadcast %scan3A_240 : i32 to vector<16xi32>
        %gather3A = tpu.vector_load_idx %arg14[%broadcast_in_dim3A] : memref<128xf32, #tpu.memory_space<vmem>>[vector<16xi32>], vector<16xf32>,
        %get3A = arith.index_cast %scan3A_240 : i32 to index
        %get3A_241 = arith.constant 0 : index
        %get3A_242 = tpu.vector_load %arg13[%get3A, %get3A_241] {strides = array<i32>} : memref<128x16xf32, #tpu.memory_space<vmem>>, vector<16xf32>,
        %mul3A_243 = arith.mulf %get3A_242, %gather3A : vector<16xf32>
        %swap3A = arith.index_cast %scan3A_240 : i32 to index
        %swap3A_244 = arith.constant 0 : index
        %swap3A_245 = tpu.vector_load %arg13[%swap3A, %swap3A_244] {strides = array<i32>} : memref<128x16xf32, #tpu.memory_space<vmem>>, vector<16xf32>,
        tpu.vector_store %arg13[%swap3A, %swap3A_244], %mul3A_243 {strides = array<i32>} : memref<128x16xf32, #tpu.memory_space<vmem>>, vector<16xf32>,
        %scan3A_246 = arith.constant 1 : i32
        %scan3A_247 = arith.addi %scan3A_240, %scan3A_246 : i32
        %broadcast_in_dim3A_248 = vector.broadcast %scan3A_247 : i32 to vector<16xi32>
        %gather3A_249 = tpu.vector_load_idx %arg14[%broadcast_in_dim3A_248] : memref<128xf32, #tpu.memory_space<vmem>>[vector<16xi32>], vector<16xf32>,
        %get3A_250 = arith.index_cast %scan3A_247 : i32 to index
        %get3A_251 = arith.constant 0 : index
        %get3A_252 = tpu.vector_load %arg13[%get3A_250, %get3A_251] {strides = array<i32>} : memref<128x16xf32, #tpu.memory_space<vmem>>, vector<16xf32>,
        %mul3A_253 = arith.mulf %get3A_252, %gather3A_249 : vector<16xf32>
        %swap3A_254 = arith.index_cast %scan3A_247 : i32 to index
        %swap3A_255 = arith.constant 0 : index
        %swap3A_256 = tpu.vector_load %arg13[%swap3A_254, %swap3A_255] {strides = array<i32>} : memref<128x16xf32, #tpu.memory_space<vmem>>, vector<16xf32>,
        tpu.vector_store %arg13[%swap3A_254, %swap3A_255], %mul3A_253 {strides = array<i32>} : memref<128x16xf32, #tpu.memory_space<vmem>>, vector<16xf32>,
        %scan3A_257 = arith.constant 2 : i32
        %scan3A_258 = arith.addi %scan3A_240, %scan3A_257 : i32
        %broadcast_in_dim3A_259 = vector.broadcast %scan3A_258 : i32 to vector<16xi32>
        %gather3A_260 = tpu.vector_load_idx %arg14[%broadcast_in_dim3A_259] : memref<128xf32, #tpu.memory_space<vmem>>[vector<16xi32>], vector<16xf32>,
        %get3A_261 = arith.index_cast %scan3A_258 : i32 to index
        %get3A_262 = arith.constant 0 : index
        %get3A_263 = tpu.vector_load %arg13[%get3A_261, %get3A_262] {strides = array<i32>} : memref<128x16xf32, #tpu.memory_space<vmem>>, vector<16xf32>,
        %mul3A_264 = arith.mulf %get3A_263, %gather3A_260 : vector<16xf32>
        %swap3A_265 = arith.index_cast %scan3A_258 : i32 to index
        %swap3A_266 = arith.constant 0 : index
        %swap3A_267 = tpu.vector_load %arg13[%swap3A_265, %swap3A_266] {strides = array<i32>} : memref<128x16xf32, #tpu.memory_space<vmem>>, vector<16xf32>,
        tpu.vector_store %arg13[%swap3A_265, %swap3A_266], %mul3A_264 {strides = array<i32>} : memref<128x16xf32, #tpu.memory_space<vmem>>, vector<16xf32>,
        %scan3A_268 = arith.constant 3 : i32
        %scan3A_269 = arith.addi %scan3A_240, %scan3A_268 : i32
        %broadcast_in_dim3A_270 = vector.broadcast %scan3A_269 : i32 to vector<16xi32>
        %gather3A_271 = tpu.vector_load_idx %arg14[%broadcast_in_dim3A_270] : memref<128xf32, #tpu.memory_space<vmem>>[vector<16xi32>], vector<16xf32>,
        %get3A_272 = arith.index_cast %scan3A_269 : i32 to index
        %get3A_273 = arith.constant 0 : index
        %get3A_274 = tpu.vector_load %arg13[%get3A_272, %get3A_273] {strides = array<i32>} : memref<128x16xf32, #tpu.memory_space<vmem>>, vector<16xf32>,
        %mul3A_275 = arith.mulf %get3A_274, %gather3A_271 : vector<16xf32>
        %swap3A_276 = arith.index_cast %scan3A_269 : i32 to index
        %swap3A_277 = arith.constant 0 : index
        %swap3A_278 = tpu.vector_load %arg13[%swap3A_276, %swap3A_277] {strides = array<i32>} : memref<128x16xf32, #tpu.memory_space<vmem>>, vector<16xf32>,
        tpu.vector_store %arg13[%swap3A_276, %swap3A_277], %mul3A_275 {strides = array<i32>} : memref<128x16xf32, #tpu.memory_space<vmem>>, vector<16xf32>,
        %scan3A_279 = arith.constant 4 : i32
        %scan3A_280 = arith.addi %scan3A_240, %scan3A_279 : i32
        %broadcast_in_dim3A_281 = vector.broadcast %scan3A_280 : i32 to vector<16xi32>
        %gather3A_282 = tpu.vector_load_idx %arg14[%broadcast_in_dim3A_281] : memref<128xf32, #tpu.memory_space<vmem>>[vector<16xi32>], vector<16xf32>,
        %get3A_283 = arith.index_cast %scan3A_280 : i32 to index
        %get3A_284 = arith.constant 0 : index
        %get3A_285 = tpu.vector_load %arg13[%get3A_283, %get3A_284] {strides = array<i32>} : memref<128x16xf32, #tpu.memory_space<vmem>>, vector<16xf32>,
        %mul3A_286 = arith.mulf %get3A_285, %gather3A_282 : vector<16xf32>
        %swap3A_287 = arith.index_cast %scan3A_280 : i32 to index
        %swap3A_288 = arith.constant 0 : index
        %swap3A_289 = tpu.vector_load %arg13[%swap3A_287, %swap3A_288] {strides = array<i32>} : memref<128x16xf32, #tpu.memory_space<vmem>>, vector<16xf32>,
        tpu.vector_store %arg13[%swap3A_287, %swap3A_288], %mul3A_286 {strides = array<i32>} : memref<128x16xf32, #tpu.memory_space<vmem>>, vector<16xf32>,
        %scan3A_290 = arith.constant 5 : i32
        %scan3A_291 = arith.addi %scan3A_240, %scan3A_290 : i32
        %broadcast_in_dim3A_292 = vector.broadcast %scan3A_291 : i32 to vector<16xi32>
        %gather3A_293 = tpu.vector_load_idx %arg14[%broadcast_in_dim3A_292] : memref<128xf32, #tpu.memory_space<vmem>>[vector<16xi32>], vector<16xf32>,
        %get3A_294 = arith.index_cast %scan3A_291 : i32 to index
        %get3A_295 = arith.constant 0 : index
        %get3A_296 = tpu.vector_load %arg13[%get3A_294, %get3A_295] {strides = array<i32>} : memref<128x16xf32, #tpu.memory_space<vmem>>, vector<16xf32>,
        %mul3A_297 = arith.mulf %get3A_296, %gather3A_293 : vector<16xf32>
        %swap3A_298 = arith.index_cast %scan3A_291 : i32 to index
        %swap3A_299 = arith.constant 0 : index
        %swap3A_300 = tpu.vector_load %arg13[%swap3A_298, %swap3A_299] {strides = array<i32>} : memref<128x16xf32, #tpu.memory_space<vmem>>, vector<16xf32>,
        tpu.vector_store %arg13[%swap3A_298, %swap3A_299], %mul3A_297 {strides = array<i32>} : memref<128x16xf32, #tpu.memory_space<vmem>>, vector<16xf32>,
        %scan3A_301 = arith.constant 6 : i32
        %scan3A_302 = arith.addi %scan3A_240, %scan3A_301 : i32
        %broadcast_in_dim3A_303 = vector.broadcast %scan3A_302 : i32 to vector<16xi32>
        %gather3A_304 = tpu.vector_load_idx %arg14[%broadcast_in_dim3A_303] : memref<128xf32, #tpu.memory_space<vmem>>[vector<16xi32>], vector<16xf32>,
        %get3A_305 = arith.index_cast %scan3A_302 : i32 to index
        %get3A_306 = arith.constant 0 : index
        %get3A_307 = tpu.vector_load %arg13[%get3A_305, %get3A_306] {strides = array<i32>} : memref<128x16xf32, #tpu.memory_space<vmem>>, vector<16xf32>,
        %mul3A_308 = arith.mulf %get3A_307, %gather3A_304 : vector<16xf32>
        %swap3A_309 = arith.index_cast %scan3A_302 : i32 to index
        %swap3A_310 = arith.constant 0 : index
        %swap3A_311 = tpu.vector_load %arg13[%swap3A_309, %swap3A_310] {strides = array<i32>} : memref<128x16xf32, #tpu.memory_space<vmem>>, vector<16xf32>,
        tpu.vector_store %arg13[%swap3A_309, %swap3A_310], %mul3A_308 {strides = array<i32>} : memref<128x16xf32, #tpu.memory_space<vmem>>, vector<16xf32>,
        %scan3A_312 = arith.constant 7 : i32
        %scan3A_313 = arith.addi %scan3A_240, %scan3A_312 : i32
        %broadcast_in_dim3A_314 = vector.broadcast %scan3A_313 : i32 to vector<16xi32>
        %gather3A_315 = tpu.vector_load_idx %arg14[%broadcast_in_dim3A_314] : memref<128xf32, #tpu.memory_space<vmem>>[vector<16xi32>], vector<16xf32>,
        %get3A_316 = arith.index_cast %scan3A_313 : i32 to index
        %get3A_317 = arith.constant 0 : index
        %get3A_318 = tpu.vector_load %arg13[%get3A_316, %get3A_317] {strides = array<i32>} : memref<128x16xf32, #tpu.memory_space<vmem>>, vector<16xf32>,
        %mul3A_319 = arith.mulf %get3A_318, %gather3A_315 : vector<16xf32>
        %swap3A_320 = arith.index_cast %scan3A_313 : i32 to index
        %swap3A_321 = arith.constant 0 : index
        %swap3A_322 = tpu.vector_load %arg13[%swap3A_320, %swap3A_321] {strides = array<i32>} : memref<128x16xf32, #tpu.memory_space<vmem>>, vector<16xf32>,
        tpu.vector_store %arg13[%swap3A_320, %swap3A_321], %mul3A_319 {strides = array<i32>} : memref<128x16xf32, #tpu.memory_space<vmem>>, vector<16xf32>,
      }
      %scan3A_219 = arith.constant 128 : i32
      %add3A_220 = arith.constant 1 : i32
      %add3A_221 = arith.addi %add3A_168, %add3A_220 : i32
      %lt3A_222 = arith.constant 832 : i32
      %lt3A_223 = arith.cmpi slt, %add3A_221, %lt3A_222 : i32
      %convert_element_type3A_224 = arith.extui %lt3A_223 : i1 to i32
      %cond3A_225 = arith.constant 0 : i32
      %cond3A_226 = arith.cmpi ne, %convert_element_type3A_224, %cond3A_225 : i32
      scf.if %cond3A_226 {
        %dma_wait3A_240 = arith.constant 0 : i32
        %dma_wait3A_241 = arith.constant 0 : i32
        %dma_wait3A_242 = tpu.memref_slice %arg2[%dma_wait3A_240, %dma_wait3A_241] : memref<26624x128xi32, #tpu.memory_space<hbm>> -> memref<2x128xi32, #tpu.memory_space<hbm>>
        %dma_wait3A_243 = arith.constant 0 : i32
        %dma_wait3A_244 = arith.constant 0 : i32
        %dma_wait3A_245 = tpu.memref_slice %arg2[%dma_wait3A_243, %dma_wait3A_244] : memref<26624x128xi32, #tpu.memory_space<hbm>> -> memref<2x128xi32, #tpu.memory_space<hbm>>
        tpu.wait_dma2 semaphore(%arg21 : memref<!tpu.dma_semaphore, #tpu.memory_space<semaphore_mem>>) src(%dma_wait3A_245 : memref<2x128xi32, #tpu.memory_space<hbm>>) dst(%arg8 : memref<2x128xi32, #tpu.memory_space<vmem>>)
        %dma_start3A_246 = arith.constant 0 : i32
        %dma_start3A_247 = arith.constant 0 : i32
        %dma_start3A_248 = tpu.memref_slice %arg8[%dma_start3A_246, %dma_start3A_247] : memref<2x128xi32, #tpu.memory_space<vmem>> -> memref<1x128xi32, #tpu.memory_space<vmem>>
        %dma_start3A_249 = tpu.memref_squeeze %dma_start3A_248 : memref<1x128xi32, #tpu.memory_space<vmem>> -> memref<128xi32, #tpu.memory_space<vmem>>
        %dma_start3A_250 = arith.constant 0 : i32
        %dma_start3A_251 = arith.constant 0 : i32
        %dma_start3A_252 = tpu.memref_slice %arg3[%arg0, %dma_start3A_250, %dma_start3A_251] : memref<2x102400x16xf32, #tpu.memory_space<hbm>> -> memref<1x102400x16xf32, #tpu.memory_space<hbm>>
        %dma_start3A_253 = tpu.memref_squeeze %dma_start3A_252 : memref<1x102400x16xf32, #tpu.memory_space<hbm>> -> memref<102400x16xf32, #tpu.memory_space<hbm>>
        %dma_start3A_254 = arith.constant 0 : i32
        %dma_start3A_255 = arith.constant 0 : i32
        %dma_start3A_256 = tpu.memref_slice %dma_start3A_253[%dma_start3A_254, %dma_start3A_255] : memref<102400x16xf32, #tpu.memory_space<hbm>> -> memref<102400x16xf32, #tpu.memory_space<hbm>>
        tpu.enqueue_indirect_dma source(%dma_start3A_256 : memref<102400x16xf32, #tpu.memory_space<hbm>>) target(%arg9 : memref<128x16xf32, #tpu.memory_space<vmem>>) offsets(%dma_start3A_249 : memref<128xi32, #tpu.memory_space<vmem>>) semaphore(%arg22 : memref<!tpu.dma_semaphore, #tpu.memory_space<semaphore_mem>>)
        %dma_start3A_257 = arith.constant 0 : i32
        %dma_start3A_258 = arith.constant 0 : i32
        %dma_start3A_259 = tpu.memref_slice %arg8[%dma_start3A_257, %dma_start3A_258] : memref<2x128xi32, #tpu.memory_space<vmem>> -> memref<1x128xi32, #tpu.memory_space<vmem>>
        %dma_start3A_260 = tpu.memref_squeeze %dma_start3A_259 : memref<1x128xi32, #tpu.memory_space<vmem>> -> memref<128xi32, #tpu.memory_space<vmem>>
        %dma_start3A_261 = arith.constant 0 : i32
        %dma_start3A_262 = tpu.memref_slice %arg4[%arg0, %dma_start3A_261] : memref<2x102400xf32, #tpu.memory_space<hbm>> -> memref<1x102400xf32, #tpu.memory_space<hbm>>
        %dma_start3A_263 = tpu.memref_squeeze %dma_start3A_262 : memref<1x102400xf32, #tpu.memory_space<hbm>> -> memref<102400xf32, #tpu.memory_space<hbm>>
        %dma_start3A_264 = arith.constant 0 : i32
        %dma_start3A_265 = tpu.memref_slice %dma_start3A_263[%dma_start3A_264] : memref<102400xf32, #tpu.memory_space<hbm>> -> memref<102400xf32, #tpu.memory_space<hbm>>
        tpu.enqueue_indirect_dma source(%dma_start3A_265 : memref<102400xf32, #tpu.memory_space<hbm>>) target(%arg10 : memref<128xf32, #tpu.memory_space<vmem>>) offsets(%dma_start3A_260 : memref<128xi32, #tpu.memory_space<vmem>>) semaphore(%arg23 : memref<!tpu.dma_semaphore, #tpu.memory_space<semaphore_mem>>)
        %dma_start3A_266 = arith.constant 1 : i32
        %dma_start3A_267 = arith.constant 0 : i32
        %dma_start3A_268 = tpu.memref_slice %arg8[%dma_start3A_266, %dma_start3A_267] : memref<2x128xi32, #tpu.memory_space<vmem>> -> memref<1x128xi32, #tpu.memory_space<vmem>>
        %dma_start3A_269 = tpu.memref_squeeze %dma_start3A_268 : memref<1x128xi32, #tpu.memory_space<vmem>> -> memref<128xi32, #tpu.memory_space<vmem>>
        %dma_start3A_270 = arith.constant 0 : i32
        %dma_start3A_271 = tpu.memref_slice %arg20[%dma_start3A_270] : memref<100096xf32, #tpu.memory_space<vmem_shared>> -> memref<100096xf32, #tpu.memory_space<vmem_shared>>
        tpu.enqueue_indirect_dma source(%dma_start3A_271 : memref<100096xf32, #tpu.memory_space<vmem_shared>>) target(%arg11 : memref<128xf32, #tpu.memory_space<vmem>>) offsets(%dma_start3A_269 : memref<128xi32, #tpu.memory_space<vmem>>) semaphore(%arg24 : memref<!tpu.dma_semaphore, #tpu.memory_space<semaphore_mem>>)
      } else {
      }
      %dma_start3A_227 = arith.constant 1 : i32
      %dma_start3A_228 = arith.constant 0 : i32
      %dma_start3A_229 = tpu.memref_slice %arg12[%dma_start3A_227, %dma_start3A_228] : memref<2x128xi32, #tpu.memory_space<vmem>> -> memref<1x128xi32, #tpu.memory_space<vmem>>
      %dma_start3A_230 = tpu.memref_squeeze %dma_start3A_229 : memref<1x128xi32, #tpu.memory_space<vmem>> -> memref<128xi32, #tpu.memory_space<vmem>>
      %dma_start3A_231 = arith.constant 0 : i32
      %dma_start3A_232 = arith.constant 0 : i32
      %dma_start3A_233 = tpu.memref_slice %arg18[%dma_start3A_231, %dma_start3A_232] : memref<100096x16xf32, #tpu.memory_space<vmem_shared>> -> memref<100096x16xf32, #tpu.memory_space<vmem_shared>>
      tpu.enqueue_indirect_dma source(%arg13 : memref<128x16xf32, #tpu.memory_space<vmem>>) target(%dma_start3A_233 : memref<100096x16xf32, #tpu.memory_space<vmem_shared>>) offsets(%dma_start3A_230 : memref<128xi32, #tpu.memory_space<vmem>>) semaphore(%arg31 : memref<!tpu.dma_semaphore, #tpu.memory_space<semaphore_mem>>) {add = true}
      %dma_start3A_234 = arith.constant 1 : i32
      %dma_start3A_235 = arith.constant 0 : i32
      %dma_start3A_236 = tpu.memref_slice %arg12[%dma_start3A_234, %dma_start3A_235] : memref<2x128xi32, #tpu.memory_space<vmem>> -> memref<1x128xi32, #tpu.memory_space<vmem>>
      %dma_start3A_237 = tpu.memref_squeeze %dma_start3A_236 : memref<1x128xi32, #tpu.memory_space<vmem>> -> memref<128xi32, #tpu.memory_space<vmem>>
      %dma_start3A_238 = arith.constant 0 : i32
      %dma_start3A_239 = tpu.memref_slice %arg19[%dma_start3A_238] : memref<100096xf32, #tpu.memory_space<vmem_shared>> -> memref<100096xf32, #tpu.memory_space<vmem_shared>>
      tpu.enqueue_indirect_dma source(%arg14 : memref<128xf32, #tpu.memory_space<vmem>>) target(%dma_start3A_239 : memref<100096xf32, #tpu.memory_space<vmem_shared>>) offsets(%dma_start3A_237 : memref<128xi32, #tpu.memory_space<vmem>>) semaphore(%arg32 : memref<!tpu.dma_semaphore, #tpu.memory_space<semaphore_mem>>) {add = true}
    }
    %scan3A_64 = arith.constant 416 : i32
    %dma_wait3A_65 = arith.constant 1 : i32
    %dma_wait3A_66 = arith.constant 0 : i32
    %dma_wait3A_67 = tpu.memref_slice %arg8[%dma_wait3A_65, %dma_wait3A_66] : memref<2x128xi32, #tpu.memory_space<vmem>> -> memref<1x128xi32, #tpu.memory_space<vmem>>
    %dma_wait3A_68 = tpu.memref_squeeze %dma_wait3A_67 : memref<1x128xi32, #tpu.memory_space<vmem>> -> memref<128xi32, #tpu.memory_space<vmem>>
    %dma_wait3A_69 = arith.constant 0 : i32
    %dma_wait3A_70 = arith.constant 0 : i32
    %dma_wait3A_71 = tpu.memref_slice %arg18[%dma_wait3A_69, %dma_wait3A_70] : memref<100096x16xf32, #tpu.memory_space<vmem_shared>> -> memref<100096x16xf32, #tpu.memory_space<vmem_shared>>
    tpu.wait_indirect_dma semaphore(%arg29 : memref<!tpu.dma_semaphore, #tpu.memory_space<semaphore_mem>>) src(%arg9 : memref<128x16xf32, #tpu.memory_space<vmem>>) dst(%dma_wait3A_71 : memref<100096x16xf32, #tpu.memory_space<vmem_shared>>)
    %dma_wait3A_72 = arith.constant 1 : i32
    %dma_wait3A_73 = arith.constant 0 : i32
    %dma_wait3A_74 = tpu.memref_slice %arg8[%dma_wait3A_72, %dma_wait3A_73] : memref<2x128xi32, #tpu.memory_space<vmem>> -> memref<1x128xi32, #tpu.memory_space<vmem>>
    %dma_wait3A_75 = tpu.memref_squeeze %dma_wait3A_74 : memref<1x128xi32, #tpu.memory_space<vmem>> -> memref<128xi32, #tpu.memory_space<vmem>>
    %dma_wait3A_76 = arith.constant 0 : i32
    %dma_wait3A_77 = tpu.memref_slice %arg19[%dma_wait3A_76] : memref<100096xf32, #tpu.memory_space<vmem_shared>> -> memref<100096xf32, #tpu.memory_space<vmem_shared>>
    tpu.wait_indirect_dma semaphore(%arg30 : memref<!tpu.dma_semaphore, #tpu.memory_space<semaphore_mem>>) src(%arg10 : memref<128xf32, #tpu.memory_space<vmem>>) dst(%dma_wait3A_77 : memref<100096xf32, #tpu.memory_space<vmem_shared>>)
    %dma_wait3A_78 = arith.constant 1 : i32
    %dma_wait3A_79 = arith.constant 0 : i32
    %dma_wait3A_80 = tpu.memref_slice %arg12[%dma_wait3A_78, %dma_wait3A_79] : memref<2x128xi32, #tpu.memory_space<vmem>> -> memref<1x128xi32, #tpu.memory_space<vmem>>
    %dma_wait3A_81 = tpu.memref_squeeze %dma_wait3A_80 : memref<1x128xi32, #tpu.memory_space<vmem>> -> memref<128xi32, #tpu.memory_space<vmem>>
    %dma_wait3A_82 = arith.constant 0 : i32
    %dma_wait3A_83 = arith.constant 0 : i32
    %dma_wait3A_84 = tpu.memref_slice %arg18[%dma_wait3A_82, %dma_wait3A_83] : memref<100096x16xf32, #tpu.memory_space<vmem_shared>> -> memref<100096x16xf32, #tpu.memory_space<vmem_shared>>
    tpu.wait_indirect_dma semaphore(%arg31 : memref<!tpu.dma_semaphore, #tpu.memory_space<semaphore_mem>>) src(%arg13 : memref<128x16xf32, #tpu.memory_space<vmem>>) dst(%dma_wait3A_84 : memref<100096x16xf32, #tpu.memory_space<vmem_shared>>)
    %dma_wait3A_85 = arith.constant 1 : i32
    %dma_wait3A_86 = arith.constant 0 : i32
    %dma_wait3A_87 = tpu.memref_slice %arg12[%dma_wait3A_85, %dma_wait3A_86] : memref<2x128xi32, #tpu.memory_space<vmem>> -> memref<1x128xi32, #tpu.memory_space<vmem>>
    %dma_wait3A_88 = tpu.memref_squeeze %dma_wait3A_87 : memref<1x128xi32, #tpu.memory_space<vmem>> -> memref<128xi32, #tpu.memory_space<vmem>>
    %dma_wait3A_89 = arith.constant 0 : i32
    %dma_wait3A_90 = tpu.memref_slice %arg19[%dma_wait3A_89] : memref<100096xf32, #tpu.memory_space<vmem_shared>> -> memref<100096xf32, #tpu.memory_space<vmem_shared>>
    tpu.wait_indirect_dma semaphore(%arg32 : memref<!tpu.dma_semaphore, #tpu.memory_space<semaphore_mem>>) src(%arg14 : memref<128xf32, #tpu.memory_space<vmem>>) dst(%dma_wait3A_90 : memref<100096xf32, #tpu.memory_space<vmem_shared>>)
    %barrier3A_91 = arith.constant 0 : index
    tpu.barrier barrier_id(%barrier3A_91)
    "tpu.region"() ({
      %run_scoped3A = tpu.sem_alloc : memref<!tpu.dma_semaphore, #tpu.memory_space<semaphore_mem>>
      %dma_start3A_92 = arith.constant 0 : i32
      %dma_start3A_93 = arith.constant 0 : i32
      %dma_start3A_94 = tpu.memref_slice %arg6[%arg0, %dma_start3A_92, %dma_start3A_93] : memref<2x102400x16xf32, #tpu.memory_space<hbm>> -> memref<1x102400x16xf32, #tpu.memory_space<hbm>>
      %dma_start3A_95 = tpu.memref_squeeze %dma_start3A_94 : memref<1x102400x16xf32, #tpu.memory_space<hbm>> -> memref<102400x16xf32, #tpu.memory_space<hbm>>
      %dma_start3A_96 = arith.constant 0 : i32
      %dma_start3A_97 = tpu.memref_slice %dma_start3A_95[%mul3A_0, %dma_start3A_96] : memref<102400x16xf32, #tpu.memory_space<hbm>> -> memref<6256x16xf32, #tpu.memory_space<hbm>>
      %dma_start3A_98 = arith.constant 0 : i32
      %dma_start3A_99 = tpu.memref_slice %arg18[%mul3A_0, %dma_start3A_98] : memref<100096x16xf32, #tpu.memory_space<vmem_shared>> -> memref<6256x16xf32, #tpu.memory_space<vmem_shared>>
      tpu.enqueue_dma source(%dma_start3A_99 : memref<6256x16xf32, #tpu.memory_space<vmem_shared>>) target(%dma_start3A_97 : memref<6256x16xf32, #tpu.memory_space<hbm>>) target_semaphore(%run_scoped3A : memref<!tpu.dma_semaphore, #tpu.memory_space<semaphore_mem>>)
      %dma_wait3A_100 = arith.constant 0 : i32
      %dma_wait3A_101 = arith.constant 0 : i32
      %dma_wait3A_102 = tpu.memref_slice %arg6[%arg0, %dma_wait3A_100, %dma_wait3A_101] : memref<2x102400x16xf32, #tpu.memory_space<hbm>> -> memref<1x102400x16xf32, #tpu.memory_space<hbm>>
      %dma_wait3A_103 = tpu.memref_squeeze %dma_wait3A_102 : memref<1x102400x16xf32, #tpu.memory_space<hbm>> -> memref<102400x16xf32, #tpu.memory_space<hbm>>
      %dma_wait3A_104 = arith.constant 0 : i32
      %dma_wait3A_105 = tpu.memref_slice %dma_wait3A_103[%mul3A_0, %dma_wait3A_104] : memref<102400x16xf32, #tpu.memory_space<hbm>> -> memref<6256x16xf32, #tpu.memory_space<hbm>>
      %dma_wait3A_106 = arith.constant 0 : i32
      %dma_wait3A_107 = tpu.memref_slice %arg18[%mul3A_0, %dma_wait3A_106] : memref<100096x16xf32, #tpu.memory_space<vmem_shared>> -> memref<6256x16xf32, #tpu.memory_space<vmem_shared>>
      tpu.wait_dma2 semaphore(%run_scoped3A : memref<!tpu.dma_semaphore, #tpu.memory_space<semaphore_mem>>) src(%dma_wait3A_107 : memref<6256x16xf32, #tpu.memory_space<vmem_shared>>) dst(%dma_wait3A_105 : memref<6256x16xf32, #tpu.memory_space<hbm>>)
      tpu.yield
    }) : () -> ()
    "tpu.region"() ({
      %run_scoped3A = tpu.sem_alloc : memref<!tpu.dma_semaphore, #tpu.memory_space<semaphore_mem>>
      %dma_start3A_92 = arith.constant 0 : i32
      %dma_start3A_93 = tpu.memref_slice %arg7[%arg0, %dma_start3A_92] : memref<2x102400xf32, #tpu.memory_space<hbm>> -> memref<1x102400xf32, #tpu.memory_space<hbm>>
      %dma_start3A_94 = tpu.memref_squeeze %dma_start3A_93 : memref<1x102400xf32, #tpu.memory_space<hbm>> -> memref<102400xf32, #tpu.memory_space<hbm>>
      %dma_start3A_95 = tpu.memref_slice %dma_start3A_94[%mul3A_0] : memref<102400xf32, #tpu.memory_space<hbm>> -> memref<6256xf32, #tpu.memory_space<hbm>>
      %dma_start3A_96 = tpu.memref_slice %arg19[%mul3A_0] : memref<100096xf32, #tpu.memory_space<vmem_shared>> -> memref<6256xf32, #tpu.memory_space<vmem_shared>>
      tpu.enqueue_dma source(%dma_start3A_96 : memref<6256xf32, #tpu.memory_space<vmem_shared>>) target(%dma_start3A_95 : memref<6256xf32, #tpu.memory_space<hbm>>) target_semaphore(%run_scoped3A : memref<!tpu.dma_semaphore, #tpu.memory_space<semaphore_mem>>)
      %dma_wait3A_97 = arith.constant 0 : i32
      %dma_wait3A_98 = tpu.memref_slice %arg7[%arg0, %dma_wait3A_97] : memref<2x102400xf32, #tpu.memory_space<hbm>> -> memref<1x102400xf32, #tpu.memory_space<hbm>>
      %dma_wait3A_99 = tpu.memref_squeeze %dma_wait3A_98 : memref<1x102400xf32, #tpu.memory_space<hbm>> -> memref<102400xf32, #tpu.memory_space<hbm>>
      %dma_wait3A_100 = tpu.memref_slice %dma_wait3A_99[%mul3A_0] : memref<102400xf32, #tpu.memory_space<hbm>> -> memref<6256xf32, #tpu.memory_space<hbm>>
      %dma_wait3A_101 = tpu.memref_slice %arg19[%mul3A_0] : memref<100096xf32, #tpu.memory_space<vmem_shared>> -> memref<6256xf32, #tpu.memory_space<vmem_shared>>
      tpu.wait_dma2 semaphore(%run_scoped3A : memref<!tpu.dma_semaphore, #tpu.memory_space<semaphore_mem>>) src(%dma_wait3A_101 : memref<6256xf32, #tpu.memory_space<vmem_shared>>) dst(%dma_wait3A_100 : memref<6256xf32, #tpu.memory_space<hbm>>)
      tpu.yield
    }) : () -> ()
    return
  }
}

#map = affine_map<(d0, d1) -> (0, 0)>
#map1 = affine_map<(d0, d1) -> (0, 0, 0)>
module attributes {stable_mosaic.version = 14 : i64} {
  func.func @_edge_body(%arg0: i32, %arg1: i32, %arg2: memref<26624x128xi32, #tpu.memory_space<hbm>>, %arg3: memref<2x102400x16xf32, #tpu.memory_space<hbm>>, %arg4: memref<2x102400xf32, #tpu.memory_space<hbm>>, %arg5: memref<2x102400xf32, #tpu.memory_space<hbm>>, %arg6: memref<2x102400x16xf32, #tpu.memory_space<hbm>>, %arg7: memref<2x102400xf32, #tpu.memory_space<hbm>>, %arg8: memref<2x128xi32, #tpu.memory_space<vmem>>, %arg9: memref<128x16xf32, #tpu.memory_space<vmem>>, %arg10: memref<128xf32, #tpu.memory_space<vmem>>, %arg11: memref<128xf32, #tpu.memory_space<vmem>>, %arg12: memref<2x128xi32, #tpu.memory_space<vmem>>, %arg13: memref<128x16xf32, #tpu.memory_space<vmem>>, %arg14: memref<128xf32, #tpu.memory_space<vmem>>, %arg15: memref<128xf32, #tpu.memory_space<vmem>>, %arg16: memref<391x16xf32, #tpu.memory_space<vmem>>, %arg17: memref<6256xf32, #tpu.memory_space<vmem>>, %arg18: memref<100096x16xf32, #tpu.memory_space<vmem_shared>>, %arg19: memref<100096xf32, #tpu.memory_space<vmem_shared>>, %arg20: memref<100096xf32, #tpu.memory_space<vmem_shared>>, %arg21: memref<!tpu.dma_semaphore, #tpu.memory_space<semaphore_mem>>, %arg22: memref<!tpu.dma_semaphore, #tpu.memory_space<semaphore_mem>>, %arg23: memref<!tpu.dma_semaphore, #tpu.memory_space<semaphore_mem>>, %arg24: memref<!tpu.dma_semaphore, #tpu.memory_space<semaphore_mem>>, %arg25: memref<!tpu.dma_semaphore, #tpu.memory_space<semaphore_mem>>, %arg26: memref<!tpu.dma_semaphore, #tpu.memory_space<semaphore_mem>>, %arg27: memref<!tpu.dma_semaphore, #tpu.memory_space<semaphore_mem>>, %arg28: memref<!tpu.dma_semaphore, #tpu.memory_space<semaphore_mem>>, %arg29: memref<!tpu.dma_semaphore, #tpu.memory_space<semaphore_mem>>, %arg30: memref<!tpu.dma_semaphore, #tpu.memory_space<semaphore_mem>>, %arg31: memref<!tpu.dma_semaphore, #tpu.memory_space<semaphore_mem>>, %arg32: memref<!tpu.dma_semaphore, #tpu.memory_space<semaphore_mem>>) attributes {dimension_semantics = [#tpu.dimension_semantics<core_parallel>, #tpu.dimension_semantics<subcore_parallel>], iteration_bounds = array<i64: 2, 16>, scalar_prefetch = 0 : i64, scratch_operands = 25 : i64, tpu.core_type = #tpu.core_type<sc_vector_subcore>, window_params = [{transform_indices = #map}, {transform_indices = #map1}, {transform_indices = #map}, {transform_indices = #map}, {transform_indices = #map1}, {transform_indices = #map}]} {
    %mul3A = arith.constant 6256 : i32
    %mul3A_0 = arith.muli %arg1, %mul3A : i32
    %scan3A = arith.constant 0 : i32
    %scan3A_1 = arith.constant 0 : i32
    %scan3A_2 = arith.constant 391 : i32
    %scan3A_3 = arith.addi %scan3A_1, %scan3A_2 : i32
    %scan3A_4 = arith.constant 1 : i32
    scf.for %scan3A_92 = %scan3A_1 to %scan3A_3 step %scan3A_4  : i32 {
      %broadcast_in_dim3A = arith.constant 0.000000e+00 : f32
      %broadcast_in_dim3A_93 = vector.broadcast %broadcast_in_dim3A : f32 to vector<16xf32>
      %swap3A = arith.index_cast %scan3A_92 : i32 to index
      %swap3A_94 = arith.constant 0 : index
      %swap3A_95 = tpu.vector_load %arg16[%swap3A, %swap3A_94] {strides = array<i32>} : memref<391x16xf32, #tpu.memory_space<vmem>>, vector<16xf32>,
      tpu.vector_store %arg16[%swap3A, %swap3A_94], %broadcast_in_dim3A_93 {strides = array<i32>} : memref<391x16xf32, #tpu.memory_space<vmem>>, vector<16xf32>,
    }
    %scan3A_5 = arith.constant 391 : i32
    %scan3A_6 = arith.constant 0 : i32
    %scan3A_7 = arith.constant 0 : i32
    %scan3A_8 = arith.constant 391 : i32
    %scan3A_9 = arith.addi %scan3A_7, %scan3A_8 : i32
    %scan3A_10 = arith.constant 1 : i32
    scf.for %scan3A_92 = %scan3A_7 to %scan3A_9 step %scan3A_10  : i32 {
      %broadcast_in_dim3A = arith.constant 0.000000e+00 : f32
      %broadcast_in_dim3A_93 = vector.broadcast %broadcast_in_dim3A : f32 to vector<16xf32>
      %mul3A_94 = arith.constant 16 : i32
      %mul3A_95 = arith.muli %scan3A_92, %mul3A_94 : i32
      %swap3A = arith.index_cast %mul3A_95 : i32 to index
      %swap3A_96 = tpu.vector_load %arg17[%swap3A] {strides = array<i32>} : memref<6256xf32, #tpu.memory_space<vmem>>, vector<16xf32>,
      tpu.vector_store %arg17[%swap3A], %broadcast_in_dim3A_93 {strides = array<i32>} : memref<6256xf32, #tpu.memory_space<vmem>>, vector<16xf32>,
    }
    %scan3A_11 = arith.constant 391 : i32
    %scan3A_12 = arith.constant 0 : i32
    %scan3A_13 = arith.constant 0 : i32
    %scan3A_14 = arith.constant 16 : i32
    %scan3A_15 = arith.addi %scan3A_13, %scan3A_14 : i32
    %scan3A_16 = arith.constant 1 : i32
    scf.for %scan3A_92 = %scan3A_13 to %scan3A_15 step %scan3A_16  : i32 {
      %mul3A_93 = arith.constant 391 : i32
      %mul3A_94 = arith.muli %scan3A_92, %mul3A_93 : i32
      %add3A_95 = arith.addi %mul3A_0, %mul3A_94 : i32
      "tpu.region"() ({
        %run_scoped3A = tpu.sem_alloc : memref<!tpu.dma_semaphore, #tpu.memory_space<semaphore_mem>>
        %dma_start3A_96 = arith.constant 0 : i32
        %dma_start3A_97 = tpu.memref_slice %arg18[%add3A_95, %dma_start3A_96] : memref<100096x16xf32, #tpu.memory_space<vmem_shared>> -> memref<391x16xf32, #tpu.memory_space<vmem_shared>>
        %dma_start3A_98 = arith.constant 0 : i32
        %dma_start3A_99 = tpu.memref_slice %arg18[%add3A_95, %dma_start3A_98] : memref<100096x16xf32, #tpu.memory_space<vmem_shared>> -> memref<391x16xf32, #tpu.memory_space<vmem_shared>>
        tpu.enqueue_dma source(%arg16 : memref<391x16xf32, #tpu.memory_space<vmem>>) target(%dma_start3A_99 : memref<391x16xf32, #tpu.memory_space<vmem_shared>>) target_semaphore(%run_scoped3A : memref<!tpu.dma_semaphore, #tpu.memory_space<semaphore_mem>>)
        %dma_wait3A_100 = arith.constant 0 : i32
        %dma_wait3A_101 = tpu.memref_slice %arg18[%add3A_95, %dma_wait3A_100] : memref<100096x16xf32, #tpu.memory_space<vmem_shared>> -> memref<391x16xf32, #tpu.memory_space<vmem_shared>>
        %dma_wait3A_102 = arith.constant 0 : i32
        %dma_wait3A_103 = tpu.memref_slice %arg18[%add3A_95, %dma_wait3A_102] : memref<100096x16xf32, #tpu.memory_space<vmem_shared>> -> memref<391x16xf32, #tpu.memory_space<vmem_shared>>
        tpu.wait_dma2 semaphore(%run_scoped3A : memref<!tpu.dma_semaphore, #tpu.memory_space<semaphore_mem>>) src(%arg16 : memref<391x16xf32, #tpu.memory_space<vmem>>) dst(%dma_wait3A_103 : memref<391x16xf32, #tpu.memory_space<vmem_shared>>)
        tpu.yield
      }) : () -> ()
    }
    %scan3A_17 = arith.constant 16 : i32
    "tpu.region"() ({
      %run_scoped3A = tpu.sem_alloc : memref<!tpu.dma_semaphore, #tpu.memory_space<semaphore_mem>>
      %dma_start3A_92 = arith.constant 0 : i32
      %dma_start3A_93 = tpu.memref_slice %arg17[%dma_start3A_92] : memref<6256xf32, #tpu.memory_space<vmem>> -> memref<6256xf32, #tpu.memory_space<vmem>>
      %dma_start3A_94 = tpu.memref_slice %arg19[%mul3A_0] : memref<100096xf32, #tpu.memory_space<vmem_shared>> -> memref<6256xf32, #tpu.memory_space<vmem_shared>>
      %dma_start3A_95 = tpu.memref_slice %arg19[%mul3A_0] : memref<100096xf32, #tpu.memory_space<vmem_shared>> -> memref<6256xf32, #tpu.memory_space<vmem_shared>>
      %dma_start3A_96 = arith.constant 0 : i32
      %dma_start3A_97 = tpu.memref_slice %arg17[%dma_start3A_96] : memref<6256xf32, #tpu.memory_space<vmem>> -> memref<6256xf32, #tpu.memory_space<vmem>>
      tpu.enqueue_dma source(%dma_start3A_97 : memref<6256xf32, #tpu.memory_space<vmem>>) target(%dma_start3A_95 : memref<6256xf32, #tpu.memory_space<vmem_shared>>) target_semaphore(%run_scoped3A : memref<!tpu.dma_semaphore, #tpu.memory_space<semaphore_mem>>)
      %dma_wait3A_98 = arith.constant 0 : i32
      %dma_wait3A_99 = tpu.memref_slice %arg17[%dma_wait3A_98] : memref<6256xf32, #tpu.memory_space<vmem>> -> memref<6256xf32, #tpu.memory_space<vmem>>
      %dma_wait3A_100 = tpu.memref_slice %arg19[%mul3A_0] : memref<100096xf32, #tpu.memory_space<vmem_shared>> -> memref<6256xf32, #tpu.memory_space<vmem_shared>>
      %dma_wait3A_101 = tpu.memref_slice %arg19[%mul3A_0] : memref<100096xf32, #tpu.memory_space<vmem_shared>> -> memref<6256xf32, #tpu.memory_space<vmem_shared>>
      %dma_wait3A_102 = arith.constant 0 : i32
      %dma_wait3A_103 = tpu.memref_slice %arg17[%dma_wait3A_102] : memref<6256xf32, #tpu.memory_space<vmem>> -> memref<6256xf32, #tpu.memory_space<vmem>>
      tpu.wait_dma2 semaphore(%run_scoped3A : memref<!tpu.dma_semaphore, #tpu.memory_space<semaphore_mem>>) src(%dma_wait3A_103 : memref<6256xf32, #tpu.memory_space<vmem>>) dst(%dma_wait3A_101 : memref<6256xf32, #tpu.memory_space<vmem_shared>>)
      tpu.yield
    }) : () -> ()
    "tpu.region"() ({
      %run_scoped3A = tpu.sem_alloc : memref<!tpu.dma_semaphore, #tpu.memory_space<semaphore_mem>>
      %dma_start3A_92 = tpu.memref_slice %arg20[%mul3A_0] : memref<100096xf32, #tpu.memory_space<vmem_shared>> -> memref<6256xf32, #tpu.memory_space<vmem_shared>>
      %dma_start3A_93 = arith.constant 0 : i32
      %dma_start3A_94 = tpu.memref_slice %arg5[%arg0, %dma_start3A_93] : memref<2x102400xf32, #tpu.memory_space<hbm>> -> memref<1x102400xf32, #tpu.memory_space<hbm>>
      %dma_start3A_95 = tpu.memref_squeeze %dma_start3A_94 : memref<1x102400xf32, #tpu.memory_space<hbm>> -> memref<102400xf32, #tpu.memory_space<hbm>>
      %dma_start3A_96 = tpu.memref_slice %dma_start3A_95[%mul3A_0] : memref<102400xf32, #tpu.memory_space<hbm>> -> memref<6256xf32, #tpu.memory_space<hbm>>
      tpu.enqueue_dma source(%dma_start3A_96 : memref<6256xf32, #tpu.memory_space<hbm>>) target(%dma_start3A_92 : memref<6256xf32, #tpu.memory_space<vmem_shared>>) target_semaphore(%run_scoped3A : memref<!tpu.dma_semaphore, #tpu.memory_space<semaphore_mem>>)
      %dma_wait3A_97 = tpu.memref_slice %arg20[%mul3A_0] : memref<100096xf32, #tpu.memory_space<vmem_shared>> -> memref<6256xf32, #tpu.memory_space<vmem_shared>>
      %dma_wait3A_98 = arith.constant 0 : i32
      %dma_wait3A_99 = tpu.memref_slice %arg5[%arg0, %dma_wait3A_98] : memref<2x102400xf32, #tpu.memory_space<hbm>> -> memref<1x102400xf32, #tpu.memory_space<hbm>>
      %dma_wait3A_100 = tpu.memref_squeeze %dma_wait3A_99 : memref<1x102400xf32, #tpu.memory_space<hbm>> -> memref<102400xf32, #tpu.memory_space<hbm>>
      %dma_wait3A_101 = tpu.memref_slice %dma_wait3A_100[%mul3A_0] : memref<102400xf32, #tpu.memory_space<hbm>> -> memref<6256xf32, #tpu.memory_space<hbm>>
      tpu.wait_dma2 semaphore(%run_scoped3A : memref<!tpu.dma_semaphore, #tpu.memory_space<semaphore_mem>>) src(%dma_wait3A_101 : memref<6256xf32, #tpu.memory_space<hbm>>) dst(%dma_wait3A_97 : memref<6256xf32, #tpu.memory_space<vmem_shared>>)
      tpu.yield
    }) : () -> ()
    %barrier3A = arith.constant 0 : index
    tpu.barrier barrier_id(%barrier3A)
    %mul3A_18 = arith.constant 106496 : i32
    %mul3A_19 = arith.muli %arg1, %mul3A_18 : i32
    %mul3A_20 = arith.constant 832 : i32
    %mul3A_21 = arith.muli %arg1, %mul3A_20 : i32
    %add3A = arith.constant 0 : i32
    %add3A_22 = arith.addi %mul3A_21, %add3A : i32
    %mul3A_23 = arith.constant 2 : i32
    %mul3A_24 = arith.muli %add3A_22, %mul3A_23 : i32
    %dma_start3A = arith.constant 0 : i32
    %dma_start3A_25 = tpu.memref_slice %arg2[%mul3A_24, %dma_start3A] : memref<26624x128xi32, #tpu.memory_space<hbm>> -> memref<2x128xi32, #tpu.memory_space<hbm>>
    %dma_start3A_26 = arith.constant 0 : i32
    %dma_start3A_27 = tpu.memref_slice %arg2[%mul3A_24, %dma_start3A_26] : memref<26624x128xi32, #tpu.memory_space<hbm>> -> memref<2x128xi32, #tpu.memory_space<hbm>>
    tpu.enqueue_dma source(%dma_start3A_27 : memref<2x128xi32, #tpu.memory_space<hbm>>) target(%arg8 : memref<2x128xi32, #tpu.memory_space<vmem>>) target_semaphore(%arg21 : memref<!tpu.dma_semaphore, #tpu.memory_space<semaphore_mem>>)
    %dma_wait3A = arith.constant 0 : i32
    %dma_wait3A_28 = arith.constant 0 : i32
    %dma_wait3A_29 = tpu.memref_slice %arg2[%dma_wait3A, %dma_wait3A_28] : memref<26624x128xi32, #tpu.memory_space<hbm>> -> memref<2x128xi32, #tpu.memory_space<hbm>>
    %dma_wait3A_30 = arith.constant 0 : i32
    %dma_wait3A_31 = arith.constant 0 : i32
    %dma_wait3A_32 = tpu.memref_slice %arg2[%dma_wait3A_30, %dma_wait3A_31] : memref<26624x128xi32, #tpu.memory_space<hbm>> -> memref<2x128xi32, #tpu.memory_space<hbm>>
    tpu.wait_dma2 semaphore(%arg21 : memref<!tpu.dma_semaphore, #tpu.memory_space<semaphore_mem>>) src(%dma_wait3A_32 : memref<2x128xi32, #tpu.memory_space<hbm>>) dst(%arg8 : memref<2x128xi32, #tpu.memory_space<vmem>>)
    %dma_start3A_33 = arith.constant 0 : i32
    %dma_start3A_34 = arith.constant 0 : i32
    %dma_start3A_35 = tpu.memref_slice %arg8[%dma_start3A_33, %dma_start3A_34] : memref<2x128xi32, #tpu.memory_space<vmem>> -> memref<1x128xi32, #tpu.memory_space<vmem>>
    %dma_start3A_36 = tpu.memref_squeeze %dma_start3A_35 : memref<1x128xi32, #tpu.memory_space<vmem>> -> memref<128xi32, #tpu.memory_space<vmem>>
    %dma_start3A_37 = arith.constant 0 : i32
    %dma_start3A_38 = arith.constant 0 : i32
    %dma_start3A_39 = tpu.memref_slice %arg3[%arg0, %dma_start3A_37, %dma_start3A_38] : memref<2x102400x16xf32, #tpu.memory_space<hbm>> -> memref<1x102400x16xf32, #tpu.memory_space<hbm>>
    %dma_start3A_40 = tpu.memref_squeeze %dma_start3A_39 : memref<1x102400x16xf32, #tpu.memory_space<hbm>> -> memref<102400x16xf32, #tpu.memory_space<hbm>>
    %dma_start3A_41 = arith.constant 0 : i32
    %dma_start3A_42 = arith.constant 0 : i32
    %dma_start3A_43 = tpu.memref_slice %dma_start3A_40[%dma_start3A_41, %dma_start3A_42] : memref<102400x16xf32, #tpu.memory_space<hbm>> -> memref<102400x16xf32, #tpu.memory_space<hbm>>
    tpu.enqueue_indirect_dma source(%dma_start3A_43 : memref<102400x16xf32, #tpu.memory_space<hbm>>) target(%arg9 : memref<128x16xf32, #tpu.memory_space<vmem>>) offsets(%dma_start3A_36 : memref<128xi32, #tpu.memory_space<vmem>>) semaphore(%arg22 : memref<!tpu.dma_semaphore, #tpu.memory_space<semaphore_mem>>)
    %dma_start3A_44 = arith.constant 0 : i32
    %dma_start3A_45 = arith.constant 0 : i32
    %dma_start3A_46 = tpu.memref_slice %arg8[%dma_start3A_44, %dma_start3A_45] : memref<2x128xi32, #tpu.memory_space<vmem>> -> memref<1x128xi32, #tpu.memory_space<vmem>>
    %dma_start3A_47 = tpu.memref_squeeze %dma_start3A_46 : memref<1x128xi32, #tpu.memory_space<vmem>> -> memref<128xi32, #tpu.memory_space<vmem>>
    %dma_start3A_48 = arith.constant 0 : i32
    %dma_start3A_49 = tpu.memref_slice %arg4[%arg0, %dma_start3A_48] : memref<2x102400xf32, #tpu.memory_space<hbm>> -> memref<1x102400xf32, #tpu.memory_space<hbm>>
    %dma_start3A_50 = tpu.memref_squeeze %dma_start3A_49 : memref<1x102400xf32, #tpu.memory_space<hbm>> -> memref<102400xf32, #tpu.memory_space<hbm>>
    %dma_start3A_51 = arith.constant 0 : i32
    %dma_start3A_52 = tpu.memref_slice %dma_start3A_50[%dma_start3A_51] : memref<102400xf32, #tpu.memory_space<hbm>> -> memref<102400xf32, #tpu.memory_space<hbm>>
    tpu.enqueue_indirect_dma source(%dma_start3A_52 : memref<102400xf32, #tpu.memory_space<hbm>>) target(%arg10 : memref<128xf32, #tpu.memory_space<vmem>>) offsets(%dma_start3A_47 : memref<128xi32, #tpu.memory_space<vmem>>) semaphore(%arg23 : memref<!tpu.dma_semaphore, #tpu.memory_space<semaphore_mem>>)
    %dma_start3A_53 = arith.constant 1 : i32
    %dma_start3A_54 = arith.constant 0 : i32
    %dma_start3A_55 = tpu.memref_slice %arg8[%dma_start3A_53, %dma_start3A_54] : memref<2x128xi32, #tpu.memory_space<vmem>> -> memref<1x128xi32, #tpu.memory_space<vmem>>
    %dma_start3A_56 = tpu.memref_squeeze %dma_start3A_55 : memref<1x128xi32, #tpu.memory_space<vmem>> -> memref<128xi32, #tpu.memory_space<vmem>>
    %dma_start3A_57 = arith.constant 0 : i32
    %dma_start3A_58 = tpu.memref_slice %arg20[%dma_start3A_57] : memref<100096xf32, #tpu.memory_space<vmem_shared>> -> memref<100096xf32, #tpu.memory_space<vmem_shared>>
    tpu.enqueue_indirect_dma source(%dma_start3A_58 : memref<100096xf32, #tpu.memory_space<vmem_shared>>) target(%arg11 : memref<128xf32, #tpu.memory_space<vmem>>) offsets(%dma_start3A_56 : memref<128xi32, #tpu.memory_space<vmem>>) semaphore(%arg24 : memref<!tpu.dma_semaphore, #tpu.memory_space<semaphore_mem>>)
    %scan3A_59 = arith.constant 0 : i32
    %scan3A_60 = arith.constant 0 : i32
    %scan3A_61 = arith.constant 416 : i32
    %scan3A_62 = arith.addi %scan3A_60, %scan3A_61 : i32
    %scan3A_63 = arith.constant 1 : i32
    scf.for %scan3A_92 = %scan3A_60 to %scan3A_62 step %scan3A_63  : i32 {
      %mul3A_93 = arith.constant 2 : i32
      %mul3A_94 = arith.muli %mul3A_93, %scan3A_92 : i32
      %add3A_95 = arith.constant 0 : i32
      %add3A_96 = arith.addi %mul3A_94, %add3A_95 : i32
      %add3A_97 = arith.constant 1 : i32
      %add3A_98 = arith.addi %add3A_96, %add3A_97 : i32
      %lt3A = arith.constant 832 : i32
      %lt3A_99 = arith.cmpi slt, %add3A_98, %lt3A : i32
      %convert_element_type3A = arith.extui %lt3A_99 : i1 to i32
      %cond3A = arith.constant 0 : i32
      %cond3A_100 = arith.cmpi ne, %convert_element_type3A, %cond3A : i32
      scf.if %cond3A_100 {
        %ge3A = arith.constant 1 : i32
        %ge3A_240 = arith.cmpi sge, %add3A_96, %ge3A : i32
        %convert_element_type3A_241 = arith.extui %ge3A_240 : i1 to i32
        %cond3A_242 = arith.constant 0 : i32
        %cond3A_243 = arith.cmpi ne, %convert_element_type3A_241, %cond3A_242 : i32
        scf.if %cond3A_243 {
          %dma_wait3A_253 = arith.constant 1 : i32
          %dma_wait3A_254 = arith.constant 0 : i32
          %dma_wait3A_255 = tpu.memref_slice %arg12[%dma_wait3A_253, %dma_wait3A_254] : memref<2x128xi32, #tpu.memory_space<vmem>> -> memref<1x128xi32, #tpu.memory_space<vmem>>
          %dma_wait3A_256 = tpu.memref_squeeze %dma_wait3A_255 : memref<1x128xi32, #tpu.memory_space<vmem>> -> memref<128xi32, #tpu.memory_space<vmem>>
          %dma_wait3A_257 = arith.constant 0 : i32
          %dma_wait3A_258 = arith.constant 0 : i32
          %dma_wait3A_259 = tpu.memref_slice %arg18[%dma_wait3A_257, %dma_wait3A_258] : memref<100096x16xf32, #tpu.memory_space<vmem_shared>> -> memref<100096x16xf32, #tpu.memory_space<vmem_shared>>
          tpu.wait_indirect_dma semaphore(%arg31 : memref<!tpu.dma_semaphore, #tpu.memory_space<semaphore_mem>>) src(%arg13 : memref<128x16xf32, #tpu.memory_space<vmem>>) dst(%dma_wait3A_259 : memref<100096x16xf32, #tpu.memory_space<vmem_shared>>)
          %dma_wait3A_260 = arith.constant 1 : i32
          %dma_wait3A_261 = arith.constant 0 : i32
          %dma_wait3A_262 = tpu.memref_slice %arg12[%dma_wait3A_260, %dma_wait3A_261] : memref<2x128xi32, #tpu.memory_space<vmem>> -> memref<1x128xi32, #tpu.memory_space<vmem>>
          %dma_wait3A_263 = tpu.memref_squeeze %dma_wait3A_262 : memref<1x128xi32, #tpu.memory_space<vmem>> -> memref<128xi32, #tpu.memory_space<vmem>>
          %dma_wait3A_264 = arith.constant 0 : i32
          %dma_wait3A_265 = tpu.memref_slice %arg19[%dma_wait3A_264] : memref<100096xf32, #tpu.memory_space<vmem_shared>> -> memref<100096xf32, #tpu.memory_space<vmem_shared>>
          tpu.wait_indirect_dma semaphore(%arg32 : memref<!tpu.dma_semaphore, #tpu.memory_space<semaphore_mem>>) src(%arg14 : memref<128xf32, #tpu.memory_space<vmem>>) dst(%dma_wait3A_265 : memref<100096xf32, #tpu.memory_space<vmem_shared>>)
        } else {
        }
        %add3A_244 = arith.constant 1 : i32
        %add3A_245 = arith.addi %add3A_96, %add3A_244 : i32
        %add3A_246 = arith.addi %mul3A_21, %add3A_245 : i32
        %mul3A_247 = arith.constant 2 : i32
        %mul3A_248 = arith.muli %add3A_246, %mul3A_247 : i32
        %dma_start3A_249 = arith.constant 0 : i32
        %dma_start3A_250 = tpu.memref_slice %arg2[%mul3A_248, %dma_start3A_249] : memref<26624x128xi32, #tpu.memory_space<hbm>> -> memref<2x128xi32, #tpu.memory_space<hbm>>
        %dma_start3A_251 = arith.constant 0 : i32
        %dma_start3A_252 = tpu.memref_slice %arg2[%mul3A_248, %dma_start3A_251] : memref<26624x128xi32, #tpu.memory_space<hbm>> -> memref<2x128xi32, #tpu.memory_space<hbm>>
        tpu.enqueue_dma source(%dma_start3A_252 : memref<2x128xi32, #tpu.memory_space<hbm>>) target(%arg12 : memref<2x128xi32, #tpu.memory_space<vmem>>) target_semaphore(%arg25 : memref<!tpu.dma_semaphore, #tpu.memory_space<semaphore_mem>>)
      } else {
      }
      %dma_wait3A_101 = arith.constant 0 : i32
      %dma_wait3A_102 = arith.constant 0 : i32
      %dma_wait3A_103 = tpu.memref_slice %arg8[%dma_wait3A_101, %dma_wait3A_102] : memref<2x128xi32, #tpu.memory_space<vmem>> -> memref<1x128xi32, #tpu.memory_space<vmem>>
      %dma_wait3A_104 = tpu.memref_squeeze %dma_wait3A_103 : memref<1x128xi32, #tpu.memory_space<vmem>> -> memref<128xi32, #tpu.memory_space<vmem>>
      %dma_wait3A_105 = arith.constant 0 : i32
      %dma_wait3A_106 = arith.constant 0 : i32
      %dma_wait3A_107 = tpu.memref_slice %arg3[%arg0, %dma_wait3A_105, %dma_wait3A_106] : memref<2x102400x16xf32, #tpu.memory_space<hbm>> -> memref<1x102400x16xf32, #tpu.memory_space<hbm>>
      %dma_wait3A_108 = tpu.memref_squeeze %dma_wait3A_107 : memref<1x102400x16xf32, #tpu.memory_space<hbm>> -> memref<102400x16xf32, #tpu.memory_space<hbm>>
      %dma_wait3A_109 = arith.constant 0 : i32
      %dma_wait3A_110 = arith.constant 0 : i32
      %dma_wait3A_111 = tpu.memref_slice %dma_wait3A_108[%dma_wait3A_109, %dma_wait3A_110] : memref<102400x16xf32, #tpu.memory_space<hbm>> -> memref<102400x16xf32, #tpu.memory_space<hbm>>
      tpu.wait_indirect_dma semaphore(%arg22 : memref<!tpu.dma_semaphore, #tpu.memory_space<semaphore_mem>>) src(%dma_wait3A_111 : memref<102400x16xf32, #tpu.memory_space<hbm>>) dst(%arg9 : memref<128x16xf32, #tpu.memory_space<vmem>>)
      %dma_wait3A_112 = arith.constant 0 : i32
      %dma_wait3A_113 = arith.constant 0 : i32
      %dma_wait3A_114 = tpu.memref_slice %arg8[%dma_wait3A_112, %dma_wait3A_113] : memref<2x128xi32, #tpu.memory_space<vmem>> -> memref<1x128xi32, #tpu.memory_space<vmem>>
      %dma_wait3A_115 = tpu.memref_squeeze %dma_wait3A_114 : memref<1x128xi32, #tpu.memory_space<vmem>> -> memref<128xi32, #tpu.memory_space<vmem>>
      %dma_wait3A_116 = arith.constant 0 : i32
      %dma_wait3A_117 = tpu.memref_slice %arg4[%arg0, %dma_wait3A_116] : memref<2x102400xf32, #tpu.memory_space<hbm>> -> memref<1x102400xf32, #tpu.memory_space<hbm>>
      %dma_wait3A_118 = tpu.memref_squeeze %dma_wait3A_117 : memref<1x102400xf32, #tpu.memory_space<hbm>> -> memref<102400xf32, #tpu.memory_space<hbm>>
      %dma_wait3A_119 = arith.constant 0 : i32
      %dma_wait3A_120 = tpu.memref_slice %dma_wait3A_118[%dma_wait3A_119] : memref<102400xf32, #tpu.memory_space<hbm>> -> memref<102400xf32, #tpu.memory_space<hbm>>
      tpu.wait_indirect_dma semaphore(%arg23 : memref<!tpu.dma_semaphore, #tpu.memory_space<semaphore_mem>>) src(%dma_wait3A_120 : memref<102400xf32, #tpu.memory_space<hbm>>) dst(%arg10 : memref<128xf32, #tpu.memory_space<vmem>>)
      %dma_wait3A_121 = arith.constant 1 : i32
      %dma_wait3A_122 = arith.constant 0 : i32
      %dma_wait3A_123 = tpu.memref_slice %arg8[%dma_wait3A_121, %dma_wait3A_122] : memref<2x128xi32, #tpu.memory_space<vmem>> -> memref<1x128xi32, #tpu.memory_space<vmem>>
      %dma_wait3A_124 = tpu.memref_squeeze %dma_wait3A_123 : memref<1x128xi32, #tpu.memory_space<vmem>> -> memref<128xi32, #tpu.memory_space<vmem>>
      %dma_wait3A_125 = arith.constant 0 : i32
      %dma_wait3A_126 = tpu.memref_slice %arg4[%arg0, %dma_wait3A_125] : memref<2x102400xf32, #tpu.memory_space<hbm>> -> memref<1x102400xf32, #tpu.memory_space<hbm>>
      %dma_wait3A_127 = tpu.memref_squeeze %dma_wait3A_126 : memref<1x102400xf32, #tpu.memory_space<hbm>> -> memref<102400xf32, #tpu.memory_space<hbm>>
      %dma_wait3A_128 = arith.constant 0 : i32
      %dma_wait3A_129 = tpu.memref_slice %dma_wait3A_127[%dma_wait3A_128] : memref<102400xf32, #tpu.memory_space<hbm>> -> memref<102400xf32, #tpu.memory_space<hbm>>
      tpu.wait_indirect_dma semaphore(%arg24 : memref<!tpu.dma_semaphore, #tpu.memory_space<semaphore_mem>>) src(%dma_wait3A_129 : memref<102400xf32, #tpu.memory_space<hbm>>) dst(%arg11 : memref<128xf32, #tpu.memory_space<vmem>>)
      %mul3A_130 = arith.constant 128 : i32
      %mul3A_131 = arith.muli %add3A_96, %mul3A_130 : i32
      %add3A_132 = arith.addi %mul3A_19, %mul3A_131 : i32
      %scan3A_133 = arith.constant 0 : i32
      %scan3A_134 = arith.constant 0 : i32
      %scan3A_135 = arith.constant 8 : i32
      %scan3A_136 = arith.addi %scan3A_134, %scan3A_135 : i32
      %scan3A_137 = arith.constant 4 : i32
      scf.for %scan3A_240 = %scan3A_134 to %scan3A_136 step %scan3A_137  : i32 {
        %mul3A_241 = arith.constant 16 : i32
        %mul3A_242 = arith.muli %scan3A_240, %mul3A_241 : i32
        %get3A = arith.index_cast %mul3A_242 : i32 to index
        %get3A_243 = tpu.vector_load %arg10[%get3A] {strides = array<i32>} : memref<128xf32, #tpu.memory_space<vmem>>, vector<16xf32>,
        %mul3A_244 = arith.constant 16 : i32
        %mul3A_245 = arith.muli %scan3A_240, %mul3A_244 : i32
        %get3A_246 = arith.index_cast %mul3A_245 : i32 to index
        %get3A_247 = tpu.vector_load %arg11[%get3A_246] {strides = array<i32>} : memref<128xf32, #tpu.memory_space<vmem>>, vector<16xf32>,
        %add3A_248 = arith.addf %get3A_243, %get3A_247 : vector<16xf32>
        %gt3A = arith.constant 0.000000e+00 : f32
        %gt3A_249 = vector.broadcast %gt3A : f32 to vector<16xf32>
        %gt3A_250 = arith.cmpf ogt, %add3A_248, %gt3A_249 : vector<16xf32>
        %mul3A_251 = arith.constant 2.000000e-01 : f32
        %mul3A_252 = vector.broadcast %mul3A_251 : f32 to vector<16xf32>
        %mul3A_253 = arith.mulf %mul3A_252, %add3A_248 : vector<16xf32>
        %select_n3A = arith.select %gt3A_250, %add3A_248, %mul3A_253 : vector<16xi1>, vector<16xf32>
        %mul3A_254 = arith.constant 16 : i32
        %mul3A_255 = arith.muli %scan3A_240, %mul3A_254 : i32
        %add3A_256 = arith.addi %add3A_132, %mul3A_255 : i32
        %iota3A = tpu.iota {dimensions = array<i32: 0>} : vector<16xi32>
        %add3A_257 = vector.broadcast %add3A_256 : i32 to vector<16xi32>
        %add3A_258 = arith.addi %add3A_257, %iota3A : vector<16xi32>
        %lt3A_259 = arith.constant 1700000 : i32
        %lt3A_260 = vector.broadcast %lt3A_259 : i32 to vector<16xi32>
        %lt3A_261 = arith.cmpi slt, %add3A_258, %lt3A_260 : vector<16xi32>
        %exp3A = math.exp %select_n3A : vector<16xf32>
        %jit3A = arith.constant 0.000000e+00 : f32
        %broadcast_in_dim3A = vector.broadcast %jit3A : f32 to vector<16xf32>
        %select_n3A_262 = arith.select %lt3A_261, %exp3A, %broadcast_in_dim3A : vector<16xi1>, vector<16xf32>
        %mul3A_263 = arith.constant 16 : i32
        %mul3A_264 = arith.muli %scan3A_240, %mul3A_263 : i32
        %swap3A = arith.index_cast %mul3A_264 : i32 to index
        %swap3A_265 = tpu.vector_load %arg10[%swap3A] {strides = array<i32>} : memref<128xf32, #tpu.memory_space<vmem>>, vector<16xf32>,
        tpu.vector_store %arg10[%swap3A], %select_n3A_262 {strides = array<i32>} : memref<128xf32, #tpu.memory_space<vmem>>, vector<16xf32>,
        %scan3A_266 = arith.constant 1 : i32
        %scan3A_267 = arith.addi %scan3A_240, %scan3A_266 : i32
        %mul3A_268 = arith.constant 16 : i32
        %mul3A_269 = arith.muli %scan3A_267, %mul3A_268 : i32
        %get3A_270 = arith.index_cast %mul3A_269 : i32 to index
        %get3A_271 = tpu.vector_load %arg10[%get3A_270] {strides = array<i32>} : memref<128xf32, #tpu.memory_space<vmem>>, vector<16xf32>,
        %mul3A_272 = arith.constant 16 : i32
        %mul3A_273 = arith.muli %scan3A_267, %mul3A_272 : i32
        %get3A_274 = arith.index_cast %mul3A_273 : i32 to index
        %get3A_275 = tpu.vector_load %arg11[%get3A_274] {strides = array<i32>} : memref<128xf32, #tpu.memory_space<vmem>>, vector<16xf32>,
        %add3A_276 = arith.addf %get3A_271, %get3A_275 : vector<16xf32>
        %gt3A_277 = arith.constant 0.000000e+00 : f32
        %gt3A_278 = vector.broadcast %gt3A_277 : f32 to vector<16xf32>
        %gt3A_279 = arith.cmpf ogt, %add3A_276, %gt3A_278 : vector<16xf32>
        %mul3A_280 = arith.constant 2.000000e-01 : f32
        %mul3A_281 = vector.broadcast %mul3A_280 : f32 to vector<16xf32>
        %mul3A_282 = arith.mulf %mul3A_281, %add3A_276 : vector<16xf32>
        %select_n3A_283 = arith.select %gt3A_279, %add3A_276, %mul3A_282 : vector<16xi1>, vector<16xf32>
        %mul3A_284 = arith.constant 16 : i32
        %mul3A_285 = arith.muli %scan3A_267, %mul3A_284 : i32
        %add3A_286 = arith.addi %add3A_132, %mul3A_285 : i32
        %iota3A_287 = tpu.iota {dimensions = array<i32: 0>} : vector<16xi32>
        %add3A_288 = vector.broadcast %add3A_286 : i32 to vector<16xi32>
        %add3A_289 = arith.addi %add3A_288, %iota3A_287 : vector<16xi32>
        %lt3A_290 = arith.constant 1700000 : i32
        %lt3A_291 = vector.broadcast %lt3A_290 : i32 to vector<16xi32>
        %lt3A_292 = arith.cmpi slt, %add3A_289, %lt3A_291 : vector<16xi32>
        %exp3A_293 = math.exp %select_n3A_283 : vector<16xf32>
        %jit3A_294 = arith.constant 0.000000e+00 : f32
        %broadcast_in_dim3A_295 = vector.broadcast %jit3A_294 : f32 to vector<16xf32>
        %select_n3A_296 = arith.select %lt3A_292, %exp3A_293, %broadcast_in_dim3A_295 : vector<16xi1>, vector<16xf32>
        %mul3A_297 = arith.constant 16 : i32
        %mul3A_298 = arith.muli %scan3A_267, %mul3A_297 : i32
        %swap3A_299 = arith.index_cast %mul3A_298 : i32 to index
        %swap3A_300 = tpu.vector_load %arg10[%swap3A_299] {strides = array<i32>} : memref<128xf32, #tpu.memory_space<vmem>>, vector<16xf32>,
        tpu.vector_store %arg10[%swap3A_299], %select_n3A_296 {strides = array<i32>} : memref<128xf32, #tpu.memory_space<vmem>>, vector<16xf32>,
        %scan3A_301 = arith.constant 2 : i32
        %scan3A_302 = arith.addi %scan3A_240, %scan3A_301 : i32
        %mul3A_303 = arith.constant 16 : i32
        %mul3A_304 = arith.muli %scan3A_302, %mul3A_303 : i32
        %get3A_305 = arith.index_cast %mul3A_304 : i32 to index
        %get3A_306 = tpu.vector_load %arg10[%get3A_305] {strides = array<i32>} : memref<128xf32, #tpu.memory_space<vmem>>, vector<16xf32>,
        %mul3A_307 = arith.constant 16 : i32
        %mul3A_308 = arith.muli %scan3A_302, %mul3A_307 : i32
        %get3A_309 = arith.index_cast %mul3A_308 : i32 to index
        %get3A_310 = tpu.vector_load %arg11[%get3A_309] {strides = array<i32>} : memref<128xf32, #tpu.memory_space<vmem>>, vector<16xf32>,
        %add3A_311 = arith.addf %get3A_306, %get3A_310 : vector<16xf32>
        %gt3A_312 = arith.constant 0.000000e+00 : f32
        %gt3A_313 = vector.broadcast %gt3A_312 : f32 to vector<16xf32>
        %gt3A_314 = arith.cmpf ogt, %add3A_311, %gt3A_313 : vector<16xf32>
        %mul3A_315 = arith.constant 2.000000e-01 : f32
        %mul3A_316 = vector.broadcast %mul3A_315 : f32 to vector<16xf32>
        %mul3A_317 = arith.mulf %mul3A_316, %add3A_311 : vector<16xf32>
        %select_n3A_318 = arith.select %gt3A_314, %add3A_311, %mul3A_317 : vector<16xi1>, vector<16xf32>
        %mul3A_319 = arith.constant 16 : i32
        %mul3A_320 = arith.muli %scan3A_302, %mul3A_319 : i32
        %add3A_321 = arith.addi %add3A_132, %mul3A_320 : i32
        %iota3A_322 = tpu.iota {dimensions = array<i32: 0>} : vector<16xi32>
        %add3A_323 = vector.broadcast %add3A_321 : i32 to vector<16xi32>
        %add3A_324 = arith.addi %add3A_323, %iota3A_322 : vector<16xi32>
        %lt3A_325 = arith.constant 1700000 : i32
        %lt3A_326 = vector.broadcast %lt3A_325 : i32 to vector<16xi32>
        %lt3A_327 = arith.cmpi slt, %add3A_324, %lt3A_326 : vector<16xi32>
        %exp3A_328 = math.exp %select_n3A_318 : vector<16xf32>
        %jit3A_329 = arith.constant 0.000000e+00 : f32
        %broadcast_in_dim3A_330 = vector.broadcast %jit3A_329 : f32 to vector<16xf32>
        %select_n3A_331 = arith.select %lt3A_327, %exp3A_328, %broadcast_in_dim3A_330 : vector<16xi1>, vector<16xf32>
        %mul3A_332 = arith.constant 16 : i32
        %mul3A_333 = arith.muli %scan3A_302, %mul3A_332 : i32
        %swap3A_334 = arith.index_cast %mul3A_333 : i32 to index
        %swap3A_335 = tpu.vector_load %arg10[%swap3A_334] {strides = array<i32>} : memref<128xf32, #tpu.memory_space<vmem>>, vector<16xf32>,
        tpu.vector_store %arg10[%swap3A_334], %select_n3A_331 {strides = array<i32>} : memref<128xf32, #tpu.memory_space<vmem>>, vector<16xf32>,
        %scan3A_336 = arith.constant 3 : i32
        %scan3A_337 = arith.addi %scan3A_240, %scan3A_336 : i32
        %mul3A_338 = arith.constant 16 : i32
        %mul3A_339 = arith.muli %scan3A_337, %mul3A_338 : i32
        %get3A_340 = arith.index_cast %mul3A_339 : i32 to index
        %get3A_341 = tpu.vector_load %arg10[%get3A_340] {strides = array<i32>} : memref<128xf32, #tpu.memory_space<vmem>>, vector<16xf32>,
        %mul3A_342 = arith.constant 16 : i32
        %mul3A_343 = arith.muli %scan3A_337, %mul3A_342 : i32
        %get3A_344 = arith.index_cast %mul3A_343 : i32 to index
        %get3A_345 = tpu.vector_load %arg11[%get3A_344] {strides = array<i32>} : memref<128xf32, #tpu.memory_space<vmem>>, vector<16xf32>,
        %add3A_346 = arith.addf %get3A_341, %get3A_345 : vector<16xf32>
        %gt3A_347 = arith.constant 0.000000e+00 : f32
        %gt3A_348 = vector.broadcast %gt3A_347 : f32 to vector<16xf32>
        %gt3A_349 = arith.cmpf ogt, %add3A_346, %gt3A_348 : vector<16xf32>
        %mul3A_350 = arith.constant 2.000000e-01 : f32
        %mul3A_351 = vector.broadcast %mul3A_350 : f32 to vector<16xf32>
        %mul3A_352 = arith.mulf %mul3A_351, %add3A_346 : vector<16xf32>
        %select_n3A_353 = arith.select %gt3A_349, %add3A_346, %mul3A_352 : vector<16xi1>, vector<16xf32>
        %mul3A_354 = arith.constant 16 : i32
        %mul3A_355 = arith.muli %scan3A_337, %mul3A_354 : i32
        %add3A_356 = arith.addi %add3A_132, %mul3A_355 : i32
        %iota3A_357 = tpu.iota {dimensions = array<i32: 0>} : vector<16xi32>
        %add3A_358 = vector.broadcast %add3A_356 : i32 to vector<16xi32>
        %add3A_359 = arith.addi %add3A_358, %iota3A_357 : vector<16xi32>
        %lt3A_360 = arith.constant 1700000 : i32
        %lt3A_361 = vector.broadcast %lt3A_360 : i32 to vector<16xi32>
        %lt3A_362 = arith.cmpi slt, %add3A_359, %lt3A_361 : vector<16xi32>
        %exp3A_363 = math.exp %select_n3A_353 : vector<16xf32>
        %jit3A_364 = arith.constant 0.000000e+00 : f32
        %broadcast_in_dim3A_365 = vector.broadcast %jit3A_364 : f32 to vector<16xf32>
        %select_n3A_366 = arith.select %lt3A_362, %exp3A_363, %broadcast_in_dim3A_365 : vector<16xi1>, vector<16xf32>
        %mul3A_367 = arith.constant 16 : i32
        %mul3A_368 = arith.muli %scan3A_337, %mul3A_367 : i32
        %swap3A_369 = arith.index_cast %mul3A_368 : i32 to index
        %swap3A_370 = tpu.vector_load %arg10[%swap3A_369] {strides = array<i32>} : memref<128xf32, #tpu.memory_space<vmem>>, vector<16xf32>,
        tpu.vector_store %arg10[%swap3A_369], %select_n3A_366 {strides = array<i32>} : memref<128xf32, #tpu.memory_space<vmem>>, vector<16xf32>,
      }
      %scan3A_138 = arith.constant 8 : i32
      %scan3A_139 = arith.constant 0 : i32
      %scan3A_140 = arith.constant 0 : i32
      %scan3A_141 = arith.constant 128 : i32
      %scan3A_142 = arith.addi %scan3A_140, %scan3A_141 : i32
      %scan3A_143 = arith.constant 8 : i32
      scf.for %scan3A_240 = %scan3A_140 to %scan3A_142 step %scan3A_143  : i32 {
        %broadcast_in_dim3A = vector.broadcast %scan3A_240 : i32 to vector<16xi32>
        %gather3A = tpu.vector_load_idx %arg10[%broadcast_in_dim3A] : memref<128xf32, #tpu.memory_space<vmem>>[vector<16xi32>], vector<16xf32>,
        %get3A = arith.index_cast %scan3A_240 : i32 to index
        %get3A_241 = arith.constant 0 : index
        %get3A_242 = tpu.vector_load %arg9[%get3A, %get3A_241] {strides = array<i32>} : memref<128x16xf32, #tpu.memory_space<vmem>>, vector<16xf32>,
        %mul3A_243 = arith.mulf %get3A_242, %gather3A : vector<16xf32>
        %swap3A = arith.index_cast %scan3A_240 : i32 to index
        %swap3A_244 = arith.constant 0 : index
        %swap3A_245 = tpu.vector_load %arg9[%swap3A, %swap3A_244] {strides = array<i32>} : memref<128x16xf32, #tpu.memory_space<vmem>>, vector<16xf32>,
        tpu.vector_store %arg9[%swap3A, %swap3A_244], %mul3A_243 {strides = array<i32>} : memref<128x16xf32, #tpu.memory_space<vmem>>, vector<16xf32>,
        %scan3A_246 = arith.constant 1 : i32
        %scan3A_247 = arith.addi %scan3A_240, %scan3A_246 : i32
        %broadcast_in_dim3A_248 = vector.broadcast %scan3A_247 : i32 to vector<16xi32>
        %gather3A_249 = tpu.vector_load_idx %arg10[%broadcast_in_dim3A_248] : memref<128xf32, #tpu.memory_space<vmem>>[vector<16xi32>], vector<16xf32>,
        %get3A_250 = arith.index_cast %scan3A_247 : i32 to index
        %get3A_251 = arith.constant 0 : index
        %get3A_252 = tpu.vector_load %arg9[%get3A_250, %get3A_251] {strides = array<i32>} : memref<128x16xf32, #tpu.memory_space<vmem>>, vector<16xf32>,
        %mul3A_253 = arith.mulf %get3A_252, %gather3A_249 : vector<16xf32>
        %swap3A_254 = arith.index_cast %scan3A_247 : i32 to index
        %swap3A_255 = arith.constant 0 : index
        %swap3A_256 = tpu.vector_load %arg9[%swap3A_254, %swap3A_255] {strides = array<i32>} : memref<128x16xf32, #tpu.memory_space<vmem>>, vector<16xf32>,
        tpu.vector_store %arg9[%swap3A_254, %swap3A_255], %mul3A_253 {strides = array<i32>} : memref<128x16xf32, #tpu.memory_space<vmem>>, vector<16xf32>,
        %scan3A_257 = arith.constant 2 : i32
        %scan3A_258 = arith.addi %scan3A_240, %scan3A_257 : i32
        %broadcast_in_dim3A_259 = vector.broadcast %scan3A_258 : i32 to vector<16xi32>
        %gather3A_260 = tpu.vector_load_idx %arg10[%broadcast_in_dim3A_259] : memref<128xf32, #tpu.memory_space<vmem>>[vector<16xi32>], vector<16xf32>,
        %get3A_261 = arith.index_cast %scan3A_258 : i32 to index
        %get3A_262 = arith.constant 0 : index
        %get3A_263 = tpu.vector_load %arg9[%get3A_261, %get3A_262] {strides = array<i32>} : memref<128x16xf32, #tpu.memory_space<vmem>>, vector<16xf32>,
        %mul3A_264 = arith.mulf %get3A_263, %gather3A_260 : vector<16xf32>
        %swap3A_265 = arith.index_cast %scan3A_258 : i32 to index
        %swap3A_266 = arith.constant 0 : index
        %swap3A_267 = tpu.vector_load %arg9[%swap3A_265, %swap3A_266] {strides = array<i32>} : memref<128x16xf32, #tpu.memory_space<vmem>>, vector<16xf32>,
        tpu.vector_store %arg9[%swap3A_265, %swap3A_266], %mul3A_264 {strides = array<i32>} : memref<128x16xf32, #tpu.memory_space<vmem>>, vector<16xf32>,
        %scan3A_268 = arith.constant 3 : i32
        %scan3A_269 = arith.addi %scan3A_240, %scan3A_268 : i32
        %broadcast_in_dim3A_270 = vector.broadcast %scan3A_269 : i32 to vector<16xi32>
        %gather3A_271 = tpu.vector_load_idx %arg10[%broadcast_in_dim3A_270] : memref<128xf32, #tpu.memory_space<vmem>>[vector<16xi32>], vector<16xf32>,
        %get3A_272 = arith.index_cast %scan3A_269 : i32 to index
        %get3A_273 = arith.constant 0 : index
        %get3A_274 = tpu.vector_load %arg9[%get3A_272, %get3A_273] {strides = array<i32>} : memref<128x16xf32, #tpu.memory_space<vmem>>, vector<16xf32>,
        %mul3A_275 = arith.mulf %get3A_274, %gather3A_271 : vector<16xf32>
        %swap3A_276 = arith.index_cast %scan3A_269 : i32 to index
        %swap3A_277 = arith.constant 0 : index
        %swap3A_278 = tpu.vector_load %arg9[%swap3A_276, %swap3A_277] {strides = array<i32>} : memref<128x16xf32, #tpu.memory_space<vmem>>, vector<16xf32>,
        tpu.vector_store %arg9[%swap3A_276, %swap3A_277], %mul3A_275 {strides = array<i32>} : memref<128x16xf32, #tpu.memory_space<vmem>>, vector<16xf32>,
        %scan3A_279 = arith.constant 4 : i32
        %scan3A_280 = arith.addi %scan3A_240, %scan3A_279 : i32
        %broadcast_in_dim3A_281 = vector.broadcast %scan3A_280 : i32 to vector<16xi32>
        %gather3A_282 = tpu.vector_load_idx %arg10[%broadcast_in_dim3A_281] : memref<128xf32, #tpu.memory_space<vmem>>[vector<16xi32>], vector<16xf32>,
        %get3A_283 = arith.index_cast %scan3A_280 : i32 to index
        %get3A_284 = arith.constant 0 : index
        %get3A_285 = tpu.vector_load %arg9[%get3A_283, %get3A_284] {strides = array<i32>} : memref<128x16xf32, #tpu.memory_space<vmem>>, vector<16xf32>,
        %mul3A_286 = arith.mulf %get3A_285, %gather3A_282 : vector<16xf32>
        %swap3A_287 = arith.index_cast %scan3A_280 : i32 to index
        %swap3A_288 = arith.constant 0 : index
        %swap3A_289 = tpu.vector_load %arg9[%swap3A_287, %swap3A_288] {strides = array<i32>} : memref<128x16xf32, #tpu.memory_space<vmem>>, vector<16xf32>,
        tpu.vector_store %arg9[%swap3A_287, %swap3A_288], %mul3A_286 {strides = array<i32>} : memref<128x16xf32, #tpu.memory_space<vmem>>, vector<16xf32>,
        %scan3A_290 = arith.constant 5 : i32
        %scan3A_291 = arith.addi %scan3A_240, %scan3A_290 : i32
        %broadcast_in_dim3A_292 = vector.broadcast %scan3A_291 : i32 to vector<16xi32>
        %gather3A_293 = tpu.vector_load_idx %arg10[%broadcast_in_dim3A_292] : memref<128xf32, #tpu.memory_space<vmem>>[vector<16xi32>], vector<16xf32>,
        %get3A_294 = arith.index_cast %scan3A_291 : i32 to index
        %get3A_295 = arith.constant 0 : index
        %get3A_296 = tpu.vector_load %arg9[%get3A_294, %get3A_295] {strides = array<i32>} : memref<128x16xf32, #tpu.memory_space<vmem>>, vector<16xf32>,
        %mul3A_297 = arith.mulf %get3A_296, %gather3A_293 : vector<16xf32>
        %swap3A_298 = arith.index_cast %scan3A_291 : i32 to index
        %swap3A_299 = arith.constant 0 : index
        %swap3A_300 = tpu.vector_load %arg9[%swap3A_298, %swap3A_299] {strides = array<i32>} : memref<128x16xf32, #tpu.memory_space<vmem>>, vector<16xf32>,
        tpu.vector_store %arg9[%swap3A_298, %swap3A_299], %mul3A_297 {strides = array<i32>} : memref<128x16xf32, #tpu.memory_space<vmem>>, vector<16xf32>,
        %scan3A_301 = arith.constant 6 : i32
        %scan3A_302 = arith.addi %scan3A_240, %scan3A_301 : i32
        %broadcast_in_dim3A_303 = vector.broadcast %scan3A_302 : i32 to vector<16xi32>
        %gather3A_304 = tpu.vector_load_idx %arg10[%broadcast_in_dim3A_303] : memref<128xf32, #tpu.memory_space<vmem>>[vector<16xi32>], vector<16xf32>,
        %get3A_305 = arith.index_cast %scan3A_302 : i32 to index
        %get3A_306 = arith.constant 0 : index
        %get3A_307 = tpu.vector_load %arg9[%get3A_305, %get3A_306] {strides = array<i32>} : memref<128x16xf32, #tpu.memory_space<vmem>>, vector<16xf32>,
        %mul3A_308 = arith.mulf %get3A_307, %gather3A_304 : vector<16xf32>
        %swap3A_309 = arith.index_cast %scan3A_302 : i32 to index
        %swap3A_310 = arith.constant 0 : index
        %swap3A_311 = tpu.vector_load %arg9[%swap3A_309, %swap3A_310] {strides = array<i32>} : memref<128x16xf32, #tpu.memory_space<vmem>>, vector<16xf32>,
        tpu.vector_store %arg9[%swap3A_309, %swap3A_310], %mul3A_308 {strides = array<i32>} : memref<128x16xf32, #tpu.memory_space<vmem>>, vector<16xf32>,
        %scan3A_312 = arith.constant 7 : i32
        %scan3A_313 = arith.addi %scan3A_240, %scan3A_312 : i32
        %broadcast_in_dim3A_314 = vector.broadcast %scan3A_313 : i32 to vector<16xi32>
        %gather3A_315 = tpu.vector_load_idx %arg10[%broadcast_in_dim3A_314] : memref<128xf32, #tpu.memory_space<vmem>>[vector<16xi32>], vector<16xf32>,
        %get3A_316 = arith.index_cast %scan3A_313 : i32 to index
        %get3A_317 = arith.constant 0 : index
        %get3A_318 = tpu.vector_load %arg9[%get3A_316, %get3A_317] {strides = array<i32>} : memref<128x16xf32, #tpu.memory_space<vmem>>, vector<16xf32>,
        %mul3A_319 = arith.mulf %get3A_318, %gather3A_315 : vector<16xf32>
        %swap3A_320 = arith.index_cast %scan3A_313 : i32 to index
        %swap3A_321 = arith.constant 0 : index
        %swap3A_322 = tpu.vector_load %arg9[%swap3A_320, %swap3A_321] {strides = array<i32>} : memref<128x16xf32, #tpu.memory_space<vmem>>, vector<16xf32>,
        tpu.vector_store %arg9[%swap3A_320, %swap3A_321], %mul3A_319 {strides = array<i32>} : memref<128x16xf32, #tpu.memory_space<vmem>>, vector<16xf32>,
      }
      %scan3A_144 = arith.constant 128 : i32
      %add3A_145 = arith.constant 1 : i32
      %add3A_146 = arith.addi %add3A_96, %add3A_145 : i32
      %lt3A_147 = arith.constant 832 : i32
      %lt3A_148 = arith.cmpi slt, %add3A_146, %lt3A_147 : i32
      %convert_element_type3A_149 = arith.extui %lt3A_148 : i1 to i32
      %cond3A_150 = arith.constant 0 : i32
      %cond3A_151 = arith.cmpi ne, %convert_element_type3A_149, %cond3A_150 : i32
      scf.if %cond3A_151 {
        %dma_wait3A_240 = arith.constant 0 : i32
        %dma_wait3A_241 = arith.constant 0 : i32
        %dma_wait3A_242 = tpu.memref_slice %arg2[%dma_wait3A_240, %dma_wait3A_241] : memref<26624x128xi32, #tpu.memory_space<hbm>> -> memref<2x128xi32, #tpu.memory_space<hbm>>
        %dma_wait3A_243 = arith.constant 0 : i32
        %dma_wait3A_244 = arith.constant 0 : i32
        %dma_wait3A_245 = tpu.memref_slice %arg2[%dma_wait3A_243, %dma_wait3A_244] : memref<26624x128xi32, #tpu.memory_space<hbm>> -> memref<2x128xi32, #tpu.memory_space<hbm>>
        tpu.wait_dma2 semaphore(%arg25 : memref<!tpu.dma_semaphore, #tpu.memory_space<semaphore_mem>>) src(%dma_wait3A_245 : memref<2x128xi32, #tpu.memory_space<hbm>>) dst(%arg12 : memref<2x128xi32, #tpu.memory_space<vmem>>)
        %dma_start3A_246 = arith.constant 0 : i32
        %dma_start3A_247 = arith.constant 0 : i32
        %dma_start3A_248 = tpu.memref_slice %arg12[%dma_start3A_246, %dma_start3A_247] : memref<2x128xi32, #tpu.memory_space<vmem>> -> memref<1x128xi32, #tpu.memory_space<vmem>>
        %dma_start3A_249 = tpu.memref_squeeze %dma_start3A_248 : memref<1x128xi32, #tpu.memory_space<vmem>> -> memref<128xi32, #tpu.memory_space<vmem>>
        %dma_start3A_250 = arith.constant 0 : i32
        %dma_start3A_251 = arith.constant 0 : i32
        %dma_start3A_252 = tpu.memref_slice %arg3[%arg0, %dma_start3A_250, %dma_start3A_251] : memref<2x102400x16xf32, #tpu.memory_space<hbm>> -> memref<1x102400x16xf32, #tpu.memory_space<hbm>>
        %dma_start3A_253 = tpu.memref_squeeze %dma_start3A_252 : memref<1x102400x16xf32, #tpu.memory_space<hbm>> -> memref<102400x16xf32, #tpu.memory_space<hbm>>
        %dma_start3A_254 = arith.constant 0 : i32
        %dma_start3A_255 = arith.constant 0 : i32
        %dma_start3A_256 = tpu.memref_slice %dma_start3A_253[%dma_start3A_254, %dma_start3A_255] : memref<102400x16xf32, #tpu.memory_space<hbm>> -> memref<102400x16xf32, #tpu.memory_space<hbm>>
        tpu.enqueue_indirect_dma source(%dma_start3A_256 : memref<102400x16xf32, #tpu.memory_space<hbm>>) target(%arg13 : memref<128x16xf32, #tpu.memory_space<vmem>>) offsets(%dma_start3A_249 : memref<128xi32, #tpu.memory_space<vmem>>) semaphore(%arg26 : memref<!tpu.dma_semaphore, #tpu.memory_space<semaphore_mem>>)
        %dma_start3A_257 = arith.constant 0 : i32
        %dma_start3A_258 = arith.constant 0 : i32
        %dma_start3A_259 = tpu.memref_slice %arg12[%dma_start3A_257, %dma_start3A_258] : memref<2x128xi32, #tpu.memory_space<vmem>> -> memref<1x128xi32, #tpu.memory_space<vmem>>
        %dma_start3A_260 = tpu.memref_squeeze %dma_start3A_259 : memref<1x128xi32, #tpu.memory_space<vmem>> -> memref<128xi32, #tpu.memory_space<vmem>>
        %dma_start3A_261 = arith.constant 0 : i32
        %dma_start3A_262 = tpu.memref_slice %arg4[%arg0, %dma_start3A_261] : memref<2x102400xf32, #tpu.memory_space<hbm>> -> memref<1x102400xf32, #tpu.memory_space<hbm>>
        %dma_start3A_263 = tpu.memref_squeeze %dma_start3A_262 : memref<1x102400xf32, #tpu.memory_space<hbm>> -> memref<102400xf32, #tpu.memory_space<hbm>>
        %dma_start3A_264 = arith.constant 0 : i32
        %dma_start3A_265 = tpu.memref_slice %dma_start3A_263[%dma_start3A_264] : memref<102400xf32, #tpu.memory_space<hbm>> -> memref<102400xf32, #tpu.memory_space<hbm>>
        tpu.enqueue_indirect_dma source(%dma_start3A_265 : memref<102400xf32, #tpu.memory_space<hbm>>) target(%arg14 : memref<128xf32, #tpu.memory_space<vmem>>) offsets(%dma_start3A_260 : memref<128xi32, #tpu.memory_space<vmem>>) semaphore(%arg27 : memref<!tpu.dma_semaphore, #tpu.memory_space<semaphore_mem>>)
        %dma_start3A_266 = arith.constant 1 : i32
        %dma_start3A_267 = arith.constant 0 : i32
        %dma_start3A_268 = tpu.memref_slice %arg12[%dma_start3A_266, %dma_start3A_267] : memref<2x128xi32, #tpu.memory_space<vmem>> -> memref<1x128xi32, #tpu.memory_space<vmem>>
        %dma_start3A_269 = tpu.memref_squeeze %dma_start3A_268 : memref<1x128xi32, #tpu.memory_space<vmem>> -> memref<128xi32, #tpu.memory_space<vmem>>
        %dma_start3A_270 = arith.constant 0 : i32
        %dma_start3A_271 = tpu.memref_slice %arg20[%dma_start3A_270] : memref<100096xf32, #tpu.memory_space<vmem_shared>> -> memref<100096xf32, #tpu.memory_space<vmem_shared>>
        tpu.enqueue_indirect_dma source(%dma_start3A_271 : memref<100096xf32, #tpu.memory_space<vmem_shared>>) target(%arg15 : memref<128xf32, #tpu.memory_space<vmem>>) offsets(%dma_start3A_269 : memref<128xi32, #tpu.memory_space<vmem>>) semaphore(%arg28 : memref<!tpu.dma_semaphore, #tpu.memory_space<semaphore_mem>>)
      } else {
      }
      %dma_start3A_152 = arith.constant 1 : i32
      %dma_start3A_153 = arith.constant 0 : i32
      %dma_start3A_154 = tpu.memref_slice %arg8[%dma_start3A_152, %dma_start3A_153] : memref<2x128xi32, #tpu.memory_space<vmem>> -> memref<1x128xi32, #tpu.memory_space<vmem>>
      %dma_start3A_155 = tpu.memref_squeeze %dma_start3A_154 : memref<1x128xi32, #tpu.memory_space<vmem>> -> memref<128xi32, #tpu.memory_space<vmem>>
      %dma_start3A_156 = arith.constant 0 : i32
      %dma_start3A_157 = arith.constant 0 : i32
      %dma_start3A_158 = tpu.memref_slice %arg18[%dma_start3A_156, %dma_start3A_157] : memref<100096x16xf32, #tpu.memory_space<vmem_shared>> -> memref<100096x16xf32, #tpu.memory_space<vmem_shared>>
      tpu.enqueue_indirect_dma source(%arg9 : memref<128x16xf32, #tpu.memory_space<vmem>>) target(%dma_start3A_158 : memref<100096x16xf32, #tpu.memory_space<vmem_shared>>) offsets(%dma_start3A_155 : memref<128xi32, #tpu.memory_space<vmem>>) semaphore(%arg29 : memref<!tpu.dma_semaphore, #tpu.memory_space<semaphore_mem>>) {add = true}
      %dma_start3A_159 = arith.constant 1 : i32
      %dma_start3A_160 = arith.constant 0 : i32
      %dma_start3A_161 = tpu.memref_slice %arg8[%dma_start3A_159, %dma_start3A_160] : memref<2x128xi32, #tpu.memory_space<vmem>> -> memref<1x128xi32, #tpu.memory_space<vmem>>
      %dma_start3A_162 = tpu.memref_squeeze %dma_start3A_161 : memref<1x128xi32, #tpu.memory_space<vmem>> -> memref<128xi32, #tpu.memory_space<vmem>>
      %dma_start3A_163 = arith.constant 0 : i32
      %dma_start3A_164 = tpu.memref_slice %arg19[%dma_start3A_163] : memref<100096xf32, #tpu.memory_space<vmem_shared>> -> memref<100096xf32, #tpu.memory_space<vmem_shared>>
      tpu.enqueue_indirect_dma source(%arg10 : memref<128xf32, #tpu.memory_space<vmem>>) target(%dma_start3A_164 : memref<100096xf32, #tpu.memory_space<vmem_shared>>) offsets(%dma_start3A_162 : memref<128xi32, #tpu.memory_space<vmem>>) semaphore(%arg30 : memref<!tpu.dma_semaphore, #tpu.memory_space<semaphore_mem>>) {add = true}
      %mul3A_165 = arith.constant 2 : i32
      %mul3A_166 = arith.muli %mul3A_165, %scan3A_92 : i32
      %add3A_167 = arith.constant 1 : i32
      %add3A_168 = arith.addi %mul3A_166, %add3A_167 : i32
      %add3A_169 = arith.constant 1 : i32
      %add3A_170 = arith.addi %add3A_168, %add3A_169 : i32
      %lt3A_171 = arith.constant 832 : i32
      %lt3A_172 = arith.cmpi slt, %add3A_170, %lt3A_171 : i32
      %convert_element_type3A_173 = arith.extui %lt3A_172 : i1 to i32
      %cond3A_174 = arith.constant 0 : i32
      %cond3A_175 = arith.cmpi ne, %convert_element_type3A_173, %cond3A_174 : i32
      scf.if %cond3A_175 {
        %ge3A = arith.constant 1 : i32
        %ge3A_240 = arith.cmpi sge, %add3A_168, %ge3A : i32
        %convert_element_type3A_241 = arith.extui %ge3A_240 : i1 to i32
        %cond3A_242 = arith.constant 0 : i32
        %cond3A_243 = arith.cmpi ne, %convert_element_type3A_241, %cond3A_242 : i32
        scf.if %cond3A_243 {
          %dma_wait3A_253 = arith.constant 1 : i32
          %dma_wait3A_254 = arith.constant 0 : i32
          %dma_wait3A_255 = tpu.memref_slice %arg8[%dma_wait3A_253, %dma_wait3A_254] : memref<2x128xi32, #tpu.memory_space<vmem>> -> memref<1x128xi32, #tpu.memory_space<vmem>>
          %dma_wait3A_256 = tpu.memref_squeeze %dma_wait3A_255 : memref<1x128xi32, #tpu.memory_space<vmem>> -> memref<128xi32, #tpu.memory_space<vmem>>
          %dma_wait3A_257 = arith.constant 0 : i32
          %dma_wait3A_258 = arith.constant 0 : i32
          %dma_wait3A_259 = tpu.memref_slice %arg18[%dma_wait3A_257, %dma_wait3A_258] : memref<100096x16xf32, #tpu.memory_space<vmem_shared>> -> memref<100096x16xf32, #tpu.memory_space<vmem_shared>>
          tpu.wait_indirect_dma semaphore(%arg29 : memref<!tpu.dma_semaphore, #tpu.memory_space<semaphore_mem>>) src(%arg9 : memref<128x16xf32, #tpu.memory_space<vmem>>) dst(%dma_wait3A_259 : memref<100096x16xf32, #tpu.memory_space<vmem_shared>>)
          %dma_wait3A_260 = arith.constant 1 : i32
          %dma_wait3A_261 = arith.constant 0 : i32
          %dma_wait3A_262 = tpu.memref_slice %arg8[%dma_wait3A_260, %dma_wait3A_261] : memref<2x128xi32, #tpu.memory_space<vmem>> -> memref<1x128xi32, #tpu.memory_space<vmem>>
          %dma_wait3A_263 = tpu.memref_squeeze %dma_wait3A_262 : memref<1x128xi32, #tpu.memory_space<vmem>> -> memref<128xi32, #tpu.memory_space<vmem>>
          %dma_wait3A_264 = arith.constant 0 : i32
          %dma_wait3A_265 = tpu.memref_slice %arg19[%dma_wait3A_264] : memref<100096xf32, #tpu.memory_space<vmem_shared>> -> memref<100096xf32, #tpu.memory_space<vmem_shared>>
          tpu.wait_indirect_dma semaphore(%arg30 : memref<!tpu.dma_semaphore, #tpu.memory_space<semaphore_mem>>) src(%arg10 : memref<128xf32, #tpu.memory_space<vmem>>) dst(%dma_wait3A_265 : memref<100096xf32, #tpu.memory_space<vmem_shared>>)
        } else {
        }
        %add3A_244 = arith.constant 1 : i32
        %add3A_245 = arith.addi %add3A_168, %add3A_244 : i32
        %add3A_246 = arith.addi %mul3A_21, %add3A_245 : i32
        %mul3A_247 = arith.constant 2 : i32
        %mul3A_248 = arith.muli %add3A_246, %mul3A_247 : i32
        %dma_start3A_249 = arith.constant 0 : i32
        %dma_start3A_250 = tpu.memref_slice %arg2[%mul3A_248, %dma_start3A_249] : memref<26624x128xi32, #tpu.memory_space<hbm>> -> memref<2x128xi32, #tpu.memory_space<hbm>>
        %dma_start3A_251 = arith.constant 0 : i32
        %dma_start3A_252 = tpu.memref_slice %arg2[%mul3A_248, %dma_start3A_251] : memref<26624x128xi32, #tpu.memory_space<hbm>> -> memref<2x128xi32, #tpu.memory_space<hbm>>
        tpu.enqueue_dma source(%dma_start3A_252 : memref<2x128xi32, #tpu.memory_space<hbm>>) target(%arg8 : memref<2x128xi32, #tpu.memory_space<vmem>>) target_semaphore(%arg21 : memref<!tpu.dma_semaphore, #tpu.memory_space<semaphore_mem>>)
      } else {
      }
      %dma_wait3A_176 = arith.constant 0 : i32
      %dma_wait3A_177 = arith.constant 0 : i32
      %dma_wait3A_178 = tpu.memref_slice %arg12[%dma_wait3A_176, %dma_wait3A_177] : memref<2x128xi32, #tpu.memory_space<vmem>> -> memref<1x128xi32, #tpu.memory_space<vmem>>
      %dma_wait3A_179 = tpu.memref_squeeze %dma_wait3A_178 : memref<1x128xi32, #tpu.memory_space<vmem>> -> memref<128xi32, #tpu.memory_space<vmem>>
      %dma_wait3A_180 = arith.constant 0 : i32
      %dma_wait3A_181 = arith.constant 0 : i32
      %dma_wait3A_182 = tpu.memref_slice %arg3[%arg0, %dma_wait3A_180, %dma_wait3A_181] : memref<2x102400x16xf32, #tpu.memory_space<hbm>> -> memref<1x102400x16xf32, #tpu.memory_space<hbm>>
      %dma_wait3A_183 = tpu.memref_squeeze %dma_wait3A_182 : memref<1x102400x16xf32, #tpu.memory_space<hbm>> -> memref<102400x16xf32, #tpu.memory_space<hbm>>
      %dma_wait3A_184 = arith.constant 0 : i32
      %dma_wait3A_185 = arith.constant 0 : i32
      %dma_wait3A_186 = tpu.memref_slice %dma_wait3A_183[%dma_wait3A_184, %dma_wait3A_185] : memref<102400x16xf32, #tpu.memory_space<hbm>> -> memref<102400x16xf32, #tpu.memory_space<hbm>>
      tpu.wait_indirect_dma semaphore(%arg26 : memref<!tpu.dma_semaphore, #tpu.memory_space<semaphore_mem>>) src(%dma_wait3A_186 : memref<102400x16xf32, #tpu.memory_space<hbm>>) dst(%arg13 : memref<128x16xf32, #tpu.memory_space<vmem>>)
      %dma_wait3A_187 = arith.constant 0 : i32
      %dma_wait3A_188 = arith.constant 0 : i32
      %dma_wait3A_189 = tpu.memref_slice %arg12[%dma_wait3A_187, %dma_wait3A_188] : memref<2x128xi32, #tpu.memory_space<vmem>> -> memref<1x128xi32, #tpu.memory_space<vmem>>
      %dma_wait3A_190 = tpu.memref_squeeze %dma_wait3A_189 : memref<1x128xi32, #tpu.memory_space<vmem>> -> memref<128xi32, #tpu.memory_space<vmem>>
      %dma_wait3A_191 = arith.constant 0 : i32
      %dma_wait3A_192 = tpu.memref_slice %arg4[%arg0, %dma_wait3A_191] : memref<2x102400xf32, #tpu.memory_space<hbm>> -> memref<1x102400xf32, #tpu.memory_space<hbm>>
      %dma_wait3A_193 = tpu.memref_squeeze %dma_wait3A_192 : memref<1x102400xf32, #tpu.memory_space<hbm>> -> memref<102400xf32, #tpu.memory_space<hbm>>
      %dma_wait3A_194 = arith.constant 0 : i32
      %dma_wait3A_195 = tpu.memref_slice %dma_wait3A_193[%dma_wait3A_194] : memref<102400xf32, #tpu.memory_space<hbm>> -> memref<102400xf32, #tpu.memory_space<hbm>>
      tpu.wait_indirect_dma semaphore(%arg27 : memref<!tpu.dma_semaphore, #tpu.memory_space<semaphore_mem>>) src(%dma_wait3A_195 : memref<102400xf32, #tpu.memory_space<hbm>>) dst(%arg14 : memref<128xf32, #tpu.memory_space<vmem>>)
      %dma_wait3A_196 = arith.constant 1 : i32
      %dma_wait3A_197 = arith.constant 0 : i32
      %dma_wait3A_198 = tpu.memref_slice %arg12[%dma_wait3A_196, %dma_wait3A_197] : memref<2x128xi32, #tpu.memory_space<vmem>> -> memref<1x128xi32, #tpu.memory_space<vmem>>
      %dma_wait3A_199 = tpu.memref_squeeze %dma_wait3A_198 : memref<1x128xi32, #tpu.memory_space<vmem>> -> memref<128xi32, #tpu.memory_space<vmem>>
      %dma_wait3A_200 = arith.constant 0 : i32
      %dma_wait3A_201 = tpu.memref_slice %arg4[%arg0, %dma_wait3A_200] : memref<2x102400xf32, #tpu.memory_space<hbm>> -> memref<1x102400xf32, #tpu.memory_space<hbm>>
      %dma_wait3A_202 = tpu.memref_squeeze %dma_wait3A_201 : memref<1x102400xf32, #tpu.memory_space<hbm>> -> memref<102400xf32, #tpu.memory_space<hbm>>
      %dma_wait3A_203 = arith.constant 0 : i32
      %dma_wait3A_204 = tpu.memref_slice %dma_wait3A_202[%dma_wait3A_203] : memref<102400xf32, #tpu.memory_space<hbm>> -> memref<102400xf32, #tpu.memory_space<hbm>>
      tpu.wait_indirect_dma semaphore(%arg28 : memref<!tpu.dma_semaphore, #tpu.memory_space<semaphore_mem>>) src(%dma_wait3A_204 : memref<102400xf32, #tpu.memory_space<hbm>>) dst(%arg15 : memref<128xf32, #tpu.memory_space<vmem>>)
      %mul3A_205 = arith.constant 128 : i32
      %mul3A_206 = arith.muli %add3A_168, %mul3A_205 : i32
      %add3A_207 = arith.addi %mul3A_19, %mul3A_206 : i32
      %scan3A_208 = arith.constant 0 : i32
      %scan3A_209 = arith.constant 0 : i32
      %scan3A_210 = arith.constant 8 : i32
      %scan3A_211 = arith.addi %scan3A_209, %scan3A_210 : i32
      %scan3A_212 = arith.constant 4 : i32
      scf.for %scan3A_240 = %scan3A_209 to %scan3A_211 step %scan3A_212  : i32 {
        %mul3A_241 = arith.constant 16 : i32
        %mul3A_242 = arith.muli %scan3A_240, %mul3A_241 : i32
        %get3A = arith.index_cast %mul3A_242 : i32 to index
        %get3A_243 = tpu.vector_load %arg14[%get3A] {strides = array<i32>} : memref<128xf32, #tpu.memory_space<vmem>>, vector<16xf32>,
        %mul3A_244 = arith.constant 16 : i32
        %mul3A_245 = arith.muli %scan3A_240, %mul3A_244 : i32
        %get3A_246 = arith.index_cast %mul3A_245 : i32 to index
        %get3A_247 = tpu.vector_load %arg15[%get3A_246] {strides = array<i32>} : memref<128xf32, #tpu.memory_space<vmem>>, vector<16xf32>,
        %add3A_248 = arith.addf %get3A_243, %get3A_247 : vector<16xf32>
        %gt3A = arith.constant 0.000000e+00 : f32
        %gt3A_249 = vector.broadcast %gt3A : f32 to vector<16xf32>
        %gt3A_250 = arith.cmpf ogt, %add3A_248, %gt3A_249 : vector<16xf32>
        %mul3A_251 = arith.constant 2.000000e-01 : f32
        %mul3A_252 = vector.broadcast %mul3A_251 : f32 to vector<16xf32>
        %mul3A_253 = arith.mulf %mul3A_252, %add3A_248 : vector<16xf32>
        %select_n3A = arith.select %gt3A_250, %add3A_248, %mul3A_253 : vector<16xi1>, vector<16xf32>
        %mul3A_254 = arith.constant 16 : i32
        %mul3A_255 = arith.muli %scan3A_240, %mul3A_254 : i32
        %add3A_256 = arith.addi %add3A_207, %mul3A_255 : i32
        %iota3A = tpu.iota {dimensions = array<i32: 0>} : vector<16xi32>
        %add3A_257 = vector.broadcast %add3A_256 : i32 to vector<16xi32>
        %add3A_258 = arith.addi %add3A_257, %iota3A : vector<16xi32>
        %lt3A_259 = arith.constant 1700000 : i32
        %lt3A_260 = vector.broadcast %lt3A_259 : i32 to vector<16xi32>
        %lt3A_261 = arith.cmpi slt, %add3A_258, %lt3A_260 : vector<16xi32>
        %exp3A = math.exp %select_n3A : vector<16xf32>
        %jit3A = arith.constant 0.000000e+00 : f32
        %broadcast_in_dim3A = vector.broadcast %jit3A : f32 to vector<16xf32>
        %select_n3A_262 = arith.select %lt3A_261, %exp3A, %broadcast_in_dim3A : vector<16xi1>, vector<16xf32>
        %mul3A_263 = arith.constant 16 : i32
        %mul3A_264 = arith.muli %scan3A_240, %mul3A_263 : i32
        %swap3A = arith.index_cast %mul3A_264 : i32 to index
        %swap3A_265 = tpu.vector_load %arg14[%swap3A] {strides = array<i32>} : memref<128xf32, #tpu.memory_space<vmem>>, vector<16xf32>,
        tpu.vector_store %arg14[%swap3A], %select_n3A_262 {strides = array<i32>} : memref<128xf32, #tpu.memory_space<vmem>>, vector<16xf32>,
        %scan3A_266 = arith.constant 1 : i32
        %scan3A_267 = arith.addi %scan3A_240, %scan3A_266 : i32
        %mul3A_268 = arith.constant 16 : i32
        %mul3A_269 = arith.muli %scan3A_267, %mul3A_268 : i32
        %get3A_270 = arith.index_cast %mul3A_269 : i32 to index
        %get3A_271 = tpu.vector_load %arg14[%get3A_270] {strides = array<i32>} : memref<128xf32, #tpu.memory_space<vmem>>, vector<16xf32>,
        %mul3A_272 = arith.constant 16 : i32
        %mul3A_273 = arith.muli %scan3A_267, %mul3A_272 : i32
        %get3A_274 = arith.index_cast %mul3A_273 : i32 to index
        %get3A_275 = tpu.vector_load %arg15[%get3A_274] {strides = array<i32>} : memref<128xf32, #tpu.memory_space<vmem>>, vector<16xf32>,
        %add3A_276 = arith.addf %get3A_271, %get3A_275 : vector<16xf32>
        %gt3A_277 = arith.constant 0.000000e+00 : f32
        %gt3A_278 = vector.broadcast %gt3A_277 : f32 to vector<16xf32>
        %gt3A_279 = arith.cmpf ogt, %add3A_276, %gt3A_278 : vector<16xf32>
        %mul3A_280 = arith.constant 2.000000e-01 : f32
        %mul3A_281 = vector.broadcast %mul3A_280 : f32 to vector<16xf32>
        %mul3A_282 = arith.mulf %mul3A_281, %add3A_276 : vector<16xf32>
        %select_n3A_283 = arith.select %gt3A_279, %add3A_276, %mul3A_282 : vector<16xi1>, vector<16xf32>
        %mul3A_284 = arith.constant 16 : i32
        %mul3A_285 = arith.muli %scan3A_267, %mul3A_284 : i32
        %add3A_286 = arith.addi %add3A_207, %mul3A_285 : i32
        %iota3A_287 = tpu.iota {dimensions = array<i32: 0>} : vector<16xi32>
        %add3A_288 = vector.broadcast %add3A_286 : i32 to vector<16xi32>
        %add3A_289 = arith.addi %add3A_288, %iota3A_287 : vector<16xi32>
        %lt3A_290 = arith.constant 1700000 : i32
        %lt3A_291 = vector.broadcast %lt3A_290 : i32 to vector<16xi32>
        %lt3A_292 = arith.cmpi slt, %add3A_289, %lt3A_291 : vector<16xi32>
        %exp3A_293 = math.exp %select_n3A_283 : vector<16xf32>
        %jit3A_294 = arith.constant 0.000000e+00 : f32
        %broadcast_in_dim3A_295 = vector.broadcast %jit3A_294 : f32 to vector<16xf32>
        %select_n3A_296 = arith.select %lt3A_292, %exp3A_293, %broadcast_in_dim3A_295 : vector<16xi1>, vector<16xf32>
        %mul3A_297 = arith.constant 16 : i32
        %mul3A_298 = arith.muli %scan3A_267, %mul3A_297 : i32
        %swap3A_299 = arith.index_cast %mul3A_298 : i32 to index
        %swap3A_300 = tpu.vector_load %arg14[%swap3A_299] {strides = array<i32>} : memref<128xf32, #tpu.memory_space<vmem>>, vector<16xf32>,
        tpu.vector_store %arg14[%swap3A_299], %select_n3A_296 {strides = array<i32>} : memref<128xf32, #tpu.memory_space<vmem>>, vector<16xf32>,
        %scan3A_301 = arith.constant 2 : i32
        %scan3A_302 = arith.addi %scan3A_240, %scan3A_301 : i32
        %mul3A_303 = arith.constant 16 : i32
        %mul3A_304 = arith.muli %scan3A_302, %mul3A_303 : i32
        %get3A_305 = arith.index_cast %mul3A_304 : i32 to index
        %get3A_306 = tpu.vector_load %arg14[%get3A_305] {strides = array<i32>} : memref<128xf32, #tpu.memory_space<vmem>>, vector<16xf32>,
        %mul3A_307 = arith.constant 16 : i32
        %mul3A_308 = arith.muli %scan3A_302, %mul3A_307 : i32
        %get3A_309 = arith.index_cast %mul3A_308 : i32 to index
        %get3A_310 = tpu.vector_load %arg15[%get3A_309] {strides = array<i32>} : memref<128xf32, #tpu.memory_space<vmem>>, vector<16xf32>,
        %add3A_311 = arith.addf %get3A_306, %get3A_310 : vector<16xf32>
        %gt3A_312 = arith.constant 0.000000e+00 : f32
        %gt3A_313 = vector.broadcast %gt3A_312 : f32 to vector<16xf32>
        %gt3A_314 = arith.cmpf ogt, %add3A_311, %gt3A_313 : vector<16xf32>
        %mul3A_315 = arith.constant 2.000000e-01 : f32
        %mul3A_316 = vector.broadcast %mul3A_315 : f32 to vector<16xf32>
        %mul3A_317 = arith.mulf %mul3A_316, %add3A_311 : vector<16xf32>
        %select_n3A_318 = arith.select %gt3A_314, %add3A_311, %mul3A_317 : vector<16xi1>, vector<16xf32>
        %mul3A_319 = arith.constant 16 : i32
        %mul3A_320 = arith.muli %scan3A_302, %mul3A_319 : i32
        %add3A_321 = arith.addi %add3A_207, %mul3A_320 : i32
        %iota3A_322 = tpu.iota {dimensions = array<i32: 0>} : vector<16xi32>
        %add3A_323 = vector.broadcast %add3A_321 : i32 to vector<16xi32>
        %add3A_324 = arith.addi %add3A_323, %iota3A_322 : vector<16xi32>
        %lt3A_325 = arith.constant 1700000 : i32
        %lt3A_326 = vector.broadcast %lt3A_325 : i32 to vector<16xi32>
        %lt3A_327 = arith.cmpi slt, %add3A_324, %lt3A_326 : vector<16xi32>
        %exp3A_328 = math.exp %select_n3A_318 : vector<16xf32>
        %jit3A_329 = arith.constant 0.000000e+00 : f32
        %broadcast_in_dim3A_330 = vector.broadcast %jit3A_329 : f32 to vector<16xf32>
        %select_n3A_331 = arith.select %lt3A_327, %exp3A_328, %broadcast_in_dim3A_330 : vector<16xi1>, vector<16xf32>
        %mul3A_332 = arith.constant 16 : i32
        %mul3A_333 = arith.muli %scan3A_302, %mul3A_332 : i32
        %swap3A_334 = arith.index_cast %mul3A_333 : i32 to index
        %swap3A_335 = tpu.vector_load %arg14[%swap3A_334] {strides = array<i32>} : memref<128xf32, #tpu.memory_space<vmem>>, vector<16xf32>,
        tpu.vector_store %arg14[%swap3A_334], %select_n3A_331 {strides = array<i32>} : memref<128xf32, #tpu.memory_space<vmem>>, vector<16xf32>,
        %scan3A_336 = arith.constant 3 : i32
        %scan3A_337 = arith.addi %scan3A_240, %scan3A_336 : i32
        %mul3A_338 = arith.constant 16 : i32
        %mul3A_339 = arith.muli %scan3A_337, %mul3A_338 : i32
        %get3A_340 = arith.index_cast %mul3A_339 : i32 to index
        %get3A_341 = tpu.vector_load %arg14[%get3A_340] {strides = array<i32>} : memref<128xf32, #tpu.memory_space<vmem>>, vector<16xf32>,
        %mul3A_342 = arith.constant 16 : i32
        %mul3A_343 = arith.muli %scan3A_337, %mul3A_342 : i32
        %get3A_344 = arith.index_cast %mul3A_343 : i32 to index
        %get3A_345 = tpu.vector_load %arg15[%get3A_344] {strides = array<i32>} : memref<128xf32, #tpu.memory_space<vmem>>, vector<16xf32>,
        %add3A_346 = arith.addf %get3A_341, %get3A_345 : vector<16xf32>
        %gt3A_347 = arith.constant 0.000000e+00 : f32
        %gt3A_348 = vector.broadcast %gt3A_347 : f32 to vector<16xf32>
        %gt3A_349 = arith.cmpf ogt, %add3A_346, %gt3A_348 : vector<16xf32>
        %mul3A_350 = arith.constant 2.000000e-01 : f32
        %mul3A_351 = vector.broadcast %mul3A_350 : f32 to vector<16xf32>
        %mul3A_352 = arith.mulf %mul3A_351, %add3A_346 : vector<16xf32>
        %select_n3A_353 = arith.select %gt3A_349, %add3A_346, %mul3A_352 : vector<16xi1>, vector<16xf32>
        %mul3A_354 = arith.constant 16 : i32
        %mul3A_355 = arith.muli %scan3A_337, %mul3A_354 : i32
        %add3A_356 = arith.addi %add3A_207, %mul3A_355 : i32
        %iota3A_357 = tpu.iota {dimensions = array<i32: 0>} : vector<16xi32>
        %add3A_358 = vector.broadcast %add3A_356 : i32 to vector<16xi32>
        %add3A_359 = arith.addi %add3A_358, %iota3A_357 : vector<16xi32>
        %lt3A_360 = arith.constant 1700000 : i32
        %lt3A_361 = vector.broadcast %lt3A_360 : i32 to vector<16xi32>
        %lt3A_362 = arith.cmpi slt, %add3A_359, %lt3A_361 : vector<16xi32>
        %exp3A_363 = math.exp %select_n3A_353 : vector<16xf32>
        %jit3A_364 = arith.constant 0.000000e+00 : f32
        %broadcast_in_dim3A_365 = vector.broadcast %jit3A_364 : f32 to vector<16xf32>
        %select_n3A_366 = arith.select %lt3A_362, %exp3A_363, %broadcast_in_dim3A_365 : vector<16xi1>, vector<16xf32>
        %mul3A_367 = arith.constant 16 : i32
        %mul3A_368 = arith.muli %scan3A_337, %mul3A_367 : i32
        %swap3A_369 = arith.index_cast %mul3A_368 : i32 to index
        %swap3A_370 = tpu.vector_load %arg14[%swap3A_369] {strides = array<i32>} : memref<128xf32, #tpu.memory_space<vmem>>, vector<16xf32>,
        tpu.vector_store %arg14[%swap3A_369], %select_n3A_366 {strides = array<i32>} : memref<128xf32, #tpu.memory_space<vmem>>, vector<16xf32>,
      }
      %scan3A_213 = arith.constant 8 : i32
      %scan3A_214 = arith.constant 0 : i32
      %scan3A_215 = arith.constant 0 : i32
      %scan3A_216 = arith.constant 128 : i32
      %scan3A_217 = arith.addi %scan3A_215, %scan3A_216 : i32
      %scan3A_218 = arith.constant 8 : i32
      scf.for %scan3A_240 = %scan3A_215 to %scan3A_217 step %scan3A_218  : i32 {
        %broadcast_in_dim3A = vector.broadcast %scan3A_240 : i32 to vector<16xi32>
        %gather3A = tpu.vector_load_idx %arg14[%broadcast_in_dim3A] : memref<128xf32, #tpu.memory_space<vmem>>[vector<16xi32>], vector<16xf32>,
        %get3A = arith.index_cast %scan3A_240 : i32 to index
        %get3A_241 = arith.constant 0 : index
        %get3A_242 = tpu.vector_load %arg13[%get3A, %get3A_241] {strides = array<i32>} : memref<128x16xf32, #tpu.memory_space<vmem>>, vector<16xf32>,
        %mul3A_243 = arith.mulf %get3A_242, %gather3A : vector<16xf32>
        %swap3A = arith.index_cast %scan3A_240 : i32 to index
        %swap3A_244 = arith.constant 0 : index
        %swap3A_245 = tpu.vector_load %arg13[%swap3A, %swap3A_244] {strides = array<i32>} : memref<128x16xf32, #tpu.memory_space<vmem>>, vector<16xf32>,
        tpu.vector_store %arg13[%swap3A, %swap3A_244], %mul3A_243 {strides = array<i32>} : memref<128x16xf32, #tpu.memory_space<vmem>>, vector<16xf32>,
        %scan3A_246 = arith.constant 1 : i32
        %scan3A_247 = arith.addi %scan3A_240, %scan3A_246 : i32
        %broadcast_in_dim3A_248 = vector.broadcast %scan3A_247 : i32 to vector<16xi32>
        %gather3A_249 = tpu.vector_load_idx %arg14[%broadcast_in_dim3A_248] : memref<128xf32, #tpu.memory_space<vmem>>[vector<16xi32>], vector<16xf32>,
        %get3A_250 = arith.index_cast %scan3A_247 : i32 to index
        %get3A_251 = arith.constant 0 : index
        %get3A_252 = tpu.vector_load %arg13[%get3A_250, %get3A_251] {strides = array<i32>} : memref<128x16xf32, #tpu.memory_space<vmem>>, vector<16xf32>,
        %mul3A_253 = arith.mulf %get3A_252, %gather3A_249 : vector<16xf32>
        %swap3A_254 = arith.index_cast %scan3A_247 : i32 to index
        %swap3A_255 = arith.constant 0 : index
        %swap3A_256 = tpu.vector_load %arg13[%swap3A_254, %swap3A_255] {strides = array<i32>} : memref<128x16xf32, #tpu.memory_space<vmem>>, vector<16xf32>,
        tpu.vector_store %arg13[%swap3A_254, %swap3A_255], %mul3A_253 {strides = array<i32>} : memref<128x16xf32, #tpu.memory_space<vmem>>, vector<16xf32>,
        %scan3A_257 = arith.constant 2 : i32
        %scan3A_258 = arith.addi %scan3A_240, %scan3A_257 : i32
        %broadcast_in_dim3A_259 = vector.broadcast %scan3A_258 : i32 to vector<16xi32>
        %gather3A_260 = tpu.vector_load_idx %arg14[%broadcast_in_dim3A_259] : memref<128xf32, #tpu.memory_space<vmem>>[vector<16xi32>], vector<16xf32>,
        %get3A_261 = arith.index_cast %scan3A_258 : i32 to index
        %get3A_262 = arith.constant 0 : index
        %get3A_263 = tpu.vector_load %arg13[%get3A_261, %get3A_262] {strides = array<i32>} : memref<128x16xf32, #tpu.memory_space<vmem>>, vector<16xf32>,
        %mul3A_264 = arith.mulf %get3A_263, %gather3A_260 : vector<16xf32>
        %swap3A_265 = arith.index_cast %scan3A_258 : i32 to index
        %swap3A_266 = arith.constant 0 : index
        %swap3A_267 = tpu.vector_load %arg13[%swap3A_265, %swap3A_266] {strides = array<i32>} : memref<128x16xf32, #tpu.memory_space<vmem>>, vector<16xf32>,
        tpu.vector_store %arg13[%swap3A_265, %swap3A_266], %mul3A_264 {strides = array<i32>} : memref<128x16xf32, #tpu.memory_space<vmem>>, vector<16xf32>,
        %scan3A_268 = arith.constant 3 : i32
        %scan3A_269 = arith.addi %scan3A_240, %scan3A_268 : i32
        %broadcast_in_dim3A_270 = vector.broadcast %scan3A_269 : i32 to vector<16xi32>
        %gather3A_271 = tpu.vector_load_idx %arg14[%broadcast_in_dim3A_270] : memref<128xf32, #tpu.memory_space<vmem>>[vector<16xi32>], vector<16xf32>,
        %get3A_272 = arith.index_cast %scan3A_269 : i32 to index
        %get3A_273 = arith.constant 0 : index
        %get3A_274 = tpu.vector_load %arg13[%get3A_272, %get3A_273] {strides = array<i32>} : memref<128x16xf32, #tpu.memory_space<vmem>>, vector<16xf32>,
        %mul3A_275 = arith.mulf %get3A_274, %gather3A_271 : vector<16xf32>
        %swap3A_276 = arith.index_cast %scan3A_269 : i32 to index
        %swap3A_277 = arith.constant 0 : index
        %swap3A_278 = tpu.vector_load %arg13[%swap3A_276, %swap3A_277] {strides = array<i32>} : memref<128x16xf32, #tpu.memory_space<vmem>>, vector<16xf32>,
        tpu.vector_store %arg13[%swap3A_276, %swap3A_277], %mul3A_275 {strides = array<i32>} : memref<128x16xf32, #tpu.memory_space<vmem>>, vector<16xf32>,
        %scan3A_279 = arith.constant 4 : i32
        %scan3A_280 = arith.addi %scan3A_240, %scan3A_279 : i32
        %broadcast_in_dim3A_281 = vector.broadcast %scan3A_280 : i32 to vector<16xi32>
        %gather3A_282 = tpu.vector_load_idx %arg14[%broadcast_in_dim3A_281] : memref<128xf32, #tpu.memory_space<vmem>>[vector<16xi32>], vector<16xf32>,
        %get3A_283 = arith.index_cast %scan3A_280 : i32 to index
        %get3A_284 = arith.constant 0 : index
        %get3A_285 = tpu.vector_load %arg13[%get3A_283, %get3A_284] {strides = array<i32>} : memref<128x16xf32, #tpu.memory_space<vmem>>, vector<16xf32>,
        %mul3A_286 = arith.mulf %get3A_285, %gather3A_282 : vector<16xf32>
        %swap3A_287 = arith.index_cast %scan3A_280 : i32 to index
        %swap3A_288 = arith.constant 0 : index
        %swap3A_289 = tpu.vector_load %arg13[%swap3A_287, %swap3A_288] {strides = array<i32>} : memref<128x16xf32, #tpu.memory_space<vmem>>, vector<16xf32>,
        tpu.vector_store %arg13[%swap3A_287, %swap3A_288], %mul3A_286 {strides = array<i32>} : memref<128x16xf32, #tpu.memory_space<vmem>>, vector<16xf32>,
        %scan3A_290 = arith.constant 5 : i32
        %scan3A_291 = arith.addi %scan3A_240, %scan3A_290 : i32
        %broadcast_in_dim3A_292 = vector.broadcast %scan3A_291 : i32 to vector<16xi32>
        %gather3A_293 = tpu.vector_load_idx %arg14[%broadcast_in_dim3A_292] : memref<128xf32, #tpu.memory_space<vmem>>[vector<16xi32>], vector<16xf32>,
        %get3A_294 = arith.index_cast %scan3A_291 : i32 to index
        %get3A_295 = arith.constant 0 : index
        %get3A_296 = tpu.vector_load %arg13[%get3A_294, %get3A_295] {strides = array<i32>} : memref<128x16xf32, #tpu.memory_space<vmem>>, vector<16xf32>,
        %mul3A_297 = arith.mulf %get3A_296, %gather3A_293 : vector<16xf32>
        %swap3A_298 = arith.index_cast %scan3A_291 : i32 to index
        %swap3A_299 = arith.constant 0 : index
        %swap3A_300 = tpu.vector_load %arg13[%swap3A_298, %swap3A_299] {strides = array<i32>} : memref<128x16xf32, #tpu.memory_space<vmem>>, vector<16xf32>,
        tpu.vector_store %arg13[%swap3A_298, %swap3A_299], %mul3A_297 {strides = array<i32>} : memref<128x16xf32, #tpu.memory_space<vmem>>, vector<16xf32>,
        %scan3A_301 = arith.constant 6 : i32
        %scan3A_302 = arith.addi %scan3A_240, %scan3A_301 : i32
        %broadcast_in_dim3A_303 = vector.broadcast %scan3A_302 : i32 to vector<16xi32>
        %gather3A_304 = tpu.vector_load_idx %arg14[%broadcast_in_dim3A_303] : memref<128xf32, #tpu.memory_space<vmem>>[vector<16xi32>], vector<16xf32>,
        %get3A_305 = arith.index_cast %scan3A_302 : i32 to index
        %get3A_306 = arith.constant 0 : index
        %get3A_307 = tpu.vector_load %arg13[%get3A_305, %get3A_306] {strides = array<i32>} : memref<128x16xf32, #tpu.memory_space<vmem>>, vector<16xf32>,
        %mul3A_308 = arith.mulf %get3A_307, %gather3A_304 : vector<16xf32>
        %swap3A_309 = arith.index_cast %scan3A_302 : i32 to index
        %swap3A_310 = arith.constant 0 : index
        %swap3A_311 = tpu.vector_load %arg13[%swap3A_309, %swap3A_310] {strides = array<i32>} : memref<128x16xf32, #tpu.memory_space<vmem>>, vector<16xf32>,
        tpu.vector_store %arg13[%swap3A_309, %swap3A_310], %mul3A_308 {strides = array<i32>} : memref<128x16xf32, #tpu.memory_space<vmem>>, vector<16xf32>,
        %scan3A_312 = arith.constant 7 : i32
        %scan3A_313 = arith.addi %scan3A_240, %scan3A_312 : i32
        %broadcast_in_dim3A_314 = vector.broadcast %scan3A_313 : i32 to vector<16xi32>
        %gather3A_315 = tpu.vector_load_idx %arg14[%broadcast_in_dim3A_314] : memref<128xf32, #tpu.memory_space<vmem>>[vector<16xi32>], vector<16xf32>,
        %get3A_316 = arith.index_cast %scan3A_313 : i32 to index
        %get3A_317 = arith.constant 0 : index
        %get3A_318 = tpu.vector_load %arg13[%get3A_316, %get3A_317] {strides = array<i32>} : memref<128x16xf32, #tpu.memory_space<vmem>>, vector<16xf32>,
        %mul3A_319 = arith.mulf %get3A_318, %gather3A_315 : vector<16xf32>
        %swap3A_320 = arith.index_cast %scan3A_313 : i32 to index
        %swap3A_321 = arith.constant 0 : index
        %swap3A_322 = tpu.vector_load %arg13[%swap3A_320, %swap3A_321] {strides = array<i32>} : memref<128x16xf32, #tpu.memory_space<vmem>>, vector<16xf32>,
        tpu.vector_store %arg13[%swap3A_320, %swap3A_321], %mul3A_319 {strides = array<i32>} : memref<128x16xf32, #tpu.memory_space<vmem>>, vector<16xf32>,
      }
      %scan3A_219 = arith.constant 128 : i32
      %add3A_220 = arith.constant 1 : i32
      %add3A_221 = arith.addi %add3A_168, %add3A_220 : i32
      %lt3A_222 = arith.constant 832 : i32
      %lt3A_223 = arith.cmpi slt, %add3A_221, %lt3A_222 : i32
      %convert_element_type3A_224 = arith.extui %lt3A_223 : i1 to i32
      %cond3A_225 = arith.constant 0 : i32
      %cond3A_226 = arith.cmpi ne, %convert_element_type3A_224, %cond3A_225 : i32
      scf.if %cond3A_226 {
        %dma_wait3A_240 = arith.constant 0 : i32
        %dma_wait3A_241 = arith.constant 0 : i32
        %dma_wait3A_242 = tpu.memref_slice %arg2[%dma_wait3A_240, %dma_wait3A_241] : memref<26624x128xi32, #tpu.memory_space<hbm>> -> memref<2x128xi32, #tpu.memory_space<hbm>>
        %dma_wait3A_243 = arith.constant 0 : i32
        %dma_wait3A_244 = arith.constant 0 : i32
        %dma_wait3A_245 = tpu.memref_slice %arg2[%dma_wait3A_243, %dma_wait3A_244] : memref<26624x128xi32, #tpu.memory_space<hbm>> -> memref<2x128xi32, #tpu.memory_space<hbm>>
        tpu.wait_dma2 semaphore(%arg21 : memref<!tpu.dma_semaphore, #tpu.memory_space<semaphore_mem>>) src(%dma_wait3A_245 : memref<2x128xi32, #tpu.memory_space<hbm>>) dst(%arg8 : memref<2x128xi32, #tpu.memory_space<vmem>>)
        %dma_start3A_246 = arith.constant 0 : i32
        %dma_start3A_247 = arith.constant 0 : i32
        %dma_start3A_248 = tpu.memref_slice %arg8[%dma_start3A_246, %dma_start3A_247] : memref<2x128xi32, #tpu.memory_space<vmem>> -> memref<1x128xi32, #tpu.memory_space<vmem>>
        %dma_start3A_249 = tpu.memref_squeeze %dma_start3A_248 : memref<1x128xi32, #tpu.memory_space<vmem>> -> memref<128xi32, #tpu.memory_space<vmem>>
        %dma_start3A_250 = arith.constant 0 : i32
        %dma_start3A_251 = arith.constant 0 : i32
        %dma_start3A_252 = tpu.memref_slice %arg3[%arg0, %dma_start3A_250, %dma_start3A_251] : memref<2x102400x16xf32, #tpu.memory_space<hbm>> -> memref<1x102400x16xf32, #tpu.memory_space<hbm>>
        %dma_start3A_253 = tpu.memref_squeeze %dma_start3A_252 : memref<1x102400x16xf32, #tpu.memory_space<hbm>> -> memref<102400x16xf32, #tpu.memory_space<hbm>>
        %dma_start3A_254 = arith.constant 0 : i32
        %dma_start3A_255 = arith.constant 0 : i32
        %dma_start3A_256 = tpu.memref_slice %dma_start3A_253[%dma_start3A_254, %dma_start3A_255] : memref<102400x16xf32, #tpu.memory_space<hbm>> -> memref<102400x16xf32, #tpu.memory_space<hbm>>
        tpu.enqueue_indirect_dma source(%dma_start3A_256 : memref<102400x16xf32, #tpu.memory_space<hbm>>) target(%arg9 : memref<128x16xf32, #tpu.memory_space<vmem>>) offsets(%dma_start3A_249 : memref<128xi32, #tpu.memory_space<vmem>>) semaphore(%arg22 : memref<!tpu.dma_semaphore, #tpu.memory_space<semaphore_mem>>)
        %dma_start3A_257 = arith.constant 0 : i32
        %dma_start3A_258 = arith.constant 0 : i32
        %dma_start3A_259 = tpu.memref_slice %arg8[%dma_start3A_257, %dma_start3A_258] : memref<2x128xi32, #tpu.memory_space<vmem>> -> memref<1x128xi32, #tpu.memory_space<vmem>>
        %dma_start3A_260 = tpu.memref_squeeze %dma_start3A_259 : memref<1x128xi32, #tpu.memory_space<vmem>> -> memref<128xi32, #tpu.memory_space<vmem>>
        %dma_start3A_261 = arith.constant 0 : i32
        %dma_start3A_262 = tpu.memref_slice %arg4[%arg0, %dma_start3A_261] : memref<2x102400xf32, #tpu.memory_space<hbm>> -> memref<1x102400xf32, #tpu.memory_space<hbm>>
        %dma_start3A_263 = tpu.memref_squeeze %dma_start3A_262 : memref<1x102400xf32, #tpu.memory_space<hbm>> -> memref<102400xf32, #tpu.memory_space<hbm>>
        %dma_start3A_264 = arith.constant 0 : i32
        %dma_start3A_265 = tpu.memref_slice %dma_start3A_263[%dma_start3A_264] : memref<102400xf32, #tpu.memory_space<hbm>> -> memref<102400xf32, #tpu.memory_space<hbm>>
        tpu.enqueue_indirect_dma source(%dma_start3A_265 : memref<102400xf32, #tpu.memory_space<hbm>>) target(%arg10 : memref<128xf32, #tpu.memory_space<vmem>>) offsets(%dma_start3A_260 : memref<128xi32, #tpu.memory_space<vmem>>) semaphore(%arg23 : memref<!tpu.dma_semaphore, #tpu.memory_space<semaphore_mem>>)
        %dma_start3A_266 = arith.constant 1 : i32
        %dma_start3A_267 = arith.constant 0 : i32
        %dma_start3A_268 = tpu.memref_slice %arg8[%dma_start3A_266, %dma_start3A_267] : memref<2x128xi32, #tpu.memory_space<vmem>> -> memref<1x128xi32, #tpu.memory_space<vmem>>
        %dma_start3A_269 = tpu.memref_squeeze %dma_start3A_268 : memref<1x128xi32, #tpu.memory_space<vmem>> -> memref<128xi32, #tpu.memory_space<vmem>>
        %dma_start3A_270 = arith.constant 0 : i32
        %dma_start3A_271 = tpu.memref_slice %arg20[%dma_start3A_270] : memref<100096xf32, #tpu.memory_space<vmem_shared>> -> memref<100096xf32, #tpu.memory_space<vmem_shared>>
        tpu.enqueue_indirect_dma source(%dma_start3A_271 : memref<100096xf32, #tpu.memory_space<vmem_shared>>) target(%arg11 : memref<128xf32, #tpu.memory_space<vmem>>) offsets(%dma_start3A_269 : memref<128xi32, #tpu.memory_space<vmem>>) semaphore(%arg24 : memref<!tpu.dma_semaphore, #tpu.memory_space<semaphore_mem>>)
      } else {
      }
      %dma_start3A_227 = arith.constant 1 : i32
      %dma_start3A_228 = arith.constant 0 : i32
      %dma_start3A_229 = tpu.memref_slice %arg12[%dma_start3A_227, %dma_start3A_228] : memref<2x128xi32, #tpu.memory_space<vmem>> -> memref<1x128xi32, #tpu.memory_space<vmem>>
      %dma_start3A_230 = tpu.memref_squeeze %dma_start3A_229 : memref<1x128xi32, #tpu.memory_space<vmem>> -> memref<128xi32, #tpu.memory_space<vmem>>
      %dma_start3A_231 = arith.constant 0 : i32
      %dma_start3A_232 = arith.constant 0 : i32
      %dma_start3A_233 = tpu.memref_slice %arg18[%dma_start3A_231, %dma_start3A_232] : memref<100096x16xf32, #tpu.memory_space<vmem_shared>> -> memref<100096x16xf32, #tpu.memory_space<vmem_shared>>
      tpu.enqueue_indirect_dma source(%arg13 : memref<128x16xf32, #tpu.memory_space<vmem>>) target(%dma_start3A_233 : memref<100096x16xf32, #tpu.memory_space<vmem_shared>>) offsets(%dma_start3A_230 : memref<128xi32, #tpu.memory_space<vmem>>) semaphore(%arg31 : memref<!tpu.dma_semaphore, #tpu.memory_space<semaphore_mem>>) {add = true}
      %dma_start3A_234 = arith.constant 1 : i32
      %dma_start3A_235 = arith.constant 0 : i32
      %dma_start3A_236 = tpu.memref_slice %arg12[%dma_start3A_234, %dma_start3A_235] : memref<2x128xi32, #tpu.memory_space<vmem>> -> memref<1x128xi32, #tpu.memory_space<vmem>>
      %dma_start3A_237 = tpu.memref_squeeze %dma_start3A_236 : memref<1x128xi32, #tpu.memory_space<vmem>> -> memref<128xi32, #tpu.memory_space<vmem>>
      %dma_start3A_238 = arith.constant 0 : i32
      %dma_start3A_239 = tpu.memref_slice %arg19[%dma_start3A_238] : memref<100096xf32, #tpu.memory_space<vmem_shared>> -> memref<100096xf32, #tpu.memory_space<vmem_shared>>
      tpu.enqueue_indirect_dma source(%arg14 : memref<128xf32, #tpu.memory_space<vmem>>) target(%dma_start3A_239 : memref<100096xf32, #tpu.memory_space<vmem_shared>>) offsets(%dma_start3A_237 : memref<128xi32, #tpu.memory_space<vmem>>) semaphore(%arg32 : memref<!tpu.dma_semaphore, #tpu.memory_space<semaphore_mem>>) {add = true}
    }
    %scan3A_64 = arith.constant 416 : i32
    %dma_wait3A_65 = arith.constant 1 : i32
    %dma_wait3A_66 = arith.constant 0 : i32
    %dma_wait3A_67 = tpu.memref_slice %arg8[%dma_wait3A_65, %dma_wait3A_66] : memref<2x128xi32, #tpu.memory_space<vmem>> -> memref<1x128xi32, #tpu.memory_space<vmem>>
    %dma_wait3A_68 = tpu.memref_squeeze %dma_wait3A_67 : memref<1x128xi32, #tpu.memory_space<vmem>> -> memref<128xi32, #tpu.memory_space<vmem>>
    %dma_wait3A_69 = arith.constant 0 : i32
    %dma_wait3A_70 = arith.constant 0 : i32
    %dma_wait3A_71 = tpu.memref_slice %arg18[%dma_wait3A_69, %dma_wait3A_70] : memref<100096x16xf32, #tpu.memory_space<vmem_shared>> -> memref<100096x16xf32, #tpu.memory_space<vmem_shared>>
    tpu.wait_indirect_dma semaphore(%arg29 : memref<!tpu.dma_semaphore, #tpu.memory_space<semaphore_mem>>) src(%arg9 : memref<128x16xf32, #tpu.memory_space<vmem>>) dst(%dma_wait3A_71 : memref<100096x16xf32, #tpu.memory_space<vmem_shared>>)
    %dma_wait3A_72 = arith.constant 1 : i32
    %dma_wait3A_73 = arith.constant 0 : i32
    %dma_wait3A_74 = tpu.memref_slice %arg8[%dma_wait3A_72, %dma_wait3A_73] : memref<2x128xi32, #tpu.memory_space<vmem>> -> memref<1x128xi32, #tpu.memory_space<vmem>>
    %dma_wait3A_75 = tpu.memref_squeeze %dma_wait3A_74 : memref<1x128xi32, #tpu.memory_space<vmem>> -> memref<128xi32, #tpu.memory_space<vmem>>
    %dma_wait3A_76 = arith.constant 0 : i32
    %dma_wait3A_77 = tpu.memref_slice %arg19[%dma_wait3A_76] : memref<100096xf32, #tpu.memory_space<vmem_shared>> -> memref<100096xf32, #tpu.memory_space<vmem_shared>>
    tpu.wait_indirect_dma semaphore(%arg30 : memref<!tpu.dma_semaphore, #tpu.memory_space<semaphore_mem>>) src(%arg10 : memref<128xf32, #tpu.memory_space<vmem>>) dst(%dma_wait3A_77 : memref<100096xf32, #tpu.memory_space<vmem_shared>>)
    %dma_wait3A_78 = arith.constant 1 : i32
    %dma_wait3A_79 = arith.constant 0 : i32
    %dma_wait3A_80 = tpu.memref_slice %arg12[%dma_wait3A_78, %dma_wait3A_79] : memref<2x128xi32, #tpu.memory_space<vmem>> -> memref<1x128xi32, #tpu.memory_space<vmem>>
    %dma_wait3A_81 = tpu.memref_squeeze %dma_wait3A_80 : memref<1x128xi32, #tpu.memory_space<vmem>> -> memref<128xi32, #tpu.memory_space<vmem>>
    %dma_wait3A_82 = arith.constant 0 : i32
    %dma_wait3A_83 = arith.constant 0 : i32
    %dma_wait3A_84 = tpu.memref_slice %arg18[%dma_wait3A_82, %dma_wait3A_83] : memref<100096x16xf32, #tpu.memory_space<vmem_shared>> -> memref<100096x16xf32, #tpu.memory_space<vmem_shared>>
    tpu.wait_indirect_dma semaphore(%arg31 : memref<!tpu.dma_semaphore, #tpu.memory_space<semaphore_mem>>) src(%arg13 : memref<128x16xf32, #tpu.memory_space<vmem>>) dst(%dma_wait3A_84 : memref<100096x16xf32, #tpu.memory_space<vmem_shared>>)
    %dma_wait3A_85 = arith.constant 1 : i32
    %dma_wait3A_86 = arith.constant 0 : i32
    %dma_wait3A_87 = tpu.memref_slice %arg12[%dma_wait3A_85, %dma_wait3A_86] : memref<2x128xi32, #tpu.memory_space<vmem>> -> memref<1x128xi32, #tpu.memory_space<vmem>>
    %dma_wait3A_88 = tpu.memref_squeeze %dma_wait3A_87 : memref<1x128xi32, #tpu.memory_space<vmem>> -> memref<128xi32, #tpu.memory_space<vmem>>
    %dma_wait3A_89 = arith.constant 0 : i32
    %dma_wait3A_90 = tpu.memref_slice %arg19[%dma_wait3A_89] : memref<100096xf32, #tpu.memory_space<vmem_shared>> -> memref<100096xf32, #tpu.memory_space<vmem_shared>>
    tpu.wait_indirect_dma semaphore(%arg32 : memref<!tpu.dma_semaphore, #tpu.memory_space<semaphore_mem>>) src(%arg14 : memref<128xf32, #tpu.memory_space<vmem>>) dst(%dma_wait3A_90 : memref<100096xf32, #tpu.memory_space<vmem_shared>>)
    %barrier3A_91 = arith.constant 0 : index
    tpu.barrier barrier_id(%barrier3A_91)
    "tpu.region"() ({
      %run_scoped3A = tpu.sem_alloc : memref<!tpu.dma_semaphore, #tpu.memory_space<semaphore_mem>>
      %dma_start3A_92 = arith.constant 0 : i32
      %dma_start3A_93 = arith.constant 0 : i32
      %dma_start3A_94 = tpu.memref_slice %arg6[%arg0, %dma_start3A_92, %dma_start3A_93] : memref<2x102400x16xf32, #tpu.memory_space<hbm>> -> memref<1x102400x16xf32, #tpu.memory_space<hbm>>
      %dma_start3A_95 = tpu.memref_squeeze %dma_start3A_94 : memref<1x102400x16xf32, #tpu.memory_space<hbm>> -> memref<102400x16xf32, #tpu.memory_space<hbm>>
      %dma_start3A_96 = arith.constant 0 : i32
      %dma_start3A_97 = tpu.memref_slice %dma_start3A_95[%mul3A_0, %dma_start3A_96] : memref<102400x16xf32, #tpu.memory_space<hbm>> -> memref<6256x16xf32, #tpu.memory_space<hbm>>
      %dma_start3A_98 = arith.constant 0 : i32
      %dma_start3A_99 = tpu.memref_slice %arg18[%mul3A_0, %dma_start3A_98] : memref<100096x16xf32, #tpu.memory_space<vmem_shared>> -> memref<6256x16xf32, #tpu.memory_space<vmem_shared>>
      tpu.enqueue_dma source(%dma_start3A_99 : memref<6256x16xf32, #tpu.memory_space<vmem_shared>>) target(%dma_start3A_97 : memref<6256x16xf32, #tpu.memory_space<hbm>>) target_semaphore(%run_scoped3A : memref<!tpu.dma_semaphore, #tpu.memory_space<semaphore_mem>>)
      %dma_wait3A_100 = arith.constant 0 : i32
      %dma_wait3A_101 = arith.constant 0 : i32
      %dma_wait3A_102 = tpu.memref_slice %arg6[%arg0, %dma_wait3A_100, %dma_wait3A_101] : memref<2x102400x16xf32, #tpu.memory_space<hbm>> -> memref<1x102400x16xf32, #tpu.memory_space<hbm>>
      %dma_wait3A_103 = tpu.memref_squeeze %dma_wait3A_102 : memref<1x102400x16xf32, #tpu.memory_space<hbm>> -> memref<102400x16xf32, #tpu.memory_space<hbm>>
      %dma_wait3A_104 = arith.constant 0 : i32
      %dma_wait3A_105 = tpu.memref_slice %dma_wait3A_103[%mul3A_0, %dma_wait3A_104] : memref<102400x16xf32, #tpu.memory_space<hbm>> -> memref<6256x16xf32, #tpu.memory_space<hbm>>
      %dma_wait3A_106 = arith.constant 0 : i32
      %dma_wait3A_107 = tpu.memref_slice %arg18[%mul3A_0, %dma_wait3A_106] : memref<100096x16xf32, #tpu.memory_space<vmem_shared>> -> memref<6256x16xf32, #tpu.memory_space<vmem_shared>>
      tpu.wait_dma2 semaphore(%run_scoped3A : memref<!tpu.dma_semaphore, #tpu.memory_space<semaphore_mem>>) src(%dma_wait3A_107 : memref<6256x16xf32, #tpu.memory_space<vmem_shared>>) dst(%dma_wait3A_105 : memref<6256x16xf32, #tpu.memory_space<hbm>>)
      tpu.yield
    }) : () -> ()
    "tpu.region"() ({
      %run_scoped3A = tpu.sem_alloc : memref<!tpu.dma_semaphore, #tpu.memory_space<semaphore_mem>>
      %dma_start3A_92 = arith.constant 0 : i32
      %dma_start3A_93 = tpu.memref_slice %arg7[%arg0, %dma_start3A_92] : memref<2x102400xf32, #tpu.memory_space<hbm>> -> memref<1x102400xf32, #tpu.memory_space<hbm>>
      %dma_start3A_94 = tpu.memref_squeeze %dma_start3A_93 : memref<1x102400xf32, #tpu.memory_space<hbm>> -> memref<102400xf32, #tpu.memory_space<hbm>>
      %dma_start3A_95 = tpu.memref_slice %dma_start3A_94[%mul3A_0] : memref<102400xf32, #tpu.memory_space<hbm>> -> memref<6256xf32, #tpu.memory_space<hbm>>
      %dma_start3A_96 = tpu.memref_slice %arg19[%mul3A_0] : memref<100096xf32, #tpu.memory_space<vmem_shared>> -> memref<6256xf32, #tpu.memory_space<vmem_shared>>
      tpu.enqueue_dma source(%dma_start3A_96 : memref<6256xf32, #tpu.memory_space<vmem_shared>>) target(%dma_start3A_95 : memref<6256xf32, #tpu.memory_space<hbm>>) target_semaphore(%run_scoped3A : memref<!tpu.dma_semaphore, #tpu.memory_space<semaphore_mem>>)
      %dma_wait3A_97 = arith.constant 0 : i32
      %dma_wait3A_98 = tpu.memref_slice %arg7[%arg0, %dma_wait3A_97] : memref<2x102400xf32, #tpu.memory_space<hbm>> -> memref<1x102400xf32, #tpu.memory_space<hbm>>
      %dma_wait3A_99 = tpu.memref_squeeze %dma_wait3A_98 : memref<1x102400xf32, #tpu.memory_space<hbm>> -> memref<102400xf32, #tpu.memory_space<hbm>>
      %dma_wait3A_100 = tpu.memref_slice %dma_wait3A_99[%mul3A_0] : memref<102400xf32, #tpu.memory_space<hbm>> -> memref<6256xf32, #tpu.memory_space<hbm>>
      %dma_wait3A_101 = tpu.memref_slice %arg19[%mul3A_0] : memref<100096xf32, #tpu.memory_space<vmem_shared>> -> memref<6256xf32, #tpu.memory_space<vmem_shared>>
      tpu.wait_dma2 semaphore(%run_scoped3A : memref<!tpu.dma_semaphore, #tpu.memory_space<semaphore_mem>>) src(%dma_wait3A_101 : memref<6256xf32, #tpu.memory_space<vmem_shared>>) dst(%dma_wait3A_100 : memref<6256xf32, #tpu.memory_space<hbm>>)
      tpu.yield
    }) : () -> ()
    return
  }
}

module attributes {stable_mosaic.version = 14 : i64} {
  func.func @_prep1_body(%arg0: i32, %arg1: memref<1024x16xf32, #tpu.memory_space<vmem>>, %arg2: memref<16x32xf32, #tpu.memory_space<vmem>>, %arg3: memref<2x16xf32, #tpu.memory_space<vmem>>, %arg4: memref<2x16xf32, #tpu.memory_space<vmem>>, %arg5: memref<2x1024x16xf32, #tpu.memory_space<vmem>>, %arg6: memref<2x1024xf32, #tpu.memory_space<vmem>>, %arg7: memref<2x1024xf32, #tpu.memory_space<vmem>>) attributes {dimension_semantics = [#tpu.dimension_semantics<arbitrary>], iteration_bounds = array<i64: 100>, scalar_prefetch = 0 : i64, scratch_operands = 0 : i64, tpu.core_type = #tpu.core_type<tc>, window_params = [{transform_indices = @transform_0, window_bounds = array<i64: 1024, 16>}, {pipeline_mode = #tpu.pipeline_mode<synchronous>, transform_indices = @transform_1, window_bounds = array<i64: 16, 32>}, {pipeline_mode = #tpu.pipeline_mode<synchronous>, transform_indices = @transform_2, window_bounds = array<i64: 2, 16>}, {pipeline_mode = #tpu.pipeline_mode<synchronous>, transform_indices = @transform_3, window_bounds = array<i64: 2, 16>}, {transform_indices = @transform_4, window_bounds = array<i64: 2, 1024, 16>}, {transform_indices = @transform_5, window_bounds = array<i64: 2, 1024>}, {transform_indices = @transform_6, window_bounds = array<i64: 2, 1024>}]} {
    %get3A = arith.constant 0 : index
    %get3A_0 = arith.constant 0 : index
    %get3A_1 = vector.load %arg1[%get3A, %get3A_0] : memref<1024x16xf32, #tpu.memory_space<vmem>>, vector<1024x16xf32>
    %get3A_2 = arith.constant 0 : index
    %get3A_3 = arith.constant 0 : index
    %get3A_4 = vector.load %arg2[%get3A_2, %get3A_3] : memref<16x32xf32, #tpu.memory_space<vmem>>, vector<16x32xf32>
    %dot_general3A = arith.constant dense<0.000000e+00> : vector<1024x32xf32>
    %dot_general3A_5 = tpu.matmul %get3A_1, %get3A_4, %dot_general3A {dimension_numbers = #tpu.dot_dimension_numbers<[1], [0], [0], [1], [0, 0, 1, 1], [], []>, transpose_lhs_hint = false} : vector<1024x16xf32>, vector<16x32xf32>, vector<1024x32xf32> -> vector<1024x32xf32>
    %slice3A = vector.extract_strided_slice %dot_general3A_5 {offsets = [0, 0], sizes = [1024, 16], strides = [1, 1]} : vector<1024x32xf32> to vector<1024x16xf32>
    %slice3A_6 = vector.extract_strided_slice %dot_general3A_5 {offsets = [0, 16], sizes = [1024, 16], strides = [1, 1]} : vector<1024x32xf32> to vector<1024x16xf32>
    %swap3A = arith.constant 0 : index
    %swap3A_7 = arith.constant 0 : index
    %swap3A_8 = arith.constant 0 : index
    %swap3A_9 = vector.load %arg5[%swap3A, %swap3A_7, %swap3A_8] : memref<2x1024x16xf32, #tpu.memory_space<vmem>>, vector<1x1024x16xf32>
    %swap3A_10 = vector.shape_cast %swap3A_9 : vector<1x1024x16xf32> to vector<1024x16xf32>
    %swap3A_11 = vector.shape_cast %slice3A : vector<1024x16xf32> to vector<1x1024x16xf32>
    tpu.vector_store %arg5[%swap3A, %swap3A_7, %swap3A_8], %swap3A_11 {strides = array<i32>} : memref<2x1024x16xf32, #tpu.memory_space<vmem>>, vector<1x1024x16xf32>,
    %swap3A_12 = arith.constant 1 : index
    %swap3A_13 = arith.constant 0 : index
    %swap3A_14 = arith.constant 0 : index
    %swap3A_15 = vector.load %arg5[%swap3A_12, %swap3A_13, %swap3A_14] : memref<2x1024x16xf32, #tpu.memory_space<vmem>>, vector<1x1024x16xf32>
    %swap3A_16 = vector.shape_cast %swap3A_15 : vector<1x1024x16xf32> to vector<1024x16xf32>
    %swap3A_17 = vector.shape_cast %slice3A_6 : vector<1024x16xf32> to vector<1x1024x16xf32>
    tpu.vector_store %arg5[%swap3A_12, %swap3A_13, %swap3A_14], %swap3A_17 {strides = array<i32>} : memref<2x1024x16xf32, #tpu.memory_space<vmem>>, vector<1x1024x16xf32>,
    %get3A_18 = arith.constant 0 : index
    %get3A_19 = arith.constant 0 : index
    %get3A_20 = vector.load %arg3[%get3A_18, %get3A_19] : memref<2x16xf32, #tpu.memory_space<vmem>>, vector<1x16xf32>
    %mul3A = vector.broadcast %get3A_20 : vector<1x16xf32> to vector<1024x16xf32>
    %mul3A_21 = arith.mulf %slice3A, %mul3A : vector<1024x16xf32>
    %reduce_sum3A = arith.constant dense<0.000000e+00> : vector<1024xf32>
    %reduce_sum3A_22 = vector.multi_reduction <add>, %mul3A_21, %reduce_sum3A [1] : vector<1024x16xf32> to vector<1024xf32>
    %swap3A_23 = arith.constant 0 : index
    %swap3A_24 = arith.constant 0 : index
    %swap3A_25 = vector.load %arg6[%swap3A_23, %swap3A_24] : memref<2x1024xf32, #tpu.memory_space<vmem>>, vector<1x1024xf32>
    %swap3A_26 = vector.shape_cast %swap3A_25 : vector<1x1024xf32> to vector<1024xf32>
    %swap3A_27 = vector.shape_cast %reduce_sum3A_22 : vector<1024xf32> to vector<1x1024xf32>
    tpu.vector_store %arg6[%swap3A_23, %swap3A_24], %swap3A_27 {strides = array<i32>} : memref<2x1024xf32, #tpu.memory_space<vmem>>, vector<1x1024xf32>,
    %get3A_28 = arith.constant 1 : index
    %get3A_29 = arith.constant 0 : index
    %get3A_30 = vector.load %arg3[%get3A_28, %get3A_29] : memref<2x16xf32, #tpu.memory_space<vmem>>, vector<1x16xf32>
    %mul3A_31 = vector.broadcast %get3A_30 : vector<1x16xf32> to vector<1024x16xf32>
    %mul3A_32 = arith.mulf %slice3A_6, %mul3A_31 : vector<1024x16xf32>
    %reduce_sum3A_33 = arith.constant dense<0.000000e+00> : vector<1024xf32>
    %reduce_sum3A_34 = vector.multi_reduction <add>, %mul3A_32, %reduce_sum3A_33 [1] : vector<1024x16xf32> to vector<1024xf32>
    %swap3A_35 = arith.constant 1 : index
    %swap3A_36 = arith.constant 0 : index
    %swap3A_37 = vector.load %arg6[%swap3A_35, %swap3A_36] : memref<2x1024xf32, #tpu.memory_space<vmem>>, vector<1x1024xf32>
    %swap3A_38 = vector.shape_cast %swap3A_37 : vector<1x1024xf32> to vector<1024xf32>
    %swap3A_39 = vector.shape_cast %reduce_sum3A_34 : vector<1024xf32> to vector<1x1024xf32>
    tpu.vector_store %arg6[%swap3A_35, %swap3A_36], %swap3A_39 {strides = array<i32>} : memref<2x1024xf32, #tpu.memory_space<vmem>>, vector<1x1024xf32>,
    %get3A_40 = arith.constant 0 : index
    %get3A_41 = arith.constant 0 : index
    %get3A_42 = vector.load %arg4[%get3A_40, %get3A_41] : memref<2x16xf32, #tpu.memory_space<vmem>>, vector<1x16xf32>
    %mul3A_43 = vector.broadcast %get3A_42 : vector<1x16xf32> to vector<1024x16xf32>
    %mul3A_44 = arith.mulf %slice3A, %mul3A_43 : vector<1024x16xf32>
    %reduce_sum3A_45 = arith.constant dense<0.000000e+00> : vector<1024xf32>
    %reduce_sum3A_46 = vector.multi_reduction <add>, %mul3A_44, %reduce_sum3A_45 [1] : vector<1024x16xf32> to vector<1024xf32>
    %swap3A_47 = arith.constant 0 : index
    %swap3A_48 = arith.constant 0 : index
    %swap3A_49 = vector.load %arg7[%swap3A_47, %swap3A_48] : memref<2x1024xf32, #tpu.memory_space<vmem>>, vector<1x1024xf32>
    %swap3A_50 = vector.shape_cast %swap3A_49 : vector<1x1024xf32> to vector<1024xf32>
    %swap3A_51 = vector.shape_cast %reduce_sum3A_46 : vector<1024xf32> to vector<1x1024xf32>
    tpu.vector_store %arg7[%swap3A_47, %swap3A_48], %swap3A_51 {strides = array<i32>} : memref<2x1024xf32, #tpu.memory_space<vmem>>, vector<1x1024xf32>,
    %get3A_52 = arith.constant 1 : index
    %get3A_53 = arith.constant 0 : index
    %get3A_54 = vector.load %arg4[%get3A_52, %get3A_53] : memref<2x16xf32, #tpu.memory_space<vmem>>, vector<1x16xf32>
    %mul3A_55 = vector.broadcast %get3A_54 : vector<1x16xf32> to vector<1024x16xf32>
    %mul3A_56 = arith.mulf %slice3A_6, %mul3A_55 : vector<1024x16xf32>
    %reduce_sum3A_57 = arith.constant dense<0.000000e+00> : vector<1024xf32>
    %reduce_sum3A_58 = vector.multi_reduction <add>, %mul3A_56, %reduce_sum3A_57 [1] : vector<1024x16xf32> to vector<1024xf32>
    %swap3A_59 = arith.constant 1 : index
    %swap3A_60 = arith.constant 0 : index
    %swap3A_61 = vector.load %arg7[%swap3A_59, %swap3A_60] : memref<2x1024xf32, #tpu.memory_space<vmem>>, vector<1x1024xf32>
    %swap3A_62 = vector.shape_cast %swap3A_61 : vector<1x1024xf32> to vector<1024xf32>
    %swap3A_63 = vector.shape_cast %reduce_sum3A_58 : vector<1024xf32> to vector<1x1024xf32>
    tpu.vector_store %arg7[%swap3A_59, %swap3A_60], %swap3A_63 {strides = array<i32>} : memref<2x1024xf32, #tpu.memory_space<vmem>>, vector<1x1024xf32>,
    return
  }
  func.func @transform_0(%arg0: i32) -> (i32, i32) {
    %c0_i32 = arith.constant 0 : i32
    %c0_i32_0 = arith.constant 0 : i32
    return %arg0, %c0_i32 : i32, i32
  }
  func.func @transform_1(%arg0: i32) -> (i32, i32) {
    %c0_i32 = arith.constant 0 : i32
    %c0_i32_0 = arith.constant 0 : i32
    %c0_i32_1 = arith.constant 0 : i32
    return %c0_i32, %c0_i32_0 : i32, i32
  }
  func.func @transform_2(%arg0: i32) -> (i32, i32) {
    %c0_i32 = arith.constant 0 : i32
    %c0_i32_0 = arith.constant 0 : i32
    %c0_i32_1 = arith.constant 0 : i32
    return %c0_i32, %c0_i32_0 : i32, i32
  }
  func.func @transform_3(%arg0: i32) -> (i32, i32) {
    %c0_i32 = arith.constant 0 : i32
    %c0_i32_0 = arith.constant 0 : i32
    %c0_i32_1 = arith.constant 0 : i32
    return %c0_i32, %c0_i32_0 : i32, i32
  }
  func.func @transform_4(%arg0: i32) -> (i32, i32, i32) {
    %c0_i32 = arith.constant 0 : i32
    %c0_i32_0 = arith.constant 0 : i32
    %c0_i32_1 = arith.constant 0 : i32
    return %c0_i32, %arg0, %c0_i32_0 : i32, i32, i32
  }
  func.func @transform_5(%arg0: i32) -> (i32, i32) {
    %c0_i32 = arith.constant 0 : i32
    %c0_i32_0 = arith.constant 0 : i32
    return %c0_i32, %arg0 : i32, i32
  }
  func.func @transform_6(%arg0: i32) -> (i32, i32) {
    %c0_i32 = arith.constant 0 : i32
    %c0_i32_0 = arith.constant 0 : i32
    return %c0_i32, %arg0 : i32, i32
  }
}

module attributes {stable_mosaic.version = 14 : i64} {
  func.func @_mid_body(%arg0: i32, %arg1: memref<2x1024x16xf32, #tpu.memory_space<vmem>>, %arg2: memref<2x1024xf32, #tpu.memory_space<vmem>>, %arg3: memref<1x32xf32, #tpu.memory_space<vmem>>, %arg4: memref<32x32xf32, #tpu.memory_space<vmem>>, %arg5: memref<1x32xf32, #tpu.memory_space<vmem>>, %arg6: memref<1x32xf32, #tpu.memory_space<vmem>>, %arg7: memref<2x1024x16xf32, #tpu.memory_space<vmem>>, %arg8: memref<2x1024xf32, #tpu.memory_space<vmem>>, %arg9: memref<2x1024xf32, #tpu.memory_space<vmem>>) attributes {dimension_semantics = [#tpu.dimension_semantics<arbitrary>], iteration_bounds = array<i64: 100>, scalar_prefetch = 0 : i64, scratch_operands = 0 : i64, tpu.core_type = #tpu.core_type<tc>, window_params = [{transform_indices = @transform_0, window_bounds = array<i64: 2, 1024, 16>}, {transform_indices = @transform_1, window_bounds = array<i64: 2, 1024>}, {pipeline_mode = #tpu.pipeline_mode<synchronous>, transform_indices = @transform_2, window_bounds = array<i64: 1, 32>}, {pipeline_mode = #tpu.pipeline_mode<synchronous>, transform_indices = @transform_3, window_bounds = array<i64: 32, 32>}, {pipeline_mode = #tpu.pipeline_mode<synchronous>, transform_indices = @transform_4, window_bounds = array<i64: 1, 32>}, {pipeline_mode = #tpu.pipeline_mode<synchronous>, transform_indices = @transform_5, window_bounds = array<i64: 1, 32>}, {transform_indices = @transform_6, window_bounds = array<i64: 2, 1024, 16>}, {transform_indices = @transform_7, window_bounds = array<i64: 2, 1024>}, {transform_indices = @transform_8, window_bounds = array<i64: 2, 1024>}]} {
    %get3A = arith.constant 0 : index
    %get3A_0 = arith.constant 0 : index
    %get3A_1 = vector.load %arg2[%get3A, %get3A_0] : memref<2x1024xf32, #tpu.memory_space<vmem>>, vector<1x1024xf32>
    %get3A_2 = vector.shape_cast %get3A_1 : vector<1x1024xf32> to vector<1024xf32>
    %broadcast_in_dim3A = vector.shape_cast %get3A_2 : vector<1024xf32> to vector<1024x1xf32>
    %add3A = arith.constant 1.000000e-16 : f32
    %add3A_3 = vector.broadcast %add3A : f32 to vector<1024x1xf32>
    %add3A_4 = arith.addf %broadcast_in_dim3A, %add3A_3 : vector<1024x1xf32>
    %get3A_5 = arith.constant 1 : index
    %get3A_6 = arith.constant 0 : index
    %get3A_7 = vector.load %arg2[%get3A_5, %get3A_6] : memref<2x1024xf32, #tpu.memory_space<vmem>>, vector<1x1024xf32>
    %get3A_8 = vector.shape_cast %get3A_7 : vector<1x1024xf32> to vector<1024xf32>
    %broadcast_in_dim3A_9 = vector.shape_cast %get3A_8 : vector<1024xf32> to vector<1024x1xf32>
    %add3A_10 = arith.constant 1.000000e-16 : f32
    %add3A_11 = vector.broadcast %add3A_10 : f32 to vector<1024x1xf32>
    %add3A_12 = arith.addf %broadcast_in_dim3A_9, %add3A_11 : vector<1024x1xf32>
    %get3A_13 = arith.constant 0 : index
    %get3A_14 = arith.constant 0 : index
    %get3A_15 = arith.constant 0 : index
    %get3A_16 = vector.load %arg1[%get3A_13, %get3A_14, %get3A_15] : memref<2x1024x16xf32, #tpu.memory_space<vmem>>, vector<1x1024x16xf32>
    %get3A_17 = vector.shape_cast %get3A_16 : vector<1x1024x16xf32> to vector<1024x16xf32>
    %div3A = vector.broadcast %add3A_4 : vector<1024x1xf32> to vector<1024x16xf32>
    %div3A_18 = arith.divf %get3A_17, %div3A : vector<1024x16xf32>
    %get3A_19 = arith.constant 1 : index
    %get3A_20 = arith.constant 0 : index
    %get3A_21 = arith.constant 0 : index
    %get3A_22 = vector.load %arg1[%get3A_19, %get3A_20, %get3A_21] : memref<2x1024x16xf32, #tpu.memory_space<vmem>>, vector<1x1024x16xf32>
    %get3A_23 = vector.shape_cast %get3A_22 : vector<1x1024x16xf32> to vector<1024x16xf32>
    %div3A_24 = vector.broadcast %add3A_12 : vector<1024x1xf32> to vector<1024x16xf32>
    %div3A_25 = arith.divf %get3A_23, %div3A_24 : vector<1024x16xf32>
    %concatenate3A = tpu.concatenate %div3A_18, %div3A_25 in 1 : vector<1024x16xf32>, vector<1024x16xf32> -> vector<1024x32xf32>
    %get3A_26 = arith.constant 0 : index
    %get3A_27 = arith.constant 0 : index
    %get3A_28 = vector.load %arg3[%get3A_26, %get3A_27] : memref<1x32xf32, #tpu.memory_space<vmem>>, vector<1x32xf32>
    %add3A_29 = vector.broadcast %get3A_28 : vector<1x32xf32> to vector<1024x32xf32>
    %add3A_30 = arith.addf %concatenate3A, %add3A_29 : vector<1024x32xf32>
    %max3A = arith.constant 0.000000e+00 : f32
    %max3A_31 = vector.broadcast %max3A : f32 to vector<1024x32xf32>
    %max3A_32 = arith.maximumf %add3A_30, %max3A_31 : vector<1024x32xf32>
    %get3A_33 = arith.constant 0 : index
    %get3A_34 = arith.constant 0 : index
    %get3A_35 = vector.load %arg4[%get3A_33, %get3A_34] : memref<32x32xf32, #tpu.memory_space<vmem>>, vector<32x32xf32>
    %dot_general3A = arith.constant dense<0.000000e+00> : vector<1024x32xf32>
    %dot_general3A_36 = tpu.matmul %max3A_32, %get3A_35, %dot_general3A {dimension_numbers = #tpu.dot_dimension_numbers<[1], [0], [0], [1], [0, 0, 1, 1], [], []>, transpose_lhs_hint = false} : vector<1024x32xf32>, vector<32x32xf32>, vector<1024x32xf32> -> vector<1024x32xf32>
    %slice3A = vector.extract_strided_slice %dot_general3A_36 {offsets = [0, 0], sizes = [1024, 16], strides = [1, 1]} : vector<1024x32xf32> to vector<1024x16xf32>
    %swap3A = arith.constant 0 : index
    %swap3A_37 = arith.constant 0 : index
    %swap3A_38 = arith.constant 0 : index
    %swap3A_39 = vector.load %arg7[%swap3A, %swap3A_37, %swap3A_38] : memref<2x1024x16xf32, #tpu.memory_space<vmem>>, vector<1x1024x16xf32>
    %swap3A_40 = vector.shape_cast %swap3A_39 : vector<1x1024x16xf32> to vector<1024x16xf32>
    %swap3A_41 = vector.shape_cast %slice3A : vector<1024x16xf32> to vector<1x1024x16xf32>
    tpu.vector_store %arg7[%swap3A, %swap3A_37, %swap3A_38], %swap3A_41 {strides = array<i32>} : memref<2x1024x16xf32, #tpu.memory_space<vmem>>, vector<1x1024x16xf32>,
    %slice3A_42 = vector.extract_strided_slice %dot_general3A_36 {offsets = [0, 16], sizes = [1024, 16], strides = [1, 1]} : vector<1024x32xf32> to vector<1024x16xf32>
    %swap3A_43 = arith.constant 1 : index
    %swap3A_44 = arith.constant 0 : index
    %swap3A_45 = arith.constant 0 : index
    %swap3A_46 = vector.load %arg7[%swap3A_43, %swap3A_44, %swap3A_45] : memref<2x1024x16xf32, #tpu.memory_space<vmem>>, vector<1x1024x16xf32>
    %swap3A_47 = vector.shape_cast %swap3A_46 : vector<1x1024x16xf32> to vector<1024x16xf32>
    %swap3A_48 = vector.shape_cast %slice3A_42 : vector<1024x16xf32> to vector<1x1024x16xf32>
    tpu.vector_store %arg7[%swap3A_43, %swap3A_44, %swap3A_45], %swap3A_48 {strides = array<i32>} : memref<2x1024x16xf32, #tpu.memory_space<vmem>>, vector<1x1024x16xf32>,
    %get3A_49 = arith.constant 0 : index
    %get3A_50 = arith.constant 0 : index
    %get3A_51 = vector.load %arg5[%get3A_49, %get3A_50] : memref<1x32xf32, #tpu.memory_space<vmem>>, vector<1x32xf32>
    %mul3A = vector.broadcast %get3A_51 : vector<1x32xf32> to vector<1024x32xf32>
    %mul3A_52 = arith.mulf %dot_general3A_36, %mul3A : vector<1024x32xf32>
    %reduce_sum3A = arith.constant dense<0.000000e+00> : vector<1024xf32>
    %reduce_sum3A_53 = vector.multi_reduction <add>, %mul3A_52, %reduce_sum3A [1] : vector<1024x32xf32> to vector<1024xf32>
    %get3A_54 = arith.constant 0 : index
    %get3A_55 = arith.constant 0 : index
    %get3A_56 = vector.load %arg6[%get3A_54, %get3A_55] : memref<1x32xf32, #tpu.memory_space<vmem>>, vector<1x32xf32>
    %mul3A_57 = vector.broadcast %get3A_56 : vector<1x32xf32> to vector<1024x32xf32>
    %mul3A_58 = arith.mulf %dot_general3A_36, %mul3A_57 : vector<1024x32xf32>
    %reduce_sum3A_59 = arith.constant dense<0.000000e+00> : vector<1024xf32>
    %reduce_sum3A_60 = vector.multi_reduction <add>, %mul3A_58, %reduce_sum3A_59 [1] : vector<1024x32xf32> to vector<1024xf32>
    %swap3A_61 = arith.constant 0 : index
    %swap3A_62 = arith.constant 0 : index
    %swap3A_63 = vector.load %arg8[%swap3A_61, %swap3A_62] : memref<2x1024xf32, #tpu.memory_space<vmem>>, vector<1x1024xf32>
    %swap3A_64 = vector.shape_cast %swap3A_63 : vector<1x1024xf32> to vector<1024xf32>
    %swap3A_65 = vector.shape_cast %reduce_sum3A_53 : vector<1024xf32> to vector<1x1024xf32>
    tpu.vector_store %arg8[%swap3A_61, %swap3A_62], %swap3A_65 {strides = array<i32>} : memref<2x1024xf32, #tpu.memory_space<vmem>>, vector<1x1024xf32>,
    %swap3A_66 = arith.constant 1 : index
    %swap3A_67 = arith.constant 0 : index
    %swap3A_68 = vector.load %arg8[%swap3A_66, %swap3A_67] : memref<2x1024xf32, #tpu.memory_space<vmem>>, vector<1x1024xf32>
    %swap3A_69 = vector.shape_cast %swap3A_68 : vector<1x1024xf32> to vector<1024xf32>
    %swap3A_70 = vector.shape_cast %reduce_sum3A_53 : vector<1024xf32> to vector<1x1024xf32>
    tpu.vector_store %arg8[%swap3A_66, %swap3A_67], %swap3A_70 {strides = array<i32>} : memref<2x1024xf32, #tpu.memory_space<vmem>>, vector<1x1024xf32>,
    %swap3A_71 = arith.constant 0 : index
    %swap3A_72 = arith.constant 0 : index
    %swap3A_73 = vector.load %arg9[%swap3A_71, %swap3A_72] : memref<2x1024xf32, #tpu.memory_space<vmem>>, vector<1x1024xf32>
    %swap3A_74 = vector.shape_cast %swap3A_73 : vector<1x1024xf32> to vector<1024xf32>
    %swap3A_75 = vector.shape_cast %reduce_sum3A_60 : vector<1024xf32> to vector<1x1024xf32>
    tpu.vector_store %arg9[%swap3A_71, %swap3A_72], %swap3A_75 {strides = array<i32>} : memref<2x1024xf32, #tpu.memory_space<vmem>>, vector<1x1024xf32>,
    %swap3A_76 = arith.constant 1 : index
    %swap3A_77 = arith.constant 0 : index
    %swap3A_78 = vector.load %arg9[%swap3A_76, %swap3A_77] : memref<2x1024xf32, #tpu.memory_space<vmem>>, vector<1x1024xf32>
    %swap3A_79 = vector.shape_cast %swap3A_78 : vector<1x1024xf32> to vector<1024xf32>
    %swap3A_80 = vector.shape_cast %reduce_sum3A_60 : vector<1024xf32> to vector<1x1024xf32>
    tpu.vector_store %arg9[%swap3A_76, %swap3A_77], %swap3A_80 {strides = array<i32>} : memref<2x1024xf32, #tpu.memory_space<vmem>>, vector<1x1024xf32>,
    return
  }
  func.func @transform_0(%arg0: i32) -> (i32, i32, i32) {
    %c0_i32 = arith.constant 0 : i32
    %c0_i32_0 = arith.constant 0 : i32
    %c0_i32_1 = arith.constant 0 : i32
    return %c0_i32, %arg0, %c0_i32_0 : i32, i32, i32
  }
  func.func @transform_1(%arg0: i32) -> (i32, i32) {
    %c0_i32 = arith.constant 0 : i32
    %c0_i32_0 = arith.constant 0 : i32
    return %c0_i32, %arg0 : i32, i32
  }
  func.func @transform_2(%arg0: i32) -> (i32, i32) {
    %c0_i32 = arith.constant 0 : i32
    %c0_i32_0 = arith.constant 0 : i32
    %c0_i32_1 = arith.constant 0 : i32
    return %c0_i32, %c0_i32_0 : i32, i32
  }
  func.func @transform_3(%arg0: i32) -> (i32, i32) {
    %c0_i32 = arith.constant 0 : i32
    %c0_i32_0 = arith.constant 0 : i32
    %c0_i32_1 = arith.constant 0 : i32
    return %c0_i32, %c0_i32_0 : i32, i32
  }
  func.func @transform_4(%arg0: i32) -> (i32, i32) {
    %c0_i32 = arith.constant 0 : i32
    %c0_i32_0 = arith.constant 0 : i32
    %c0_i32_1 = arith.constant 0 : i32
    return %c0_i32, %c0_i32_0 : i32, i32
  }
  func.func @transform_5(%arg0: i32) -> (i32, i32) {
    %c0_i32 = arith.constant 0 : i32
    %c0_i32_0 = arith.constant 0 : i32
    %c0_i32_1 = arith.constant 0 : i32
    return %c0_i32, %c0_i32_0 : i32, i32
  }
  func.func @transform_6(%arg0: i32) -> (i32, i32, i32) {
    %c0_i32 = arith.constant 0 : i32
    %c0_i32_0 = arith.constant 0 : i32
    %c0_i32_1 = arith.constant 0 : i32
    return %c0_i32, %arg0, %c0_i32_0 : i32, i32, i32
  }
  func.func @transform_7(%arg0: i32) -> (i32, i32) {
    %c0_i32 = arith.constant 0 : i32
    %c0_i32_0 = arith.constant 0 : i32
    return %c0_i32, %arg0 : i32, i32
  }
  func.func @transform_8(%arg0: i32) -> (i32, i32) {
    %c0_i32 = arith.constant 0 : i32
    %c0_i32_0 = arith.constant 0 : i32
    return %c0_i32, %arg0 : i32, i32
  }
}

module attributes {stable_mosaic.version = 14 : i64} {
  func.func @_final_body(%arg0: i32, %arg1: memref<2x1000x16xf32, #tpu.memory_space<vmem>>, %arg2: memref<2x1000x1xf32, #tpu.memory_space<vmem>>, %arg3: memref<1x32xf32, #tpu.memory_space<vmem>>, %arg4: memref<1000x32xf32, #tpu.memory_space<vmem>>) attributes {dimension_semantics = [#tpu.dimension_semantics<arbitrary>], iteration_bounds = array<i64: 100>, scalar_prefetch = 0 : i64, scratch_operands = 0 : i64, tpu.core_type = #tpu.core_type<tc>, window_params = [{transform_indices = @transform_0, window_bounds = array<i64: 2, 1000, 16>}, {transform_indices = @transform_1, window_bounds = array<i64: 2, 1000, 1>}, {pipeline_mode = #tpu.pipeline_mode<synchronous>, transform_indices = @transform_2, window_bounds = array<i64: 1, 32>}, {transform_indices = @transform_3, window_bounds = array<i64: 1000, 32>}]} {
    %get3A = arith.constant 0 : index
    %get3A_0 = arith.constant 0 : index
    %get3A_1 = arith.constant 0 : index
    %get3A_2 = vector.load %arg2[%get3A, %get3A_0, %get3A_1] : memref<2x1000x1xf32, #tpu.memory_space<vmem>>, vector<1x1000x1xf32>
    %get3A_3 = vector.shape_cast %get3A_2 : vector<1x1000x1xf32> to vector<1000x1xf32>
    %add3A = arith.constant 1.000000e-16 : f32
    %add3A_4 = vector.broadcast %add3A : f32 to vector<1000x1xf32>
    %add3A_5 = arith.addf %get3A_3, %add3A_4 : vector<1000x1xf32>
    %get3A_6 = arith.constant 0 : index
    %get3A_7 = arith.constant 0 : index
    %get3A_8 = arith.constant 0 : index
    %get3A_9 = vector.load %arg1[%get3A_6, %get3A_7, %get3A_8] : memref<2x1000x16xf32, #tpu.memory_space<vmem>>, vector<1x1000x16xf32>
    %get3A_10 = vector.shape_cast %get3A_9 : vector<1x1000x16xf32> to vector<1000x16xf32>
    %get3A_11 = arith.constant 1 : index
    %get3A_12 = arith.constant 0 : index
    %get3A_13 = arith.constant 0 : index
    %get3A_14 = vector.load %arg1[%get3A_11, %get3A_12, %get3A_13] : memref<2x1000x16xf32, #tpu.memory_space<vmem>>, vector<1x1000x16xf32>
    %get3A_15 = vector.shape_cast %get3A_14 : vector<1x1000x16xf32> to vector<1000x16xf32>
    %concatenate3A = tpu.concatenate %get3A_10, %get3A_15 in 1 : vector<1000x16xf32>, vector<1000x16xf32> -> vector<1000x32xf32>
    %div3A = vector.broadcast %add3A_5 : vector<1000x1xf32> to vector<1000x32xf32>
    %div3A_16 = arith.divf %concatenate3A, %div3A : vector<1000x32xf32>
    %get3A_17 = arith.constant 0 : index
    %get3A_18 = arith.constant 0 : index
    %get3A_19 = vector.load %arg3[%get3A_17, %get3A_18] : memref<1x32xf32, #tpu.memory_space<vmem>>, vector<1x32xf32>
    %add3A_20 = vector.broadcast %get3A_19 : vector<1x32xf32> to vector<1000x32xf32>
    %add3A_21 = arith.addf %div3A_16, %add3A_20 : vector<1000x32xf32>
    %swap3A = arith.constant 0 : index
    %swap3A_22 = arith.constant 0 : index
    %swap3A_23 = vector.load %arg4[%swap3A, %swap3A_22] : memref<1000x32xf32, #tpu.memory_space<vmem>>, vector<1000x32xf32>
    tpu.vector_store %arg4[%swap3A, %swap3A_22], %add3A_21 {strides = array<i32>} : memref<1000x32xf32, #tpu.memory_space<vmem>>, vector<1000x32xf32>,
    return
  }
  func.func @transform_0(%arg0: i32) -> (i32, i32, i32) {
    %c0_i32 = arith.constant 0 : i32
    %c0_i32_0 = arith.constant 0 : i32
    %c0_i32_1 = arith.constant 0 : i32
    return %c0_i32, %arg0, %c0_i32_0 : i32, i32, i32
  }
  func.func @transform_1(%arg0: i32) -> (i32, i32, i32) {
    %c0_i32 = arith.constant 0 : i32
    %c0_i32_0 = arith.constant 0 : i32
    %c0_i32_1 = arith.constant 0 : i32
    return %c0_i32, %arg0, %c0_i32_0 : i32, i32, i32
  }
  func.func @transform_2(%arg0: i32) -> (i32, i32) {
    %c0_i32 = arith.constant 0 : i32
    %c0_i32_0 = arith.constant 0 : i32
    %c0_i32_1 = arith.constant 0 : i32
    return %c0_i32, %c0_i32_0 : i32, i32
  }
  func.func @transform_3(%arg0: i32) -> (i32, i32) {
    %c0_i32 = arith.constant 0 : i32
    %c0_i32_0 = arith.constant 0 : i32
    return %arg0, %c0_i32 : i32, i32
  }
}

</mosaic_0001>

<sc_bundles>
// kernel: kernel.11.cloned.1.call-start
scs
__scs_entry_jumppad:
0x0: {  	(pc) =	sbr.rel $0x88, $3  }
0x1: {  	(tag) =	ssettag $0x0;
	lr =	simm.s32 $0x1  }
0x2: {  	[smem:$0x3F96] =	sst lr;
	_ =	strace $0xD0000000  }
0x3: {  	_ = 	snop  }
0x4: {  	_ = 	snop  }
0x5: {  	_ = 	snop  }
0x6: {  	_ = 	snop  }
0x7: {  	_ = 	snop  }
__scs_overlays_trampoline_lowered:
0x8: {  	[smem:$0x3FA5] =	sst s0  }
0x9: {  	[smem:$0x3FA6] =	sst s1  }
0xa: {  	[smem:$0x3FA7] =	sst s2  }
0xb: {  	[smem:$0x3FA8] =	sst s3  }
0xc: {  	[smem:$0x3FA9] =	sst s4  }
0xd: {  	[smem:$0x3FAA] =	sst s5  }
0xe: {  	[smem:$0x3FAB] =	sst s6  }
0xf: {  	[smem:$0x3FAC] =	sst s7  }
0x10: {  	[smem:$0x3FAD] =	sst s8  }
0x11: {  	[smem:$0x3FAE] =	sst s9;
	s0 =	simm.s32 @!p0 $0x0  }
0x12: {  	s1 =	sld [smem:$0x3F94];
	s0 =	simm.s32 @p0 $0x1  }
0x13: {  	[smem:$0x3FAF] =	sst s0;
	s0 =	simm.s32 @!p1 $0x0  }
0x14: {  	s2 =	sld [smem:$0x3F93];
	s0 =	simm.s32 @p1 $0x1  }
0x15: {  	[smem:$0x3FB0] =	sst s0;
	s0 =	simm.s32 @!p2 $0x0  }
0x16: {  	s3 =	sld [smem:$0x3FDB];
	s0 =	simm.s32 @p2 $0x1  }
0x17: {  	s4 =	simm.s32 $0x1BF5;
	[smem:$0x3FB2] =	sst s0  }
0x18: {  	s0 =	sld [smem:$0x3F95];
	_ =	swait.ge [sflag:s4], $0x0  }
0x19: {  	s7 =	sld [smem:$0x3F96]  }
0x1a: {  	s8 =	sadd.s32 $0xFFFFE003, lr  }
0x1b: {  	s9 =	sadd.s32 $0xFFFFFEF7, lr;
	s5 =	simm.s32 $0xFFFFFFFF;
	p2 =	slt.u32 s8, $0xFFFFF086  }
0x1c: {  	p1 =	slt.u32 s9, $0xF7A;
	s5 =	simm.s32 @!p2 $0x0  }
0x1d: {  	s5 =	simm.s32 @p1 $0x1;
	p0 =	seq.s32 s7, s2  }
0x1e: {  	s7 =	smul.u32 @!p0 $0xF7A, s2;
	p2 =	seq.s32 @!p0 s5, $0x0  }
0x1f: {  	s9 =	smul.u32 $0xF7A, s1;
	s8 =	simm.s32 @!p0 $0x1BF5;
	p2 =	por !p2, p0  }
0x20: {  	[sflag:s8] =	ssyncset.s32 @!p0 $0xFFFFF086;
	s6 =	sadd.s32 @!p0 s3, s7;
	s7 =	simm.s32 @!p0 $0x108  }
0x21: {  	s3 =	sadd.s32 s3, s9;
	s6 =	sadd.s32 @!p0 $0x88, s6;
	s7 =	simm.s32 @p2 $0x1082  }
0x22: {  	[simem:s7], [sflag:s8] =	dma.local @!p0 [hbm:s6], $0xF7A  }
0x23: {  	s9 =	sor.u32 $0xD0000000, s2;
	s6 =	simm.s32 $0x108;
	_ =	swait.ge @!p0 [sflag:s8], $0x0  }
0x24: {  	s3 =	sadd.s32 $0x88, s3;
	s6 =	simm.s32 @!p1 $0x1082;
	[sflag:s4] =	ssyncset.s32 $0xFFFFF086  }
0x25: {  	[simem:s6], [sflag:s4] =	dma.local [hbm:s3], $0xF7A  }
0x26: {  	[smem:$0x3F96] =	sst s1;
	(tag) =	ssettag s2;
	_ =	strace s9  }
0x27: {  	s1 =	sld [smem:$0x3FA6]  }
0x28: {  	s2 =	sld [smem:$0x3FA7]  }
0x29: {  	s4 =	sld [smem:$0x3FA9]  }
0x2a: {  	p0 =	seq.s32 s5, $0x0;
	s5 =	sld [smem:$0x3FAA]  }
0x2b: {  	s6 =	sld [smem:$0x3FAB]  }
0x2c: {  	s7 =	sld [smem:$0x3FAC]  }
0x2d: {  	s3 =	simm.s32 $0x108;
	s8 =	sld [smem:$0x3FAD]  }
0x2e: {  	s3 =	simm.s32 @!p0 $0x1082;
	s9 =	sld [smem:$0x3FAE]  }
0x2f: {  	lr =	sadd.s32 s0, s3;
	s0 =	sld [smem:$0x3FA5]  }
0x30: {  	s3 =	sld [smem:$0x3FA8]  }
0x31: {  	[smem:$0x3FB1] =	sst s10  }
0x32: {  	s10 =	sld [smem:$0x3FAF];
	_ =	sdelay $0x3  }
0x33: {  	p0 =	seq.s32 s10, $0x1;
	s10 =	sld [smem:$0x3FB1];
	_ =	sdelay $0x3  }
0x34: {  	[smem:$0x3FB1] =	sst s10  }
0x35: {  	s10 =	sld [smem:$0x3FB0];
	_ =	sdelay $0x3  }
0x36: {  	p1 =	seq.s32 s10, $0x1;
	s10 =	sld [smem:$0x3FB1];
	_ =	sdelay $0x3  }
0x37: {  	[smem:$0x3FB1] =	sst s10  }
0x38: {  	s10 =	sld [smem:$0x3FB2]  }
0x39: {  	_ = 	snop;
	(pc) =	sbr.ind lr, $3  }
0x3a: {  	_ = 	snop  }
0x3b: {  	_ = 	snop  }
0x3c: {  	p2 =	seq.s32 s10, $0x1;
	s10 =	sld [smem:$0x3FB1]  }
0x3d: {  	_ =	shalt  }
0x3e: {  	_ =	shalt  }
0x3f: {  	_ =	shalt  }
0x40: {  	_ =	shalt  }
0x41: {  	_ =	shalt  }
0x42: {  	_ =	shalt  }
0x43: {  	_ =	shalt  }
0x44: {  	_ =	shalt  }
0x45: {  	_ =	shalt  }
0x46: {  	_ =	shalt  }
0x47: {  	_ =	shalt  }
0x48: {  	_ =	shalt  }
0x49: {  	_ =	shalt  }
0x4a: {  	_ =	shalt  }
0x4b: {  	_ =	shalt  }
0x4c: {  	_ =	shalt  }
0x4d: {  	_ =	shalt  }
0x4e: {  	_ =	shalt  }
0x4f: {  	_ =	shalt  }
0x50: {  	_ =	shalt  }
0x51: {  	_ =	shalt  }
0x52: {  	_ =	shalt  }
0x53: {  	_ =	shalt  }
0x54: {  	_ =	shalt  }
0x55: {  	_ =	shalt  }
0x56: {  	_ =	shalt  }
0x57: {  	_ =	shalt  }
0x58: {  	_ =	shalt  }
0x59: {  	_ =	shalt  }
0x5a: {  	_ =	shalt  }
0x5b: {  	_ =	shalt  }
0x5c: {  	_ =	shalt  }
0x5d: {  	_ =	shalt  }
0x5e: {  	_ =	shalt  }
0x5f: {  	_ =	shalt  }
0x60: {  	_ =	shalt  }
0x61: {  	_ =	shalt  }
0x62: {  	_ =	shalt  }
0x63: {  	_ =	shalt  }
0x64: {  	_ =	shalt  }
0x65: {  	_ =	shalt  }
0x66: {  	_ =	shalt  }
0x67: {  	_ =	shalt  }
0x68: {  	_ =	shalt  }
0x69: {  	_ =	shalt  }
0x6a: {  	_ =	shalt  }
0x6b: {  	_ =	shalt  }
0x6c: {  	_ =	shalt  }
0x6d: {  	_ =	shalt  }
0x6e: {  	_ =	shalt  }
0x6f: {  	_ =	shalt  }
0x70: {  	_ =	shalt  }
0x71: {  	_ =	shalt  }
0x72: {  	_ =	shalt  }
0x73: {  	_ =	shalt  }
0x74: {  	_ =	shalt  }
0x75: {  	_ =	shalt  }
0x76: {  	_ =	shalt  }
0x77: {  	_ =	shalt  }
0x78: {  	_ =	shalt  }
0x79: {  	_ =	shalt  }
0x7a: {  	_ =	shalt  }
0x7b: {  	_ =	shalt  }
0x7c: {  	_ =	shalt  }
0x7d: {  	_ =	shalt  }
0x7e: {  	_ =	shalt  }
0x7f: {  	_ =	shalt  }
0x80: {  	_ =	shalt  }
0x81: {  	_ =	shalt  }
0x82: {  	_ =	shalt  }
0x83: {  	_ =	shalt  }
0x84: {  	_ =	shalt  }
0x85: {  	_ =	shalt  }
0x86: {  	_ =	shalt  }
0x87: {  	_ =	shalt  }
.Lfunc_end0:
.L_simem_size_0:
called_computation.1_lowered:
.L_overlay_start_0:
0x88: {  	s2 =	sld [smem:$0x3FD9]  }
0x89: {  	s3 =	sld [smem:$0x3FFE];
	_ =	sdelay $0x1  }
0x8a: {  	s1 =	srdreg.scid  }
0x8b: {  	s0 =	sand.u32 $0x1, s1  }
0x8c: {  	s17 =	sshll.u32 s0, $0xA;
	s2 =	sadd.s32 s3, s2  }
0x8d: {  	s2 =	sadd.s32 s2, s17  }
0x8e: {  	[smem:$0x3FBD] =	sst s2  }
0x8f: {  	_ = 	snop  }
0x90: {  	s2 =	sld [smem:$0x3FD0];
	(tm) =	ssettm $0x1  }
0x91: {  	s18 =	sld [smem:$0x3FFB];
	_ =	sdelay $0x3  }
0x92: {  	_ =	strace s18  }
0x93: {  	s3 =	sld [smem:$0x3FFC];
	_ =	sdelay $0x3  }
0x94: {  	_ =	strace s3  }
0x95: {  	s3 =	sld [smem:$0x3FFD];
	_ =	sdelay $0x3  }
0x96: {  	_ =	strace s3  }
0x97: {  	_ =	strace $0x8FFFFFFF  }
0x98: {  	s19 =	sld [smem:$0x3FDB];
	_ =	sdelay $0x1  }
0x99: {  	s4 =	simm.s32 $_scs_section_size  }
0x9a: {  	s5 =	simm.s32 $_size__tile_overlayer_lowered;
	s6 =	simm.s32 $_tile_overlayer_lowered  }
0x9b: {  	s22 =	simm.s32 $0x1BFF;
	s21 =	sshll.u32 s6, $0x1;
	s3 =	sadd.s32 s4, s19  }
0x9c: {  	s7 =	simm.s32 $0x0;
	s20 =	sshll.u32 s5, $0x1;
	s5 =	sadd.s32 s21, s3  }
0x9d: {  	[timem:s7], [sflag:s22] =	dma.local [hbm:s5], s20  }
0x9e: {  	_ =	swait.ge [sflag:s22], s20  }
0x9f: {  	s4 =	ssub.s32 $0x0, s20;
	[sflag:s22] =	ssyncset.done $0x0  }
0xa0: {  	[sflag:s22] =	ssyncadd.s32 s4;
	_ =	sdelay $0x1  }
0xa1: {  	s23 =	simm.s32 $0x1B8B  }
0xa2: {  	_ =	swait.ge [sflag:s23], $0x1  }
0xa3: {  	[sflag:s23] =	ssyncset.done $0x0  }
0xa4: {  	s25 =	simm.s32 $0x1B8E;
	s24 =	sld [smem:$0x3FFE];
	[sflag:s23] =	ssyncadd.s32 $0xFFFFFFFF  }
0xa5: {  	s26 =	simm.s32 $execute0_lowered;
	[smem:$0x3FD2] =	sst s25  }
0xa6: {  	s5 =	sshll.u32 s26, $0x1;
	_ =	strace $0x80000049;
	[dreg:$0x1] =	wrdreg $0xFFFFFFFF  }
0xa7: {  	s28 =	simm.s32 $_size_execute0_lowered;
	s3 =	sadd.s32 s3, s5;
	[dreg:$0x0] =	wrdreg $0x0  }
0xa8: {  	s5 =	sshll.u32 s28, $0x1;
	[dreg:$0x2] =	wrdreg s3  }
0xa9: {  	[dreg:$0x3] =	wrdreg s5  }
0xaa: {  	[dreg:$0x4] =	wrdreg $0xC0  }
0xab: {  	_ =	task [dreg:s7], $0x5FFFF  }
0xac: {  	[dreg:$0x1] =	wrdreg $0xFFFFFFFF  }
0xad: {  	[dreg:$0x0] =	wrdreg $0x60  }
0xae: {  	[dreg:$0x2] =	wrdreg s24  }
0xaf: {  	[dreg:$0x3] =	wrdreg s2  }
0xb0: {  	[dreg:$0x4] =	wrdreg $0x44E00  }
0xb1: {  	[dreg:$0x5] =	wrdreg $0x1CBE00  }
0xb2: {  	[dreg:$0x6] =	wrdreg $0x1E4500  }
0xb3: {  	[dreg:$0x7] =	wrdreg $0x9  }
0xb4: {  	_ =	task.clear_ibuf [dreg:s7], $0x8FFFF;
	_ =	strace $0x90000049  }
0xb5: {  	s29 =	simm.s32 $0x9;
	_ =	strace $0x8000004B  }
0xb6: {  	_ =	swait.ge [sflag:s29], $0x1  }
0xb7: {  	[sflag:s29] =	ssyncadd.s32 $0xFFFFFFFF  }
0xb8: {  	_ =	strace $0x9000004B  }
0xb9: {  	_ =	sfence  }
0xba: {  	s30 =	sld [smem:$0x0];
	_ =	sdelay $0x2  }
0xbb: {  	s31 =	sshll.u32 s1, $0xD;
	s1 =	sshrl.u32 s1, $0x2  }
0xbc: {  	s3 =	sand.u32 $0x4000, s31;
	s1 =	sadd.s32 s1, s30  }
0xbd: {  	s0 =	sor.u32 s3, s0;
	s1 =	sshll.u32 s1, $0x11  }
0xbe: {  	s0 =	sor.u32 s1, s0  }
0xbf: {  	s0 =	sadd.s32 $0x8F2B, s0  }
0xc0: {  	[sflag:s0] =	ssyncadd.remote.s32 $0x1  }
0xc1: {  	_ =	sfence.sel $0xFFFF  }
0xc2: {  	[dreg:$0x0] =	wrdreg $0xFFFFFFFF;
	(pc) =	sbr.abs _section_cstart, $3  }
0xc3: {  	[dreg:$0x1] =	wrdreg $0xFFFFFFFF  }
0xc4: {  	_ =	task.clear_ibuf [dreg:s7], $0x2FFFF;
	_ =	strace $0x9FFFFFFF  }
0xc5: {  	(tm) =	ssettm $0x7FFFFFFF  }
tec
execute0_lowered:
.L_overlay_start_1:
0x0: {  	(tag) =	ssettag $0x1  }
0x1: {  	s0 =	rddreg [dreg:$0x0]  }
0x2: {  	s4 =	rddreg [dreg:$0x1]  }
0x3: {  	s1 =	rddreg [dreg:$0x2];
	s12 =	stileid.u32  }
0x4: {  	s2 =	rddreg [dreg:$0x3];
	s10 =	smul.u32 $0x1870, s12  }
0x5: {  	s3 =	rddreg [dreg:$0x4];
	s19 =	smul.u32 $0x6800, s12  }
0x6: {  	s5 =	srdreg.scid;
	s17 =	smul.u32 $0x18700, s12  }
0x7: {  	s6 =	simm.s32 $0x0;
	s5 =	sand.u32 $0x1, s5;
	s18 =	smul.u32 $0x61C00, s12  }
0x8: {  	[smem:$0x7FF] =	sst s6;
	s6 =	sadd.s32 $0x5400, s0;
	s7 =	smul.u32 $0x32000, s5  }
0x9: {  	_ =	strace $0x8000004A;
	s9 =	smul.u32 $0x3200, s5;
	s5 =	ssub.s32 $0x2, s5  }
0xa: {  	s8 =	sshrl.u32 s5, $0x1;
	s11 =	sadd.s32 s10, s2;
	s15 =	sadd.s32 s10, s3  }
0xb: {  	s10 =	sshrl.u32 s10, $0x3;
	s21 =	sshrl.u32 s17, $0x3;
	s14 =	sadd.s32 s7, s0  }
0xc: {  	s7 =	smul.u32 $0x1A000, s12;
	s0 =	sadd.s32 s9, s0;
	s5 =	ssub.s32 s5, s8  }
0xd: {  	s8 =	smul.u32 $0x340, s12;
	[dreg:$0x6] =	wrdreg s11;
	s11 =	sadd.s32 s6, s19  }
0xe: {  	s12 =	sadd.s32 s4, s9;
	s15 =	sshrl.u32 s15, $0x3;
	[dreg:$0x7] =	wrdreg s11  }
0xf: {  	s20 =	sadd.s32 $0xD7800, s14;
	s5 =	smax.u32 s5, $0x1;
	[dreg:$0x12] =	wrdreg s15  }
0x10: {  	s16 =	sadd.s32 $0xD1400, s0;
	[dreg:$0x8] =	wrdreg s5;
	s4 =	sadd.s32 s21, s20  }
0x11: {  	s0 =	sadd.s32 $0x13B800, s0;
	s9 =	sadd.s32 s10, s16;
	[dreg:$0xd] =	wrdreg s4  }
0x12: {  	s22 =	sadd.s32 s17, s1;
	s0 =	sadd.s32 s10, s0;
	[dreg:$0xf] =	wrdreg s9  }
0x13: {  	s23 =	sshrl.u32 s18, $0x2;
	s16 =	sshrl.u32 s22, $0x3;
	[dreg:$0x10] =	wrdreg s0  }
0x14: {  	s5 =	sadd.s32 s23, s1;
	[dreg:$0x13] =	wrdreg s16  }
0x15: {  	s28 =	simm.s32 $0x4;
	s17 =	sadd.s32 $0x1870, s5;
	[dreg:$0x9] =	wrdreg s5  }
0x16: {  	s29 =	simm.s32 $0x5;
	s24 =	sadd.s32 $0x30E0, s5;
	[dreg:$0xa] =	wrdreg s17  }
0x17: {  	s30 =	simm.s32 $0xB00;
	s25 =	sadd.s32 $0x4950, s5;
	[dreg:$0xb] =	wrdreg s24  }
0x18: {  	s31 =	simm.s32 $0x1300;
	s26 =	sadd.s32 $0x61C0, s5;
	[dreg:$0xc] =	wrdreg s25  }
0x19: {  	s11 =	sadd.s32 $0x6D400, s14;
	s10 =	sadd.s32 $0x7A30, s5;
	[dreg:$0xe] =	wrdreg s26  }
0x1a: {  	s14 =	simm.s32 $0x7;
	s18 =	sadd.s32 $0xAB10, s5;
	[dreg:$0x11] =	wrdreg s10  }
0x1b: {  	s13 =	sor.u32 $0x2, s8;
	s19 =	sadd.s32 $0xC380, s5;
	[dreg:$0x15] =	wrdreg s18  }
0x1c: {  	s20 =	sadd.s32 $0xDBF0, s5;
	s21 =	sadd.s32 $0xF460, s5;
	[dreg:$0x16] =	wrdreg s19  }
0x1d: {  	s22 =	sadd.s32 $0x10CD0, s5;
	s23 =	sadd.s32 $0x12540, s5;
	[dreg:$0x17] =	wrdreg s20  }
0x1e: {  	s9 =	simm.s32 $0xD;
	s0 =	simm.s32 $0xA80;
	[dreg:$0x18] =	wrdreg s21  }
0x1f: {  	s16 =	simm.s32 $0x8;
	s17 =	sadd.s32 $0x92A0, s5;
	[dreg:$0x19] =	wrdreg s22  }
0x20: {  	[dreg:$0x1a] =	wrdreg s23;
	s24 =	sadd.s32 $0x13DB0, s5;
	s25 =	sadd.s32 $0x15620, s5  }
.Ltmp0:
0x21: {  	s26 =	sadd.s32 $0x16E90, s5;
	[dreg:$0x14] =	wrdreg s17;
	(pc) =	sbr.rel .LBB2_1-.Ltmp0, $4  }
0x22: {  	s19 =	simm.s32 $0x1;
	s20 =	simm.s32 $0x80;
	[dreg:$0x1b] =	wrdreg s24  }
0x23: {  	s21 =	simm.s32 $0x100;
	s22 =	simm.s32 $0x900;
	[dreg:$0x1c] =	wrdreg s25  }
0x24: {  	v1 =	vimm.s32 $0x0;
	vm0 =	vcmask $0x300;
	s10 =	simm.s32 $0x6;
	s5 =	simm.s32 $0x0;
	[dreg:$0x1d] =	wrdreg s26  }
0x25: {  	v0 =	vimm.f32 $0.0e+00;
	v1 =	vsel vm0, $0x3, v1;
	s24 =	simm.s32 $0xA00;
	s25 =	simm.s32 $0x2;
	s26 =	simm.s32 $0x3  }
.LBB2_16:
0x26: {  	[spmem:s1] =	stream.indirect.scatter.add.f32 [tilespmem:s30], [sflag:$0xB], $0x10, s0, s20, $0xb8;
	[tilespmem:$0x1FCC0] =	vst v63  }
0x27: {  	s4 =	simm.s32 $0x9  }
0x28: {  	[spmem:s2] =	stream.indirect.scatter.add.f32 [tilespmem:s31], [sflag:$0xC], $0x1, s0, s20, $0xb8;
	[tilespmem:$0x1FCC0] =	vst v63  }
0x29: {  	_ =	swait.ge [sflag:s4], $0x800  }
0x2a: {  	[sflag:s4] =	ssyncset.done $0x0  }
0x2b: {  	s15 =	simm.s32 $0xA;
	[sflag:s4] =	ssyncadd.s32 $0xFFFFF800  }
0x2c: {  	_ =	swait.ge [sflag:s15], $0x80  }
0x2d: {  	[sflag:s15] =	ssyncset.done $0x0  }
0x2e: {  	s17 =	simm.s32 $0xB;
	[sflag:s15] =	ssyncadd.s32 $0xFFFFFF80  }
0x2f: {  	_ =	swait.ge [sflag:s17], $0x800  }
0x30: {  	[sflag:s17] =	ssyncset.done $0x0  }
0x31: {  	s18 =	simm.s32 $0xC;
	[sflag:s17] =	ssyncadd.s32 $0xFFFFF800  }
0x32: {  	_ =	swait.ge [sflag:s18], $0x80  }
0x33: {  	[sflag:s18] =	ssyncset.done $0x0  }
0x34: {  	[sflag:s18] =	ssyncadd.s32 $0xFFFFFF80  }
0x35: {  	[bflag:$0x0] =	sbarrier.arrive $0xFFFF  }
0x36: {  	s23 =	rddreg [dreg:$0xd]  }
0x37: {  	s5 =	rddreg [dreg:$0x13]  }
0x38: {  	s9 =	simm.s32 $0xD;
	s15 =	rddreg [dreg:$0x1f]  }
0x39: {  	[hbm:s23], [sflag:s15] =	dma.local [spmem:s5], $0x30E0  }
0x3a: {  	_ =	swait.ge [sflag:s9], $0x30E0  }
0x3b: {  	[sflag:s9] =	ssyncset.done $0x0;
	s5 =	rddreg [dreg:$0x6]  }
0x3c: {  	s17 =	rddreg [dreg:$0x10];
	[sflag:s9] =	ssyncadd.s32 $0xFFFFCF20;
	s4 =	sshrl.u32 s5, $0x3  }
0x3d: {  	[hbm:s17], [sflag:s15] =	dma.local [spmem:s4], $0x30E  }
0x3e: {  	_ =	swait.ge [sflag:s9], $0x30E  }
0x3f: {  	s18 =	rddreg [dreg:$0x1e]  }
0x40: {  	s23 =	rddreg [dreg:$0x8];
	s5 =	sadd.s32 $0x1, s18  }
0x41: {  	p0 =	sne.s32 s5, s23  }
.Ltmp1:
0x42: {  	_ = 	snop;
	(pc) =	sbr.rel @!p0 .LBB2_17-.Ltmp1, $3  }
0x43: {  	_ =	sdelay $0x1  }
0x44: {  	[sflag:s9] =	ssyncset.done $0x0  }
0x45: {  	[sflag:s9] =	ssyncadd.s32 $0xFFFFFCF2  }
.LBB2_1:
0x46: {  	[dreg:$0x1e] =	wrdreg s5;
	s4 =	simm.s32 $0x0  }
.LBB2_2:
0x47: {  	p0 =	sne.s32 s4, $0x6180  }
.Ltmp2:
0x48: {  	_ = 	snop;
	(pc) =	sbr.rel @p0 .LBB2_2-.Ltmp2, $3  }
0x49: {  	_ =	sdelay $0x1  }
0x4a: {  	s5 =	sshra.s32 s4, $0x2  }
0x4b: {  	s4 =	sadd.s32 $0x40, s4;
	[tilespmem:s5+$0x1400] =	vst v0  }
0x4c: {  	s4 =	simm.s32 $0x40;
	s5 =	simm.s32 $0x0  }
.LBB2_4:
0x4d: {  	p0 =	sne.s32 s4, $0x6180;
	[tilespmem:s5+$0x2C70] =	vst v0;
	s5 =	smov.u32 s4;
	s4 =	sadd.s32 $0x40, s4  }
.Ltmp3:
0x4e: {  	(pc) =	sbr.rel @p0 .LBB2_4-.Ltmp3, $2  }
0x4f: {  	_ =	sdelay $0x2  }
0x50: {  	s5 =	sshra.s32 s5, $0x2  }
0x51: {  	[tilespmem:s5+$0x2C70] =	vst v0;
	s4 =	rddreg [dreg:$0x9];
	s5 =	simm.s32 $0x1400  }
0x52: {  	[spmem:s4] =	stream.linear.scatter [tilespmem:s5], [sflag:$0xD], $0x1870, $0x38;
	[tilespmem:$0x1FCC0] =	vst v63  }
0x53: {  	_ =	swait.ge [sflag:s9], $0x1870  }
0x54: {  	[sflag:s9] =	ssyncset.done $0x0  }
0x55: {  	s17 =	rddreg [dreg:$0xa];
	[sflag:s9] =	ssyncadd.s32 $0xFFFFE790  }
0x56: {  	[spmem:s17] =	stream.linear.scatter [tilespmem:s5], [sflag:$0xD], $0x1870, $0x38;
	[tilespmem:$0x1FCC0] =	vst v63  }
0x57: {  	_ =	swait.ge [sflag:s9], $0x1870  }
0x58: {  	[sflag:s9] =	ssyncset.done $0x0  }
0x59: {  	s18 =	rddreg [dreg:$0xb];
	[sflag:s9] =	ssyncadd.s32 $0xFFFFE790  }
0x5a: {  	[spmem:s18] =	stream.linear.scatter [tilespmem:s5], [sflag:$0xD], $0x1870, $0x38;
	[tilespmem:$0x1FCC0] =	vst v63  }
0x5b: {  	_ =	swait.ge [sflag:s9], $0x1870  }
0x5c: {  	[sflag:s9] =	ssyncset.done $0x0  }
0x5d: {  	s23 =	rddreg [dreg:$0xc];
	[sflag:s9] =	ssyncadd.s32 $0xFFFFE790  }
0x5e: {  	[spmem:s23] =	stream.linear.scatter [tilespmem:s5], [sflag:$0xD], $0x1870, $0x38;
	[tilespmem:$0x1FCC0] =	vst v63  }
0x5f: {  	_ =	swait.ge [sflag:s9], $0x1870  }
0x60: {  	[sflag:s9] =	ssyncset.done $0x0  }
0x61: {  	s15 =	rddreg [dreg:$0xe];
	[sflag:s9] =	ssyncadd.s32 $0xFFFFE790  }
0x62: {  	[spmem:s15] =	stream.linear.scatter [tilespmem:s5], [sflag:$0xD], $0x1870, $0x38;
	[tilespmem:$0x1FCC0] =	vst v63  }
0x63: {  	_ =	swait.ge [sflag:s9], $0x1870  }
0x64: {  	[sflag:s9] =	ssyncset.done $0x0  }
0x65: {  	s17 =	rddreg [dreg:$0x11];
	[sflag:s9] =	ssyncadd.s32 $0xFFFFE790  }
0x66: {  	[spmem:s17] =	stream.linear.scatter [tilespmem:s5], [sflag:$0xD], $0x1870, $0x38;
	[tilespmem:$0x1FCC0] =	vst v63  }
0x67: {  	_ =	swait.ge [sflag:s9], $0x1870  }
0x68: {  	[sflag:s9] =	ssyncset.done $0x0  }
0x69: {  	s18 =	rddreg [dreg:$0x14];
	[sflag:s9] =	ssyncadd.s32 $0xFFFFE790  }
0x6a: {  	[spmem:s18] =	stream.linear.scatter [tilespmem:s5], [sflag:$0xD], $0x1870, $0x38;
	[tilespmem:$0x1FCC0] =	vst v63  }
0x6b: {  	_ =	swait.ge [sflag:s9], $0x1870  }
0x6c: {  	[sflag:s9] =	ssyncset.done $0x0  }
0x6d: {  	s23 =	rddreg [dreg:$0x15];
	[sflag:s9] =	ssyncadd.s32 $0xFFFFE790  }
0x6e: {  	[spmem:s23] =	stream.linear.scatter [tilespmem:s5], [sflag:$0xD], $0x1870, $0x38;
	[tilespmem:$0x1FCC0] =	vst v63  }
0x6f: {  	_ =	swait.ge [sflag:s9], $0x1870  }
0x70: {  	[sflag:s9] =	ssyncset.done $0x0  }
0x71: {  	s15 =	rddreg [dreg:$0x16];
	[sflag:s9] =	ssyncadd.s32 $0xFFFFE790  }
0x72: {  	[spmem:s15] =	stream.linear.scatter [tilespmem:s5], [sflag:$0xD], $0x1870, $0x38;
	[tilespmem:$0x1FCC0] =	vst v63  }
0x73: {  	_ =	swait.ge [sflag:s9], $0x1870  }
0x74: {  	[sflag:s9] =	ssyncset.done $0x0  }
0x75: {  	s17 =	rddreg [dreg:$0x17];
	[sflag:s9] =	ssyncadd.s32 $0xFFFFE790  }
0x76: {  	[spmem:s17] =	stream.linear.scatter [tilespmem:s5], [sflag:$0xD], $0x1870, $0x38;
	[tilespmem:$0x1FCC0] =	vst v63  }
0x77: {  	_ =	swait.ge [sflag:s9], $0x1870  }
0x78: {  	[sflag:s9] =	ssyncset.done $0x0  }
0x79: {  	s18 =	rddreg [dreg:$0x18];
	[sflag:s9] =	ssyncadd.s32 $0xFFFFE790  }
0x7a: {  	[spmem:s18] =	stream.linear.scatter [tilespmem:s5], [sflag:$0xD], $0x1870, $0x38;
	[tilespmem:$0x1FCC0] =	vst v63  }
0x7b: {  	_ =	swait.ge [sflag:s9], $0x1870  }
0x7c: {  	[sflag:s9] =	ssyncset.done $0x0  }
0x7d: {  	s23 =	rddreg [dreg:$0x19];
	[sflag:s9] =	ssyncadd.s32 $0xFFFFE790  }
0x7e: {  	[spmem:s23] =	stream.linear.scatter [tilespmem:s5], [sflag:$0xD], $0x1870, $0x38;
	[tilespmem:$0x1FCC0] =	vst v63  }
0x7f: {  	_ =	swait.ge [sflag:s9], $0x1870  }
0x80: {  	[sflag:s9] =	ssyncset.done $0x0  }
0x81: {  	s15 =	rddreg [dreg:$0x1a];
	[sflag:s9] =	ssyncadd.s32 $0xFFFFE790  }
0x82: {  	[spmem:s15] =	stream.linear.scatter [tilespmem:s5], [sflag:$0xD], $0x1870, $0x38;
	[tilespmem:$0x1FCC0] =	vst v63  }
0x83: {  	_ =	swait.ge [sflag:s9], $0x1870  }
0x84: {  	[sflag:s9] =	ssyncset.done $0x0  }
0x85: {  	s17 =	rddreg [dreg:$0x1b];
	[sflag:s9] =	ssyncadd.s32 $0xFFFFE790  }
0x86: {  	[spmem:s17] =	stream.linear.scatter [tilespmem:s5], [sflag:$0xD], $0x1870, $0x38;
	[tilespmem:$0x1FCC0] =	vst v63  }
0x87: {  	_ =	swait.ge [sflag:s9], $0x1870  }
0x88: {  	[sflag:s9] =	ssyncset.done $0x0  }
0x89: {  	s18 =	rddreg [dreg:$0x1c];
	[sflag:s9] =	ssyncadd.s32 $0xFFFFE790  }
0x8a: {  	[spmem:s18] =	stream.linear.scatter [tilespmem:s5], [sflag:$0xD], $0x1870, $0x38;
	[tilespmem:$0x1FCC0] =	vst v63  }
0x8b: {  	_ =	swait.ge [sflag:s9], $0x1870  }
0x8c: {  	[sflag:s9] =	ssyncset.done $0x0  }
0x8d: {  	s23 =	rddreg [dreg:$0x1d];
	[sflag:s9] =	ssyncadd.s32 $0xFFFFE790  }
0x8e: {  	[spmem:s23] =	stream.linear.scatter [tilespmem:s5], [sflag:$0xD], $0x1870, $0x38;
	[tilespmem:$0x1FCC0] =	vst v63  }
0x8f: {  	_ =	swait.ge [sflag:s9], $0x1870  }
0x90: {  	s15 =	simm.s32 $0x2C70;
	s17 =	stileid.u32;
	[sflag:s9] =	ssyncset.done $0x0  }
0x91: {  	s4 =	sshll.u32 s17, $0x6;
	s5 =	rddreg [dreg:$0x6];
	[sflag:s9] =	ssyncadd.s32 $0xFFFFE790  }
0x92: {  	[spmem:s5] =	stream.linear.scatter [tilespmem:s15], [sflag:$0xD], $0x1870, $0x38;
	[tilespmem:$0x1FCC0] =	vst v63  }
0x93: {  	s15 =	sor.u32 $0x1C0D, s4  }
0x94: {  	_ =	swait.ge [sflag:s9], $0x1870;
	[dreg:$0x1f] =	wrdreg s15  }
0x95: {  	[sflag:s9] =	ssyncset.done $0x0;
	s18 =	rddreg [dreg:$0xf]  }
0x96: {  	s23 =	rddreg [dreg:$0x12];
	[sflag:s9] =	ssyncadd.s32 $0xFFFFE790  }
0x97: {  	[spmem:s23], [sflag:s15] =	dma.local [hbm:s18], $0x30E  }
0x98: {  	_ =	swait.ge [sflag:s9], $0x30E  }
0x99: {  	[sflag:s9] =	ssyncset.done $0x0  }
0x9a: {  	[sflag:s9] =	ssyncadd.s32 $0xFFFFFCF2  }
0x9b: {  	[bflag:$0x0] =	sbarrier.arrive $0xFFFF  }
0x9c: {  	s17 =	simm.s32 $0x0;
	s18 =	rddreg [dreg:$0x7]  }
0x9d: {  	[tilespmem:s17], [sflag:$0x1] =	stream.linear.gather [hbm4b:s18+s17], $0x100, $0x38;
	[tilespmem:$0x1FCC0] =	vst v63  }
0x9e: {  	_ =	swait.ge [sflag:s19], $0x100  }
0x9f: {  	[sflag:s19] =	ssyncset.done $0x0  }
0xa0: {  	[sflag:s19] =	ssyncadd.s32 $0xFFFFFF00  }
0xa1: {  	[tilespmem:s21], [sflag:$0x2] =	stream.indirect.gather [hbm4b:s11+s20], $0x10, s17, s20, $0xb8;
	[tilespmem:$0x1FCC0] =	vst v63  }
0xa2: {  	_ = 	snop  }
0xa3: {  	[tilespmem:s22], [sflag:$0x3] =	stream.indirect.gather [hbm4b:s12+s20], $0x1, s17, s20, $0xb8;
	[tilespmem:$0x1FCC0] =	vst v63  }
0xa4: {  	s23 =	simm.s32 $0x980;
	s15 =	simm.s32 $0x0  }
0xa5: {  	[tilespmem:s23], [sflag:$0x4] =	stream.indirect.gather [spmem:s3], $0x1, s20, s20, $0xb8;
	[tilespmem:$0x1FCC0] =	vst v63  }
.LBB2_6:
0xa6: {  	p0 =	seq.s32 s15, $0x0  }
0xa7: {  	s4 =	simm.s32 @!p0 $0xB  }
0xa8: {  	_ =	swait.ge @!p0 [sflag:s4], $0x800  }
0xa9: {  	[sflag:s4] =	ssyncset.done @!p0 $0x0  }
0xaa: {  	s17 =	sshllo.u32 s15, $0x1;
	[sflag:s4] =	ssyncadd.s32 @!p0 $0xFFFFF800;
	s4 =	simm.s32 @!p0 $0xC  }
0xab: {  	s5 =	sadd.s32 s8, s17;
	_ =	swait.ge @!p0 [sflag:s4], $0x80  }
0xac: {  	s5 =	sshll.u32 s5, $0x5;
	[sflag:s4] =	ssyncset.done @!p0 $0x0  }
0xad: {  	s9 =	simm.s32 $0x0;
	s5 =	sadd.s32 s6, s5;
	[sflag:s4] =	ssyncadd.s32 @!p0 $0xFFFFFF80  }
0xae: {  	[tilespmem:s24], [sflag:$0x5] =	stream.linear.gather [hbm4b:s5+s9], $0x100, $0x38;
	[tilespmem:$0x1FCC0] =	vst v63  }
0xaf: {  	_ =	swait.ge [sflag:s25], $0x800  }
0xb0: {  	[sflag:s25] =	ssyncset.done $0x0  }
0xb1: {  	[sflag:s25] =	ssyncadd.s32 $0xFFFFF800  }
0xb2: {  	_ =	swait.ge [sflag:s26], $0x80  }
0xb3: {  	[sflag:s26] =	ssyncset.done $0x0  }
0xb4: {  	[sflag:s26] =	ssyncadd.s32 $0xFFFFFF80  }
0xb5: {  	s18 =	sshll.u32 s15, $0x8;
	_ =	swait.ge [sflag:s28], $0x80  }
0xb6: {  	s23 =	sshll.u32 s15, $0x1;
	s4 =	sadd.s32 s7, s18;
	[sflag:s28] =	ssyncset.done $0x0  }
0xb7: {  	p0 =	por $0x1, $0x1;
	s9 =	simm.s32 $0x0;
	[sflag:s28] =	ssyncadd.s32 $0xFFFFFF80  }
.LBB2_7:
0xb8: {  	v2 =	vld [tilespmem:s9+$0x900]  }
0xb9: {  	v3 =	vld [tilespmem:s9+$0x980];
	_ =	sdelay $0x4  }
0xba: {  	v2 =	vadd.f32 v3, v2;
	_ =	sdelay $0x1  }
0xbb: {  	v3 =	vmul.f32 $2.000000030e-01, v2  }
0xbc: {  	vm0 =	vgt.f32 v2, $0.0e+00  }
0xbd: {  	v2 =	vsel vm0, v2, v3  }
0xbe: {  	v2 =	vmul.f32 $1.442695020e+00, v2;
	_ =	sdelay $0x1  }
0xbf: {  	(erf) = vpow2.f32 v2;
	_ =	sdelay $0x7  }
0xc0: {  	s5 =	sor.u32 s4, s9  }
0xc1: {  	p1 =	slt.u32 s5, $0x19F0A0;
	v2 =	vpop (erf)  }
0xc2: {  	v3 =	vld [tilespmem:s9+$0x990];
	v2 =	vpsel !p1, $0x0, v2  }
0xc3: {  	[tilespmem:s9+$0x900] =	vst v2;
	v2 =	vld [tilespmem:s9+$0x910];
	_ =	sdelay $0x4  }
0xc4: {  	v2 =	vadd.f32 v3, v2;
	_ =	sdelay $0x1  }
0xc5: {  	v3 =	vmul.f32 $2.000000030e-01, v2  }
0xc6: {  	vm13 =	vgt.f32 v2, $0.0e+00  }
0xc7: {  	v2 =	vsel vm13, v2, v3  }
0xc8: {  	v2 =	vmul.f32 $1.442695020e+00, v2;
	_ =	sdelay $0x1  }
0xc9: {  	(erf) = vpow2.f32 v2;
	_ =	sdelay $0x7  }
0xca: {  	s18 =	sor.u32 $0x10, s5  }
0xcb: {  	p4 =	slt.u32 s18, $0x19F0A0;
	v2 =	vpop (erf)  }
0xcc: {  	v3 =	vld [tilespmem:s9+$0x9A0];
	v2 =	vpsel !p4, $0x0, v2  }
0xcd: {  	[tilespmem:s9+$0x910] =	vst v2;
	v2 =	vld [tilespmem:s9+$0x920];
	_ =	sdelay $0x4  }
0xce: {  	v2 =	vadd.f32 v3, v2;
	_ =	sdelay $0x1  }
0xcf: {  	v3 =	vmul.f32 $2.000000030e-01, v2  }
0xd0: {  	vm14 =	vgt.f32 v2, $0.0e+00  }
0xd1: {  	v2 =	vsel vm14, v2, v3  }
0xd2: {  	v2 =	vmul.f32 $1.442695020e+00, v2;
	_ =	sdelay $0x1  }
0xd3: {  	(erf) = vpow2.f32 v2;
	_ =	sdelay $0x7  }
0xd4: {  	s18 =	sor.u32 $0x20, s5  }
0xd5: {  	p5 =	slt.u32 s18, $0x19F0A0;
	v2 =	vpop (erf)  }
0xd6: {  	v3 =	vld [tilespmem:s9+$0x9B0];
	v2 =	vpsel !p5, $0x0, v2  }
0xd7: {  	[tilespmem:s9+$0x920] =	vst v2;
	v2 =	vld [tilespmem:s9+$0x930];
	_ =	sdelay $0x4  }
0xd8: {  	v2 =	vadd.f32 v3, v2;
	_ =	sdelay $0x1  }
0xd9: {  	v3 =	vmul.f32 $2.000000030e-01, v2  }
0xda: {  	vm15 =	vgt.f32 v2, $0.0e+00  }
0xdb: {  	v2 =	vsel vm15, v2, v3  }
0xdc: {  	v2 =	vmul.f32 $1.442695020e+00, v2;
	_ =	sdelay $0x1  }
0xdd: {  	(erf) = vpow2.f32 v2;
	_ =	sdelay $0x5  }
0xde: {  	p1 =	por p0, p0  }
.Ltmp4:
0xdf: {  	_ = 	snop;
	(pc) =	sbr.rel @p1 .LBB2_7-.Ltmp4, $4  }
0xe0: {  	s5 =	sor.u32 $0x30, s5  }
0xe1: {  	p6 =	slt.u32 s5, $0x19F0A0;
	v2 =	vpop (erf)  }
0xe2: {  	s18 =	simm.s32 $0x0;
	v2 =	vpsel !p6, $0x0, v2  }
0xe3: {  	s5 =	simm.s32 $0x140;
	p0 =	por $0x0, $0x0;
	[tilespmem:s9+$0x930] =	vst v2;
	s9 =	simm.s32 $0x40  }
0xe4: {  	v2 =	vmov s18  }
0xe5: {  	v2 =	vshrl.u32 v2, $0x3  }
0xe6: {  	v2 =	vshll.u32 v2, v1  }
0xe7: {  	v2 =	vbroadcast v2, $0x0;
	_ =	sdelay $0x2  }
0xe8: {  	s4 =	simm.s32 $0x1  }
0xe9: {  	v3 =	vmov s4  }
0xea: {  	v4 =	vld [tilespmem:s5+$0xFFFFFFC0];
	v3 =	vshrl.u32 v3, $0x3  }
0xeb: {  	v3 =	vshll.u32 v3, v1;
	v2 =	vld.idx.msk [tilespmem:v2+s22+$0x0], $0xffff  }
0xec: {  	v3 =	vadd.s32 $0x1, v3  }
0xed: {  	v3 =	vbroadcast v3, $0x0;
	_ =	sdelay $0x2  }
0xee: {  	v2 =	vmul.f32 v4, v2  }
0xef: {  	s9 =	simm.s32 $0x2  }
0xf0: {  	v4 =	vld [tilespmem:s5+$0xFFFFFFD0];
	[tilespmem:s5+$0xFFFFFFC0] =	vst v2;
	v2 =	vmov s9  }
0xf1: {  	v3 =	vld.idx.msk [tilespmem:v3+s22+$0x0], $0xffff;
	v2 =	vshrl.u32 v2, $0x3  }
0xf2: {  	v2 =	vshll.u32 v2, v1  }
0xf3: {  	v2 =	vadd.s32 $0x2, v2  }
0xf4: {  	v2 =	vbroadcast v2, $0x0;
	_ =	sdelay $0x1  }
0xf5: {  	v3 =	vmul.f32 v4, v3  }
0xf6: {  	s18 =	simm.s32 $0x3  }
0xf7: {  	[tilespmem:s5+$0xFFFFFFD0] =	vst v3;
	v3 =	vmov s18  }
0xf8: {  	v4 =	vld [tilespmem:s5+$0xFFFFFFE0];
	v3 =	vshrl.u32 v3, $0x3  }
0xf9: {  	v2 =	vld.idx.msk [tilespmem:v2+s22+$0x0], $0xffff;
	v3 =	vshll.u32 v3, v1  }
0xfa: {  	v3 =	vadd.s32 $0x3, v3  }
0xfb: {  	v3 =	vbroadcast v3, $0x0;
	_ =	sdelay $0x2  }
0xfc: {  	v2 =	vmul.f32 v4, v2  }
0xfd: {  	s9 =	simm.s32 $0x4  }
0xfe: {  	v4 =	vld [tilespmem:s5+$0xFFFFFFF0];
	[tilespmem:s5+$0xFFFFFFE0] =	vst v2;
	v2 =	vmov s9  }
0xff: {  	v3 =	vld.idx.msk [tilespmem:v3+s22+$0x0], $0xffff;
	v2 =	vshrl.u32 v2, $0x3  }
0x100: {  	v2 =	vshll.u32 v2, v1  }
0x101: {  	v2 =	vadd.s32 $0x4, v2  }
0x102: {  	v2 =	vbroadcast v2, $0x0;
	_ =	sdelay $0x1  }
0x103: {  	v3 =	vmul.f32 v4, v3  }
0x104: {  	s18 =	simm.s32 $0x5  }
0x105: {  	[tilespmem:s5+$0xFFFFFFF0] =	vst v3;
	v3 =	vmov s18  }
0x106: {  	v4 =	vld [tilespmem:s5+$0x0];
	v3 =	vshrl.u32 v3, $0x3  }
0x107: {  	v2 =	vld.idx.msk [tilespmem:v2+s22+$0x0], $0xffff;
	v3 =	vshll.u32 v3, v1  }
0x108: {  	v3 =	vadd.s32 $0x5, v3  }
0x109: {  	v3 =	vbroadcast v3, $0x0;
	_ =	sdelay $0x2  }
0x10a: {  	v2 =	vmul.f32 v4, v2  }
0x10b: {  	s9 =	simm.s32 $0x6  }
0x10c: {  	v4 =	vld [tilespmem:s5+$0x10];
	[tilespmem:s5+$0x0] =	vst v2;
	v2 =	vmov s9  }
0x10d: {  	v3 =	vld.idx.msk [tilespmem:v3+s22+$0x0], $0xffff;
	v2 =	vshrl.u32 v2, $0x3  }
0x10e: {  	v2 =	vshll.u32 v2, v1  }
0x10f: {  	v2 =	vadd.s32 $0x6, v2  }
0x110: {  	v2 =	vbroadcast v2, $0x0;
	_ =	sdelay $0x1  }
0x111: {  	v3 =	vmul.f32 v4, v3  }
0x112: {  	s18 =	simm.s32 $0x7  }
0x113: {  	[tilespmem:s5+$0x10] =	vst v3;
	v3 =	vmov s18  }
0x114: {  	v4 =	vld [tilespmem:s5+$0x20];
	v3 =	vshrl.u32 v3, $0x3  }
0x115: {  	v2 =	vld.idx.msk [tilespmem:v2+s22+$0x0], $0xffff;
	v3 =	vshll.u32 v3, v1  }
0x116: {  	v3 =	vadd.s32 $0x7, v3  }
0x117: {  	v5 =	vbroadcast v3, $0x0;
	_ =	sdelay $0x2  }
0x118: {  	v2 =	vmul.f32 v4, v2;
	_ =	sdelay $0x1  }
0x119: {  	s9 =	simm.s32 $0x8;
	[tilespmem:s5+$0x20] =	vst v2  }
0x11a: {  	s4 =	simm.s32 $0x10;
	v3 =	vmov s9;
	v2 =	vld.idx.msk [tilespmem:v5+s22+$0x0], $0xffff  }
.LBB2_9:
0x11b: {  	p0 =	slt.u32 s4, $0x78;
	v3 =	vshrl.u32 v3, $0x3;
	v4 =	vld [tilespmem:s5+$0x30]  }
0x11c: {  	v3 =	vshll.u32 v3, v1  }
0x11d: {  	v3 =	vbroadcast v3, $0x0;
	_ =	sdelay $0x2  }
0x11e: {  	v2 =	vmul.f32 v4, v2  }
0x11f: {  	s18 =	sadd.s32 $0x1, s9  }
0x120: {  	v4 =	vmov s18;
	[tilespmem:s5+$0x30] =	vst v2  }
0x121: {  	s5 =	sadd.s32 $0x80, s5;
	v2 =	vld.idx.msk [tilespmem:v3+s22+$0x0], $0xffff;
	v3 =	vshrl.u32 v4, $0x3  }
0x122: {  	v4 =	vld [tilespmem:s5+$0xFFFFFFC0];
	v3 =	vshll.u32 v3, v1  }
0x123: {  	v3 =	vadd.s32 $0x1, v3  }
0x124: {  	v3 =	vbroadcast v3, $0x0;
	_ =	sdelay $0x2  }
0x125: {  	v2 =	vmul.f32 v4, v2  }
0x126: {  	s18 =	sadd.s32 $0x2, s9  }
0x127: {  	[tilespmem:s5+$0xFFFFFFC0] =	vst v2;
	v2 =	vmov s18  }
0x128: {  	v3 =	vld.idx.msk [tilespmem:v3+s22+$0x0], $0xffff;
	v2 =	vshrl.u32 v2, $0x3  }
0x129: {  	v4 =	vld [tilespmem:s5+$0xFFFFFFD0];
	v2 =	vshll.u32 v2, v1  }
0x12a: {  	v2 =	vadd.s32 $0x2, v2  }
0x12b: {  	v2 =	vbroadcast v2, $0x0;
	_ =	sdelay $0x2  }
0x12c: {  	v3 =	vmul.f32 v4, v3  }
0x12d: {  	s18 =	sadd.s32 $0x3, s9  }
0x12e: {  	[tilespmem:s5+$0xFFFFFFD0] =	vst v3;
	v3 =	vmov s18  }
0x12f: {  	v2 =	vld.idx.msk [tilespmem:v2+s22+$0x0], $0xffff;
	v3 =	vshrl.u32 v3, $0x3  }
0x130: {  	v4 =	vld [tilespmem:s5+$0xFFFFFFE0];
	v3 =	vshll.u32 v3, v1  }
0x131: {  	v3 =	vadd.s32 $0x3, v3  }
0x132: {  	v3 =	vbroadcast v3, $0x0;
	_ =	sdelay $0x2  }
0x133: {  	v2 =	vmul.f32 v4, v2  }
0x134: {  	s18 =	sadd.s32 $0x4, s9  }
0x135: {  	[tilespmem:s5+$0xFFFFFFE0] =	vst v2;
	v2 =	vmov s18  }
0x136: {  	v3 =	vld.idx.msk [tilespmem:v3+s22+$0x0], $0xffff;
	v2 =	vshrl.u32 v2, $0x3  }
0x137: {  	v4 =	vld [tilespmem:s5+$0xFFFFFFF0];
	v2 =	vshll.u32 v2, v1  }
0x138: {  	v2 =	vadd.s32 $0x4, v2  }
0x139: {  	v2 =	vbroadcast v2, $0x0;
	_ =	sdelay $0x2  }
0x13a: {  	v3 =	vmul.f32 v4, v3  }
0x13b: {  	s18 =	sadd.s32 $0x5, s9  }
0x13c: {  	[tilespmem:s5+$0xFFFFFFF0] =	vst v3;
	v3 =	vmov s18  }
0x13d: {  	v2 =	vld.idx.msk [tilespmem:v2+s22+$0x0], $0xffff;
	v3 =	vshrl.u32 v3, $0x3  }
0x13e: {  	v4 =	vld [tilespmem:s5+$0x0];
	v3 =	vshll.u32 v3, v1  }
0x13f: {  	v3 =	vadd.s32 $0x5, v3  }
0x140: {  	v3 =	vbroadcast v3, $0x0;
	_ =	sdelay $0x2  }
0x141: {  	v2 =	vmul.f32 v4, v2  }
0x142: {  	s18 =	sadd.s32 $0x6, s9  }
0x143: {  	[tilespmem:s5+$0x0] =	vst v2;
	v2 =	vmov s18  }
0x144: {  	v3 =	vld.idx.msk [tilespmem:v3+s22+$0x0], $0xffff;
	v2 =	vshrl.u32 v2, $0x3  }
0x145: {  	v4 =	vld [tilespmem:s5+$0x10];
	v2 =	vshll.u32 v2, v1  }
0x146: {  	v2 =	vadd.s32 $0x6, v2  }
0x147: {  	v2 =	vbroadcast v2, $0x0;
	_ =	sdelay $0x2  }
0x148: {  	v3 =	vmul.f32 v4, v3  }
0x149: {  	s18 =	sadd.s32 $0x7, s9;
	s9 =	smov.u32 s4  }
0x14a: {  	[tilespmem:s5+$0x10] =	vst v3;
	v3 =	vmov s18  }
0x14b: {  	v2 =	vld.idx.msk [tilespmem:v2+s22+$0x0], $0xffff;
	v3 =	vshrl.u32 v3, $0x3  }
0x14c: {  	v4 =	vld [tilespmem:s5+$0x20];
	v3 =	vshll.u32 v3, v1  }
0x14d: {  	v3 =	vadd.s32 $0x7, v3  }
0x14e: {  	v5 =	vbroadcast v3, $0x0;
	_ =	sdelay $0x1  }
.Ltmp5:
0x14f: {  	(pc) =	sbr.rel @p0 .LBB2_9-.Ltmp5, $3  }
0x150: {  	v2 =	vmul.f32 v4, v2;
	_ =	sdelay $0x1  }
0x151: {  	[tilespmem:s5+$0x20] =	vst v2  }
0x152: {  	s4 =	sadd.s32 $0x8, s4;
	v3 =	vmov s9;
	v2 =	vld.idx.msk [tilespmem:v5+s22+$0x0], $0xffff  }
0x153: {  	v3 =	vshrl.u32 v3, $0x3;
	v4 =	vld [tilespmem:s5+$0x30]  }
0x154: {  	v3 =	vshll.u32 v3, v1  }
0x155: {  	v3 =	vbroadcast v3, $0x0;
	_ =	sdelay $0x2  }
0x156: {  	v2 =	vmul.f32 v4, v2  }
0x157: {  	s4 =	sadd.s32 $0x1, s9  }
0x158: {  	v56 =	vmov s4;
	[tilespmem:s5+$0x30] =	vst v2  }
0x159: {  	s4 =	sadd.s32 $0x80, s5;
	v2 =	vld.idx.msk [tilespmem:v3+s22+$0x0], $0xffff;
	v3 =	vshrl.u32 v56, $0x3  }
0x15a: {  	v57 =	vld [tilespmem:s4+$0xFFFFFFC0];
	v3 =	vshll.u32 v3, v1  }
0x15b: {  	v3 =	vadd.s32 $0x1, v3  }
0x15c: {  	v3 =	vbroadcast v3, $0x0;
	_ =	sdelay $0x2  }
0x15d: {  	v2 =	vmul.f32 v57, v2  }
0x15e: {  	s18 =	sadd.s32 $0x2, s9  }
0x15f: {  	v58 =	vld [tilespmem:s4+$0xFFFFFFD0];
	[tilespmem:s4+$0xFFFFFFC0] =	vst v2;
	v2 =	vmov s18  }
0x160: {  	v2 =	vshrl.u32 v2, $0x3;
	v3 =	vld.idx.msk [tilespmem:v3+s22+$0x0], $0xffff  }
0x161: {  	v2 =	vshll.u32 v2, v1  }
0x162: {  	v2 =	vadd.s32 $0x2, v2  }
0x163: {  	v2 =	vbroadcast v2, $0x0;
	_ =	sdelay $0x1  }
0x164: {  	v3 =	vmul.f32 v58, v3  }
0x165: {  	s18 =	sadd.s32 $0x3, s9  }
0x166: {  	[tilespmem:s4+$0xFFFFFFD0] =	vst v3;
	v3 =	vmov s18  }
0x167: {  	v59 =	vld [tilespmem:s4+$0xFFFFFFE0];
	v3 =	vshrl.u32 v3, $0x3  }
0x168: {  	v2 =	vld.idx.msk [tilespmem:v2+s22+$0x0], $0xffff;
	v3 =	vshll.u32 v3, v1  }
0x169: {  	v3 =	vadd.s32 $0x3, v3  }
0x16a: {  	v3 =	vbroadcast v3, $0x0;
	_ =	sdelay $0x2  }
0x16b: {  	v2 =	vmul.f32 v59, v2  }
0x16c: {  	s18 =	sadd.s32 $0x4, s9  }
0x16d: {  	v60 =	vld [tilespmem:s4+$0xFFFFFFF0];
	[tilespmem:s4+$0xFFFFFFE0] =	vst v2;
	v2 =	vmov s18  }
0x16e: {  	v2 =	vshrl.u32 v2, $0x3;
	v3 =	vld.idx.msk [tilespmem:v3+s22+$0x0], $0xffff  }
0x16f: {  	v2 =	vshll.u32 v2, v1  }
0x170: {  	v2 =	vadd.s32 $0x4, v2  }
0x171: {  	v2 =	vbroadcast v2, $0x0;
	_ =	sdelay $0x1  }
0x172: {  	v3 =	vmul.f32 v60, v3  }
0x173: {  	s18 =	sadd.s32 $0x5, s9  }
0x174: {  	[tilespmem:s4+$0xFFFFFFF0] =	vst v3;
	v3 =	vmov s18  }
0x175: {  	v61 =	vld [tilespmem:s4+$0x0];
	v3 =	vshrl.u32 v3, $0x3  }
0x176: {  	v2 =	vld.idx.msk [tilespmem:v2+s22+$0x0], $0xffff;
	v3 =	vshll.u32 v3, v1  }
0x177: {  	v3 =	vadd.s32 $0x5, v3  }
0x178: {  	v3 =	vbroadcast v3, $0x0;
	_ =	sdelay $0x2  }
0x179: {  	v2 =	vmul.f32 v61, v2  }
0x17a: {  	s18 =	sadd.s32 $0x6, s9  }
0x17b: {  	v62 =	vld [tilespmem:s4+$0x10];
	[tilespmem:s4+$0x0] =	vst v2;
	v2 =	vmov s18  }
0x17c: {  	v2 =	vshrl.u32 v2, $0x3;
	v3 =	vld.idx.msk [tilespmem:v3+s22+$0x0], $0xffff  }
0x17d: {  	v2 =	vshll.u32 v2, v1  }
0x17e: {  	v2 =	vadd.s32 $0x6, v2  }
0x17f: {  	v2 =	vbroadcast v2, $0x0;
	_ =	sdelay $0x1  }
0x180: {  	v3 =	vmul.f32 v62, v3  }
0x181: {  	s9 =	sadd.s32 $0x7, s9  }
0x182: {  	[tilespmem:s4+$0x10] =	vst v3;
	v3 =	vmov s9  }
0x183: {  	v63 =	vld [tilespmem:s4+$0x20];
	v3 =	vshrl.u32 v3, $0x3  }
0x184: {  	v2 =	vld.idx.msk [tilespmem:v2+s22+$0x0], $0xffff;
	v3 =	vshll.u32 v3, v1  }
0x185: {  	v3 =	vadd.s32 $0x7, v3  }
0x186: {  	v3 =	vbroadcast v3, $0x0;
	_ =	sdelay $0x2  }
0x187: {  	v2 =	vmul.f32 v63, v2;
	_ =	sdelay $0x1  }
0x188: {  	[tilespmem:s4+$0x20] =	vst v2  }
0x189: {  	v2 =	vld.idx.msk [tilespmem:v3+s22+$0x0], $0xffff  }
0x18a: {  	v3 =	vld [tilespmem:s4+$0x30];
	_ =	sdelay $0x4  }
0x18b: {  	v2 =	vmul.f32 v3, v2;
	_ =	sdelay $0x1  }
0x18c: {  	[tilespmem:s4+$0x30] =	vst v2  }
0x18d: {  	_ =	swait.ge [sflag:s29], $0x100  }
0x18e: {  	[sflag:s29] =	ssyncset.done $0x0  }
0x18f: {  	[sflag:s29] =	ssyncadd.s32 $0xFFFFFF00  }
0x190: {  	[tilespmem:s30], [sflag:$0x6] =	stream.indirect.gather [hbm4b:s11+s20], $0x10, s24, s20, $0xb8;
	[tilespmem:$0x1FCC0] =	vst v63  }
0x191: {  	_ = 	snop  }
0x192: {  	[tilespmem:s31], [sflag:$0x7] =	stream.indirect.gather [hbm4b:s12+s20], $0x1, s24, s20, $0xb8;
	[tilespmem:$0x1FCC0] =	vst v63  }
0x193: {  	s18 =	simm.s32 $0x1380  }
0x194: {  	[tilespmem:s18], [sflag:$0x8] =	stream.indirect.gather [spmem:s3], $0x1, s0, s20, $0xb8;
	[tilespmem:$0x1FCC0] =	vst v63  }
0x195: {  	p0 =	seq.s32 s15, $0x19F  }
0x196: {  	[spmem:s1] =	stream.indirect.scatter.add.f32 [tilespmem:s21], [sflag:$0x9], $0x10, s20, s20, $0xb8;
	[tilespmem:$0x1FCC0] =	vst v63  }
0x197: {  	s4 =	simm.s32 @!p0 $0x9  }
0x198: {  	[spmem:s2] =	stream.indirect.scatter.add.f32 [tilespmem:s22], [sflag:$0xA], $0x1, s20, s20, $0xb8;
	[tilespmem:$0x1FCC0] =	vst v63  }
0x199: {  	_ =	swait.ge @!p0 [sflag:s4], $0x800  }
0x19a: {  	[sflag:s4] =	ssyncset.done @!p0 $0x0  }
0x19b: {  	[sflag:s4] =	ssyncadd.s32 @!p0 $0xFFFFF800;
	s4 =	simm.s32 @!p0 $0xA  }
0x19c: {  	s5 =	sadd.s32 @!p0 s23, s13;
	_ =	swait.ge @!p0 [sflag:s4], $0x80  }
0x19d: {  	s5 =	sshll.u32 @!p0 s5, $0x5;
	[sflag:s4] =	ssyncset.done @!p0 $0x0  }
0x19e: {  	[sflag:s4] =	ssyncadd.s32 @!p0 $0xFFFFFF80;
	s4 =	sadd.s32 @!p0 s6, s5;
	s5 =	simm.s32 @!p0 $0x0  }
0x19f: {  	[tilespmem:s5], [sflag:$0x1] =	stream.linear.gather @!p0 [hbm4b:s4+s5], $0x100, $0x38;
	[tilespmem:$0x1FCC0] =	vst v63  }
0x1a0: {  	_ =	swait.ge [sflag:s10], $0x800  }
0x1a1: {  	[sflag:s10] =	ssyncset.done $0x0  }
0x1a2: {  	[sflag:s10] =	ssyncadd.s32 $0xFFFFF800  }
0x1a3: {  	_ =	swait.ge [sflag:s14], $0x80  }
0x1a4: {  	[sflag:s14] =	ssyncset.done $0x0  }
0x1a5: {  	[sflag:s14] =	ssyncadd.s32 $0xFFFFFF80  }
0x1a6: {  	p1 =	por $0x1, $0x1;
	_ =	swait.ge [sflag:s16], $0x80  }
0x1a7: {  	s23 =	sshll.u32 s17, $0x7;
	s17 =	simm.s32 $0x0;
	[sflag:s16] =	ssyncset.done $0x0  }
0x1a8: {  	s9 =	sadd.s32 s7, s23;
	s4 =	simm.s32 $0x0;
	[sflag:s16] =	ssyncadd.s32 $0xFFFFFF80  }
.LBB2_11:
0x1a9: {  	v2 =	vld [tilespmem:s17+$0x1300]  }
0x1aa: {  	v3 =	vld [tilespmem:s17+$0x1380];
	_ =	sdelay $0x4  }
0x1ab: {  	v2 =	vadd.f32 v3, v2;
	_ =	sdelay $0x1  }
0x1ac: {  	v3 =	vmul.f32 $2.000000030e-01, v2  }
0x1ad: {  	vm0 =	vgt.f32 v2, $0.0e+00  }
0x1ae: {  	v2 =	vsel vm0, v2, v3  }
0x1af: {  	v2 =	vmul.f32 $1.442695020e+00, v2;
	_ =	sdelay $0x1  }
0x1b0: {  	(erf) = vpow2.f32 v2;
	_ =	sdelay $0x7  }
0x1b1: {  	s5 =	sor.u32 s9, s17  }
0x1b2: {  	p2 =	slt.u32 s5, $0x19F0A0;
	v2 =	vpop (erf)  }
0x1b3: {  	v3 =	vld [tilespmem:s17+$0x1390];
	v2 =	vpsel !p2, $0x0, v2  }
0x1b4: {  	[tilespmem:s17+$0x1300] =	vst v2;
	v2 =	vld [tilespmem:s17+$0x1310];
	_ =	sdelay $0x4  }
0x1b5: {  	v2 =	vadd.f32 v3, v2;
	_ =	sdelay $0x1  }
0x1b6: {  	v3 =	vmul.f32 $2.000000030e-01, v2  }
0x1b7: {  	vm13 =	vgt.f32 v2, $0.0e+00  }
0x1b8: {  	v2 =	vsel vm13, v2, v3  }
0x1b9: {  	v2 =	vmul.f32 $1.442695020e+00, v2;
	_ =	sdelay $0x1  }
0x1ba: {  	(erf) = vpow2.f32 v2;
	_ =	sdelay $0x7  }
0x1bb: {  	s18 =	sor.u32 $0x10, s5  }
0x1bc: {  	p4 =	slt.u32 s18, $0x19F0A0;
	v2 =	vpop (erf)  }
0x1bd: {  	v3 =	vld [tilespmem:s17+$0x13A0];
	v2 =	vpsel !p4, $0x0, v2  }
0x1be: {  	[tilespmem:s17+$0x1310] =	vst v2;
	v2 =	vld [tilespmem:s17+$0x1320];
	_ =	sdelay $0x4  }
0x1bf: {  	v2 =	vadd.f32 v3, v2;
	_ =	sdelay $0x1  }
0x1c0: {  	v3 =	vmul.f32 $2.000000030e-01, v2  }
0x1c1: {  	vm14 =	vgt.f32 v2, $0.0e+00  }
0x1c2: {  	v2 =	vsel vm14, v2, v3  }
0x1c3: {  	v2 =	vmul.f32 $1.442695020e+00, v2;
	_ =	sdelay $0x1  }
0x1c4: {  	(erf) = vpow2.f32 v2;
	_ =	sdelay $0x7  }
0x1c5: {  	s23 =	sor.u32 $0x20, s5  }
0x1c6: {  	p5 =	slt.u32 s23, $0x19F0A0;
	v2 =	vpop (erf)  }
0x1c7: {  	v3 =	vld [tilespmem:s17+$0x13B0];
	v2 =	vpsel !p5, $0x0, v2  }
0x1c8: {  	[tilespmem:s17+$0x1320] =	vst v2;
	v2 =	vld [tilespmem:s17+$0x1330];
	_ =	sdelay $0x4  }
0x1c9: {  	v2 =	vadd.f32 v3, v2;
	_ =	sdelay $0x1  }
0x1ca: {  	v3 =	vmul.f32 $2.000000030e-01, v2  }
0x1cb: {  	vm15 =	vgt.f32 v2, $0.0e+00  }
0x1cc: {  	v2 =	vsel vm15, v2, v3  }
0x1cd: {  	v2 =	vmul.f32 $1.442695020e+00, v2;
	_ =	sdelay $0x1  }
0x1ce: {  	(erf) = vpow2.f32 v2;
	_ =	sdelay $0x5  }
0x1cf: {  	p2 =	por p1, p1  }
.Ltmp6:
0x1d0: {  	_ = 	snop;
	(pc) =	sbr.rel @p2 .LBB2_11-.Ltmp6, $4  }
0x1d1: {  	s5 =	sor.u32 $0x30, s5  }
0x1d2: {  	p6 =	slt.u32 s5, $0x19F0A0;
	v2 =	vpop (erf)  }
0x1d3: {  	v2 =	vpsel !p6, $0x0, v2  }
0x1d4: {  	s5 =	simm.s32 $0xB40;
	p1 =	por $0x0, $0x0;
	[tilespmem:s17+$0x1330] =	vst v2;
	s17 =	simm.s32 $0x40  }
0x1d5: {  	v2 =	vmov s4  }
0x1d6: {  	v2 =	vshrl.u32 v2, $0x3  }
0x1d7: {  	v2 =	vshll.u32 v2, v1  }
0x1d8: {  	v2 =	vbroadcast v2, $0x0;
	_ =	sdelay $0x2  }
0x1d9: {  	s17 =	simm.s32 $0x1  }
0x1da: {  	v3 =	vmov s17  }
0x1db: {  	v4 =	vld [tilespmem:s5+$0xFFFFFFC0];
	v3 =	vshrl.u32 v3, $0x3  }
0x1dc: {  	v3 =	vshll.u32 v3, v1;
	v2 =	vld.idx.msk [tilespmem:v2+s31+$0x0], $0xffff  }
0x1dd: {  	v3 =	vadd.s32 $0x1, v3  }
0x1de: {  	v3 =	vbroadcast v3, $0x0;
	_ =	sdelay $0x2  }
0x1df: {  	v2 =	vmul.f32 v4, v2  }
0x1e0: {  	s18 =	simm.s32 $0x2  }
0x1e1: {  	v4 =	vld [tilespmem:s5+$0xFFFFFFD0];
	[tilespmem:s5+$0xFFFFFFC0] =	vst v2;
	v2 =	vmov s18  }
0x1e2: {  	v3 =	vld.idx.msk [tilespmem:v3+s31+$0x0], $0xffff;
	v2 =	vshrl.u32 v2, $0x3  }
0x1e3: {  	v2 =	vshll.u32 v2, v1  }
0x1e4: {  	v2 =	vadd.s32 $0x2, v2  }
0x1e5: {  	v2 =	vbroadcast v2, $0x0;
	_ =	sdelay $0x1  }
0x1e6: {  	v3 =	vmul.f32 v4, v3  }
0x1e7: {  	s23 =	simm.s32 $0x3  }
0x1e8: {  	[tilespmem:s5+$0xFFFFFFD0] =	vst v3;
	v3 =	vmov s23  }
0x1e9: {  	v4 =	vld [tilespmem:s5+$0xFFFFFFE0];
	v3 =	vshrl.u32 v3, $0x3  }
0x1ea: {  	v2 =	vld.idx.msk [tilespmem:v2+s31+$0x0], $0xffff;
	v3 =	vshll.u32 v3, v1  }
0x1eb: {  	v3 =	vadd.s32 $0x3, v3  }
0x1ec: {  	v3 =	vbroadcast v3, $0x0;
	_ =	sdelay $0x2  }
0x1ed: {  	v2 =	vmul.f32 v4, v2  }
0x1ee: {  	s9 =	simm.s32 $0x4  }
0x1ef: {  	v4 =	vld [tilespmem:s5+$0xFFFFFFF0];
	[tilespmem:s5+$0xFFFFFFE0] =	vst v2;
	v2 =	vmov s9  }
0x1f0: {  	v3 =	vld.idx.msk [tilespmem:v3+s31+$0x0], $0xffff;
	v2 =	vshrl.u32 v2, $0x3  }
0x1f1: {  	v2 =	vshll.u32 v2, v1  }
0x1f2: {  	v2 =	vadd.s32 $0x4, v2  }
0x1f3: {  	v2 =	vbroadcast v2, $0x0;
	_ =	sdelay $0x1  }
0x1f4: {  	v3 =	vmul.f32 v4, v3  }
0x1f5: {  	s17 =	simm.s32 $0x5  }
0x1f6: {  	[tilespmem:s5+$0xFFFFFFF0] =	vst v3;
	v3 =	vmov s17  }
0x1f7: {  	v4 =	vld [tilespmem:s5+$0x0];
	v3 =	vshrl.u32 v3, $0x3  }
0x1f8: {  	v2 =	vld.idx.msk [tilespmem:v2+s31+$0x0], $0xffff;
	v3 =	vshll.u32 v3, v1  }
0x1f9: {  	v3 =	vadd.s32 $0x5, v3  }
0x1fa: {  	v3 =	vbroadcast v3, $0x0;
	_ =	sdelay $0x2  }
0x1fb: {  	v2 =	vmul.f32 v4, v2  }
0x1fc: {  	s18 =	simm.s32 $0x6  }
0x1fd: {  	v4 =	vld [tilespmem:s5+$0x10];
	[tilespmem:s5+$0x0] =	vst v2;
	v2 =	vmov s18  }
0x1fe: {  	v3 =	vld.idx.msk [tilespmem:v3+s31+$0x0], $0xffff;
	v2 =	vshrl.u32 v2, $0x3  }
0x1ff: {  	v2 =	vshll.u32 v2, v1  }
0x200: {  	v2 =	vadd.s32 $0x6, v2  }
0x201: {  	v2 =	vbroadcast v2, $0x0;
	_ =	sdelay $0x1  }
0x202: {  	v3 =	vmul.f32 v4, v3  }
0x203: {  	s23 =	simm.s32 $0x7  }
0x204: {  	[tilespmem:s5+$0x10] =	vst v3;
	v3 =	vmov s23  }
0x205: {  	v4 =	vld [tilespmem:s5+$0x20];
	v3 =	vshrl.u32 v3, $0x3  }
0x206: {  	v2 =	vld.idx.msk [tilespmem:v2+s31+$0x0], $0xffff;
	v3 =	vshll.u32 v3, v1  }
0x207: {  	v3 =	vadd.s32 $0x7, v3  }
0x208: {  	v5 =	vbroadcast v3, $0x0;
	_ =	sdelay $0x2  }
0x209: {  	v2 =	vmul.f32 v4, v2;
	_ =	sdelay $0x1  }
0x20a: {  	s9 =	simm.s32 $0x8;
	[tilespmem:s5+$0x20] =	vst v2  }
0x20b: {  	s4 =	simm.s32 $0x10;
	v3 =	vmov s9;
	v2 =	vld.idx.msk [tilespmem:v5+s31+$0x0], $0xffff  }
.LBB2_13:
0x20c: {  	p1 =	slt.u32 s4, $0x78;
	v3 =	vshrl.u32 v3, $0x3;
	v4 =	vld [tilespmem:s5+$0x30]  }
0x20d: {  	v3 =	vshll.u32 v3, v1  }
0x20e: {  	v3 =	vbroadcast v3, $0x0;
	_ =	sdelay $0x2  }
0x20f: {  	v2 =	vmul.f32 v4, v2  }
0x210: {  	s17 =	sadd.s32 $0x1, s9  }
0x211: {  	v4 =	vmov s17;
	[tilespmem:s5+$0x30] =	vst v2  }
0x212: {  	s5 =	sadd.s32 $0x80, s5;
	v2 =	vld.idx.msk [tilespmem:v3+s31+$0x0], $0xffff;
	v3 =	vshrl.u32 v4, $0x3  }
0x213: {  	v4 =	vld [tilespmem:s5+$0xFFFFFFC0];
	v3 =	vshll.u32 v3, v1  }
0x214: {  	v3 =	vadd.s32 $0x1, v3  }
0x215: {  	v3 =	vbroadcast v3, $0x0;
	_ =	sdelay $0x2  }
0x216: {  	v2 =	vmul.f32 v4, v2  }
0x217: {  	s17 =	sadd.s32 $0x2, s9  }
0x218: {  	[tilespmem:s5+$0xFFFFFFC0] =	vst v2;
	v2 =	vmov s17  }
0x219: {  	v3 =	vld.idx.msk [tilespmem:v3+s31+$0x0], $0xffff;
	v2 =	vshrl.u32 v2, $0x3  }
0x21a: {  	v4 =	vld [tilespmem:s5+$0xFFFFFFD0];
	v2 =	vshll.u32 v2, v1  }
0x21b: {  	v2 =	vadd.s32 $0x2, v2  }
0x21c: {  	v2 =	vbroadcast v2, $0x0;
	_ =	sdelay $0x2  }
0x21d: {  	v3 =	vmul.f32 v4, v3  }
0x21e: {  	s17 =	sadd.s32 $0x3, s9  }
0x21f: {  	[tilespmem:s5+$0xFFFFFFD0] =	vst v3;
	v3 =	vmov s17  }
0x220: {  	v2 =	vld.idx.msk [tilespmem:v2+s31+$0x0], $0xffff;
	v3 =	vshrl.u32 v3, $0x3  }
0x221: {  	v4 =	vld [tilespmem:s5+$0xFFFFFFE0];
	v3 =	vshll.u32 v3, v1  }
0x222: {  	v3 =	vadd.s32 $0x3, v3  }
0x223: {  	v3 =	vbroadcast v3, $0x0;
	_ =	sdelay $0x2  }
0x224: {  	v2 =	vmul.f32 v4, v2  }
0x225: {  	s17 =	sadd.s32 $0x4, s9  }
0x226: {  	[tilespmem:s5+$0xFFFFFFE0] =	vst v2;
	v2 =	vmov s17  }
0x227: {  	v3 =	vld.idx.msk [tilespmem:v3+s31+$0x0], $0xffff;
	v2 =	vshrl.u32 v2, $0x3  }
0x228: {  	v4 =	vld [tilespmem:s5+$0xFFFFFFF0];
	v2 =	vshll.u32 v2, v1  }
0x229: {  	v2 =	vadd.s32 $0x4, v2  }
0x22a: {  	v2 =	vbroadcast v2, $0x0;
	_ =	sdelay $0x2  }
0x22b: {  	v3 =	vmul.f32 v4, v3  }
0x22c: {  	s17 =	sadd.s32 $0x5, s9  }
0x22d: {  	[tilespmem:s5+$0xFFFFFFF0] =	vst v3;
	v3 =	vmov s17  }
0x22e: {  	v2 =	vld.idx.msk [tilespmem:v2+s31+$0x0], $0xffff;
	v3 =	vshrl.u32 v3, $0x3  }
0x22f: {  	v4 =	vld [tilespmem:s5+$0x0];
	v3 =	vshll.u32 v3, v1  }
0x230: {  	v3 =	vadd.s32 $0x5, v3  }
0x231: {  	v3 =	vbroadcast v3, $0x0;
	_ =	sdelay $0x2  }
0x232: {  	v2 =	vmul.f32 v4, v2  }
0x233: {  	s17 =	sadd.s32 $0x6, s9  }
0x234: {  	[tilespmem:s5+$0x0] =	vst v2;
	v2 =	vmov s17  }
0x235: {  	v3 =	vld.idx.msk [tilespmem:v3+s31+$0x0], $0xffff;
	v2 =	vshrl.u32 v2, $0x3  }
0x236: {  	v4 =	vld [tilespmem:s5+$0x10];
	v2 =	vshll.u32 v2, v1  }
0x237: {  	v2 =	vadd.s32 $0x6, v2  }
0x238: {  	v2 =	vbroadcast v2, $0x0;
	_ =	sdelay $0x2  }
0x239: {  	v3 =	vmul.f32 v4, v3  }
0x23a: {  	s17 =	sadd.s32 $0x7, s9;
	s9 =	smov.u32 s4  }
0x23b: {  	[tilespmem:s5+$0x10] =	vst v3;
	v3 =	vmov s17  }
0x23c: {  	v2 =	vld.idx.msk [tilespmem:v2+s31+$0x0], $0xffff;
	v3 =	vshrl.u32 v3, $0x3  }
0x23d: {  	v4 =	vld [tilespmem:s5+$0x20];
	v3 =	vshll.u32 v3, v1  }
0x23e: {  	v3 =	vadd.s32 $0x7, v3  }
0x23f: {  	v5 =	vbroadcast v3, $0x0;
	_ =	sdelay $0x1  }
.Ltmp7:
0x240: {  	(pc) =	sbr.rel @p1 .LBB2_13-.Ltmp7, $3  }
0x241: {  	v2 =	vmul.f32 v4, v2;
	_ =	sdelay $0x1  }
0x242: {  	[tilespmem:s5+$0x20] =	vst v2  }
0x243: {  	s4 =	sadd.s32 $0x8, s4;
	v3 =	vmov s9;
	v2 =	vld.idx.msk [tilespmem:v5+s31+$0x0], $0xffff  }
0x244: {  	v3 =	vshrl.u32 v3, $0x3;
	v4 =	vld [tilespmem:s5+$0x30]  }
0x245: {  	v3 =	vshll.u32 v3, v1  }
0x246: {  	v3 =	vbroadcast v3, $0x0;
	_ =	sdelay $0x2  }
0x247: {  	v2 =	vmul.f32 v4, v2  }
0x248: {  	s4 =	sadd.s32 $0x1, s9  }
0x249: {  	v56 =	vmov s4;
	[tilespmem:s5+$0x30] =	vst v2  }
0x24a: {  	s4 =	sadd.s32 $0x80, s5;
	v2 =	vld.idx.msk [tilespmem:v3+s31+$0x0], $0xffff;
	v3 =	vshrl.u32 v56, $0x3  }
0x24b: {  	v57 =	vld [tilespmem:s4+$0xFFFFFFC0];
	v3 =	vshll.u32 v3, v1  }
0x24c: {  	v3 =	vadd.s32 $0x1, v3  }
0x24d: {  	v3 =	vbroadcast v3, $0x0;
	_ =	sdelay $0x2  }
0x24e: {  	v2 =	vmul.f32 v57, v2  }
0x24f: {  	s17 =	sadd.s32 $0x2, s9  }
0x250: {  	v58 =	vld [tilespmem:s4+$0xFFFFFFD0];
	[tilespmem:s4+$0xFFFFFFC0] =	vst v2;
	v2 =	vmov s17  }
0x251: {  	v2 =	vshrl.u32 v2, $0x3;
	v3 =	vld.idx.msk [tilespmem:v3+s31+$0x0], $0xffff  }
0x252: {  	v2 =	vshll.u32 v2, v1  }
0x253: {  	v2 =	vadd.s32 $0x2, v2  }
0x254: {  	v2 =	vbroadcast v2, $0x0;
	_ =	sdelay $0x1  }
0x255: {  	v3 =	vmul.f32 v58, v3  }
0x256: {  	s18 =	sadd.s32 $0x3, s9  }
0x257: {  	[tilespmem:s4+$0xFFFFFFD0] =	vst v3;
	v3 =	vmov s18  }
0x258: {  	v59 =	vld [tilespmem:s4+$0xFFFFFFE0];
	v3 =	vshrl.u32 v3, $0x3  }
0x259: {  	v2 =	vld.idx.msk [tilespmem:v2+s31+$0x0], $0xffff;
	v3 =	vshll.u32 v3, v1  }
0x25a: {  	v3 =	vadd.s32 $0x3, v3  }
0x25b: {  	v3 =	vbroadcast v3, $0x0;
	_ =	sdelay $0x2  }
0x25c: {  	v2 =	vmul.f32 v59, v2  }
0x25d: {  	s23 =	sadd.s32 $0x4, s9  }
0x25e: {  	v60 =	vld [tilespmem:s4+$0xFFFFFFF0];
	[tilespmem:s4+$0xFFFFFFE0] =	vst v2;
	v2 =	vmov s23  }
0x25f: {  	v2 =	vshrl.u32 v2, $0x3;
	v3 =	vld.idx.msk [tilespmem:v3+s31+$0x0], $0xffff  }
0x260: {  	v2 =	vshll.u32 v2, v1  }
0x261: {  	v2 =	vadd.s32 $0x4, v2  }
0x262: {  	v2 =	vbroadcast v2, $0x0;
	_ =	sdelay $0x1  }
0x263: {  	v3 =	vmul.f32 v60, v3  }
0x264: {  	s17 =	sadd.s32 $0x5, s9  }
0x265: {  	[tilespmem:s4+$0xFFFFFFF0] =	vst v3;
	v3 =	vmov s17  }
0x266: {  	v61 =	vld [tilespmem:s4+$0x0];
	v3 =	vshrl.u32 v3, $0x3  }
0x267: {  	v2 =	vld.idx.msk [tilespmem:v2+s31+$0x0], $0xffff;
	v3 =	vshll.u32 v3, v1  }
0x268: {  	v3 =	vadd.s32 $0x5, v3  }
0x269: {  	v3 =	vbroadcast v3, $0x0;
	_ =	sdelay $0x2  }
0x26a: {  	v2 =	vmul.f32 v61, v2  }
0x26b: {  	s18 =	sadd.s32 $0x6, s9  }
0x26c: {  	v62 =	vld [tilespmem:s4+$0x10];
	[tilespmem:s4+$0x0] =	vst v2;
	v2 =	vmov s18  }
0x26d: {  	v2 =	vshrl.u32 v2, $0x3;
	v3 =	vld.idx.msk [tilespmem:v3+s31+$0x0], $0xffff  }
0x26e: {  	v2 =	vshll.u32 v2, v1  }
0x26f: {  	v2 =	vadd.s32 $0x6, v2  }
0x270: {  	v2 =	vbroadcast v2, $0x0;
	_ =	sdelay $0x1  }
0x271: {  	v3 =	vmul.f32 v62, v3  }
0x272: {  	s23 =	sadd.s32 $0x7, s9  }
0x273: {  	[tilespmem:s4+$0x10] =	vst v3;
	v3 =	vmov s23  }
0x274: {  	v63 =	vld [tilespmem:s4+$0x20];
	v3 =	vshrl.u32 v3, $0x3  }
0x275: {  	v2 =	vld.idx.msk [tilespmem:v2+s31+$0x0], $0xffff;
	v3 =	vshll.u32 v3, v1  }
0x276: {  	v3 =	vadd.s32 $0x7, v3  }
0x277: {  	v3 =	vbroadcast v3, $0x0;
	_ =	sdelay $0x2  }
0x278: {  	v2 =	vmul.f32 v63, v2;
	_ =	sdelay $0x1  }
0x279: {  	[tilespmem:s4+$0x20] =	vst v2  }
0x27a: {  	v2 =	vld.idx.msk [tilespmem:v3+s31+$0x0], $0xffff  }
0x27b: {  	v3 =	vld [tilespmem:s4+$0x30];
	_ =	sdelay $0x2  }
.Ltmp8:
0x27c: {  	_ = 	snop;
	(pc) =	sbr.rel @p0 .LBB2_16-.Ltmp8, $3  }
0x27d: {  	_ = 	snop  }
0x27e: {  	v2 =	vmul.f32 v3, v2;
	_ =	sdelay $0x1  }
0x27f: {  	[tilespmem:s4+$0x30] =	vst v2  }
0x280: {  	_ =	swait.ge [sflag:s19], $0x100  }
0x281: {  	[sflag:s19] =	ssyncset.done $0x0  }
0x282: {  	s4 =	simm.s32 $0x0;
	[sflag:s19] =	ssyncadd.s32 $0xFFFFFF00  }
0x283: {  	[tilespmem:s21], [sflag:$0x2] =	stream.indirect.gather [hbm4b:s11+s20], $0x10, s4, s20, $0xb8;
	[tilespmem:$0x1FCC0] =	vst v63  }
0x284: {  	_ = 	snop  }
0x285: {  	[tilespmem:s22], [sflag:$0x3] =	stream.indirect.gather [hbm4b:s12+s20], $0x1, s4, s20, $0xb8;
	[tilespmem:$0x1FCC0] =	vst v63  }
0x286: {  	s23 =	simm.s32 $0x980  }
0x287: {  	[tilespmem:s23], [sflag:$0x4] =	stream.indirect.gather [spmem:s3], $0x1, s20, s20, $0xb8;
	[tilespmem:$0x1FCC0] =	vst v63  }
.Ltmp9:
0x288: {  	_ = 	snop;
	(pc) =	sbr.rel .LBB2_6-.Ltmp9, $4  }
0x289: {  	_ = 	snop  }
0x28a: {  	[spmem:s1] =	stream.indirect.scatter.add.f32 [tilespmem:s30], [sflag:$0xB], $0x10, s0, s20, $0xb8;
	[tilespmem:$0x1FCC0] =	vst v63  }
0x28b: {  	s15 =	sadd.s32 $0x1, s15  }
0x28c: {  	[spmem:s2] =	stream.indirect.scatter.add.f32 [tilespmem:s31], [sflag:$0xC], $0x1, s0, s20, $0xb8;
	[tilespmem:$0x1FCC0] =	vst v63  }
.LBB2_17:
0x28d: {  	_ =	sfence.sel $0x180000  }
0x28e: {  	[bflag:$0x0] =	sbarrier.arrive $0xFFFF  }
0x28f: {  	_ =	strace $0x9000004A  }
0x290: {  	s0 =	stileid.u32;
	[bflag:$0x2] =	sbarrier.arrive $0xFFFF  }
0x291: {  	p0 =	sne.s32 s0, $0x0;
	s0 =	rddreg [dreg:$0x5]  }
0x292: {  	s0 =	sadd.s32 @!p0 $0x100000, s0  }
0x293: {  	[sflag:s0] =	ssyncadd.tile.s32 @!p0 $0x1;
	_ =	shalt  }
.Lfunc_end2:
_tile_overlayer_lowered:
.L_overlay_start_2:
0x294: {  	(tag) =	ssettag $0x2  }
0x295: {  	s0 =	rddreg [dreg:$0x0];
	s2 =	stileid.u32  }
0x296: {  	s1 =	rddreg [dreg:$0x1];
	p0 =	sne.s32 s2, $0x0  }
0x297: {  	s3 =	rddreg [dreg:$0x2];
	[bflag:$0x3] =	sbarrier.arrive $0xFFFF;
	s2 =	simm.s32 @!p0 $0x1C0D  }
0x298: {  	[timem:s3], [sflag:s2] =	dma.local @!p0 [hbm:s0], s1  }
0x299: {  	s0 =	simm.s32 @!p0 $0xD  }
0x29a: {  	_ =	swait.ge @!p0 [sflag:s0], s1  }
0x29b: {  	s1 =	ssub.s32 @!p0 $0x0, s1;
	[sflag:s0] =	ssyncset.done @!p0 $0x0  }
0x29c: {  	[sflag:s0] =	ssyncadd.s32 @!p0 s1  }
0x29d: {  	[bflag:$0x3] =	sbarrier.arrive $0xFFFF  }
0x29e: {  	_ =	shalt  }

// kernel: kernel.14.cloned.1.call-start
scs
__scs_entry_jumppad:
0x0: {  	(pc) =	sbr.rel $0x88, $3  }
0x1: {  	(tag) =	ssettag $0x0;
	lr =	simm.s32 $0x1  }
0x2: {  	[smem:$0x3F96] =	sst lr;
	_ =	strace $0xD0000000  }
0x3: {  	_ = 	snop  }
0x4: {  	_ = 	snop  }
0x5: {  	_ = 	snop  }
0x6: {  	_ = 	snop  }
0x7: {  	_ = 	snop  }
__scs_overlays_trampoline_lowered:
0x8: {  	[smem:$0x3FA5] =	sst s0  }
0x9: {  	[smem:$0x3FA6] =	sst s1  }
0xa: {  	[smem:$0x3FA7] =	sst s2  }
0xb: {  	[smem:$0x3FA8] =	sst s3  }
0xc: {  	[smem:$0x3FA9] =	sst s4  }
0xd: {  	[smem:$0x3FAA] =	sst s5  }
0xe: {  	[smem:$0x3FAB] =	sst s6  }
0xf: {  	[smem:$0x3FAC] =	sst s7  }
0x10: {  	[smem:$0x3FAD] =	sst s8  }
0x11: {  	[smem:$0x3FAE] =	sst s9;
	s0 =	simm.s32 @!p0 $0x0  }
0x12: {  	s1 =	sld [smem:$0x3F94];
	s0 =	simm.s32 @p0 $0x1  }
0x13: {  	[smem:$0x3FAF] =	sst s0;
	s0 =	simm.s32 @!p1 $0x0  }
0x14: {  	s2 =	sld [smem:$0x3F93];
	s0 =	simm.s32 @p1 $0x1  }
0x15: {  	[smem:$0x3FB0] =	sst s0;
	s0 =	simm.s32 @!p2 $0x0  }
0x16: {  	s3 =	sld [smem:$0x3FDB];
	s0 =	simm.s32 @p2 $0x1  }
0x17: {  	s4 =	simm.s32 $0x1BF5;
	[smem:$0x3FB2] =	sst s0  }
0x18: {  	s0 =	sld [smem:$0x3F95];
	_ =	swait.ge [sflag:s4], $0x0  }
0x19: {  	s7 =	sld [smem:$0x3F96]  }
0x1a: {  	s8 =	sadd.s32 $0xFFFFE003, lr  }
0x1b: {  	s9 =	sadd.s32 $0xFFFFFEF7, lr;
	s5 =	simm.s32 $0xFFFFFFFF;
	p2 =	slt.u32 s8, $0xFFFFF086  }
0x1c: {  	p1 =	slt.u32 s9, $0xF7A;
	s5 =	simm.s32 @!p2 $0x0  }
0x1d: {  	s5 =	simm.s32 @p1 $0x1;
	p0 =	seq.s32 s7, s2  }
0x1e: {  	s7 =	smul.u32 @!p0 $0xF7A, s2;
	p2 =	seq.s32 @!p0 s5, $0x0  }
0x1f: {  	s9 =	smul.u32 $0xF7A, s1;
	s8 =	simm.s32 @!p0 $0x1BF5;
	p2 =	por !p2, p0  }
0x20: {  	[sflag:s8] =	ssyncset.s32 @!p0 $0xFFFFF086;
	s6 =	sadd.s32 @!p0 s3, s7;
	s7 =	simm.s32 @!p0 $0x108  }
0x21: {  	s3 =	sadd.s32 s3, s9;
	s6 =	sadd.s32 @!p0 $0x88, s6;
	s7 =	simm.s32 @p2 $0x1082  }
0x22: {  	[simem:s7], [sflag:s8] =	dma.local @!p0 [hbm:s6], $0xF7A  }
0x23: {  	s9 =	sor.u32 $0xD0000000, s2;
	s6 =	simm.s32 $0x108;
	_ =	swait.ge @!p0 [sflag:s8], $0x0  }
0x24: {  	s3 =	sadd.s32 $0x88, s3;
	s6 =	simm.s32 @!p1 $0x1082;
	[sflag:s4] =	ssyncset.s32 $0xFFFFF086  }
0x25: {  	[simem:s6], [sflag:s4] =	dma.local [hbm:s3], $0xF7A  }
0x26: {  	[smem:$0x3F96] =	sst s1;
	(tag) =	ssettag s2;
	_ =	strace s9  }
0x27: {  	s1 =	sld [smem:$0x3FA6]  }
0x28: {  	s2 =	sld [smem:$0x3FA7]  }
0x29: {  	s4 =	sld [smem:$0x3FA9]  }
0x2a: {  	p0 =	seq.s32 s5, $0x0;
	s5 =	sld [smem:$0x3FAA]  }
0x2b: {  	s6 =	sld [smem:$0x3FAB]  }
0x2c: {  	s7 =	sld [smem:$0x3FAC]  }
0x2d: {  	s3 =	simm.s32 $0x108;
	s8 =	sld [smem:$0x3FAD]  }
0x2e: {  	s3 =	simm.s32 @!p0 $0x1082;
	s9 =	sld [smem:$0x3FAE]  }
0x2f: {  	lr =	sadd.s32 s0, s3;
	s0 =	sld [smem:$0x3FA5]  }
0x30: {  	s3 =	sld [smem:$0x3FA8]  }
0x31: {  	[smem:$0x3FB1] =	sst s10  }
0x32: {  	s10 =	sld [smem:$0x3FAF];
	_ =	sdelay $0x3  }
0x33: {  	p0 =	seq.s32 s10, $0x1;
	s10 =	sld [smem:$0x3FB1];
	_ =	sdelay $0x3  }
0x34: {  	[smem:$0x3FB1] =	sst s10  }
0x35: {  	s10 =	sld [smem:$0x3FB0];
	_ =	sdelay $0x3  }
0x36: {  	p1 =	seq.s32 s10, $0x1;
	s10 =	sld [smem:$0x3FB1];
	_ =	sdelay $0x3  }
0x37: {  	[smem:$0x3FB1] =	sst s10  }
0x38: {  	s10 =	sld [smem:$0x3FB2]  }
0x39: {  	_ = 	snop;
	(pc) =	sbr.ind lr, $3  }
0x3a: {  	_ = 	snop  }
0x3b: {  	_ = 	snop  }
0x3c: {  	p2 =	seq.s32 s10, $0x1;
	s10 =	sld [smem:$0x3FB1]  }
0x3d: {  	_ =	shalt  }
0x3e: {  	_ =	shalt  }
0x3f: {  	_ =	shalt  }
0x40: {  	_ =	shalt  }
0x41: {  	_ =	shalt  }
0x42: {  	_ =	shalt  }
0x43: {  	_ =	shalt  }
0x44: {  	_ =	shalt  }
0x45: {  	_ =	shalt  }
0x46: {  	_ =	shalt  }
0x47: {  	_ =	shalt  }
0x48: {  	_ =	shalt  }
0x49: {  	_ =	shalt  }
0x4a: {  	_ =	shalt  }
0x4b: {  	_ =	shalt  }
0x4c: {  	_ =	shalt  }
0x4d: {  	_ =	shalt  }
0x4e: {  	_ =	shalt  }
0x4f: {  	_ =	shalt  }
0x50: {  	_ =	shalt  }
0x51: {  	_ =	shalt  }
0x52: {  	_ =	shalt  }
0x53: {  	_ =	shalt  }
0x54: {  	_ =	shalt  }
0x55: {  	_ =	shalt  }
0x56: {  	_ =	shalt  }
0x57: {  	_ =	shalt  }
0x58: {  	_ =	shalt  }
0x59: {  	_ =	shalt  }
0x5a: {  	_ =	shalt  }
0x5b: {  	_ =	shalt  }
0x5c: {  	_ =	shalt  }
0x5d: {  	_ =	shalt  }
0x5e: {  	_ =	shalt  }
0x5f: {  	_ =	shalt  }
0x60: {  	_ =	shalt  }
0x61: {  	_ =	shalt  }
0x62: {  	_ =	shalt  }
0x63: {  	_ =	shalt  }
0x64: {  	_ =	shalt  }
0x65: {  	_ =	shalt  }
0x66: {  	_ =	shalt  }
0x67: {  	_ =	shalt  }
0x68: {  	_ =	shalt  }
0x69: {  	_ =	shalt  }
0x6a: {  	_ =	shalt  }
0x6b: {  	_ =	shalt  }
0x6c: {  	_ =	shalt  }
0x6d: {  	_ =	shalt  }
0x6e: {  	_ =	shalt  }
0x6f: {  	_ =	shalt  }
0x70: {  	_ =	shalt  }
0x71: {  	_ =	shalt  }
0x72: {  	_ =	shalt  }
0x73: {  	_ =	shalt  }
0x74: {  	_ =	shalt  }
0x75: {  	_ =	shalt  }
0x76: {  	_ =	shalt  }
0x77: {  	_ =	shalt  }
0x78: {  	_ =	shalt  }
0x79: {  	_ =	shalt  }
0x7a: {  	_ =	shalt  }
0x7b: {  	_ =	shalt  }
0x7c: {  	_ =	shalt  }
0x7d: {  	_ =	shalt  }
0x7e: {  	_ =	shalt  }
0x7f: {  	_ =	shalt  }
0x80: {  	_ =	shalt  }
0x81: {  	_ =	shalt  }
0x82: {  	_ =	shalt  }
0x83: {  	_ =	shalt  }
0x84: {  	_ =	shalt  }
0x85: {  	_ =	shalt  }
0x86: {  	_ =	shalt  }
0x87: {  	_ =	shalt  }
.Lfunc_end0:
.L_simem_size_0:
called_computation.2_lowered:
.L_overlay_start_0:
0x88: {  	s2 =	sld [smem:$0x3FD9]  }
0x89: {  	s3 =	sld [smem:$0x3FFE];
	_ =	sdelay $0x1  }
0x8a: {  	s1 =	srdreg.scid  }
0x8b: {  	s0 =	sand.u32 $0x1, s1  }
0x8c: {  	s17 =	sshll.u32 s0, $0xA;
	s2 =	sadd.s32 s3, s2  }
0x8d: {  	s2 =	sadd.s32 s2, s17  }
0x8e: {  	[smem:$0x3FBD] =	sst s2  }
0x8f: {  	_ = 	snop  }
0x90: {  	s2 =	sld [smem:$0x3FD0];
	(tm) =	ssettm $0x1  }
0x91: {  	s18 =	sld [smem:$0x3FFB];
	_ =	sdelay $0x3  }
0x92: {  	_ =	strace s18  }
0x93: {  	s3 =	sld [smem:$0x3FFC];
	_ =	sdelay $0x3  }
0x94: {  	_ =	strace s3  }
0x95: {  	s3 =	sld [smem:$0x3FFD];
	_ =	sdelay $0x3  }
0x96: {  	_ =	strace s3  }
0x97: {  	_ =	strace $0x8FFFFFFF  }
0x98: {  	s19 =	sld [smem:$0x3FDB];
	_ =	sdelay $0x1  }
0x99: {  	s4 =	simm.s32 $_scs_section_size  }
0x9a: {  	s5 =	simm.s32 $_size__tile_overlayer_lowered;
	s6 =	simm.s32 $_tile_overlayer_lowered  }
0x9b: {  	s22 =	simm.s32 $0x1BFF;
	s21 =	sshll.u32 s6, $0x1;
	s3 =	sadd.s32 s4, s19  }
0x9c: {  	s7 =	simm.s32 $0x0;
	s20 =	sshll.u32 s5, $0x1;
	s5 =	sadd.s32 s21, s3  }
0x9d: {  	[timem:s7], [sflag:s22] =	dma.local [hbm:s5], s20  }
0x9e: {  	_ =	swait.ge [sflag:s22], s20  }
0x9f: {  	s4 =	ssub.s32 $0x0, s20;
	[sflag:s22] =	ssyncset.done $0x0  }
0xa0: {  	[sflag:s22] =	ssyncadd.s32 s4;
	_ =	sdelay $0x1  }
0xa1: {  	s23 =	simm.s32 $0x1B8B  }
0xa2: {  	_ =	swait.ge [sflag:s23], $0x1  }
0xa3: {  	[sflag:s23] =	ssyncset.done $0x0  }
0xa4: {  	s25 =	simm.s32 $0x1B8E;
	s24 =	sld [smem:$0x3FFE];
	[sflag:s23] =	ssyncadd.s32 $0xFFFFFFFF  }
0xa5: {  	s26 =	simm.s32 $execute0_lowered;
	[smem:$0x3FD2] =	sst s25  }
0xa6: {  	s5 =	sshll.u32 s26, $0x1;
	_ =	strace $0x8000004C;
	[dreg:$0x1] =	wrdreg $0xFFFFFFFF  }
0xa7: {  	s28 =	simm.s32 $_size_execute0_lowered;
	s3 =	sadd.s32 s3, s5;
	[dreg:$0x0] =	wrdreg $0x0  }
0xa8: {  	s5 =	sshll.u32 s28, $0x1;
	[dreg:$0x2] =	wrdreg s3  }
0xa9: {  	[dreg:$0x3] =	wrdreg s5  }
0xaa: {  	[dreg:$0x4] =	wrdreg $0xC0  }
0xab: {  	_ =	task [dreg:s7], $0x5FFFF  }
0xac: {  	[dreg:$0x1] =	wrdreg $0xFFFFFFFF  }
0xad: {  	[dreg:$0x0] =	wrdreg $0x60  }
0xae: {  	[dreg:$0x2] =	wrdreg s24  }
0xaf: {  	[dreg:$0x3] =	wrdreg s2  }
0xb0: {  	[dreg:$0x4] =	wrdreg $0x44E00  }
0xb1: {  	[dreg:$0x5] =	wrdreg $0x1CBE00  }
0xb2: {  	[dreg:$0x6] =	wrdreg $0x1E4500  }
0xb3: {  	[dreg:$0x7] =	wrdreg $0x9  }
0xb4: {  	_ =	task.clear_ibuf [dreg:s7], $0x8FFFF;
	_ =	strace $0x9000004C  }
0xb5: {  	s29 =	simm.s32 $0x9;
	_ =	strace $0x8000004E  }
0xb6: {  	_ =	swait.ge [sflag:s29], $0x1  }
0xb7: {  	[sflag:s29] =	ssyncadd.s32 $0xFFFFFFFF  }
0xb8: {  	_ =	strace $0x9000004E  }
0xb9: {  	_ =	sfence  }
0xba: {  	s30 =	sld [smem:$0x0];
	_ =	sdelay $0x2  }
0xbb: {  	s31 =	sshll.u32 s1, $0xD;
	s1 =	sshrl.u32 s1, $0x2  }
0xbc: {  	s3 =	sand.u32 $0x4000, s31;
	s1 =	sadd.s32 s1, s30  }
0xbd: {  	s0 =	sor.u32 s3, s0;
	s1 =	sshll.u32 s1, $0x11  }
0xbe: {  	s0 =	sor.u32 s1, s0  }
0xbf: {  	s0 =	sadd.s32 $0x8F2B, s0  }
0xc0: {  	[sflag:s0] =	ssyncadd.remote.s32 $0x1  }
0xc1: {  	_ =	sfence.sel $0xFFFF  }
0xc2: {  	[dreg:$0x0] =	wrdreg $0xFFFFFFFF;
	(pc) =	sbr.abs _section_cstart, $3  }
0xc3: {  	[dreg:$0x1] =	wrdreg $0xFFFFFFFF  }
0xc4: {  	_ =	task.clear_ibuf [dreg:s7], $0x2FFFF;
	_ =	strace $0x9FFFFFFF  }
0xc5: {  	(tm) =	ssettm $0x7FFFFFFF  }
tec
execute0_lowered:
.L_overlay_start_1:
0x0: {  	(tag) =	ssettag $0x1  }
0x1: {  	s0 =	rddreg [dreg:$0x0]  }
0x2: {  	s4 =	rddreg [dreg:$0x1]  }
0x3: {  	s1 =	rddreg [dreg:$0x2];
	s12 =	stileid.u32  }
0x4: {  	s2 =	rddreg [dreg:$0x3];
	s10 =	smul.u32 $0x1870, s12  }
0x5: {  	s3 =	rddreg [dreg:$0x4];
	s19 =	smul.u32 $0x6800, s12  }
0x6: {  	s5 =	srdreg.scid;
	s17 =	smul.u32 $0x18700, s12  }
0x7: {  	s6 =	simm.s32 $0x0;
	s5 =	sand.u32 $0x1, s5;
	s18 =	smul.u32 $0x61C00, s12  }
0x8: {  	[smem:$0x7FF] =	sst s6;
	s6 =	sadd.s32 $0x5400, s0;
	s7 =	smul.u32 $0x32000, s5  }
0x9: {  	_ =	strace $0x8000004D;
	s9 =	smul.u32 $0x3200, s5;
	s5 =	ssub.s32 $0x2, s5  }
0xa: {  	s8 =	sshrl.u32 s5, $0x1;
	s11 =	sadd.s32 s10, s2;
	s15 =	sadd.s32 s10, s3  }
0xb: {  	s10 =	sshrl.u32 s10, $0x3;
	s21 =	sshrl.u32 s17, $0x3;
	s14 =	sadd.s32 s7, s0  }
0xc: {  	s7 =	smul.u32 $0x1A000, s12;
	s0 =	sadd.s32 s9, s0;
	s5 =	ssub.s32 s5, s8  }
0xd: {  	s8 =	smul.u32 $0x340, s12;
	[dreg:$0x6] =	wrdreg s11;
	s11 =	sadd.s32 s6, s19  }
0xe: {  	s12 =	sadd.s32 s4, s9;
	s15 =	sshrl.u32 s15, $0x3;
	[dreg:$0x7] =	wrdreg s11  }
0xf: {  	s20 =	sadd.s32 $0xD7800, s14;
	s5 =	smax.u32 s5, $0x1;
	[dreg:$0x12] =	wrdreg s15  }
0x10: {  	s16 =	sadd.s32 $0xD1400, s0;
	[dreg:$0x8] =	wrdreg s5;
	s4 =	sadd.s32 s21, s20  }
0x11: {  	s0 =	sadd.s32 $0x13B800, s0;
	s9 =	sadd.s32 s10, s16;
	[dreg:$0xd] =	wrdreg s4  }
0x12: {  	s22 =	sadd.s32 s17, s1;
	s0 =	sadd.s32 s10, s0;
	[dreg:$0xf] =	wrdreg s9  }
0x13: {  	s23 =	sshrl.u32 s18, $0x2;
	s16 =	sshrl.u32 s22, $0x3;
	[dreg:$0x10] =	wrdreg s0  }
0x14: {  	s5 =	sadd.s32 s23, s1;
	[dreg:$0x13] =	wrdreg s16  }
0x15: {  	s28 =	simm.s32 $0x4;
	s17 =	sadd.s32 $0x1870, s5;
	[dreg:$0x9] =	wrdreg s5  }
0x16: {  	s29 =	simm.s32 $0x5;
	s24 =	sadd.s32 $0x30E0, s5;
	[dreg:$0xa] =	wrdreg s17  }
0x17: {  	s30 =	simm.s32 $0xB00;
	s25 =	sadd.s32 $0x4950, s5;
	[dreg:$0xb] =	wrdreg s24  }
0x18: {  	s31 =	simm.s32 $0x1300;
	s26 =	sadd.s32 $0x61C0, s5;
	[dreg:$0xc] =	wrdreg s25  }
0x19: {  	s11 =	sadd.s32 $0x6D400, s14;
	s10 =	sadd.s32 $0x7A30, s5;
	[dreg:$0xe] =	wrdreg s26  }
0x1a: {  	s14 =	simm.s32 $0x7;
	s18 =	sadd.s32 $0xAB10, s5;
	[dreg:$0x11] =	wrdreg s10  }
0x1b: {  	s13 =	sor.u32 $0x2, s8;
	s19 =	sadd.s32 $0xC380, s5;
	[dreg:$0x15] =	wrdreg s18  }
0x1c: {  	s20 =	sadd.s32 $0xDBF0, s5;
	s21 =	sadd.s32 $0xF460, s5;
	[dreg:$0x16] =	wrdreg s19  }
0x1d: {  	s22 =	sadd.s32 $0x10CD0, s5;
	s23 =	sadd.s32 $0x12540, s5;
	[dreg:$0x17] =	wrdreg s20  }
0x1e: {  	s9 =	simm.s32 $0xD;
	s0 =	simm.s32 $0xA80;
	[dreg:$0x18] =	wrdreg s21  }
0x1f: {  	s16 =	simm.s32 $0x8;
	s17 =	sadd.s32 $0x92A0, s5;
	[dreg:$0x19] =	wrdreg s22  }
0x20: {  	[dreg:$0x1a] =	wrdreg s23;
	s24 =	sadd.s32 $0x13DB0, s5;
	s25 =	sadd.s32 $0x15620, s5  }
.Ltmp0:
0x21: {  	s26 =	sadd.s32 $0x16E90, s5;
	[dreg:$0x14] =	wrdreg s17;
	(pc) =	sbr.rel .LBB2_1-.Ltmp0, $4  }
0x22: {  	s19 =	simm.s32 $0x1;
	s20 =	simm.s32 $0x80;
	[dreg:$0x1b] =	wrdreg s24  }
0x23: {  	s21 =	simm.s32 $0x100;
	s22 =	simm.s32 $0x900;
	[dreg:$0x1c] =	wrdreg s25  }
0x24: {  	v1 =	vimm.s32 $0x0;
	vm0 =	vcmask $0x300;
	s10 =	simm.s32 $0x6;
	s5 =	simm.s32 $0x0;
	[dreg:$0x1d] =	wrdreg s26  }
0x25: {  	v0 =	vimm.f32 $0.0e+00;
	v1 =	vsel vm0, $0x3, v1;
	s24 =	simm.s32 $0xA00;
	s25 =	simm.s32 $0x2;
	s26 =	simm.s32 $0x3  }
.LBB2_16:
0x26: {  	[spmem:s1] =	stream.indirect.scatter.add.f32 [tilespmem:s30], [sflag:$0xB], $0x10, s0, s20, $0xb8;
	[tilespmem:$0x1FCC0] =	vst v63  }
0x27: {  	s4 =	simm.s32 $0x9  }
0x28: {  	[spmem:s2] =	stream.indirect.scatter.add.f32 [tilespmem:s31], [sflag:$0xC], $0x1, s0, s20, $0xb8;
	[tilespmem:$0x1FCC0] =	vst v63  }
0x29: {  	_ =	swait.ge [sflag:s4], $0x800  }
0x2a: {  	[sflag:s4] =	ssyncset.done $0x0  }
0x2b: {  	s15 =	simm.s32 $0xA;
	[sflag:s4] =	ssyncadd.s32 $0xFFFFF800  }
0x2c: {  	_ =	swait.ge [sflag:s15], $0x80  }
0x2d: {  	[sflag:s15] =	ssyncset.done $0x0  }
0x2e: {  	s17 =	simm.s32 $0xB;
	[sflag:s15] =	ssyncadd.s32 $0xFFFFFF80  }
0x2f: {  	_ =	swait.ge [sflag:s17], $0x800  }
0x30: {  	[sflag:s17] =	ssyncset.done $0x0  }
0x31: {  	s18 =	simm.s32 $0xC;
	[sflag:s17] =	ssyncadd.s32 $0xFFFFF800  }
0x32: {  	_ =	swait.ge [sflag:s18], $0x80  }
0x33: {  	[sflag:s18] =	ssyncset.done $0x0  }
0x34: {  	[sflag:s18] =	ssyncadd.s32 $0xFFFFFF80  }
0x35: {  	[bflag:$0x0] =	sbarrier.arrive $0xFFFF  }
0x36: {  	s23 =	rddreg [dreg:$0xd]  }
0x37: {  	s5 =	rddreg [dreg:$0x13]  }
0x38: {  	s9 =	simm.s32 $0xD;
	s15 =	rddreg [dreg:$0x1f]  }
0x39: {  	[hbm:s23], [sflag:s15] =	dma.local [spmem:s5], $0x30E0  }
0x3a: {  	_ =	swait.ge [sflag:s9], $0x30E0  }
0x3b: {  	[sflag:s9] =	ssyncset.done $0x0;
	s5 =	rddreg [dreg:$0x6]  }
0x3c: {  	s17 =	rddreg [dreg:$0x10];
	[sflag:s9] =	ssyncadd.s32 $0xFFFFCF20;
	s4 =	sshrl.u32 s5, $0x3  }
0x3d: {  	[hbm:s17], [sflag:s15] =	dma.local [spmem:s4], $0x30E  }
0x3e: {  	_ =	swait.ge [sflag:s9], $0x30E  }
0x3f: {  	s18 =	rddreg [dreg:$0x1e]  }
0x40: {  	s23 =	rddreg [dreg:$0x8];
	s5 =	sadd.s32 $0x1, s18  }
0x41: {  	p0 =	sne.s32 s5, s23  }
.Ltmp1:
0x42: {  	_ = 	snop;
	(pc) =	sbr.rel @!p0 .LBB2_17-.Ltmp1, $3  }
0x43: {  	_ =	sdelay $0x1  }
0x44: {  	[sflag:s9] =	ssyncset.done $0x0  }
0x45: {  	[sflag:s9] =	ssyncadd.s32 $0xFFFFFCF2  }
.LBB2_1:
0x46: {  	[dreg:$0x1e] =	wrdreg s5;
	s4 =	simm.s32 $0x0  }
.LBB2_2:
0x47: {  	p0 =	sne.s32 s4, $0x6180  }
.Ltmp2:
0x48: {  	_ = 	snop;
	(pc) =	sbr.rel @p0 .LBB2_2-.Ltmp2, $3  }
0x49: {  	_ =	sdelay $0x1  }
0x4a: {  	s5 =	sshra.s32 s4, $0x2  }
0x4b: {  	s4 =	sadd.s32 $0x40, s4;
	[tilespmem:s5+$0x1400] =	vst v0  }
0x4c: {  	s4 =	simm.s32 $0x40;
	s5 =	simm.s32 $0x0  }
.LBB2_4:
0x4d: {  	p0 =	sne.s32 s4, $0x6180;
	[tilespmem:s5+$0x2C70] =	vst v0;
	s5 =	smov.u32 s4;
	s4 =	sadd.s32 $0x40, s4  }
.Ltmp3:
0x4e: {  	(pc) =	sbr.rel @p0 .LBB2_4-.Ltmp3, $2  }
0x4f: {  	_ =	sdelay $0x2  }
0x50: {  	s5 =	sshra.s32 s5, $0x2  }
0x51: {  	[tilespmem:s5+$0x2C70] =	vst v0;
	s4 =	rddreg [dreg:$0x9];
	s5 =	simm.s32 $0x1400  }
0x52: {  	[spmem:s4] =	stream.linear.scatter [tilespmem:s5], [sflag:$0xD], $0x1870, $0x38;
	[tilespmem:$0x1FCC0] =	vst v63  }
0x53: {  	_ =	swait.ge [sflag:s9], $0x1870  }
0x54: {  	[sflag:s9] =	ssyncset.done $0x0  }
0x55: {  	s17 =	rddreg [dreg:$0xa];
	[sflag:s9] =	ssyncadd.s32 $0xFFFFE790  }
0x56: {  	[spmem:s17] =	stream.linear.scatter [tilespmem:s5], [sflag:$0xD], $0x1870, $0x38;
	[tilespmem:$0x1FCC0] =	vst v63  }
0x57: {  	_ =	swait.ge [sflag:s9], $0x1870  }
0x58: {  	[sflag:s9] =	ssyncset.done $0x0  }
0x59: {  	s18 =	rddreg [dreg:$0xb];
	[sflag:s9] =	ssyncadd.s32 $0xFFFFE790  }
0x5a: {  	[spmem:s18] =	stream.linear.scatter [tilespmem:s5], [sflag:$0xD], $0x1870, $0x38;
	[tilespmem:$0x1FCC0] =	vst v63  }
0x5b: {  	_ =	swait.ge [sflag:s9], $0x1870  }
0x5c: {  	[sflag:s9] =	ssyncset.done $0x0  }
0x5d: {  	s23 =	rddreg [dreg:$0xc];
	[sflag:s9] =	ssyncadd.s32 $0xFFFFE790  }
0x5e: {  	[spmem:s23] =	stream.linear.scatter [tilespmem:s5], [sflag:$0xD], $0x1870, $0x38;
	[tilespmem:$0x1FCC0] =	vst v63  }
0x5f: {  	_ =	swait.ge [sflag:s9], $0x1870  }
0x60: {  	[sflag:s9] =	ssyncset.done $0x0  }
0x61: {  	s15 =	rddreg [dreg:$0xe];
	[sflag:s9] =	ssyncadd.s32 $0xFFFFE790  }
0x62: {  	[spmem:s15] =	stream.linear.scatter [tilespmem:s5], [sflag:$0xD], $0x1870, $0x38;
	[tilespmem:$0x1FCC0] =	vst v63  }
0x63: {  	_ =	swait.ge [sflag:s9], $0x1870  }
0x64: {  	[sflag:s9] =	ssyncset.done $0x0  }
0x65: {  	s17 =	rddreg [dreg:$0x11];
	[sflag:s9] =	ssyncadd.s32 $0xFFFFE790  }
0x66: {  	[spmem:s17] =	stream.linear.scatter [tilespmem:s5], [sflag:$0xD], $0x1870, $0x38;
	[tilespmem:$0x1FCC0] =	vst v63  }
0x67: {  	_ =	swait.ge [sflag:s9], $0x1870  }
0x68: {  	[sflag:s9] =	ssyncset.done $0x0  }
0x69: {  	s18 =	rddreg [dreg:$0x14];
	[sflag:s9] =	ssyncadd.s32 $0xFFFFE790  }
0x6a: {  	[spmem:s18] =	stream.linear.scatter [tilespmem:s5], [sflag:$0xD], $0x1870, $0x38;
	[tilespmem:$0x1FCC0] =	vst v63  }
0x6b: {  	_ =	swait.ge [sflag:s9], $0x1870  }
0x6c: {  	[sflag:s9] =	ssyncset.done $0x0  }
0x6d: {  	s23 =	rddreg [dreg:$0x15];
	[sflag:s9] =	ssyncadd.s32 $0xFFFFE790  }
0x6e: {  	[spmem:s23] =	stream.linear.scatter [tilespmem:s5], [sflag:$0xD], $0x1870, $0x38;
	[tilespmem:$0x1FCC0] =	vst v63  }
0x6f: {  	_ =	swait.ge [sflag:s9], $0x1870  }
0x70: {  	[sflag:s9] =	ssyncset.done $0x0  }
0x71: {  	s15 =	rddreg [dreg:$0x16];
	[sflag:s9] =	ssyncadd.s32 $0xFFFFE790  }
0x72: {  	[spmem:s15] =	stream.linear.scatter [tilespmem:s5], [sflag:$0xD], $0x1870, $0x38;
	[tilespmem:$0x1FCC0] =	vst v63  }
0x73: {  	_ =	swait.ge [sflag:s9], $0x1870  }
0x74: {  	[sflag:s9] =	ssyncset.done $0x0  }
0x75: {  	s17 =	rddreg [dreg:$0x17];
	[sflag:s9] =	ssyncadd.s32 $0xFFFFE790  }
0x76: {  	[spmem:s17] =	stream.linear.scatter [tilespmem:s5], [sflag:$0xD], $0x1870, $0x38;
	[tilespmem:$0x1FCC0] =	vst v63  }
0x77: {  	_ =	swait.ge [sflag:s9], $0x1870  }
0x78: {  	[sflag:s9] =	ssyncset.done $0x0  }
0x79: {  	s18 =	rddreg [dreg:$0x18];
	[sflag:s9] =	ssyncadd.s32 $0xFFFFE790  }
0x7a: {  	[spmem:s18] =	stream.linear.scatter [tilespmem:s5], [sflag:$0xD], $0x1870, $0x38;
	[tilespmem:$0x1FCC0] =	vst v63  }
0x7b: {  	_ =	swait.ge [sflag:s9], $0x1870  }
0x7c: {  	[sflag:s9] =	ssyncset.done $0x0  }
0x7d: {  	s23 =	rddreg [dreg:$0x19];
	[sflag:s9] =	ssyncadd.s32 $0xFFFFE790  }
0x7e: {  	[spmem:s23] =	stream.linear.scatter [tilespmem:s5], [sflag:$0xD], $0x1870, $0x38;
	[tilespmem:$0x1FCC0] =	vst v63  }
0x7f: {  	_ =	swait.ge [sflag:s9], $0x1870  }
0x80: {  	[sflag:s9] =	ssyncset.done $0x0  }
0x81: {  	s15 =	rddreg [dreg:$0x1a];
	[sflag:s9] =	ssyncadd.s32 $0xFFFFE790  }
0x82: {  	[spmem:s15] =	stream.linear.scatter [tilespmem:s5], [sflag:$0xD], $0x1870, $0x38;
	[tilespmem:$0x1FCC0] =	vst v63  }
0x83: {  	_ =	swait.ge [sflag:s9], $0x1870  }
0x84: {  	[sflag:s9] =	ssyncset.done $0x0  }
0x85: {  	s17 =	rddreg [dreg:$0x1b];
	[sflag:s9] =	ssyncadd.s32 $0xFFFFE790  }
0x86: {  	[spmem:s17] =	stream.linear.scatter [tilespmem:s5], [sflag:$0xD], $0x1870, $0x38;
	[tilespmem:$0x1FCC0] =	vst v63  }
0x87: {  	_ =	swait.ge [sflag:s9], $0x1870  }
0x88: {  	[sflag:s9] =	ssyncset.done $0x0  }
0x89: {  	s18 =	rddreg [dreg:$0x1c];
	[sflag:s9] =	ssyncadd.s32 $0xFFFFE790  }
0x8a: {  	[spmem:s18] =	stream.linear.scatter [tilespmem:s5], [sflag:$0xD], $0x1870, $0x38;
	[tilespmem:$0x1FCC0] =	vst v63  }
0x8b: {  	_ =	swait.ge [sflag:s9], $0x1870  }
0x8c: {  	[sflag:s9] =	ssyncset.done $0x0  }
0x8d: {  	s23 =	rddreg [dreg:$0x1d];
	[sflag:s9] =	ssyncadd.s32 $0xFFFFE790  }
0x8e: {  	[spmem:s23] =	stream.linear.scatter [tilespmem:s5], [sflag:$0xD], $0x1870, $0x38;
	[tilespmem:$0x1FCC0] =	vst v63  }
0x8f: {  	_ =	swait.ge [sflag:s9], $0x1870  }
0x90: {  	s15 =	simm.s32 $0x2C70;
	s17 =	stileid.u32;
	[sflag:s9] =	ssyncset.done $0x0  }
0x91: {  	s4 =	sshll.u32 s17, $0x6;
	s5 =	rddreg [dreg:$0x6];
	[sflag:s9] =	ssyncadd.s32 $0xFFFFE790  }
0x92: {  	[spmem:s5] =	stream.linear.scatter [tilespmem:s15], [sflag:$0xD], $0x1870, $0x38;
	[tilespmem:$0x1FCC0] =	vst v63  }
0x93: {  	s15 =	sor.u32 $0x1C0D, s4  }
0x94: {  	_ =	swait.ge [sflag:s9], $0x1870;
	[dreg:$0x1f] =	wrdreg s15  }
0x95: {  	[sflag:s9] =	ssyncset.done $0x0;
	s18 =	rddreg [dreg:$0xf]  }
0x96: {  	s23 =	rddreg [dreg:$0x12];
	[sflag:s9] =	ssyncadd.s32 $0xFFFFE790  }
0x97: {  	[spmem:s23], [sflag:s15] =	dma.local [hbm:s18], $0x30E  }
0x98: {  	_ =	swait.ge [sflag:s9], $0x30E  }
0x99: {  	[sflag:s9] =	ssyncset.done $0x0  }
0x9a: {  	[sflag:s9] =	ssyncadd.s32 $0xFFFFFCF2  }
0x9b: {  	[bflag:$0x0] =	sbarrier.arrive $0xFFFF  }
0x9c: {  	s17 =	simm.s32 $0x0;
	s18 =	rddreg [dreg:$0x7]  }
0x9d: {  	[tilespmem:s17], [sflag:$0x1] =	stream.linear.gather [hbm4b:s18+s17], $0x100, $0x38;
	[tilespmem:$0x1FCC0] =	vst v63  }
0x9e: {  	_ =	swait.ge [sflag:s19], $0x100  }
0x9f: {  	[sflag:s19] =	ssyncset.done $0x0  }
0xa0: {  	[sflag:s19] =	ssyncadd.s32 $0xFFFFFF00  }
0xa1: {  	[tilespmem:s21], [sflag:$0x2] =	stream.indirect.gather [hbm4b:s11+s20], $0x10, s17, s20, $0xb8;
	[tilespmem:$0x1FCC0] =	vst v63  }
0xa2: {  	_ = 	snop  }
0xa3: {  	[tilespmem:s22], [sflag:$0x3] =	stream.indirect.gather [hbm4b:s12+s20], $0x1, s17, s20, $0xb8;
	[tilespmem:$0x1FCC0] =	vst v63  }
0xa4: {  	s23 =	simm.s32 $0x980;
	s15 =	simm.s32 $0x0  }
0xa5: {  	[tilespmem:s23], [sflag:$0x4] =	stream.indirect.gather [spmem:s3], $0x1, s20, s20, $0xb8;
	[tilespmem:$0x1FCC0] =	vst v63  }
.LBB2_6:
0xa6: {  	p0 =	seq.s32 s15, $0x0  }
0xa7: {  	s4 =	simm.s32 @!p0 $0xB  }
0xa8: {  	_ =	swait.ge @!p0 [sflag:s4], $0x800  }
0xa9: {  	[sflag:s4] =	ssyncset.done @!p0 $0x0  }
0xaa: {  	s17 =	sshllo.u32 s15, $0x1;
	[sflag:s4] =	ssyncadd.s32 @!p0 $0xFFFFF800;
	s4 =	simm.s32 @!p0 $0xC  }
0xab: {  	s5 =	sadd.s32 s8, s17;
	_ =	swait.ge @!p0 [sflag:s4], $0x80  }
0xac: {  	s5 =	sshll.u32 s5, $0x5;
	[sflag:s4] =	ssyncset.done @!p0 $0x0  }
0xad: {  	s9 =	simm.s32 $0x0;
	s5 =	sadd.s32 s6, s5;
	[sflag:s4] =	ssyncadd.s32 @!p0 $0xFFFFFF80  }
0xae: {  	[tilespmem:s24], [sflag:$0x5] =	stream.linear.gather [hbm4b:s5+s9], $0x100, $0x38;
	[tilespmem:$0x1FCC0] =	vst v63  }
0xaf: {  	_ =	swait.ge [sflag:s25], $0x800  }
0xb0: {  	[sflag:s25] =	ssyncset.done $0x0  }
0xb1: {  	[sflag:s25] =	ssyncadd.s32 $0xFFFFF800  }
0xb2: {  	_ =	swait.ge [sflag:s26], $0x80  }
0xb3: {  	[sflag:s26] =	ssyncset.done $0x0  }
0xb4: {  	[sflag:s26] =	ssyncadd.s32 $0xFFFFFF80  }
0xb5: {  	s18 =	sshll.u32 s15, $0x8;
	_ =	swait.ge [sflag:s28], $0x80  }
0xb6: {  	s23 =	sshll.u32 s15, $0x1;
	s4 =	sadd.s32 s7, s18;
	[sflag:s28] =	ssyncset.done $0x0  }
0xb7: {  	p0 =	por $0x1, $0x1;
	s9 =	simm.s32 $0x0;
	[sflag:s28] =	ssyncadd.s32 $0xFFFFFF80  }
.LBB2_7:
0xb8: {  	v2 =	vld [tilespmem:s9+$0x900]  }
0xb9: {  	v3 =	vld [tilespmem:s9+$0x980];
	_ =	sdelay $0x4  }
0xba: {  	v2 =	vadd.f32 v3, v2;
	_ =	sdelay $0x1  }
0xbb: {  	v3 =	vmul.f32 $2.000000030e-01, v2  }
0xbc: {  	vm0 =	vgt.f32 v2, $0.0e+00  }
0xbd: {  	v2 =	vsel vm0, v2, v3  }
0xbe: {  	v2 =	vmul.f32 $1.442695020e+00, v2;
	_ =	sdelay $0x1  }
0xbf: {  	(erf) = vpow2.f32 v2;
	_ =	sdelay $0x7  }
0xc0: {  	s5 =	sor.u32 s4, s9  }
0xc1: {  	p1 =	slt.u32 s5, $0x19F0A0;
	v2 =	vpop (erf)  }
0xc2: {  	v3 =	vld [tilespmem:s9+$0x990];
	v2 =	vpsel !p1, $0x0, v2  }
0xc3: {  	[tilespmem:s9+$0x900] =	vst v2;
	v2 =	vld [tilespmem:s9+$0x910];
	_ =	sdelay $0x4  }
0xc4: {  	v2 =	vadd.f32 v3, v2;
	_ =	sdelay $0x1  }
0xc5: {  	v3 =	vmul.f32 $2.000000030e-01, v2  }
0xc6: {  	vm13 =	vgt.f32 v2, $0.0e+00  }
0xc7: {  	v2 =	vsel vm13, v2, v3  }
0xc8: {  	v2 =	vmul.f32 $1.442695020e+00, v2;
	_ =	sdelay $0x1  }
0xc9: {  	(erf) = vpow2.f32 v2;
	_ =	sdelay $0x7  }
0xca: {  	s18 =	sor.u32 $0x10, s5  }
0xcb: {  	p4 =	slt.u32 s18, $0x19F0A0;
	v2 =	vpop (erf)  }
0xcc: {  	v3 =	vld [tilespmem:s9+$0x9A0];
	v2 =	vpsel !p4, $0x0, v2  }
0xcd: {  	[tilespmem:s9+$0x910] =	vst v2;
	v2 =	vld [tilespmem:s9+$0x920];
	_ =	sdelay $0x4  }
0xce: {  	v2 =	vadd.f32 v3, v2;
	_ =	sdelay $0x1  }
0xcf: {  	v3 =	vmul.f32 $2.000000030e-01, v2  }
0xd0: {  	vm14 =	vgt.f32 v2, $0.0e+00  }
0xd1: {  	v2 =	vsel vm14, v2, v3  }
0xd2: {  	v2 =	vmul.f32 $1.442695020e+00, v2;
	_ =	sdelay $0x1  }
0xd3: {  	(erf) = vpow2.f32 v2;
	_ =	sdelay $0x7  }
0xd4: {  	s18 =	sor.u32 $0x20, s5  }
0xd5: {  	p5 =	slt.u32 s18, $0x19F0A0;
	v2 =	vpop (erf)  }
0xd6: {  	v3 =	vld [tilespmem:s9+$0x9B0];
	v2 =	vpsel !p5, $0x0, v2  }
0xd7: {  	[tilespmem:s9+$0x920] =	vst v2;
	v2 =	vld [tilespmem:s9+$0x930];
	_ =	sdelay $0x4  }
0xd8: {  	v2 =	vadd.f32 v3, v2;
	_ =	sdelay $0x1  }
0xd9: {  	v3 =	vmul.f32 $2.000000030e-01, v2  }
0xda: {  	vm15 =	vgt.f32 v2, $0.0e+00  }
0xdb: {  	v2 =	vsel vm15, v2, v3  }
0xdc: {  	v2 =	vmul.f32 $1.442695020e+00, v2;
	_ =	sdelay $0x1  }
0xdd: {  	(erf) = vpow2.f32 v2;
	_ =	sdelay $0x5  }
0xde: {  	p1 =	por p0, p0  }
.Ltmp4:
0xdf: {  	_ = 	snop;
	(pc) =	sbr.rel @p1 .LBB2_7-.Ltmp4, $4  }
0xe0: {  	s5 =	sor.u32 $0x30, s5  }
0xe1: {  	p6 =	slt.u32 s5, $0x19F0A0;
	v2 =	vpop (erf)  }
0xe2: {  	s18 =	simm.s32 $0x0;
	v2 =	vpsel !p6, $0x0, v2  }
0xe3: {  	s5 =	simm.s32 $0x140;
	p0 =	por $0x0, $0x0;
	[tilespmem:s9+$0x930] =	vst v2;
	s9 =	simm.s32 $0x40  }
0xe4: {  	v2 =	vmov s18  }
0xe5: {  	v2 =	vshrl.u32 v2, $0x3  }
0xe6: {  	v2 =	vshll.u32 v2, v1  }
0xe7: {  	v2 =	vbroadcast v2, $0x0;
	_ =	sdelay $0x2  }
0xe8: {  	s4 =	simm.s32 $0x1  }
0xe9: {  	v3 =	vmov s4  }
0xea: {  	v4 =	vld [tilespmem:s5+$0xFFFFFFC0];
	v3 =	vshrl.u32 v3, $0x3  }
0xeb: {  	v3 =	vshll.u32 v3, v1;
	v2 =	vld.idx.msk [tilespmem:v2+s22+$0x0], $0xffff  }
0xec: {  	v3 =	vadd.s32 $0x1, v3  }
0xed: {  	v3 =	vbroadcast v3, $0x0;
	_ =	sdelay $0x2  }
0xee: {  	v2 =	vmul.f32 v4, v2  }
0xef: {  	s9 =	simm.s32 $0x2  }
0xf0: {  	v4 =	vld [tilespmem:s5+$0xFFFFFFD0];
	[tilespmem:s5+$0xFFFFFFC0] =	vst v2;
	v2 =	vmov s9  }
0xf1: {  	v3 =	vld.idx.msk [tilespmem:v3+s22+$0x0], $0xffff;
	v2 =	vshrl.u32 v2, $0x3  }
0xf2: {  	v2 =	vshll.u32 v2, v1  }
0xf3: {  	v2 =	vadd.s32 $0x2, v2  }
0xf4: {  	v2 =	vbroadcast v2, $0x0;
	_ =	sdelay $0x1  }
0xf5: {  	v3 =	vmul.f32 v4, v3  }
0xf6: {  	s18 =	simm.s32 $0x3  }
0xf7: {  	[tilespmem:s5+$0xFFFFFFD0] =	vst v3;
	v3 =	vmov s18  }
0xf8: {  	v4 =	vld [tilespmem:s5+$0xFFFFFFE0];
	v3 =	vshrl.u32 v3, $0x3  }
0xf9: {  	v2 =	vld.idx.msk [tilespmem:v2+s22+$0x0], $0xffff;
	v3 =	vshll.u32 v3, v1  }
0xfa: {  	v3 =	vadd.s32 $0x3, v3  }
0xfb: {  	v3 =	vbroadcast v3, $0x0;
	_ =	sdelay $0x2  }
0xfc: {  	v2 =	vmul.f32 v4, v2  }
0xfd: {  	s9 =	simm.s32 $0x4  }
0xfe: {  	v4 =	vld [tilespmem:s5+$0xFFFFFFF0];
	[tilespmem:s5+$0xFFFFFFE0] =	vst v2;
	v2 =	vmov s9  }
0xff: {  	v3 =	vld.idx.msk [tilespmem:v3+s22+$0x0], $0xffff;
	v2 =	vshrl.u32 v2, $0x3  }
0x100: {  	v2 =	vshll.u32 v2, v1  }
0x101: {  	v2 =	vadd.s32 $0x4, v2  }
0x102: {  	v2 =	vbroadcast v2, $0x0;
	_ =	sdelay $0x1  }
0x103: {  	v3 =	vmul.f32 v4, v3  }
0x104: {  	s18 =	simm.s32 $0x5  }
0x105: {  	[tilespmem:s5+$0xFFFFFFF0] =	vst v3;
	v3 =	vmov s18  }
0x106: {  	v4 =	vld [tilespmem:s5+$0x0];
	v3 =	vshrl.u32 v3, $0x3  }
0x107: {  	v2 =	vld.idx.msk [tilespmem:v2+s22+$0x0], $0xffff;
	v3 =	vshll.u32 v3, v1  }
0x108: {  	v3 =	vadd.s32 $0x5, v3  }
0x109: {  	v3 =	vbroadcast v3, $0x0;
	_ =	sdelay $0x2  }
0x10a: {  	v2 =	vmul.f32 v4, v2  }
0x10b: {  	s9 =	simm.s32 $0x6  }
0x10c: {  	v4 =	vld [tilespmem:s5+$0x10];
	[tilespmem:s5+$0x0] =	vst v2;
	v2 =	vmov s9  }
0x10d: {  	v3 =	vld.idx.msk [tilespmem:v3+s22+$0x0], $0xffff;
	v2 =	vshrl.u32 v2, $0x3  }
0x10e: {  	v2 =	vshll.u32 v2, v1  }
0x10f: {  	v2 =	vadd.s32 $0x6, v2  }
0x110: {  	v2 =	vbroadcast v2, $0x0;
	_ =	sdelay $0x1  }
0x111: {  	v3 =	vmul.f32 v4, v3  }
0x112: {  	s18 =	simm.s32 $0x7  }
0x113: {  	[tilespmem:s5+$0x10] =	vst v3;
	v3 =	vmov s18  }
0x114: {  	v4 =	vld [tilespmem:s5+$0x20];
	v3 =	vshrl.u32 v3, $0x3  }
0x115: {  	v2 =	vld.idx.msk [tilespmem:v2+s22+$0x0], $0xffff;
	v3 =	vshll.u32 v3, v1  }
0x116: {  	v3 =	vadd.s32 $0x7, v3  }
0x117: {  	v5 =	vbroadcast v3, $0x0;
	_ =	sdelay $0x2  }
0x118: {  	v2 =	vmul.f32 v4, v2;
	_ =	sdelay $0x1  }
0x119: {  	s9 =	simm.s32 $0x8;
	[tilespmem:s5+$0x20] =	vst v2  }
0x11a: {  	s4 =	simm.s32 $0x10;
	v3 =	vmov s9;
	v2 =	vld.idx.msk [tilespmem:v5+s22+$0x0], $0xffff  }
.LBB2_9:
0x11b: {  	p0 =	slt.u32 s4, $0x78;
	v3 =	vshrl.u32 v3, $0x3;
	v4 =	vld [tilespmem:s5+$0x30]  }
0x11c: {  	v3 =	vshll.u32 v3, v1  }
0x11d: {  	v3 =	vbroadcast v3, $0x0;
	_ =	sdelay $0x2  }
0x11e: {  	v2 =	vmul.f32 v4, v2  }
0x11f: {  	s18 =	sadd.s32 $0x1, s9  }
0x120: {  	v4 =	vmov s18;
	[tilespmem:s5+$0x30] =	vst v2  }
0x121: {  	s5 =	sadd.s32 $0x80, s5;
	v2 =	vld.idx.msk [tilespmem:v3+s22+$0x0], $0xffff;
	v3 =	vshrl.u32 v4, $0x3  }
0x122: {  	v4 =	vld [tilespmem:s5+$0xFFFFFFC0];
	v3 =	vshll.u32 v3, v1  }
0x123: {  	v3 =	vadd.s32 $0x1, v3  }
0x124: {  	v3 =	vbroadcast v3, $0x0;
	_ =	sdelay $0x2  }
0x125: {  	v2 =	vmul.f32 v4, v2  }
0x126: {  	s18 =	sadd.s32 $0x2, s9  }
0x127: {  	[tilespmem:s5+$0xFFFFFFC0] =	vst v2;
	v2 =	vmov s18  }
0x128: {  	v3 =	vld.idx.msk [tilespmem:v3+s22+$0x0], $0xffff;
	v2 =	vshrl.u32 v2, $0x3  }
0x129: {  	v4 =	vld [tilespmem:s5+$0xFFFFFFD0];
	v2 =	vshll.u32 v2, v1  }
0x12a: {  	v2 =	vadd.s32 $0x2, v2  }
0x12b: {  	v2 =	vbroadcast v2, $0x0;
	_ =	sdelay $0x2  }
0x12c: {  	v3 =	vmul.f32 v4, v3  }
0x12d: {  	s18 =	sadd.s32 $0x3, s9  }
0x12e: {  	[tilespmem:s5+$0xFFFFFFD0] =	vst v3;
	v3 =	vmov s18  }
0x12f: {  	v2 =	vld.idx.msk [tilespmem:v2+s22+$0x0], $0xffff;
	v3 =	vshrl.u32 v3, $0x3  }
0x130: {  	v4 =	vld [tilespmem:s5+$0xFFFFFFE0];
	v3 =	vshll.u32 v3, v1  }
0x131: {  	v3 =	vadd.s32 $0x3, v3  }
0x132: {  	v3 =	vbroadcast v3, $0x0;
	_ =	sdelay $0x2  }
0x133: {  	v2 =	vmul.f32 v4, v2  }
0x134: {  	s18 =	sadd.s32 $0x4, s9  }
0x135: {  	[tilespmem:s5+$0xFFFFFFE0] =	vst v2;
	v2 =	vmov s18  }
0x136: {  	v3 =	vld.idx.msk [tilespmem:v3+s22+$0x0], $0xffff;
	v2 =	vshrl.u32 v2, $0x3  }
0x137: {  	v4 =	vld [tilespmem:s5+$0xFFFFFFF0];
	v2 =	vshll.u32 v2, v1  }
0x138: {  	v2 =	vadd.s32 $0x4, v2  }
0x139: {  	v2 =	vbroadcast v2, $0x0;
	_ =	sdelay $0x2  }
0x13a: {  	v3 =	vmul.f32 v4, v3  }
0x13b: {  	s18 =	sadd.s32 $0x5, s9  }
0x13c: {  	[tilespmem:s5+$0xFFFFFFF0] =	vst v3;
	v3 =	vmov s18  }
0x13d: {  	v2 =	vld.idx.msk [tilespmem:v2+s22+$0x0], $0xffff;
	v3 =	vshrl.u32 v3, $0x3  }
0x13e: {  	v4 =	vld [tilespmem:s5+$0x0];
	v3 =	vshll.u32 v3, v1  }
0x13f: {  	v3 =	vadd.s32 $0x5, v3  }
0x140: {  	v3 =	vbroadcast v3, $0x0;
	_ =	sdelay $0x2  }
0x141: {  	v2 =	vmul.f32 v4, v2  }
0x142: {  	s18 =	sadd.s32 $0x6, s9  }
0x143: {  	[tilespmem:s5+$0x0] =	vst v2;
	v2 =	vmov s18  }
0x144: {  	v3 =	vld.idx.msk [tilespmem:v3+s22+$0x0], $0xffff;
	v2 =	vshrl.u32 v2, $0x3  }
0x145: {  	v4 =	vld [tilespmem:s5+$0x10];
	v2 =	vshll.u32 v2, v1  }
0x146: {  	v2 =	vadd.s32 $0x6, v2  }
0x147: {  	v2 =	vbroadcast v2, $0x0;
	_ =	sdelay $0x2  }
0x148: {  	v3 =	vmul.f32 v4, v3  }
0x149: {  	s18 =	sadd.s32 $0x7, s9;
	s9 =	smov.u32 s4  }
0x14a: {  	[tilespmem:s5+$0x10] =	vst v3;
	v3 =	vmov s18  }
0x14b: {  	v2 =	vld.idx.msk [tilespmem:v2+s22+$0x0], $0xffff;
	v3 =	vshrl.u32 v3, $0x3  }
0x14c: {  	v4 =	vld [tilespmem:s5+$0x20];
	v3 =	vshll.u32 v3, v1  }
0x14d: {  	v3 =	vadd.s32 $0x7, v3  }
0x14e: {  	v5 =	vbroadcast v3, $0x0;
	_ =	sdelay $0x1  }
.Ltmp5:
0x14f: {  	(pc) =	sbr.rel @p0 .LBB2_9-.Ltmp5, $3  }
0x150: {  	v2 =	vmul.f32 v4, v2;
	_ =	sdelay $0x1  }
0x151: {  	[tilespmem:s5+$0x20] =	vst v2  }
0x152: {  	s4 =	sadd.s32 $0x8, s4;
	v3 =	vmov s9;
	v2 =	vld.idx.msk [tilespmem:v5+s22+$0x0], $0xffff  }
0x153: {  	v3 =	vshrl.u32 v3, $0x3;
	v4 =	vld [tilespmem:s5+$0x30]  }
0x154: {  	v3 =	vshll.u32 v3, v1  }
0x155: {  	v3 =	vbroadcast v3, $0x0;
	_ =	sdelay $0x2  }
0x156: {  	v2 =	vmul.f32 v4, v2  }
0x157: {  	s4 =	sadd.s32 $0x1, s9  }
0x158: {  	v56 =	vmov s4;
	[tilespmem:s5+$0x30] =	vst v2  }
0x159: {  	s4 =	sadd.s32 $0x80, s5;
	v2 =	vld.idx.msk [tilespmem:v3+s22+$0x0], $0xffff;
	v3 =	vshrl.u32 v56, $0x3  }
0x15a: {  	v57 =	vld [tilespmem:s4+$0xFFFFFFC0];
	v3 =	vshll.u32 v3, v1  }
0x15b: {  	v3 =	vadd.s32 $0x1, v3  }
0x15c: {  	v3 =	vbroadcast v3, $0x0;
	_ =	sdelay $0x2  }
0x15d: {  	v2 =	vmul.f32 v57, v2  }
0x15e: {  	s18 =	sadd.s32 $0x2, s9  }
0x15f: {  	v58 =	vld [tilespmem:s4+$0xFFFFFFD0];
	[tilespmem:s4+$0xFFFFFFC0] =	vst v2;
	v2 =	vmov s18  }
0x160: {  	v2 =	vshrl.u32 v2, $0x3;
	v3 =	vld.idx.msk [tilespmem:v3+s22+$0x0], $0xffff  }
0x161: {  	v2 =	vshll.u32 v2, v1  }
0x162: {  	v2 =	vadd.s32 $0x2, v2  }
0x163: {  	v2 =	vbroadcast v2, $0x0;
	_ =	sdelay $0x1  }
0x164: {  	v3 =	vmul.f32 v58, v3  }
0x165: {  	s18 =	sadd.s32 $0x3, s9  }
0x166: {  	[tilespmem:s4+$0xFFFFFFD0] =	vst v3;
	v3 =	vmov s18  }
0x167: {  	v59 =	vld [tilespmem:s4+$0xFFFFFFE0];
	v3 =	vshrl.u32 v3, $0x3  }
0x168: {  	v2 =	vld.idx.msk [tilespmem:v2+s22+$0x0], $0xffff;
	v3 =	vshll.u32 v3, v1  }
0x169: {  	v3 =	vadd.s32 $0x3, v3  }
0x16a: {  	v3 =	vbroadcast v3, $0x0;
	_ =	sdelay $0x2  }
0x16b: {  	v2 =	vmul.f32 v59, v2  }
0x16c: {  	s18 =	sadd.s32 $0x4, s9  }
0x16d: {  	v60 =	vld [tilespmem:s4+$0xFFFFFFF0];
	[tilespmem:s4+$0xFFFFFFE0] =	vst v2;
	v2 =	vmov s18  }
0x16e: {  	v2 =	vshrl.u32 v2, $0x3;
	v3 =	vld.idx.msk [tilespmem:v3+s22+$0x0], $0xffff  }
0x16f: {  	v2 =	vshll.u32 v2, v1  }
0x170: {  	v2 =	vadd.s32 $0x4, v2  }
0x171: {  	v2 =	vbroadcast v2, $0x0;
	_ =	sdelay $0x1  }
0x172: {  	v3 =	vmul.f32 v60, v3  }
0x173: {  	s18 =	sadd.s32 $0x5, s9  }
0x174: {  	[tilespmem:s4+$0xFFFFFFF0] =	vst v3;
	v3 =	vmov s18  }
0x175: {  	v61 =	vld [tilespmem:s4+$0x0];
	v3 =	vshrl.u32 v3, $0x3  }
0x176: {  	v2 =	vld.idx.msk [tilespmem:v2+s22+$0x0], $0xffff;
	v3 =	vshll.u32 v3, v1  }
0x177: {  	v3 =	vadd.s32 $0x5, v3  }
0x178: {  	v3 =	vbroadcast v3, $0x0;
	_ =	sdelay $0x2  }
0x179: {  	v2 =	vmul.f32 v61, v2  }
0x17a: {  	s18 =	sadd.s32 $0x6, s9  }
0x17b: {  	v62 =	vld [tilespmem:s4+$0x10];
	[tilespmem:s4+$0x0] =	vst v2;
	v2 =	vmov s18  }
0x17c: {  	v2 =	vshrl.u32 v2, $0x3;
	v3 =	vld.idx.msk [tilespmem:v3+s22+$0x0], $0xffff  }
0x17d: {  	v2 =	vshll.u32 v2, v1  }
0x17e: {  	v2 =	vadd.s32 $0x6, v2  }
0x17f: {  	v2 =	vbroadcast v2, $0x0;
	_ =	sdelay $0x1  }
0x180: {  	v3 =	vmul.f32 v62, v3  }
0x181: {  	s9 =	sadd.s32 $0x7, s9  }
0x182: {  	[tilespmem:s4+$0x10] =	vst v3;
	v3 =	vmov s9  }
0x183: {  	v63 =	vld [tilespmem:s4+$0x20];
	v3 =	vshrl.u32 v3, $0x3  }
0x184: {  	v2 =	vld.idx.msk [tilespmem:v2+s22+$0x0], $0xffff;
	v3 =	vshll.u32 v3, v1  }
0x185: {  	v3 =	vadd.s32 $0x7, v3  }
0x186: {  	v3 =	vbroadcast v3, $0x0;
	_ =	sdelay $0x2  }
0x187: {  	v2 =	vmul.f32 v63, v2;
	_ =	sdelay $0x1  }
0x188: {  	[tilespmem:s4+$0x20] =	vst v2  }
0x189: {  	v2 =	vld.idx.msk [tilespmem:v3+s22+$0x0], $0xffff  }
0x18a: {  	v3 =	vld [tilespmem:s4+$0x30];
	_ =	sdelay $0x4  }
0x18b: {  	v2 =	vmul.f32 v3, v2;
	_ =	sdelay $0x1  }
0x18c: {  	[tilespmem:s4+$0x30] =	vst v2  }
0x18d: {  	_ =	swait.ge [sflag:s29], $0x100  }
0x18e: {  	[sflag:s29] =	ssyncset.done $0x0  }
0x18f: {  	[sflag:s29] =	ssyncadd.s32 $0xFFFFFF00  }
0x190: {  	[tilespmem:s30], [sflag:$0x6] =	stream.indirect.gather [hbm4b:s11+s20], $0x10, s24, s20, $0xb8;
	[tilespmem:$0x1FCC0] =	vst v63  }
0x191: {  	_ = 	snop  }
0x192: {  	[tilespmem:s31], [sflag:$0x7] =	stream.indirect.gather [hbm4b:s12+s20], $0x1, s24, s20, $0xb8;
	[tilespmem:$0x1FCC0] =	vst v63  }
0x193: {  	s18 =	simm.s32 $0x1380  }
0x194: {  	[tilespmem:s18], [sflag:$0x8] =	stream.indirect.gather [spmem:s3], $0x1, s0, s20, $0xb8;
	[tilespmem:$0x1FCC0] =	vst v63  }
0x195: {  	p0 =	seq.s32 s15, $0x19F  }
0x196: {  	[spmem:s1] =	stream.indirect.scatter.add.f32 [tilespmem:s21], [sflag:$0x9], $0x10, s20, s20, $0xb8;
	[tilespmem:$0x1FCC0] =	vst v63  }
0x197: {  	s4 =	simm.s32 @!p0 $0x9  }
0x198: {  	[spmem:s2] =	stream.indirect.scatter.add.f32 [tilespmem:s22], [sflag:$0xA], $0x1, s20, s20, $0xb8;
	[tilespmem:$0x1FCC0] =	vst v63  }
0x199: {  	_ =	swait.ge @!p0 [sflag:s4], $0x800  }
0x19a: {  	[sflag:s4] =	ssyncset.done @!p0 $0x0  }
0x19b: {  	[sflag:s4] =	ssyncadd.s32 @!p0 $0xFFFFF800;
	s4 =	simm.s32 @!p0 $0xA  }
0x19c: {  	s5 =	sadd.s32 @!p0 s23, s13;
	_ =	swait.ge @!p0 [sflag:s4], $0x80  }
0x19d: {  	s5 =	sshll.u32 @!p0 s5, $0x5;
	[sflag:s4] =	ssyncset.done @!p0 $0x0  }
0x19e: {  	[sflag:s4] =	ssyncadd.s32 @!p0 $0xFFFFFF80;
	s4 =	sadd.s32 @!p0 s6, s5;
	s5 =	simm.s32 @!p0 $0x0  }
0x19f: {  	[tilespmem:s5], [sflag:$0x1] =	stream.linear.gather @!p0 [hbm4b:s4+s5], $0x100, $0x38;
	[tilespmem:$0x1FCC0] =	vst v63  }
0x1a0: {  	_ =	swait.ge [sflag:s10], $0x800  }
0x1a1: {  	[sflag:s10] =	ssyncset.done $0x0  }
0x1a2: {  	[sflag:s10] =	ssyncadd.s32 $0xFFFFF800  }
0x1a3: {  	_ =	swait.ge [sflag:s14], $0x80  }
0x1a4: {  	[sflag:s14] =	ssyncset.done $0x0  }
0x1a5: {  	[sflag:s14] =	ssyncadd.s32 $0xFFFFFF80  }
0x1a6: {  	p1 =	por $0x1, $0x1;
	_ =	swait.ge [sflag:s16], $0x80  }
0x1a7: {  	s23 =	sshll.u32 s17, $0x7;
	s17 =	simm.s32 $0x0;
	[sflag:s16] =	ssyncset.done $0x0  }
0x1a8: {  	s9 =	sadd.s32 s7, s23;
	s4 =	simm.s32 $0x0;
	[sflag:s16] =	ssyncadd.s32 $0xFFFFFF80  }
.LBB2_11:
0x1a9: {  	v2 =	vld [tilespmem:s17+$0x1300]  }
0x1aa: {  	v3 =	vld [tilespmem:s17+$0x1380];
	_ =	sdelay $0x4  }
0x1ab: {  	v2 =	vadd.f32 v3, v2;
	_ =	sdelay $0x1  }
0x1ac: {  	v3 =	vmul.f32 $2.000000030e-01, v2  }
0x1ad: {  	vm0 =	vgt.f32 v2, $0.0e+00  }
0x1ae: {  	v2 =	vsel vm0, v2, v3  }
0x1af: {  	v2 =	vmul.f32 $1.442695020e+00, v2;
	_ =	sdelay $0x1  }
0x1b0: {  	(erf) = vpow2.f32 v2;
	_ =	sdelay $0x7  }
0x1b1: {  	s5 =	sor.u32 s9, s17  }
0x1b2: {  	p2 =	slt.u32 s5, $0x19F0A0;
	v2 =	vpop (erf)  }
0x1b3: {  	v3 =	vld [tilespmem:s17+$0x1390];
	v2 =	vpsel !p2, $0x0, v2  }
0x1b4: {  	[tilespmem:s17+$0x1300] =	vst v2;
	v2 =	vld [tilespmem:s17+$0x1310];
	_ =	sdelay $0x4  }
0x1b5: {  	v2 =	vadd.f32 v3, v2;
	_ =	sdelay $0x1  }
0x1b6: {  	v3 =	vmul.f32 $2.000000030e-01, v2  }
0x1b7: {  	vm13 =	vgt.f32 v2, $0.0e+00  }
0x1b8: {  	v2 =	vsel vm13, v2, v3  }
0x1b9: {  	v2 =	vmul.f32 $1.442695020e+00, v2;
	_ =	sdelay $0x1  }
0x1ba: {  	(erf) = vpow2.f32 v2;
	_ =	sdelay $0x7  }
0x1bb: {  	s18 =	sor.u32 $0x10, s5  }
0x1bc: {  	p4 =	slt.u32 s18, $0x19F0A0;
	v2 =	vpop (erf)  }
0x1bd: {  	v3 =	vld [tilespmem:s17+$0x13A0];
	v2 =	vpsel !p4, $0x0, v2  }
0x1be: {  	[tilespmem:s17+$0x1310] =	vst v2;
	v2 =	vld [tilespmem:s17+$0x1320];
	_ =	sdelay $0x4  }
0x1bf: {  	v2 =	vadd.f32 v3, v2;
	_ =	sdelay $0x1  }
0x1c0: {  	v3 =	vmul.f32 $2.000000030e-01, v2  }
0x1c1: {  	vm14 =	vgt.f32 v2, $0.0e+00  }
0x1c2: {  	v2 =	vsel vm14, v2, v3  }
0x1c3: {  	v2 =	vmul.f32 $1.442695020e+00, v2;
	_ =	sdelay $0x1  }
0x1c4: {  	(erf) = vpow2.f32 v2;
	_ =	sdelay $0x7  }
0x1c5: {  	s23 =	sor.u32 $0x20, s5  }
0x1c6: {  	p5 =	slt.u32 s23, $0x19F0A0;
	v2 =	vpop (erf)  }
0x1c7: {  	v3 =	vld [tilespmem:s17+$0x13B0];
	v2 =	vpsel !p5, $0x0, v2  }
0x1c8: {  	[tilespmem:s17+$0x1320] =	vst v2;
	v2 =	vld [tilespmem:s17+$0x1330];
	_ =	sdelay $0x4  }
0x1c9: {  	v2 =	vadd.f32 v3, v2;
	_ =	sdelay $0x1  }
0x1ca: {  	v3 =	vmul.f32 $2.000000030e-01, v2  }
0x1cb: {  	vm15 =	vgt.f32 v2, $0.0e+00  }
0x1cc: {  	v2 =	vsel vm15, v2, v3  }
0x1cd: {  	v2 =	vmul.f32 $1.442695020e+00, v2;
	_ =	sdelay $0x1  }
0x1ce: {  	(erf) = vpow2.f32 v2;
	_ =	sdelay $0x5  }
0x1cf: {  	p2 =	por p1, p1  }
.Ltmp6:
0x1d0: {  	_ = 	snop;
	(pc) =	sbr.rel @p2 .LBB2_11-.Ltmp6, $4  }
0x1d1: {  	s5 =	sor.u32 $0x30, s5  }
0x1d2: {  	p6 =	slt.u32 s5, $0x19F0A0;
	v2 =	vpop (erf)  }
0x1d3: {  	v2 =	vpsel !p6, $0x0, v2  }
0x1d4: {  	s5 =	simm.s32 $0xB40;
	p1 =	por $0x0, $0x0;
	[tilespmem:s17+$0x1330] =	vst v2;
	s17 =	simm.s32 $0x40  }
0x1d5: {  	v2 =	vmov s4  }
0x1d6: {  	v2 =	vshrl.u32 v2, $0x3  }
0x1d7: {  	v2 =	vshll.u32 v2, v1  }
0x1d8: {  	v2 =	vbroadcast v2, $0x0;
	_ =	sdelay $0x2  }
0x1d9: {  	s17 =	simm.s32 $0x1  }
0x1da: {  	v3 =	vmov s17  }
0x1db: {  	v4 =	vld [tilespmem:s5+$0xFFFFFFC0];
	v3 =	vshrl.u32 v3, $0x3  }
0x1dc: {  	v3 =	vshll.u32 v3, v1;
	v2 =	vld.idx.msk [tilespmem:v2+s31+$0x0], $0xffff  }
0x1dd: {  	v3 =	vadd.s32 $0x1, v3  }
0x1de: {  	v3 =	vbroadcast v3, $0x0;
	_ =	sdelay $0x2  }
0x1df: {  	v2 =	vmul.f32 v4, v2  }
0x1e0: {  	s18 =	simm.s32 $0x2  }
0x1e1: {  	v4 =	vld [tilespmem:s5+$0xFFFFFFD0];
	[tilespmem:s5+$0xFFFFFFC0] =	vst v2;
	v2 =	vmov s18  }
0x1e2: {  	v3 =	vld.idx.msk [tilespmem:v3+s31+$0x0], $0xffff;
	v2 =	vshrl.u32 v2, $0x3  }
0x1e3: {  	v2 =	vshll.u32 v2, v1  }
0x1e4: {  	v2 =	vadd.s32 $0x2, v2  }
0x1e5: {  	v2 =	vbroadcast v2, $0x0;
	_ =	sdelay $0x1  }
0x1e6: {  	v3 =	vmul.f32 v4, v3  }
0x1e7: {  	s23 =	simm.s32 $0x3  }
0x1e8: {  	[tilespmem:s5+$0xFFFFFFD0] =	vst v3;
	v3 =	vmov s23  }
0x1e9: {  	v4 =	vld [tilespmem:s5+$0xFFFFFFE0];
	v3 =	vshrl.u32 v3, $0x3  }
0x1ea: {  	v2 =	vld.idx.msk [tilespmem:v2+s31+$0x0], $0xffff;
	v3 =	vshll.u32 v3, v1  }
0x1eb: {  	v3 =	vadd.s32 $0x3, v3  }
0x1ec: {  	v3 =	vbroadcast v3, $0x0;
	_ =	sdelay $0x2  }
0x1ed: {  	v2 =	vmul.f32 v4, v2  }
0x1ee: {  	s9 =	simm.s32 $0x4  }
0x1ef: {  	v4 =	vld [tilespmem:s5+$0xFFFFFFF0];
	[tilespmem:s5+$0xFFFFFFE0] =	vst v2;
	v2 =	vmov s9  }
0x1f0: {  	v3 =	vld.idx.msk [tilespmem:v3+s31+$0x0], $0xffff;
	v2 =	vshrl.u32 v2, $0x3  }
0x1f1: {  	v2 =	vshll.u32 v2, v1  }
0x1f2: {  	v2 =	vadd.s32 $0x4, v2  }
0x1f3: {  	v2 =	vbroadcast v2, $0x0;
	_ =	sdelay $0x1  }
0x1f4: {  	v3 =	vmul.f32 v4, v3  }
0x1f5: {  	s17 =	simm.s32 $0x5  }
0x1f6: {  	[tilespmem:s5+$0xFFFFFFF0] =	vst v3;
	v3 =	vmov s17  }
0x1f7: {  	v4 =	vld [tilespmem:s5+$0x0];
	v3 =	vshrl.u32 v3, $0x3  }
0x1f8: {  	v2 =	vld.idx.msk [tilespmem:v2+s31+$0x0], $0xffff;
	v3 =	vshll.u32 v3, v1  }
0x1f9: {  	v3 =	vadd.s32 $0x5, v3  }
0x1fa: {  	v3 =	vbroadcast v3, $0x0;
	_ =	sdelay $0x2  }
0x1fb: {  	v2 =	vmul.f32 v4, v2  }
0x1fc: {  	s18 =	simm.s32 $0x6  }
0x1fd: {  	v4 =	vld [tilespmem:s5+$0x10];
	[tilespmem:s5+$0x0] =	vst v2;
	v2 =	vmov s18  }
0x1fe: {  	v3 =	vld.idx.msk [tilespmem:v3+s31+$0x0], $0xffff;
	v2 =	vshrl.u32 v2, $0x3  }
0x1ff: {  	v2 =	vshll.u32 v2, v1  }
0x200: {  	v2 =	vadd.s32 $0x6, v2  }
0x201: {  	v2 =	vbroadcast v2, $0x0;
	_ =	sdelay $0x1  }
0x202: {  	v3 =	vmul.f32 v4, v3  }
0x203: {  	s23 =	simm.s32 $0x7  }
0x204: {  	[tilespmem:s5+$0x10] =	vst v3;
	v3 =	vmov s23  }
0x205: {  	v4 =	vld [tilespmem:s5+$0x20];
	v3 =	vshrl.u32 v3, $0x3  }
0x206: {  	v2 =	vld.idx.msk [tilespmem:v2+s31+$0x0], $0xffff;
	v3 =	vshll.u32 v3, v1  }
0x207: {  	v3 =	vadd.s32 $0x7, v3  }
0x208: {  	v5 =	vbroadcast v3, $0x0;
	_ =	sdelay $0x2  }
0x209: {  	v2 =	vmul.f32 v4, v2;
	_ =	sdelay $0x1  }
0x20a: {  	s9 =	simm.s32 $0x8;
	[tilespmem:s5+$0x20] =	vst v2  }
0x20b: {  	s4 =	simm.s32 $0x10;
	v3 =	vmov s9;
	v2 =	vld.idx.msk [tilespmem:v5+s31+$0x0], $0xffff  }
.LBB2_13:
0x20c: {  	p1 =	slt.u32 s4, $0x78;
	v3 =	vshrl.u32 v3, $0x3;
	v4 =	vld [tilespmem:s5+$0x30]  }
0x20d: {  	v3 =	vshll.u32 v3, v1  }
0x20e: {  	v3 =	vbroadcast v3, $0x0;
	_ =	sdelay $0x2  }
0x20f: {  	v2 =	vmul.f32 v4, v2  }
0x210: {  	s17 =	sadd.s32 $0x1, s9  }
0x211: {  	v4 =	vmov s17;
	[tilespmem:s5+$0x30] =	vst v2  }
0x212: {  	s5 =	sadd.s32 $0x80, s5;
	v2 =	vld.idx.msk [tilespmem:v3+s31+$0x0], $0xffff;
	v3 =	vshrl.u32 v4, $0x3  }
0x213: {  	v4 =	vld [tilespmem:s5+$0xFFFFFFC0];
	v3 =	vshll.u32 v3, v1  }
0x214: {  	v3 =	vadd.s32 $0x1, v3  }
0x215: {  	v3 =	vbroadcast v3, $0x0;
	_ =	sdelay $0x2  }
0x216: {  	v2 =	vmul.f32 v4, v2  }
0x217: {  	s17 =	sadd.s32 $0x2, s9  }
0x218: {  	[tilespmem:s5+$0xFFFFFFC0] =	vst v2;
	v2 =	vmov s17  }
0x219: {  	v3 =	vld.idx.msk [tilespmem:v3+s31+$0x0], $0xffff;
	v2 =	vshrl.u32 v2, $0x3  }
0x21a: {  	v4 =	vld [tilespmem:s5+$0xFFFFFFD0];
	v2 =	vshll.u32 v2, v1  }
0x21b: {  	v2 =	vadd.s32 $0x2, v2  }
0x21c: {  	v2 =	vbroadcast v2, $0x0;
	_ =	sdelay $0x2  }
0x21d: {  	v3 =	vmul.f32 v4, v3  }
0x21e: {  	s17 =	sadd.s32 $0x3, s9  }
0x21f: {  	[tilespmem:s5+$0xFFFFFFD0] =	vst v3;
	v3 =	vmov s17  }
0x220: {  	v2 =	vld.idx.msk [tilespmem:v2+s31+$0x0], $0xffff;
	v3 =	vshrl.u32 v3, $0x3  }
0x221: {  	v4 =	vld [tilespmem:s5+$0xFFFFFFE0];
	v3 =	vshll.u32 v3, v1  }
0x222: {  	v3 =	vadd.s32 $0x3, v3  }
0x223: {  	v3 =	vbroadcast v3, $0x0;
	_ =	sdelay $0x2  }
0x224: {  	v2 =	vmul.f32 v4, v2  }
0x225: {  	s17 =	sadd.s32 $0x4, s9  }
0x226: {  	[tilespmem:s5+$0xFFFFFFE0] =	vst v2;
	v2 =	vmov s17  }
0x227: {  	v3 =	vld.idx.msk [tilespmem:v3+s31+$0x0], $0xffff;
	v2 =	vshrl.u32 v2, $0x3  }
0x228: {  	v4 =	vld [tilespmem:s5+$0xFFFFFFF0];
	v2 =	vshll.u32 v2, v1  }
0x229: {  	v2 =	vadd.s32 $0x4, v2  }
0x22a: {  	v2 =	vbroadcast v2, $0x0;
	_ =	sdelay $0x2  }
0x22b: {  	v3 =	vmul.f32 v4, v3  }
0x22c: {  	s17 =	sadd.s32 $0x5, s9  }
0x22d: {  	[tilespmem:s5+$0xFFFFFFF0] =	vst v3;
	v3 =	vmov s17  }
0x22e: {  	v2 =	vld.idx.msk [tilespmem:v2+s31+$0x0], $0xffff;
	v3 =	vshrl.u32 v3, $0x3  }
0x22f: {  	v4 =	vld [tilespmem:s5+$0x0];
	v3 =	vshll.u32 v3, v1  }
0x230: {  	v3 =	vadd.s32 $0x5, v3  }
0x231: {  	v3 =	vbroadcast v3, $0x0;
	_ =	sdelay $0x2  }
0x232: {  	v2 =	vmul.f32 v4, v2  }
0x233: {  	s17 =	sadd.s32 $0x6, s9  }
0x234: {  	[tilespmem:s5+$0x0] =	vst v2;
	v2 =	vmov s17  }
0x235: {  	v3 =	vld.idx.msk [tilespmem:v3+s31+$0x0], $0xffff;
	v2 =	vshrl.u32 v2, $0x3  }
0x236: {  	v4 =	vld [tilespmem:s5+$0x10];
	v2 =	vshll.u32 v2, v1  }
0x237: {  	v2 =	vadd.s32 $0x6, v2  }
0x238: {  	v2 =	vbroadcast v2, $0x0;
	_ =	sdelay $0x2  }
0x239: {  	v3 =	vmul.f32 v4, v3  }
0x23a: {  	s17 =	sadd.s32 $0x7, s9;
	s9 =	smov.u32 s4  }
0x23b: {  	[tilespmem:s5+$0x10] =	vst v3;
	v3 =	vmov s17  }
0x23c: {  	v2 =	vld.idx.msk [tilespmem:v2+s31+$0x0], $0xffff;
	v3 =	vshrl.u32 v3, $0x3  }
0x23d: {  	v4 =	vld [tilespmem:s5+$0x20];
	v3 =	vshll.u32 v3, v1  }
0x23e: {  	v3 =	vadd.s32 $0x7, v3  }
0x23f: {  	v5 =	vbroadcast v3, $0x0;
	_ =	sdelay $0x1  }
.Ltmp7:
0x240: {  	(pc) =	sbr.rel @p1 .LBB2_13-.Ltmp7, $3  }
0x241: {  	v2 =	vmul.f32 v4, v2;
	_ =	sdelay $0x1  }
0x242: {  	[tilespmem:s5+$0x20] =	vst v2  }
0x243: {  	s4 =	sadd.s32 $0x8, s4;
	v3 =	vmov s9;
	v2 =	vld.idx.msk [tilespmem:v5+s31+$0x0], $0xffff  }
0x244: {  	v3 =	vshrl.u32 v3, $0x3;
	v4 =	vld [tilespmem:s5+$0x30]  }
0x245: {  	v3 =	vshll.u32 v3, v1  }
0x246: {  	v3 =	vbroadcast v3, $0x0;
	_ =	sdelay $0x2  }
0x247: {  	v2 =	vmul.f32 v4, v2  }
0x248: {  	s4 =	sadd.s32 $0x1, s9  }
0x249: {  	v56 =	vmov s4;
	[tilespmem:s5+$0x30] =	vst v2  }
0x24a: {  	s4 =	sadd.s32 $0x80, s5;
	v2 =	vld.idx.msk [tilespmem:v3+s31+$0x0], $0xffff;
	v3 =	vshrl.u32 v56, $0x3  }
0x24b: {  	v57 =	vld [tilespmem:s4+$0xFFFFFFC0];
	v3 =	vshll.u32 v3, v1  }
0x24c: {  	v3 =	vadd.s32 $0x1, v3  }
0x24d: {  	v3 =	vbroadcast v3, $0x0;
	_ =	sdelay $0x2  }
0x24e: {  	v2 =	vmul.f32 v57, v2  }
0x24f: {  	s17 =	sadd.s32 $0x2, s9  }
0x250: {  	v58 =	vld [tilespmem:s4+$0xFFFFFFD0];
	[tilespmem:s4+$0xFFFFFFC0] =	vst v2;
	v2 =	vmov s17  }
0x251: {  	v2 =	vshrl.u32 v2, $0x3;
	v3 =	vld.idx.msk [tilespmem:v3+s31+$0x0], $0xffff  }
0x252: {  	v2 =	vshll.u32 v2, v1  }
0x253: {  	v2 =	vadd.s32 $0x2, v2  }
0x254: {  	v2 =	vbroadcast v2, $0x0;
	_ =	sdelay $0x1  }
0x255: {  	v3 =	vmul.f32 v58, v3  }
0x256: {  	s18 =	sadd.s32 $0x3, s9  }
0x257: {  	[tilespmem:s4+$0xFFFFFFD0] =	vst v3;
	v3 =	vmov s18  }
0x258: {  	v59 =	vld [tilespmem:s4+$0xFFFFFFE0];
	v3 =	vshrl.u32 v3, $0x3  }
0x259: {  	v2 =	vld.idx.msk [tilespmem:v2+s31+$0x0], $0xffff;
	v3 =	vshll.u32 v3, v1  }
0x25a: {  	v3 =	vadd.s32 $0x3, v3  }
0x25b: {  	v3 =	vbroadcast v3, $0x0;
	_ =	sdelay $0x2  }
0x25c: {  	v2 =	vmul.f32 v59, v2  }
0x25d: {  	s23 =	sadd.s32 $0x4, s9  }
0x25e: {  	v60 =	vld [tilespmem:s4+$0xFFFFFFF0];
	[tilespmem:s4+$0xFFFFFFE0] =	vst v2;
	v2 =	vmov s23  }
0x25f: {  	v2 =	vshrl.u32 v2, $0x3;
	v3 =	vld.idx.msk [tilespmem:v3+s31+$0x0], $0xffff  }
0x260: {  	v2 =	vshll.u32 v2, v1  }
0x261: {  	v2 =	vadd.s32 $0x4, v2  }
0x262: {  	v2 =	vbroadcast v2, $0x0;
	_ =	sdelay $0x1  }
0x263: {  	v3 =	vmul.f32 v60, v3  }
0x264: {  	s17 =	sadd.s32 $0x5, s9  }
0x265: {  	[tilespmem:s4+$0xFFFFFFF0] =	vst v3;
	v3 =	vmov s17  }
0x266: {  	v61 =	vld [tilespmem:s4+$0x0];
	v3 =	vshrl.u32 v3, $0x3  }
0x267: {  	v2 =	vld.idx.msk [tilespmem:v2+s31+$0x0], $0xffff;
	v3 =	vshll.u32 v3, v1  }
0x268: {  	v3 =	vadd.s32 $0x5, v3  }
0x269: {  	v3 =	vbroadcast v3, $0x0;
	_ =	sdelay $0x2  }
0x26a: {  	v2 =	vmul.f32 v61, v2  }
0x26b: {  	s18 =	sadd.s32 $0x6, s9  }
0x26c: {  	v62 =	vld [tilespmem:s4+$0x10];
	[tilespmem:s4+$0x0] =	vst v2;
	v2 =	vmov s18  }
0x26d: {  	v2 =	vshrl.u32 v2, $0x3;
	v3 =	vld.idx.msk [tilespmem:v3+s31+$0x0], $0xffff  }
0x26e: {  	v2 =	vshll.u32 v2, v1  }
0x26f: {  	v2 =	vadd.s32 $0x6, v2  }
0x270: {  	v2 =	vbroadcast v2, $0x0;
	_ =	sdelay $0x1  }
0x271: {  	v3 =	vmul.f32 v62, v3  }
0x272: {  	s23 =	sadd.s32 $0x7, s9  }
0x273: {  	[tilespmem:s4+$0x10] =	vst v3;
	v3 =	vmov s23  }
0x274: {  	v63 =	vld [tilespmem:s4+$0x20];
	v3 =	vshrl.u32 v3, $0x3  }
0x275: {  	v2 =	vld.idx.msk [tilespmem:v2+s31+$0x0], $0xffff;
	v3 =	vshll.u32 v3, v1  }
0x276: {  	v3 =	vadd.s32 $0x7, v3  }
0x277: {  	v3 =	vbroadcast v3, $0x0;
	_ =	sdelay $0x2  }
0x278: {  	v2 =	vmul.f32 v63, v2;
	_ =	sdelay $0x1  }
0x279: {  	[tilespmem:s4+$0x20] =	vst v2  }
0x27a: {  	v2 =	vld.idx.msk [tilespmem:v3+s31+$0x0], $0xffff  }
0x27b: {  	v3 =	vld [tilespmem:s4+$0x30];
	_ =	sdelay $0x2  }
.Ltmp8:
0x27c: {  	_ = 	snop;
	(pc) =	sbr.rel @p0 .LBB2_16-.Ltmp8, $3  }
0x27d: {  	_ = 	snop  }
0x27e: {  	v2 =	vmul.f32 v3, v2;
	_ =	sdelay $0x1  }
0x27f: {  	[tilespmem:s4+$0x30] =	vst v2  }
0x280: {  	_ =	swait.ge [sflag:s19], $0x100  }
0x281: {  	[sflag:s19] =	ssyncset.done $0x0  }
0x282: {  	s4 =	simm.s32 $0x0;
	[sflag:s19] =	ssyncadd.s32 $0xFFFFFF00  }
0x283: {  	[tilespmem:s21], [sflag:$0x2] =	stream.indirect.gather [hbm4b:s11+s20], $0x10, s4, s20, $0xb8;
	[tilespmem:$0x1FCC0] =	vst v63  }
0x284: {  	_ = 	snop  }
0x285: {  	[tilespmem:s22], [sflag:$0x3] =	stream.indirect.gather [hbm4b:s12+s20], $0x1, s4, s20, $0xb8;
	[tilespmem:$0x1FCC0] =	vst v63  }
0x286: {  	s23 =	simm.s32 $0x980  }
0x287: {  	[tilespmem:s23], [sflag:$0x4] =	stream.indirect.gather [spmem:s3], $0x1, s20, s20, $0xb8;
	[tilespmem:$0x1FCC0] =	vst v63  }
.Ltmp9:
0x288: {  	_ = 	snop;
	(pc) =	sbr.rel .LBB2_6-.Ltmp9, $4  }
0x289: {  	_ = 	snop  }
0x28a: {  	[spmem:s1] =	stream.indirect.scatter.add.f32 [tilespmem:s30], [sflag:$0xB], $0x10, s0, s20, $0xb8;
	[tilespmem:$0x1FCC0] =	vst v63  }
0x28b: {  	s15 =	sadd.s32 $0x1, s15  }
0x28c: {  	[spmem:s2] =	stream.indirect.scatter.add.f32 [tilespmem:s31], [sflag:$0xC], $0x1, s0, s20, $0xb8;
	[tilespmem:$0x1FCC0] =	vst v63  }
.LBB2_17:
0x28d: {  	_ =	sfence.sel $0x180000  }
0x28e: {  	[bflag:$0x0] =	sbarrier.arrive $0xFFFF  }
0x28f: {  	_ =	strace $0x9000004D  }
0x290: {  	s0 =	stileid.u32;
	[bflag:$0x2] =	sbarrier.arrive $0xFFFF  }
0x291: {  	p0 =	sne.s32 s0, $0x0;
	s0 =	rddreg [dreg:$0x5]  }
0x292: {  	s0 =	sadd.s32 @!p0 $0x100000, s0  }
0x293: {  	[sflag:s0] =	ssyncadd.tile.s32 @!p0 $0x1;
	_ =	shalt  }
.Lfunc_end2:
_tile_overlayer_lowered:
.L_overlay_start_2:
0x294: {  	(tag) =	ssettag $0x2  }
0x295: {  	s0 =	rddreg [dreg:$0x0];
	s2 =	stileid.u32  }
0x296: {  	s1 =	rddreg [dreg:$0x1];
	p0 =	sne.s32 s2, $0x0  }
0x297: {  	s3 =	rddreg [dreg:$0x2];
	[bflag:$0x3] =	sbarrier.arrive $0xFFFF;
	s2 =	simm.s32 @!p0 $0x1C0D  }
0x298: {  	[timem:s3], [sflag:s2] =	dma.local @!p0 [hbm:s0], s1  }
0x299: {  	s0 =	simm.s32 @!p0 $0xD  }
0x29a: {  	_ =	swait.ge @!p0 [sflag:s0], s1  }
0x29b: {  	s1 =	ssub.s32 @!p0 $0x0, s1;
	[sflag:s0] =	ssyncset.done @!p0 $0x0  }
0x29c: {  	[sflag:s0] =	ssyncadd.s32 @!p0 s1  }
0x29d: {  	[bflag:$0x3] =	sbarrier.arrive $0xFFFF  }
0x29e: {  	_ =	shalt  }

// kernel: kernel.8.cloned.1.call-start
scs
__scs_entry_jumppad:
0x0: {  	(pc) =	sbr.rel $0x88, $3  }
0x1: {  	(tag) =	ssettag $0x0;
	lr =	simm.s32 $0x1  }
0x2: {  	[smem:$0x3F96] =	sst lr;
	_ =	strace $0xD0000000  }
0x3: {  	_ = 	snop  }
0x4: {  	_ = 	snop  }
0x5: {  	_ = 	snop  }
0x6: {  	_ = 	snop  }
0x7: {  	_ = 	snop  }
__scs_overlays_trampoline_lowered:
0x8: {  	[smem:$0x3FA5] =	sst s0  }
0x9: {  	[smem:$0x3FA6] =	sst s1  }
0xa: {  	[smem:$0x3FA7] =	sst s2  }
0xb: {  	[smem:$0x3FA8] =	sst s3  }
0xc: {  	[smem:$0x3FA9] =	sst s4  }
0xd: {  	[smem:$0x3FAA] =	sst s5  }
0xe: {  	[smem:$0x3FAB] =	sst s6  }
0xf: {  	[smem:$0x3FAC] =	sst s7  }
0x10: {  	[smem:$0x3FAD] =	sst s8  }
0x11: {  	[smem:$0x3FAE] =	sst s9;
	s0 =	simm.s32 @!p0 $0x0  }
0x12: {  	s1 =	sld [smem:$0x3F94];
	s0 =	simm.s32 @p0 $0x1  }
0x13: {  	[smem:$0x3FAF] =	sst s0;
	s0 =	simm.s32 @!p1 $0x0  }
0x14: {  	s2 =	sld [smem:$0x3F93];
	s0 =	simm.s32 @p1 $0x1  }
0x15: {  	[smem:$0x3FB0] =	sst s0;
	s0 =	simm.s32 @!p2 $0x0  }
0x16: {  	s3 =	sld [smem:$0x3FDB];
	s0 =	simm.s32 @p2 $0x1  }
0x17: {  	s4 =	simm.s32 $0x1BF5;
	[smem:$0x3FB2] =	sst s0  }
0x18: {  	s0 =	sld [smem:$0x3F95];
	_ =	swait.ge [sflag:s4], $0x0  }
0x19: {  	s7 =	sld [smem:$0x3F96]  }
0x1a: {  	s8 =	sadd.s32 $0xFFFFE003, lr  }
0x1b: {  	s9 =	sadd.s32 $0xFFFFFEF7, lr;
	s5 =	simm.s32 $0xFFFFFFFF;
	p2 =	slt.u32 s8, $0xFFFFF086  }
0x1c: {  	p1 =	slt.u32 s9, $0xF7A;
	s5 =	simm.s32 @!p2 $0x0  }
0x1d: {  	s5 =	simm.s32 @p1 $0x1;
	p0 =	seq.s32 s7, s2  }
0x1e: {  	s7 =	smul.u32 @!p0 $0xF7A, s2;
	p2 =	seq.s32 @!p0 s5, $0x0  }
0x1f: {  	s9 =	smul.u32 $0xF7A, s1;
	s8 =	simm.s32 @!p0 $0x1BF5;
	p2 =	por !p2, p0  }
0x20: {  	[sflag:s8] =	ssyncset.s32 @!p0 $0xFFFFF086;
	s6 =	sadd.s32 @!p0 s3, s7;
	s7 =	simm.s32 @!p0 $0x108  }
0x21: {  	s3 =	sadd.s32 s3, s9;
	s6 =	sadd.s32 @!p0 $0x88, s6;
	s7 =	simm.s32 @p2 $0x1082  }
0x22: {  	[simem:s7], [sflag:s8] =	dma.local @!p0 [hbm:s6], $0xF7A  }
0x23: {  	s9 =	sor.u32 $0xD0000000, s2;
	s6 =	simm.s32 $0x108;
	_ =	swait.ge @!p0 [sflag:s8], $0x0  }
0x24: {  	s3 =	sadd.s32 $0x88, s3;
	s6 =	simm.s32 @!p1 $0x1082;
	[sflag:s4] =	ssyncset.s32 $0xFFFFF086  }
0x25: {  	[simem:s6], [sflag:s4] =	dma.local [hbm:s3], $0xF7A  }
0x26: {  	[smem:$0x3F96] =	sst s1;
	(tag) =	ssettag s2;
	_ =	strace s9  }
0x27: {  	s1 =	sld [smem:$0x3FA6]  }
0x28: {  	s2 =	sld [smem:$0x3FA7]  }
0x29: {  	s4 =	sld [smem:$0x3FA9]  }
0x2a: {  	p0 =	seq.s32 s5, $0x0;
	s5 =	sld [smem:$0x3FAA]  }
0x2b: {  	s6 =	sld [smem:$0x3FAB]  }
0x2c: {  	s7 =	sld [smem:$0x3FAC]  }
0x2d: {  	s3 =	simm.s32 $0x108;
	s8 =	sld [smem:$0x3FAD]  }
0x2e: {  	s3 =	simm.s32 @!p0 $0x1082;
	s9 =	sld [smem:$0x3FAE]  }
0x2f: {  	lr =	sadd.s32 s0, s3;
	s0 =	sld [smem:$0x3FA5]  }
0x30: {  	s3 =	sld [smem:$0x3FA8]  }
0x31: {  	[smem:$0x3FB1] =	sst s10  }
0x32: {  	s10 =	sld [smem:$0x3FAF];
	_ =	sdelay $0x3  }
0x33: {  	p0 =	seq.s32 s10, $0x1;
	s10 =	sld [smem:$0x3FB1];
	_ =	sdelay $0x3  }
0x34: {  	[smem:$0x3FB1] =	sst s10  }
0x35: {  	s10 =	sld [smem:$0x3FB0];
	_ =	sdelay $0x3  }
0x36: {  	p1 =	seq.s32 s10, $0x1;
	s10 =	sld [smem:$0x3FB1];
	_ =	sdelay $0x3  }
0x37: {  	[smem:$0x3FB1] =	sst s10  }
0x38: {  	s10 =	sld [smem:$0x3FB2]  }
0x39: {  	_ = 	snop;
	(pc) =	sbr.ind lr, $3  }
0x3a: {  	_ = 	snop  }
0x3b: {  	_ = 	snop  }
0x3c: {  	p2 =	seq.s32 s10, $0x1;
	s10 =	sld [smem:$0x3FB1]  }
0x3d: {  	_ =	shalt  }
0x3e: {  	_ =	shalt  }
0x3f: {  	_ =	shalt  }
0x40: {  	_ =	shalt  }
0x41: {  	_ =	shalt  }
0x42: {  	_ =	shalt  }
0x43: {  	_ =	shalt  }
0x44: {  	_ =	shalt  }
0x45: {  	_ =	shalt  }
0x46: {  	_ =	shalt  }
0x47: {  	_ =	shalt  }
0x48: {  	_ =	shalt  }
0x49: {  	_ =	shalt  }
0x4a: {  	_ =	shalt  }
0x4b: {  	_ =	shalt  }
0x4c: {  	_ =	shalt  }
0x4d: {  	_ =	shalt  }
0x4e: {  	_ =	shalt  }
0x4f: {  	_ =	shalt  }
0x50: {  	_ =	shalt  }
0x51: {  	_ =	shalt  }
0x52: {  	_ =	shalt  }
0x53: {  	_ =	shalt  }
0x54: {  	_ =	shalt  }
0x55: {  	_ =	shalt  }
0x56: {  	_ =	shalt  }
0x57: {  	_ =	shalt  }
0x58: {  	_ =	shalt  }
0x59: {  	_ =	shalt  }
0x5a: {  	_ =	shalt  }
0x5b: {  	_ =	shalt  }
0x5c: {  	_ =	shalt  }
0x5d: {  	_ =	shalt  }
0x5e: {  	_ =	shalt  }
0x5f: {  	_ =	shalt  }
0x60: {  	_ =	shalt  }
0x61: {  	_ =	shalt  }
0x62: {  	_ =	shalt  }
0x63: {  	_ =	shalt  }
0x64: {  	_ =	shalt  }
0x65: {  	_ =	shalt  }
0x66: {  	_ =	shalt  }
0x67: {  	_ =	shalt  }
0x68: {  	_ =	shalt  }
0x69: {  	_ =	shalt  }
0x6a: {  	_ =	shalt  }
0x6b: {  	_ =	shalt  }
0x6c: {  	_ =	shalt  }
0x6d: {  	_ =	shalt  }
0x6e: {  	_ =	shalt  }
0x6f: {  	_ =	shalt  }
0x70: {  	_ =	shalt  }
0x71: {  	_ =	shalt  }
0x72: {  	_ =	shalt  }
0x73: {  	_ =	shalt  }
0x74: {  	_ =	shalt  }
0x75: {  	_ =	shalt  }
0x76: {  	_ =	shalt  }
0x77: {  	_ =	shalt  }
0x78: {  	_ =	shalt  }
0x79: {  	_ =	shalt  }
0x7a: {  	_ =	shalt  }
0x7b: {  	_ =	shalt  }
0x7c: {  	_ =	shalt  }
0x7d: {  	_ =	shalt  }
0x7e: {  	_ =	shalt  }
0x7f: {  	_ =	shalt  }
0x80: {  	_ =	shalt  }
0x81: {  	_ =	shalt  }
0x82: {  	_ =	shalt  }
0x83: {  	_ =	shalt  }
0x84: {  	_ =	shalt  }
0x85: {  	_ =	shalt  }
0x86: {  	_ =	shalt  }
0x87: {  	_ =	shalt  }
.Lfunc_end0:
.L_simem_size_0:
called_computation_lowered:
.L_overlay_start_0:
0x88: {  	s2 =	sld [smem:$0x3FD9]  }
0x89: {  	s3 =	sld [smem:$0x3FFE];
	_ =	sdelay $0x1  }
0x8a: {  	s1 =	srdreg.scid  }
0x8b: {  	s0 =	sand.u32 $0x1, s1  }
0x8c: {  	s17 =	sshll.u32 s0, $0xA;
	s2 =	sadd.s32 s3, s2  }
0x8d: {  	s2 =	sadd.s32 s2, s17  }
0x8e: {  	[smem:$0x3FBD] =	sst s2  }
0x8f: {  	_ = 	snop  }
0x90: {  	s2 =	sld [smem:$0x3FD0];
	(tm) =	ssettm $0x1  }
0x91: {  	s18 =	sld [smem:$0x3FFB];
	_ =	sdelay $0x3  }
0x92: {  	_ =	strace s18  }
0x93: {  	s3 =	sld [smem:$0x3FFC];
	_ =	sdelay $0x3  }
0x94: {  	_ =	strace s3  }
0x95: {  	s3 =	sld [smem:$0x3FFD];
	_ =	sdelay $0x3  }
0x96: {  	_ =	strace s3  }
0x97: {  	_ =	strace $0x8FFFFFFF  }
0x98: {  	s19 =	sld [smem:$0x3FDB];
	_ =	sdelay $0x1  }
0x99: {  	s4 =	simm.s32 $_scs_section_size  }
0x9a: {  	s5 =	simm.s32 $_size__tile_overlayer_lowered;
	s6 =	simm.s32 $_tile_overlayer_lowered  }
0x9b: {  	s22 =	simm.s32 $0x1BFF;
	s21 =	sshll.u32 s6, $0x1;
	s3 =	sadd.s32 s4, s19  }
0x9c: {  	s7 =	simm.s32 $0x0;
	s20 =	sshll.u32 s5, $0x1;
	s5 =	sadd.s32 s21, s3  }
0x9d: {  	[timem:s7], [sflag:s22] =	dma.local [hbm:s5], s20  }
0x9e: {  	_ =	swait.ge [sflag:s22], s20  }
0x9f: {  	s4 =	ssub.s32 $0x0, s20;
	[sflag:s22] =	ssyncset.done $0x0  }
0xa0: {  	[sflag:s22] =	ssyncadd.s32 s4;
	_ =	sdelay $0x1  }
0xa1: {  	s23 =	simm.s32 $0x1B8B  }
0xa2: {  	_ =	swait.ge [sflag:s23], $0x1  }
0xa3: {  	[sflag:s23] =	ssyncset.done $0x0  }
0xa4: {  	s25 =	simm.s32 $0x1B8E;
	s24 =	sld [smem:$0x3FFE];
	[sflag:s23] =	ssyncadd.s32 $0xFFFFFFFF  }
0xa5: {  	s26 =	simm.s32 $execute0_lowered;
	[smem:$0x3FD2] =	sst s25  }
0xa6: {  	s5 =	sshll.u32 s26, $0x1;
	_ =	strace $0x80000046;
	[dreg:$0x1] =	wrdreg $0xFFFFFFFF  }
0xa7: {  	s28 =	simm.s32 $_size_execute0_lowered;
	s3 =	sadd.s32 s3, s5;
	[dreg:$0x0] =	wrdreg $0x0  }
0xa8: {  	s5 =	sshll.u32 s28, $0x1;
	[dreg:$0x2] =	wrdreg s3  }
0xa9: {  	[dreg:$0x3] =	wrdreg s5  }
0xaa: {  	[dreg:$0x4] =	wrdreg $0xC0  }
0xab: {  	_ =	task [dreg:s7], $0x5FFFF  }
0xac: {  	[dreg:$0x1] =	wrdreg $0xFFFFFFFF  }
0xad: {  	[dreg:$0x0] =	wrdreg $0x60  }
0xae: {  	[dreg:$0x2] =	wrdreg s24  }
0xaf: {  	[dreg:$0x3] =	wrdreg s2  }
0xb0: {  	[dreg:$0x4] =	wrdreg $0x9  }
0xb1: {  	_ =	task.clear_ibuf [dreg:s7], $0x5FFFF;
	_ =	strace $0x90000046  }
0xb2: {  	s29 =	simm.s32 $0x9;
	_ =	strace $0x80000048  }
0xb3: {  	_ =	swait.ge [sflag:s29], $0x1  }
0xb4: {  	[sflag:s29] =	ssyncadd.s32 $0xFFFFFFFF  }
0xb5: {  	_ =	strace $0x90000048  }
0xb6: {  	_ =	sfence  }
0xb7: {  	s30 =	sld [smem:$0x0];
	_ =	sdelay $0x2  }
0xb8: {  	s31 =	sshll.u32 s1, $0xD;
	s1 =	sshrl.u32 s1, $0x2  }
0xb9: {  	s3 =	sand.u32 $0x4000, s31;
	s1 =	sadd.s32 s1, s30  }
0xba: {  	s0 =	sor.u32 s3, s0;
	s1 =	sshll.u32 s1, $0x11  }
0xbb: {  	s0 =	sor.u32 s1, s0  }
0xbc: {  	s0 =	sadd.s32 $0x8F2B, s0  }
0xbd: {  	[sflag:s0] =	ssyncadd.remote.s32 $0x1  }
0xbe: {  	_ =	sfence.sel $0xFFFF  }
0xbf: {  	[dreg:$0x0] =	wrdreg $0xFFFFFFFF;
	(pc) =	sbr.abs _section_cstart, $3  }
0xc0: {  	[dreg:$0x1] =	wrdreg $0xFFFFFFFF  }
0xc1: {  	_ =	task.clear_ibuf [dreg:s7], $0x2FFFF;
	_ =	strace $0x9FFFFFFF  }
0xc2: {  	(tm) =	ssettm $0x7FFFFFFF  }
0xc3: {  	_ =	shalt  }
tec
execute0_lowered:
.L_overlay_start_1:
0x0: {  	(tag) =	ssettag $0x1  }
0x1: {  	s3 =	rddreg [dreg:$0x0];
	s1 =	srdreg.scid  }
0x2: {  	s0 =	stileid.u32;
	s5 =	rddreg [dreg:$0x1];
	s2 =	simm.s32 $0x0  }
0x3: {  	s9 =	simm.s32 $0x1;
	s4 =	sand.u32 $0x1, s1;
	s6 =	sshll.u32 s0, $0x1  }
0x4: {  	s10 =	simm.s32 $0xC80;
	s11 =	simm.s32 $0x0;
	s6 =	sor.u32 s4, s6  }
0x5: {  	s1 =	rddreg [dreg:$0x2];
	s4 =	ssub.s32 $0x2, s4;
	s7 =	smul.u32 $0x190, s6  }
0x6: {  	[smem:$0x7FF] =	sst s2;
	s6 =	smul.u32 $0x1900, s6;
	s8 =	sshrl.u32 s4, $0x1  }
0x7: {  	_ =	strace $0x80000047;
	s8 =	ssub.s32 s4, s8;
	s7 =	sadd.s32 s7, s3  }
0x8: {  	s3 =	sadd.s32 $0xF44800, s3;
	s5 =	sadd.s32 s5, s6;
	s6 =	smax.u32 s8, $0x1  }
0x9: {  	s8 =	simm.s32 $0x80;
	s4 =	sadd.s32 $0x2200, s7;
	s7 =	simm.s32 $0x2  }
.LBB2_1:
0xa: {  	[tilespmem:s2], [sflag:$0x2] =	stream.linear.gather [hbm4b:s4+s2], $0xC80, $0x38;
	[tilespmem:$0xD480] =	vst v63  }
0xb: {  	_ =	swait.ge [sflag:s7], $0xC80  }
0xc: {  	[sflag:s7] =	ssyncset.done $0x0  }
0xd: {  	s12 =	simm.s32 $0x0;
	[sflag:s7] =	ssyncadd.s32 $0xFFFFF380  }
0xe: {  	[tilespmem:s10], [sflag:$0x1] =	stream.indirect.gather [hbm4b:s3+s8], $0x10, s12, s8, $0xb8;
	[tilespmem:$0xD480] =	vst v63  }
0xf: {  	_ =	swait.ge [sflag:s9], $0x800  }
0x10: {  	s13 =	simm.s32 $0xC80;
	s12 =	simm.s32 $0x200;
	[sflag:s9] =	ssyncset.done $0x0  }
.LBB2_2:
0x11: {  	s14 =	sshra.s32 s12, $0x2  }
0x12: {  	[sflag:s9] =	ssyncadd.s32 $0xFFFFF800;
	s13 =	sadd.s32 $0x800, s13;
	p0 =	sne.s32 s12, $0x3000  }
0x13: {  	[tilespmem:s13], [sflag:$0x1] =	stream.indirect.gather [hbm4b:s3+s8], $0x10, s14, s8, $0xb8;
	[tilespmem:$0xD480] =	vst v63  }
.Ltmp0:
0x14: {  	_ = 	snop;
	(pc) =	sbr.rel @p0 .LBB2_2-.Ltmp0, $4  }
0x15: {  	_ = 	snop  }
0x16: {  	s12 =	sadd.s32 $0x200, s12  }
0x17: {  	_ =	swait.ge [sflag:s9], $0x800  }
0x18: {  	[sflag:s9] =	ssyncset.done $0x0  }
0x19: {  	s11 =	sadd.s32 $0x1, s11  }
0x1a: {  	p0 =	sne.s32 s11, s6  }
.Ltmp1:
0x1b: {  	[sflag:s9] =	ssyncadd.s32 $0xFFFFF800;
	(pc) =	sbr.rel @p0 .LBB2_1-.Ltmp1, $4  }
0x1c: {  	[hbm4b:s5+s2] =	stream.linear.scatter [tilespmem:s10], [sflag:$0x2], $0xC800, $0x38;
	[tilespmem:$0xD480] =	vst v63  }
0x1d: {  	_ =	swait.ge [sflag:s7], $0xC800  }
0x1e: {  	[sflag:s7] =	ssyncset.done $0x0  }
0x1f: {  	[sflag:s7] =	ssyncadd.s32 $0xFFFF3800  }
0x20: {  	_ =	sfence.sel $0x180000  }
0x21: {  	[bflag:$0x0] =	sbarrier.arrive $0xFFFF  }
0x22: {  	p0 =	sne.s32 s0, $0x0;
	_ =	strace $0x90000047  }
0x23: {  	s0 =	sadd.s32 @!p0 $0x100000, s1;
	[bflag:$0x2] =	sbarrier.arrive $0xFFFF  }
0x24: {  	[sflag:s0] =	ssyncadd.tile.s32 @!p0 $0x1;
	_ =	shalt  }
.Lfunc_end2:
_tile_overlayer_lowered:
.L_overlay_start_2:
0x25: {  	(tag) =	ssettag $0x2  }
0x26: {  	s0 =	rddreg [dreg:$0x0];
	s2 =	stileid.u32  }
0x27: {  	s1 =	rddreg [dreg:$0x1];
	p0 =	sne.s32 s2, $0x0  }
0x28: {  	s3 =	rddreg [dreg:$0x2];
	[bflag:$0x3] =	sbarrier.arrive $0xFFFF;
	s2 =	simm.s32 @!p0 $0x1C02  }
0x29: {  	[timem:s3], [sflag:s2] =	dma.local @!p0 [hbm:s0], s1  }
0x2a: {  	s0 =	simm.s32 @!p0 $0x2  }
0x2b: {  	_ =	swait.ge @!p0 [sflag:s0], s1  }
0x2c: {  	s1 =	ssub.s32 @!p0 $0x0, s1;
	[sflag:s0] =	ssyncset.done @!p0 $0x0  }
0x2d: {  	[sflag:s0] =	ssyncadd.s32 @!p0 s1  }
0x2e: {  	[bflag:$0x3] =	sbarrier.arrive $0xFFFF  }
0x2f: {  	_ =	shalt  }

</sc_bundles>
